<compile_context>
chip_gen: v7x
topology: tpu7x:2x2x1
jax: 0.10.2.dev20260603
libtpu: 0.0.44.dev20260713+nightly
codegen_flags: <defaults>
</compile_context>

<pallas_src>
import functools

import jax
import jax.numpy as jnp
from jax import lax
from jax.experimental import pallas as pl
from jax.experimental.pallas import tpu as pltpu
from jax.experimental.pallas import tpu_sc as plsc

_B, _H, _W, _C = 4, 112, 112, 384
N = _B * _H * _W * _C
TOTAL = N * 4
OUT_SHAPE = (_B, _H * 2, _W * 2, _C)

NC, NS = 2, 16
NW = NC * NS
NP_W = N // NW

M = 28672
KB = NP_W // M
NR = NW * KB
GPB = M // 16

WIN = 7 * (1 << 18)
NWIN = TOTAL // WIN
NWIN_SC = NWIN // 2
SLICE = WIN // NS
ZCH = 4096

CH3 = 1024
NG3 = CH3 // 16
NB = 4

WPR = 32
NRT = NW * WPR
SPT = NRT // NS
STS = 48 * NRT
TSIZE = N + CH3
SENT = 1 << 30
SPOS = 1 << 30

_mesh = plsc.VectorSubcoreMesh(core_axis_name="c", subcore_axis_name="s")
_cparams = pltpu.CompilerParams(needs_layout_passes=False)

_i32 = jnp.int32


def _iota16():
    return lax.iota(_i32, 16)


def _bucket_of(v):
    y = lax.shift_right_logical(v, 18)
    return lax.shift_right_logical(y * 9363, 16)


def _extract(ref, p):
    base = pl.multiple_of(lax.shift_right_logical(p, 4) * 16, 16)
    v = ref[pl.ds(base, 16)]
    lane = lax.bitwise_and(p, 15)
    return jnp.sum(jnp.where(_iota16() == lane, v, 0))


@functools.partial(
    pl.kernel,
    out_type=(
        jax.ShapeDtypeStruct((TSIZE,), _i32),
        jax.ShapeDtypeStruct((TSIZE,), jnp.float32),
        jax.ShapeDtypeStruct((STS,), _i32),
    ),
    mesh=_mesh,
    compiler_params=_cparams,
    scratch_types=[
        pltpu.VMEM((M,), _i32),
        pltpu.VMEM((M,), jnp.float32),
        pltpu.VMEM((M,), _i32),
        pltpu.VMEM((M,), jnp.float32),
        pltpu.VMEM((1536,), _i32),
        pltpu.VMEM((1536,), _i32),
        pltpu.VMEM((16,), _i32),
        pltpu.SemaphoreType.DMA,
        pltpu.SemaphoreType.DMA,
    ],
)
def _k1_part(idx_hbm, val_hbm, t_idx, t_val, starts_hbm,
             idx_v, val_v, lid_s, val_s, cnt2, cursor2, svec, sw, sf):
    wid = lax.axis_index("c") * NS + lax.axis_index("s")
    ones = jnp.ones((16,), _i32)

    @pl.loop(0, KB)
    def _blocks(k):
        r = wid * KB + k
        base_r = pl.multiple_of(r * M, M)
        di = pltpu.make_async_copy(idx_hbm.at[pl.ds(base_r, M)], idx_v, sf)
        dv = pltpu.make_async_copy(val_hbm.at[pl.ds(base_r, M)], val_v, sf)
        di.start()
        dv.start()
        di.wait()
        dv.wait()

        @pl.loop(0, 96)
        def _zero(b):
            cnt2[pl.ds(pl.multiple_of(b * 16, 16), 16)] = jnp.zeros(
                (16,), _i32)

        @pl.loop(0, GPB // 2, unroll=4)
        def _hist(g):
            bA = _bucket_of(idx_v[pl.ds(g * 16, 16)])
            bB = _bucket_of(idx_v[pl.ds((GPB // 2) * 16 + g * 16, 16)])
            addrA = lax.bitwise_or(lax.shift_left(bA, 5), _iota16())
            addrB = lax.bitwise_or(lax.shift_left(bB, 5), 16 + _iota16())
            plsc.addupdate_scatter(cnt2, [addrA], ones)
            plsc.addupdate_scatter(cnt2, [addrB], ones)

        carry = jnp.zeros((), _i32)
        for b in range(NWIN):
            cA = cnt2[pl.ds(b * 32, 16)]
            cursor2[pl.ds(b * 32, 16)] = plsc.cumsum(cA) - cA + carry
            carry = carry + jnp.sum(cA)
            cB = cnt2[pl.ds(b * 32 + 16, 16)]
            cursor2[pl.ds(b * 32 + 16, 16)] = plsc.cumsum(cB) - cB + carry
            carry = carry + jnp.sum(cB)
        cursor2[pl.ds(NWIN * 32, 16)] = jnp.broadcast_to(carry, (16,))

        rp = wid * WPR + k
        for j in range(3):
            blane = j * 16 + _iota16()
            svec[...] = plsc.load_gather(
                cursor2, [lax.shift_left(blane, 5)]) + base_r
            pos = jnp.where(blane <= NWIN, blane * NRT + rp, SPOS)
            pltpu.sync_copy(
                svec, starts_hbm.at[plsc.Indices(pos, ignored_value=SPOS)])

        @pl.when(k > 0)
        def _drain_prev():
            pltpu.make_async_copy(lid_s, t_idx.at[pl.ds(0, M)], sw).wait()
            pltpu.make_async_copy(val_s, t_val.at[pl.ds(0, M)], sw).wait()

        @pl.loop(0, GPB // 2, unroll=4)
        def _scatter(g):
            gB = (GPB // 2) * 16 + g * 16
            vA = idx_v[pl.ds(g * 16, 16)]
            vB = idx_v[pl.ds(gB, 16)]
            bA = _bucket_of(vA)
            bB = _bucket_of(vB)
            addrA = lax.bitwise_or(lax.shift_left(bA, 5), _iota16())
            addrB = lax.bitwise_or(lax.shift_left(bB, 5), 16 + _iota16())
            curA = plsc.load_gather(cursor2, [addrA])
            curB = plsc.load_gather(cursor2, [addrB])
            plsc.store_scatter(lid_s, [curA], vA - bA * WIN)
            plsc.store_scatter(lid_s, [curB], vB - bB * WIN)
            plsc.store_scatter(val_s, [curA], val_v[pl.ds(g * 16, 16)])
            plsc.store_scatter(val_s, [curB], val_v[pl.ds(gB, 16)])
            plsc.store_scatter(cursor2, [addrA], curA + 1)
            plsc.store_scatter(cursor2, [addrB], curB + 1)

        pltpu.make_async_copy(lid_s, t_idx.at[pl.ds(base_r, M)], sw).start()
        pltpu.make_async_copy(val_s, t_val.at[pl.ds(base_r, M)], sw).start()

    pltpu.make_async_copy(lid_s, t_idx.at[pl.ds(0, M)], sw).wait()
    pltpu.make_async_copy(val_s, t_val.at[pl.ds(0, M)], sw).wait()


@functools.partial(
    pl.kernel,
    out_type=jax.ShapeDtypeStruct((TOTAL,), jnp.float32),
    mesh=_mesh,
    compiler_params=_cparams,
    scratch_types=[
        pltpu.VMEM_SHARED((WIN,), jnp.float32),
        pltpu.VMEM((NRT,), _i32),
        pltpu.VMEM((NRT,), _i32),
        pltpu.VMEM((NB * CH3,), _i32),
        pltpu.VMEM((NB * CH3,), jnp.float32),
        pltpu.VMEM((ZCH,), jnp.float32),
        pltpu.SemaphoreType.DMA,
        pltpu.SemaphoreType.DMA,
    ],
)
def _k2_acc(t_idx, t_val, starts_hbm, out_hbm,
            window, s_w, s_w1, lid_b, val_b, zbuf, sb, sz):
    sc = lax.axis_index("c")
    tid = lax.axis_index("s")

    @pl.loop(0, ZCH // 16)
    def _z(g):
        zbuf[pl.ds(g * 16, 16)] = jnp.zeros((16,), jnp.float32)

    @pl.loop(0, NWIN_SC)
    def _windows(k):
        w = 2 * k + sc
        pltpu.sync_copy(
            starts_hbm.at[pl.ds(pl.multiple_of(w * NRT, 16), NRT)], s_w)
        pltpu.sync_copy(
            starts_hbm.at[pl.ds(pl.multiple_of((w + 1) * NRT, 16), NRT)],
            s_w1)

        zdescs = []
        for i in range(SLICE // ZCH):
            dst = pl.multiple_of(tid * SLICE + i * ZCH, ZCH)
            zdescs.append(
                pltpu.make_async_copy(zbuf, window.at[pl.ds(dst, ZCH)], sz))
        for zd in zdescs:
            zd.start()
        for zd in zdescs:
            zd.wait()
        plsc.subcore_barrier()

        @pl.loop(0, SPT // NB)
        def _batch(bi):
            q0 = bi * NB
            ss, ee, s0s, njs = [], [], [], []
            for d in range(NB):
                q = q0 + d
                rr = tid * SPT + q
                valid = lax.bitwise_and(q, WPR - 1) < KB
                s = jnp.where(valid, _extract(s_w, rr), 0)
                e = jnp.where(valid, _extract(s_w1, rr), 0)
                s0 = lax.bitwise_and(s, ~15)
                nj = jnp.where(
                    valid,
                    lax.shift_right_logical(e - s0 + (CH3 - 1), 10), 0)
                ss.append(s)
                ee.append(e)
                s0s.append(s0)
                njs.append(nj)
            njmax = njs[0]
            for d in range(1, NB):
                njmax = jnp.maximum(njmax, njs[d])

            @pl.loop(0, njmax)
            def _round(j):
                cjs, descs = [], []
                for d in range(NB):
                    cj = pl.multiple_of(s0s[d] + j * CH3, 16)
                    cjs.append(cj)
                    descs.append((
                        pltpu.make_async_copy(
                            t_idx.at[pl.ds(cj, CH3)],
                            lid_b.at[pl.ds(d * CH3, CH3)], sb),
                        pltpu.make_async_copy(
                            t_val.at[pl.ds(cj, CH3)],
                            val_b.at[pl.ds(d * CH3, CH3)], sb),
                    ))
                for d in range(NB):
                    @pl.when(j < njs[d])
                    def _fire(d=d):
                        descs[d][0].start()
                        descs[d][1].start()
                for d in range(NB):
                    @pl.when(j < njs[d])
                    def _drain(d=d):
                        descs[d][0].wait()
                        descs[d][1].wait()

                sent16 = jnp.full((16,), SENT, _i32)
                for d in range(NB):
                    a = jnp.maximum(ss[d] - cjs[d], 0)
                    bb = jnp.minimum(ee[d] - cjs[d], CH3)

                    def _mask(g, d=d, a=a, bb=bb):
                        gs = pl.multiple_of(d * CH3 + g * 16, 16)
                        p = g * 16 + _iota16()
                        keep = (p >= a) & (p < bb)
                        lid_b[pl.ds(gs, 16)] = jnp.where(
                            keep, lid_b[pl.ds(gs, 16)], SENT)

                    @pl.when(j < njs[d])
                    def _edges(d=d, a=a, bb=bb, _mask=_mask):
                        pl.loop(0, lax.shift_right_logical(a + 15, 4))(_mask)
                        pl.loop(lax.shift_right_logical(bb, 4), NG3)(_mask)

                    @pl.when(j >= njs[d])
                    def _fill(d=d):
                        @pl.loop(0, NG3, unroll=4)
                        def _f(g, d=d):
                            gs = pl.multiple_of(d * CH3 + g * 16, 16)
                            lid_b[pl.ds(gs, 16)] = sent16

                pltpu.sync_copy(
                    val_b,
                    window.at[plsc.Indices(lid_b, ignored_value=SENT)],
                    add=True,
                )

        plsc.subcore_barrier()
        src = pl.multiple_of(tid * SLICE, ZCH)
        dst = pl.multiple_of(w * WIN + tid * SLICE, ZCH)
        pltpu.sync_copy(window.at[pl.ds(src, SLICE)],
                        out_hbm.at[pl.ds(dst, SLICE)])


def kernel(x, indices):
    idx = indices.reshape(-1).astype(_i32)
    val = x.reshape(-1)
    t_idx, t_val, starts = _k1_part(idx, val)
    out = _k2_acc(t_idx, t_val, starts)
    return out.reshape(OUT_SHAPE)

# --- scband reference (transcript-rebuilt; emitter-appended) ---
"""Pipeline reference for scband-my-max-unpooling-71451075937005 (READ-ONLY COPY).

The authoritative reference and input builder live on the scoring server;
editing this copy changes nothing except your own understanding.
"""

import jax, jax.numpy as jnp
import numpy as np

B, H, W, C = 4, 112, 112, 384
PH, PW = 2, 2
OUT_SHAPE = (B, H * PH, W * PW, C)
TOTAL = B * H * PH * W * PW * C


def setup_inputs(seed: int = 0) -> dict:
    key = jax.random.key(seed)
    k1, k2 = jax.random.split(key)
    x = jax.random.normal(k1, (B, H, W, C), dtype=jnp.float32)
    indices = jax.random.randint(k2, (B, H, W, C), 0, TOTAL)
    return {"x": x, "indices": indices}


def reference(x, indices):
    # tf.scatter_nd on flattened output: duplicates are summed, missing slots stay zero
    flat_idx = indices.reshape(-1)
    flat_vals = x.reshape(-1)
    unpooled = jnp.zeros((TOTAL,), dtype=x.dtype).at[flat_idx].add(flat_vals)
    return unpooled.reshape(OUT_SHAPE)

if __name__ == "__main__":
    import jax
    _d = setup_inputs()
    print(jax.jit(kernel)(*tuple(_d.values())))

</pallas_src>

<mosaic_0001>
#map = affine_map<(d0, d1) -> (0)>
module attributes {stable_mosaic.version = 14 : i64} {
  func.func @_k1_part(%arg0: i32, %arg1: i32, %arg2: memref<19267584xi32, #tpu.memory_space<hbm>>, %arg3: memref<19267584xf32, #tpu.memory_space<hbm>>, %arg4: memref<19268608xi32, #tpu.memory_space<hbm>>, %arg5: memref<19268608xf32, #tpu.memory_space<hbm>>, %arg6: memref<49152xi32, #tpu.memory_space<hbm>>, %arg7: memref<28672xi32, #tpu.memory_space<vmem>>, %arg8: memref<28672xf32, #tpu.memory_space<vmem>>, %arg9: memref<28672xi32, #tpu.memory_space<vmem>>, %arg10: memref<28672xf32, #tpu.memory_space<vmem>>, %arg11: memref<1536xi32, #tpu.memory_space<vmem>>, %arg12: memref<1536xi32, #tpu.memory_space<vmem>>, %arg13: memref<16xi32, #tpu.memory_space<vmem>>, %arg14: memref<!tpu.dma_semaphore, #tpu.memory_space<semaphore_mem>>, %arg15: memref<!tpu.dma_semaphore, #tpu.memory_space<semaphore_mem>>) attributes {dimension_semantics = [#tpu.dimension_semantics<core_parallel>, #tpu.dimension_semantics<subcore_parallel>], iteration_bounds = array<i64: 2, 16>, scalar_prefetch = 0 : i64, scratch_operands = 9 : i64, tpu.core_type = #tpu.core_type<sc_vector_subcore>, window_params = [{transform_indices = #map}, {transform_indices = #map}, {transform_indices = #map}, {transform_indices = #map}, {transform_indices = #map}]} {
    %mul3A = arith.constant 16 : i32
    %mul3A_0 = arith.muli %arg0, %mul3A : i32
    %add3A = arith.addi %mul3A_0, %arg1 : i32
    %broadcast_in_dim3A = arith.constant 1 : i32
    %broadcast_in_dim3A_1 = vector.broadcast %broadcast_in_dim3A : i32 to vector<16xi32>
    %scan3A = arith.constant 0 : i32
    %scan3A_2 = arith.constant 21 : i32
    %scan3A_3 = arith.addi %scan3A, %scan3A_2 : i32
    %scan3A_4 = arith.constant 1 : i32
    scf.for %scan3A_13 = %scan3A to %scan3A_3 step %scan3A_4  : i32 {
      %mul3A_14 = arith.constant 1 : i32
      %mul3A_15 = arith.muli %scan3A_13, %mul3A_14 : i32
      %add3A_16 = arith.constant 0 : i32
      %add3A_17 = arith.addi %add3A_16, %mul3A_15 : i32
      %mul3A_18 = arith.constant 21 : i32
      %mul3A_19 = arith.muli %add3A, %mul3A_18 : i32
      %add3A_20 = arith.addi %mul3A_19, %add3A_17 : i32
      %mul3A_21 = arith.constant 28672 : i32
      %mul3A_22 = arith.muli %add3A_20, %mul3A_21 : i32
      %multiple_of3A = tpu.assume_multiple %mul3A_22, 28672 : i32
      %dma_start3A = tpu.memref_slice %arg2[%multiple_of3A] : memref<19267584xi32, #tpu.memory_space<hbm>> -> memref<28672xi32, #tpu.memory_space<hbm>>
      %dma_start3A_23 = tpu.memref_slice %arg2[%multiple_of3A] : memref<19267584xi32, #tpu.memory_space<hbm>> -> memref<28672xi32, #tpu.memory_space<hbm>>
      tpu.enqueue_dma source(%dma_start3A_23 : memref<28672xi32, #tpu.memory_space<hbm>>) target(%arg7 : memref<28672xi32, #tpu.memory_space<vmem>>) target_semaphore(%arg15 : memref<!tpu.dma_semaphore, #tpu.memory_space<semaphore_mem>>)
      %dma_start3A_24 = tpu.memref_slice %arg3[%multiple_of3A] : memref<19267584xf32, #tpu.memory_space<hbm>> -> memref<28672xf32, #tpu.memory_space<hbm>>
      %dma_start3A_25 = tpu.memref_slice %arg3[%multiple_of3A] : memref<19267584xf32, #tpu.memory_space<hbm>> -> memref<28672xf32, #tpu.memory_space<hbm>>
      tpu.enqueue_dma source(%dma_start3A_25 : memref<28672xf32, #tpu.memory_space<hbm>>) target(%arg8 : memref<28672xf32, #tpu.memory_space<vmem>>) target_semaphore(%arg15 : memref<!tpu.dma_semaphore, #tpu.memory_space<semaphore_mem>>)
      %dma_wait3A_26 = tpu.memref_slice %arg2[%multiple_of3A] : memref<19267584xi32, #tpu.memory_space<hbm>> -> memref<28672xi32, #tpu.memory_space<hbm>>
      %dma_wait3A_27 = tpu.memref_slice %arg2[%multiple_of3A] : memref<19267584xi32, #tpu.memory_space<hbm>> -> memref<28672xi32, #tpu.memory_space<hbm>>
      tpu.wait_dma2 semaphore(%arg15 : memref<!tpu.dma_semaphore, #tpu.memory_space<semaphore_mem>>) src(%dma_wait3A_27 : memref<28672xi32, #tpu.memory_space<hbm>>) dst(%arg7 : memref<28672xi32, #tpu.memory_space<vmem>>)
      %dma_wait3A_28 = tpu.memref_slice %arg3[%multiple_of3A] : memref<19267584xf32, #tpu.memory_space<hbm>> -> memref<28672xf32, #tpu.memory_space<hbm>>
      %dma_wait3A_29 = tpu.memref_slice %arg3[%multiple_of3A] : memref<19267584xf32, #tpu.memory_space<hbm>> -> memref<28672xf32, #tpu.memory_space<hbm>>
      tpu.wait_dma2 semaphore(%arg15 : memref<!tpu.dma_semaphore, #tpu.memory_space<semaphore_mem>>) src(%dma_wait3A_29 : memref<28672xf32, #tpu.memory_space<hbm>>) dst(%arg8 : memref<28672xf32, #tpu.memory_space<vmem>>)
      %scan3A_30 = arith.constant 0 : i32
      %scan3A_31 = arith.constant 96 : i32
      %scan3A_32 = arith.addi %scan3A_30, %scan3A_31 : i32
      %scan3A_33 = arith.constant 1 : i32
      scf.for %scan3A_1377 = %scan3A_30 to %scan3A_32 step %scan3A_33  : i32 {
        %mul3A_1378 = arith.constant 1 : i32
        %mul3A_1379 = arith.muli %scan3A_1377, %mul3A_1378 : i32
        %add3A_1380 = arith.constant 0 : i32
        %add3A_1381 = arith.addi %add3A_1380, %mul3A_1379 : i32
        %broadcast_in_dim3A_1382 = arith.constant 0 : i32
        %broadcast_in_dim3A_1383 = vector.broadcast %broadcast_in_dim3A_1382 : i32 to vector<16xi32>
        %mul3A_1384 = arith.constant 16 : i32
        %mul3A_1385 = arith.muli %add3A_1381, %mul3A_1384 : i32
        %multiple_of3A_1386 = tpu.assume_multiple %mul3A_1385, 16 : i32
        %swap3A_1387 = arith.index_cast %multiple_of3A_1386 : i32 to index
        %swap3A_1388 = tpu.vector_load %arg11[%swap3A_1387] {strides = array<i32>} : memref<1536xi32, #tpu.memory_space<vmem>>, vector<16xi32>,
        tpu.vector_store %arg11[%swap3A_1387], %broadcast_in_dim3A_1383 {strides = array<i32>} : memref<1536xi32, #tpu.memory_space<vmem>>, vector<16xi32>,
      }
      %scan3A_34 = arith.constant 96 : i32
      %scan3A_35 = arith.constant 0 : i32
      %scan3A_36 = arith.constant 896 : i32
      %scan3A_37 = arith.addi %scan3A_35, %scan3A_36 : i32
      %scan3A_38 = arith.constant 4 : i32
      scf.for %scan3A_1377 = %scan3A_35 to %scan3A_37 step %scan3A_38  : i32 {
        %mul3A_1378 = arith.constant 1 : i32
        %mul3A_1379 = arith.muli %scan3A_1377, %mul3A_1378 : i32
        %add3A_1380 = arith.constant 0 : i32
        %add3A_1381 = arith.addi %add3A_1380, %mul3A_1379 : i32
        %mul3A_1382 = arith.constant 16 : i32
        %mul3A_1383 = arith.muli %add3A_1381, %mul3A_1382 : i32
        %get3A_1384 = arith.index_cast %mul3A_1383 : i32 to index
        %get3A_1385 = tpu.vector_load %arg7[%get3A_1384] {strides = array<i32>} : memref<28672xi32, #tpu.memory_space<vmem>>, vector<16xi32>,
        %shift_right_logical3A = arith.constant 18 : i32
        %shift_right_logical3A_1386 = vector.broadcast %shift_right_logical3A : i32 to vector<16xi32>
        %shift_right_logical3A_1387 = arith.shrui %get3A_1385, %shift_right_logical3A_1386 : vector<16xi32>
        %mul3A_1388 = arith.constant 9363 : i32
        %mul3A_1389 = vector.broadcast %mul3A_1388 : i32 to vector<16xi32>
        %mul3A_1390 = arith.muli %shift_right_logical3A_1387, %mul3A_1389 : vector<16xi32>
        %shift_right_logical3A_1391 = arith.constant 16 : i32
        %shift_right_logical3A_1392 = vector.broadcast %shift_right_logical3A_1391 : i32 to vector<16xi32>
        %shift_right_logical3A_1393 = arith.shrui %mul3A_1390, %shift_right_logical3A_1392 : vector<16xi32>
        %mul3A_1394 = arith.constant 16 : i32
        %mul3A_1395 = arith.muli %add3A_1381, %mul3A_1394 : i32
        %add3A_1396 = arith.constant 14336 : i32
        %add3A_1397 = arith.addi %add3A_1396, %mul3A_1395 : i32
        %get3A_1398 = arith.index_cast %add3A_1397 : i32 to index
        %get3A_1399 = tpu.vector_load %arg7[%get3A_1398] {strides = array<i32>} : memref<28672xi32, #tpu.memory_space<vmem>>, vector<16xi32>,
        %shift_right_logical3A_1400 = arith.constant 18 : i32
        %shift_right_logical3A_1401 = vector.broadcast %shift_right_logical3A_1400 : i32 to vector<16xi32>
        %shift_right_logical3A_1402 = arith.shrui %get3A_1399, %shift_right_logical3A_1401 : vector<16xi32>
        %mul3A_1403 = arith.constant 9363 : i32
        %mul3A_1404 = vector.broadcast %mul3A_1403 : i32 to vector<16xi32>
        %mul3A_1405 = arith.muli %shift_right_logical3A_1402, %mul3A_1404 : vector<16xi32>
        %shift_right_logical3A_1406 = arith.constant 16 : i32
        %shift_right_logical3A_1407 = vector.broadcast %shift_right_logical3A_1406 : i32 to vector<16xi32>
        %shift_right_logical3A_1408 = arith.shrui %mul3A_1405, %shift_right_logical3A_1407 : vector<16xi32>
        %shift_left3A_1409 = arith.constant 5 : i32
        %shift_left3A_1410 = vector.broadcast %shift_left3A_1409 : i32 to vector<16xi32>
        %shift_left3A_1411 = arith.shli %shift_right_logical3A_1393, %shift_left3A_1410 : vector<16xi32>
        %iota3A_1412 = tpu.iota {dimensions = array<i32: 0>} : vector<16xi32>
        %or3A = arith.ori %shift_left3A_1411, %iota3A_1412 : vector<16xi32>
        %shift_left3A_1413 = arith.constant 5 : i32
        %shift_left3A_1414 = vector.broadcast %shift_left3A_1413 : i32 to vector<16xi32>
        %shift_left3A_1415 = arith.shli %shift_right_logical3A_1408, %shift_left3A_1414 : vector<16xi32>
        %iota3A_1416 = tpu.iota {dimensions = array<i32: 0>} : vector<16xi32>
        %add3A_1417 = arith.constant 16 : i32
        %add3A_1418 = vector.broadcast %add3A_1417 : i32 to vector<16xi32>
        %add3A_1419 = arith.addi %add3A_1418, %iota3A_1416 : vector<16xi32>
        %or3A_1420 = arith.ori %shift_left3A_1415, %add3A_1419 : vector<16xi32>
        tpu.vector_store_idx %arg11[%or3A], %broadcast_in_dim3A_1 {add = true} : memref<1536xi32, #tpu.memory_space<vmem>>[vector<16xi32>], vector<16xi32>,
        tpu.vector_store_idx %arg11[%or3A_1420], %broadcast_in_dim3A_1 {add = true} : memref<1536xi32, #tpu.memory_space<vmem>>[vector<16xi32>], vector<16xi32>,
        %scan3A_1421 = arith.constant 1 : i32
        %scan3A_1422 = arith.addi %scan3A_1377, %scan3A_1421 : i32
        %mul3A_1423 = arith.constant 1 : i32
        %mul3A_1424 = arith.muli %scan3A_1422, %mul3A_1423 : i32
        %add3A_1425 = arith.constant 0 : i32
        %add3A_1426 = arith.addi %add3A_1425, %mul3A_1424 : i32
        %mul3A_1427 = arith.constant 16 : i32
        %mul3A_1428 = arith.muli %add3A_1426, %mul3A_1427 : i32
        %get3A_1429 = arith.index_cast %mul3A_1428 : i32 to index
        %get3A_1430 = tpu.vector_load %arg7[%get3A_1429] {strides = array<i32>} : memref<28672xi32, #tpu.memory_space<vmem>>, vector<16xi32>,
        %shift_right_logical3A_1431 = arith.constant 18 : i32
        %shift_right_logical3A_1432 = vector.broadcast %shift_right_logical3A_1431 : i32 to vector<16xi32>
        %shift_right_logical3A_1433 = arith.shrui %get3A_1430, %shift_right_logical3A_1432 : vector<16xi32>
        %mul3A_1434 = arith.constant 9363 : i32
        %mul3A_1435 = vector.broadcast %mul3A_1434 : i32 to vector<16xi32>
        %mul3A_1436 = arith.muli %shift_right_logical3A_1433, %mul3A_1435 : vector<16xi32>
        %shift_right_logical3A_1437 = arith.constant 16 : i32
        %shift_right_logical3A_1438 = vector.broadcast %shift_right_logical3A_1437 : i32 to vector<16xi32>
        %shift_right_logical3A_1439 = arith.shrui %mul3A_1436, %shift_right_logical3A_1438 : vector<16xi32>
        %mul3A_1440 = arith.constant 16 : i32
        %mul3A_1441 = arith.muli %add3A_1426, %mul3A_1440 : i32
        %add3A_1442 = arith.constant 14336 : i32
        %add3A_1443 = arith.addi %add3A_1442, %mul3A_1441 : i32
        %get3A_1444 = arith.index_cast %add3A_1443 : i32 to index
        %get3A_1445 = tpu.vector_load %arg7[%get3A_1444] {strides = array<i32>} : memref<28672xi32, #tpu.memory_space<vmem>>, vector<16xi32>,
        %shift_right_logical3A_1446 = arith.constant 18 : i32
        %shift_right_logical3A_1447 = vector.broadcast %shift_right_logical3A_1446 : i32 to vector<16xi32>
        %shift_right_logical3A_1448 = arith.shrui %get3A_1445, %shift_right_logical3A_1447 : vector<16xi32>
        %mul3A_1449 = arith.constant 9363 : i32
        %mul3A_1450 = vector.broadcast %mul3A_1449 : i32 to vector<16xi32>
        %mul3A_1451 = arith.muli %shift_right_logical3A_1448, %mul3A_1450 : vector<16xi32>
        %shift_right_logical3A_1452 = arith.constant 16 : i32
        %shift_right_logical3A_1453 = vector.broadcast %shift_right_logical3A_1452 : i32 to vector<16xi32>
        %shift_right_logical3A_1454 = arith.shrui %mul3A_1451, %shift_right_logical3A_1453 : vector<16xi32>
        %shift_left3A_1455 = arith.constant 5 : i32
        %shift_left3A_1456 = vector.broadcast %shift_left3A_1455 : i32 to vector<16xi32>
        %shift_left3A_1457 = arith.shli %shift_right_logical3A_1439, %shift_left3A_1456 : vector<16xi32>
        %iota3A_1458 = tpu.iota {dimensions = array<i32: 0>} : vector<16xi32>
        %or3A_1459 = arith.ori %shift_left3A_1457, %iota3A_1458 : vector<16xi32>
        %shift_left3A_1460 = arith.constant 5 : i32
        %shift_left3A_1461 = vector.broadcast %shift_left3A_1460 : i32 to vector<16xi32>
        %shift_left3A_1462 = arith.shli %shift_right_logical3A_1454, %shift_left3A_1461 : vector<16xi32>
        %iota3A_1463 = tpu.iota {dimensions = array<i32: 0>} : vector<16xi32>
        %add3A_1464 = arith.constant 16 : i32
        %add3A_1465 = vector.broadcast %add3A_1464 : i32 to vector<16xi32>
        %add3A_1466 = arith.addi %add3A_1465, %iota3A_1463 : vector<16xi32>
        %or3A_1467 = arith.ori %shift_left3A_1462, %add3A_1466 : vector<16xi32>
        tpu.vector_store_idx %arg11[%or3A_1459], %broadcast_in_dim3A_1 {add = true} : memref<1536xi32, #tpu.memory_space<vmem>>[vector<16xi32>], vector<16xi32>,
        tpu.vector_store_idx %arg11[%or3A_1467], %broadcast_in_dim3A_1 {add = true} : memref<1536xi32, #tpu.memory_space<vmem>>[vector<16xi32>], vector<16xi32>,
        %scan3A_1468 = arith.constant 2 : i32
        %scan3A_1469 = arith.addi %scan3A_1377, %scan3A_1468 : i32
        %mul3A_1470 = arith.constant 1 : i32
        %mul3A_1471 = arith.muli %scan3A_1469, %mul3A_1470 : i32
        %add3A_1472 = arith.constant 0 : i32
        %add3A_1473 = arith.addi %add3A_1472, %mul3A_1471 : i32
        %mul3A_1474 = arith.constant 16 : i32
        %mul3A_1475 = arith.muli %add3A_1473, %mul3A_1474 : i32
        %get3A_1476 = arith.index_cast %mul3A_1475 : i32 to index
        %get3A_1477 = tpu.vector_load %arg7[%get3A_1476] {strides = array<i32>} : memref<28672xi32, #tpu.memory_space<vmem>>, vector<16xi32>,
        %shift_right_logical3A_1478 = arith.constant 18 : i32
        %shift_right_logical3A_1479 = vector.broadcast %shift_right_logical3A_1478 : i32 to vector<16xi32>
        %shift_right_logical3A_1480 = arith.shrui %get3A_1477, %shift_right_logical3A_1479 : vector<16xi32>
        %mul3A_1481 = arith.constant 9363 : i32
        %mul3A_1482 = vector.broadcast %mul3A_1481 : i32 to vector<16xi32>
        %mul3A_1483 = arith.muli %shift_right_logical3A_1480, %mul3A_1482 : vector<16xi32>
        %shift_right_logical3A_1484 = arith.constant 16 : i32
        %shift_right_logical3A_1485 = vector.broadcast %shift_right_logical3A_1484 : i32 to vector<16xi32>
        %shift_right_logical3A_1486 = arith.shrui %mul3A_1483, %shift_right_logical3A_1485 : vector<16xi32>
        %mul3A_1487 = arith.constant 16 : i32
        %mul3A_1488 = arith.muli %add3A_1473, %mul3A_1487 : i32
        %add3A_1489 = arith.constant 14336 : i32
        %add3A_1490 = arith.addi %add3A_1489, %mul3A_1488 : i32
        %get3A_1491 = arith.index_cast %add3A_1490 : i32 to index
        %get3A_1492 = tpu.vector_load %arg7[%get3A_1491] {strides = array<i32>} : memref<28672xi32, #tpu.memory_space<vmem>>, vector<16xi32>,
        %shift_right_logical3A_1493 = arith.constant 18 : i32
        %shift_right_logical3A_1494 = vector.broadcast %shift_right_logical3A_1493 : i32 to vector<16xi32>
        %shift_right_logical3A_1495 = arith.shrui %get3A_1492, %shift_right_logical3A_1494 : vector<16xi32>
        %mul3A_1496 = arith.constant 9363 : i32
        %mul3A_1497 = vector.broadcast %mul3A_1496 : i32 to vector<16xi32>
        %mul3A_1498 = arith.muli %shift_right_logical3A_1495, %mul3A_1497 : vector<16xi32>
        %shift_right_logical3A_1499 = arith.constant 16 : i32
        %shift_right_logical3A_1500 = vector.broadcast %shift_right_logical3A_1499 : i32 to vector<16xi32>
        %shift_right_logical3A_1501 = arith.shrui %mul3A_1498, %shift_right_logical3A_1500 : vector<16xi32>
        %shift_left3A_1502 = arith.constant 5 : i32
        %shift_left3A_1503 = vector.broadcast %shift_left3A_1502 : i32 to vector<16xi32>
        %shift_left3A_1504 = arith.shli %shift_right_logical3A_1486, %shift_left3A_1503 : vector<16xi32>
        %iota3A_1505 = tpu.iota {dimensions = array<i32: 0>} : vector<16xi32>
        %or3A_1506 = arith.ori %shift_left3A_1504, %iota3A_1505 : vector<16xi32>
        %shift_left3A_1507 = arith.constant 5 : i32
        %shift_left3A_1508 = vector.broadcast %shift_left3A_1507 : i32 to vector<16xi32>
        %shift_left3A_1509 = arith.shli %shift_right_logical3A_1501, %shift_left3A_1508 : vector<16xi32>
        %iota3A_1510 = tpu.iota {dimensions = array<i32: 0>} : vector<16xi32>
        %add3A_1511 = arith.constant 16 : i32
        %add3A_1512 = vector.broadcast %add3A_1511 : i32 to vector<16xi32>
        %add3A_1513 = arith.addi %add3A_1512, %iota3A_1510 : vector<16xi32>
        %or3A_1514 = arith.ori %shift_left3A_1509, %add3A_1513 : vector<16xi32>
        tpu.vector_store_idx %arg11[%or3A_1506], %broadcast_in_dim3A_1 {add = true} : memref<1536xi32, #tpu.memory_space<vmem>>[vector<16xi32>], vector<16xi32>,
        tpu.vector_store_idx %arg11[%or3A_1514], %broadcast_in_dim3A_1 {add = true} : memref<1536xi32, #tpu.memory_space<vmem>>[vector<16xi32>], vector<16xi32>,
        %scan3A_1515 = arith.constant 3 : i32
        %scan3A_1516 = arith.addi %scan3A_1377, %scan3A_1515 : i32
        %mul3A_1517 = arith.constant 1 : i32
        %mul3A_1518 = arith.muli %scan3A_1516, %mul3A_1517 : i32
        %add3A_1519 = arith.constant 0 : i32
        %add3A_1520 = arith.addi %add3A_1519, %mul3A_1518 : i32
        %mul3A_1521 = arith.constant 16 : i32
        %mul3A_1522 = arith.muli %add3A_1520, %mul3A_1521 : i32
        %get3A_1523 = arith.index_cast %mul3A_1522 : i32 to index
        %get3A_1524 = tpu.vector_load %arg7[%get3A_1523] {strides = array<i32>} : memref<28672xi32, #tpu.memory_space<vmem>>, vector<16xi32>,
        %shift_right_logical3A_1525 = arith.constant 18 : i32
        %shift_right_logical3A_1526 = vector.broadcast %shift_right_logical3A_1525 : i32 to vector<16xi32>
        %shift_right_logical3A_1527 = arith.shrui %get3A_1524, %shift_right_logical3A_1526 : vector<16xi32>
        %mul3A_1528 = arith.constant 9363 : i32
        %mul3A_1529 = vector.broadcast %mul3A_1528 : i32 to vector<16xi32>
        %mul3A_1530 = arith.muli %shift_right_logical3A_1527, %mul3A_1529 : vector<16xi32>
        %shift_right_logical3A_1531 = arith.constant 16 : i32
        %shift_right_logical3A_1532 = vector.broadcast %shift_right_logical3A_1531 : i32 to vector<16xi32>
        %shift_right_logical3A_1533 = arith.shrui %mul3A_1530, %shift_right_logical3A_1532 : vector<16xi32>
        %mul3A_1534 = arith.constant 16 : i32
        %mul3A_1535 = arith.muli %add3A_1520, %mul3A_1534 : i32
        %add3A_1536 = arith.constant 14336 : i32
        %add3A_1537 = arith.addi %add3A_1536, %mul3A_1535 : i32
        %get3A_1538 = arith.index_cast %add3A_1537 : i32 to index
        %get3A_1539 = tpu.vector_load %arg7[%get3A_1538] {strides = array<i32>} : memref<28672xi32, #tpu.memory_space<vmem>>, vector<16xi32>,
        %shift_right_logical3A_1540 = arith.constant 18 : i32
        %shift_right_logical3A_1541 = vector.broadcast %shift_right_logical3A_1540 : i32 to vector<16xi32>
        %shift_right_logical3A_1542 = arith.shrui %get3A_1539, %shift_right_logical3A_1541 : vector<16xi32>
        %mul3A_1543 = arith.constant 9363 : i32
        %mul3A_1544 = vector.broadcast %mul3A_1543 : i32 to vector<16xi32>
        %mul3A_1545 = arith.muli %shift_right_logical3A_1542, %mul3A_1544 : vector<16xi32>
        %shift_right_logical3A_1546 = arith.constant 16 : i32
        %shift_right_logical3A_1547 = vector.broadcast %shift_right_logical3A_1546 : i32 to vector<16xi32>
        %shift_right_logical3A_1548 = arith.shrui %mul3A_1545, %shift_right_logical3A_1547 : vector<16xi32>
        %shift_left3A_1549 = arith.constant 5 : i32
        %shift_left3A_1550 = vector.broadcast %shift_left3A_1549 : i32 to vector<16xi32>
        %shift_left3A_1551 = arith.shli %shift_right_logical3A_1533, %shift_left3A_1550 : vector<16xi32>
        %iota3A_1552 = tpu.iota {dimensions = array<i32: 0>} : vector<16xi32>
        %or3A_1553 = arith.ori %shift_left3A_1551, %iota3A_1552 : vector<16xi32>
        %shift_left3A_1554 = arith.constant 5 : i32
        %shift_left3A_1555 = vector.broadcast %shift_left3A_1554 : i32 to vector<16xi32>
        %shift_left3A_1556 = arith.shli %shift_right_logical3A_1548, %shift_left3A_1555 : vector<16xi32>
        %iota3A_1557 = tpu.iota {dimensions = array<i32: 0>} : vector<16xi32>
        %add3A_1558 = arith.constant 16 : i32
        %add3A_1559 = vector.broadcast %add3A_1558 : i32 to vector<16xi32>
        %add3A_1560 = arith.addi %add3A_1559, %iota3A_1557 : vector<16xi32>
        %or3A_1561 = arith.ori %shift_left3A_1556, %add3A_1560 : vector<16xi32>
        tpu.vector_store_idx %arg11[%or3A_1553], %broadcast_in_dim3A_1 {add = true} : memref<1536xi32, #tpu.memory_space<vmem>>[vector<16xi32>], vector<16xi32>,
        tpu.vector_store_idx %arg11[%or3A_1561], %broadcast_in_dim3A_1 {add = true} : memref<1536xi32, #tpu.memory_space<vmem>>[vector<16xi32>], vector<16xi32>,
      }
      %scan3A_39 = arith.constant 896 : i32
      %get3A = arith.constant 0 : index
      %get3A_40 = tpu.vector_load %arg11[%get3A] {strides = array<i32>} : memref<1536xi32, #tpu.memory_space<vmem>>, vector<16xi32>,
      %broadcast_in_dim3A_41 = arith.constant true
      %broadcast_in_dim3A_42 = vector.broadcast %broadcast_in_dim3A_41 : i1 to vector<16xi1>
      %masked_cumsum3A = tpu.scan <sum>, %get3A_40 masked %broadcast_in_dim3A_42 : vector<16xi32>, vector<16xi1> -> vector<16xi32>
      %sub3A = arith.subi %masked_cumsum3A, %get3A_40 : vector<16xi32>
      %add3A_43 = arith.constant 0 : i32
      %add3A_44 = vector.broadcast %add3A_43 : i32 to vector<16xi32>
      %add3A_45 = arith.addi %sub3A, %add3A_44 : vector<16xi32>
      %swap3A = arith.constant 0 : index
      %swap3A_46 = tpu.vector_load %arg12[%swap3A] {strides = array<i32>} : memref<1536xi32, #tpu.memory_space<vmem>>, vector<16xi32>,
      tpu.vector_store %arg12[%swap3A], %add3A_45 {strides = array<i32>} : memref<1536xi32, #tpu.memory_space<vmem>>, vector<16xi32>,
      %reduce_sum3A = arith.constant true
      %reduce_sum3A_47 = vector.broadcast %reduce_sum3A : i1 to vector<16xi1>
      %reduce_sum3A_48 = tpu.scan <sum>, %get3A_40 masked %reduce_sum3A_47 : vector<16xi32>, vector<16xi1> -> vector<16xi32>
      %reduce_sum3A_49 = vector.extract %reduce_sum3A_48[15] : i32 from vector<16xi32>
      %add3A_50 = arith.constant 0 : i32
      %add3A_51 = arith.addi %add3A_50, %reduce_sum3A_49 : i32
      %get3A_52 = arith.constant 16 : index
      %get3A_53 = tpu.vector_load %arg11[%get3A_52] {strides = array<i32>} : memref<1536xi32, #tpu.memory_space<vmem>>, vector<16xi32>,
      %broadcast_in_dim3A_54 = arith.constant true
      %broadcast_in_dim3A_55 = vector.broadcast %broadcast_in_dim3A_54 : i1 to vector<16xi1>
      %masked_cumsum3A_56 = tpu.scan <sum>, %get3A_53 masked %broadcast_in_dim3A_55 : vector<16xi32>, vector<16xi1> -> vector<16xi32>
      %sub3A_57 = arith.subi %masked_cumsum3A_56, %get3A_53 : vector<16xi32>
      %add3A_58 = vector.broadcast %add3A_51 : i32 to vector<16xi32>
      %add3A_59 = arith.addi %sub3A_57, %add3A_58 : vector<16xi32>
      %swap3A_60 = arith.constant 16 : index
      %swap3A_61 = tpu.vector_load %arg12[%swap3A_60] {strides = array<i32>} : memref<1536xi32, #tpu.memory_space<vmem>>, vector<16xi32>,
      tpu.vector_store %arg12[%swap3A_60], %add3A_59 {strides = array<i32>} : memref<1536xi32, #tpu.memory_space<vmem>>, vector<16xi32>,
      %reduce_sum3A_62 = arith.constant true
      %reduce_sum3A_63 = vector.broadcast %reduce_sum3A_62 : i1 to vector<16xi1>
      %reduce_sum3A_64 = tpu.scan <sum>, %get3A_53 masked %reduce_sum3A_63 : vector<16xi32>, vector<16xi1> -> vector<16xi32>
      %reduce_sum3A_65 = vector.extract %reduce_sum3A_64[15] : i32 from vector<16xi32>
      %add3A_66 = arith.addi %add3A_51, %reduce_sum3A_65 : i32
      %get3A_67 = arith.constant 32 : index
      %get3A_68 = tpu.vector_load %arg11[%get3A_67] {strides = array<i32>} : memref<1536xi32, #tpu.memory_space<vmem>>, vector<16xi32>,
      %broadcast_in_dim3A_69 = arith.constant true
      %broadcast_in_dim3A_70 = vector.broadcast %broadcast_in_dim3A_69 : i1 to vector<16xi1>
      %masked_cumsum3A_71 = tpu.scan <sum>, %get3A_68 masked %broadcast_in_dim3A_70 : vector<16xi32>, vector<16xi1> -> vector<16xi32>
      %sub3A_72 = arith.subi %masked_cumsum3A_71, %get3A_68 : vector<16xi32>
      %add3A_73 = vector.broadcast %add3A_66 : i32 to vector<16xi32>
      %add3A_74 = arith.addi %sub3A_72, %add3A_73 : vector<16xi32>
      %swap3A_75 = arith.constant 32 : index
      %swap3A_76 = tpu.vector_load %arg12[%swap3A_75] {strides = array<i32>} : memref<1536xi32, #tpu.memory_space<vmem>>, vector<16xi32>,
      tpu.vector_store %arg12[%swap3A_75], %add3A_74 {strides = array<i32>} : memref<1536xi32, #tpu.memory_space<vmem>>, vector<16xi32>,
      %reduce_sum3A_77 = arith.constant true
      %reduce_sum3A_78 = vector.broadcast %reduce_sum3A_77 : i1 to vector<16xi1>
      %reduce_sum3A_79 = tpu.scan <sum>, %get3A_68 masked %reduce_sum3A_78 : vector<16xi32>, vector<16xi1> -> vector<16xi32>
      %reduce_sum3A_80 = vector.extract %reduce_sum3A_79[15] : i32 from vector<16xi32>
      %add3A_81 = arith.addi %add3A_66, %reduce_sum3A_80 : i32
      %get3A_82 = arith.constant 48 : index
      %get3A_83 = tpu.vector_load %arg11[%get3A_82] {strides = array<i32>} : memref<1536xi32, #tpu.memory_space<vmem>>, vector<16xi32>,
      %broadcast_in_dim3A_84 = arith.constant true
      %broadcast_in_dim3A_85 = vector.broadcast %broadcast_in_dim3A_84 : i1 to vector<16xi1>
      %masked_cumsum3A_86 = tpu.scan <sum>, %get3A_83 masked %broadcast_in_dim3A_85 : vector<16xi32>, vector<16xi1> -> vector<16xi32>
      %sub3A_87 = arith.subi %masked_cumsum3A_86, %get3A_83 : vector<16xi32>
      %add3A_88 = vector.broadcast %add3A_81 : i32 to vector<16xi32>
      %add3A_89 = arith.addi %sub3A_87, %add3A_88 : vector<16xi32>
      %swap3A_90 = arith.constant 48 : index
      %swap3A_91 = tpu.vector_load %arg12[%swap3A_90] {strides = array<i32>} : memref<1536xi32, #tpu.memory_space<vmem>>, vector<16xi32>,
      tpu.vector_store %arg12[%swap3A_90], %add3A_89 {strides = array<i32>} : memref<1536xi32, #tpu.memory_space<vmem>>, vector<16xi32>,
      %reduce_sum3A_92 = arith.constant true
      %reduce_sum3A_93 = vector.broadcast %reduce_sum3A_92 : i1 to vector<16xi1>
      %reduce_sum3A_94 = tpu.scan <sum>, %get3A_83 masked %reduce_sum3A_93 : vector<16xi32>, vector<16xi1> -> vector<16xi32>
      %reduce_sum3A_95 = vector.extract %reduce_sum3A_94[15] : i32 from vector<16xi32>
      %add3A_96 = arith.addi %add3A_81, %reduce_sum3A_95 : i32
      %get3A_97 = arith.constant 64 : index
      %get3A_98 = tpu.vector_load %arg11[%get3A_97] {strides = array<i32>} : memref<1536xi32, #tpu.memory_space<vmem>>, vector<16xi32>,
      %broadcast_in_dim3A_99 = arith.constant true
      %broadcast_in_dim3A_100 = vector.broadcast %broadcast_in_dim3A_99 : i1 to vector<16xi1>
      %masked_cumsum3A_101 = tpu.scan <sum>, %get3A_98 masked %broadcast_in_dim3A_100 : vector<16xi32>, vector<16xi1> -> vector<16xi32>
      %sub3A_102 = arith.subi %masked_cumsum3A_101, %get3A_98 : vector<16xi32>
      %add3A_103 = vector.broadcast %add3A_96 : i32 to vector<16xi32>
      %add3A_104 = arith.addi %sub3A_102, %add3A_103 : vector<16xi32>
      %swap3A_105 = arith.constant 64 : index
      %swap3A_106 = tpu.vector_load %arg12[%swap3A_105] {strides = array<i32>} : memref<1536xi32, #tpu.memory_space<vmem>>, vector<16xi32>,
      tpu.vector_store %arg12[%swap3A_105], %add3A_104 {strides = array<i32>} : memref<1536xi32, #tpu.memory_space<vmem>>, vector<16xi32>,
      %reduce_sum3A_107 = arith.constant true
      %reduce_sum3A_108 = vector.broadcast %reduce_sum3A_107 : i1 to vector<16xi1>
      %reduce_sum3A_109 = tpu.scan <sum>, %get3A_98 masked %reduce_sum3A_108 : vector<16xi32>, vector<16xi1> -> vector<16xi32>
      %reduce_sum3A_110 = vector.extract %reduce_sum3A_109[15] : i32 from vector<16xi32>
      %add3A_111 = arith.addi %add3A_96, %reduce_sum3A_110 : i32
      %get3A_112 = arith.constant 80 : index
      %get3A_113 = tpu.vector_load %arg11[%get3A_112] {strides = array<i32>} : memref<1536xi32, #tpu.memory_space<vmem>>, vector<16xi32>,
      %broadcast_in_dim3A_114 = arith.constant true
      %broadcast_in_dim3A_115 = vector.broadcast %broadcast_in_dim3A_114 : i1 to vector<16xi1>
      %masked_cumsum3A_116 = tpu.scan <sum>, %get3A_113 masked %broadcast_in_dim3A_115 : vector<16xi32>, vector<16xi1> -> vector<16xi32>
      %sub3A_117 = arith.subi %masked_cumsum3A_116, %get3A_113 : vector<16xi32>
      %add3A_118 = vector.broadcast %add3A_111 : i32 to vector<16xi32>
      %add3A_119 = arith.addi %sub3A_117, %add3A_118 : vector<16xi32>
      %swap3A_120 = arith.constant 80 : index
      %swap3A_121 = tpu.vector_load %arg12[%swap3A_120] {strides = array<i32>} : memref<1536xi32, #tpu.memory_space<vmem>>, vector<16xi32>,
      tpu.vector_store %arg12[%swap3A_120], %add3A_119 {strides = array<i32>} : memref<1536xi32, #tpu.memory_space<vmem>>, vector<16xi32>,
      %reduce_sum3A_122 = arith.constant true
      %reduce_sum3A_123 = vector.broadcast %reduce_sum3A_122 : i1 to vector<16xi1>
      %reduce_sum3A_124 = tpu.scan <sum>, %get3A_113 masked %reduce_sum3A_123 : vector<16xi32>, vector<16xi1> -> vector<16xi32>
      %reduce_sum3A_125 = vector.extract %reduce_sum3A_124[15] : i32 from vector<16xi32>
      %add3A_126 = arith.addi %add3A_111, %reduce_sum3A_125 : i32
      %get3A_127 = arith.constant 96 : index
      %get3A_128 = tpu.vector_load %arg11[%get3A_127] {strides = array<i32>} : memref<1536xi32, #tpu.memory_space<vmem>>, vector<16xi32>,
      %broadcast_in_dim3A_129 = arith.constant true
      %broadcast_in_dim3A_130 = vector.broadcast %broadcast_in_dim3A_129 : i1 to vector<16xi1>
      %masked_cumsum3A_131 = tpu.scan <sum>, %get3A_128 masked %broadcast_in_dim3A_130 : vector<16xi32>, vector<16xi1> -> vector<16xi32>
      %sub3A_132 = arith.subi %masked_cumsum3A_131, %get3A_128 : vector<16xi32>
      %add3A_133 = vector.broadcast %add3A_126 : i32 to vector<16xi32>
      %add3A_134 = arith.addi %sub3A_132, %add3A_133 : vector<16xi32>
      %swap3A_135 = arith.constant 96 : index
      %swap3A_136 = tpu.vector_load %arg12[%swap3A_135] {strides = array<i32>} : memref<1536xi32, #tpu.memory_space<vmem>>, vector<16xi32>,
      tpu.vector_store %arg12[%swap3A_135], %add3A_134 {strides = array<i32>} : memref<1536xi32, #tpu.memory_space<vmem>>, vector<16xi32>,
      %reduce_sum3A_137 = arith.constant true
      %reduce_sum3A_138 = vector.broadcast %reduce_sum3A_137 : i1 to vector<16xi1>
      %reduce_sum3A_139 = tpu.scan <sum>, %get3A_128 masked %reduce_sum3A_138 : vector<16xi32>, vector<16xi1> -> vector<16xi32>
      %reduce_sum3A_140 = vector.extract %reduce_sum3A_139[15] : i32 from vector<16xi32>
      %add3A_141 = arith.addi %add3A_126, %reduce_sum3A_140 : i32
      %get3A_142 = arith.constant 112 : index
      %get3A_143 = tpu.vector_load %arg11[%get3A_142] {strides = array<i32>} : memref<1536xi32, #tpu.memory_space<vmem>>, vector<16xi32>,
      %broadcast_in_dim3A_144 = arith.constant true
      %broadcast_in_dim3A_145 = vector.broadcast %broadcast_in_dim3A_144 : i1 to vector<16xi1>
      %masked_cumsum3A_146 = tpu.scan <sum>, %get3A_143 masked %broadcast_in_dim3A_145 : vector<16xi32>, vector<16xi1> -> vector<16xi32>
      %sub3A_147 = arith.subi %masked_cumsum3A_146, %get3A_143 : vector<16xi32>
      %add3A_148 = vector.broadcast %add3A_141 : i32 to vector<16xi32>
      %add3A_149 = arith.addi %sub3A_147, %add3A_148 : vector<16xi32>
      %swap3A_150 = arith.constant 112 : index
      %swap3A_151 = tpu.vector_load %arg12[%swap3A_150] {strides = array<i32>} : memref<1536xi32, #tpu.memory_space<vmem>>, vector<16xi32>,
      tpu.vector_store %arg12[%swap3A_150], %add3A_149 {strides = array<i32>} : memref<1536xi32, #tpu.memory_space<vmem>>, vector<16xi32>,
      %reduce_sum3A_152 = arith.constant true
      %reduce_sum3A_153 = vector.broadcast %reduce_sum3A_152 : i1 to vector<16xi1>
      %reduce_sum3A_154 = tpu.scan <sum>, %get3A_143 masked %reduce_sum3A_153 : vector<16xi32>, vector<16xi1> -> vector<16xi32>
      %reduce_sum3A_155 = vector.extract %reduce_sum3A_154[15] : i32 from vector<16xi32>
      %add3A_156 = arith.addi %add3A_141, %reduce_sum3A_155 : i32
      %get3A_157 = arith.constant 128 : index
      %get3A_158 = tpu.vector_load %arg11[%get3A_157] {strides = array<i32>} : memref<1536xi32, #tpu.memory_space<vmem>>, vector<16xi32>,
      %broadcast_in_dim3A_159 = arith.constant true
      %broadcast_in_dim3A_160 = vector.broadcast %broadcast_in_dim3A_159 : i1 to vector<16xi1>
      %masked_cumsum3A_161 = tpu.scan <sum>, %get3A_158 masked %broadcast_in_dim3A_160 : vector<16xi32>, vector<16xi1> -> vector<16xi32>
      %sub3A_162 = arith.subi %masked_cumsum3A_161, %get3A_158 : vector<16xi32>
      %add3A_163 = vector.broadcast %add3A_156 : i32 to vector<16xi32>
      %add3A_164 = arith.addi %sub3A_162, %add3A_163 : vector<16xi32>
      %swap3A_165 = arith.constant 128 : index
      %swap3A_166 = tpu.vector_load %arg12[%swap3A_165] {strides = array<i32>} : memref<1536xi32, #tpu.memory_space<vmem>>, vector<16xi32>,
      tpu.vector_store %arg12[%swap3A_165], %add3A_164 {strides = array<i32>} : memref<1536xi32, #tpu.memory_space<vmem>>, vector<16xi32>,
      %reduce_sum3A_167 = arith.constant true
      %reduce_sum3A_168 = vector.broadcast %reduce_sum3A_167 : i1 to vector<16xi1>
      %reduce_sum3A_169 = tpu.scan <sum>, %get3A_158 masked %reduce_sum3A_168 : vector<16xi32>, vector<16xi1> -> vector<16xi32>
      %reduce_sum3A_170 = vector.extract %reduce_sum3A_169[15] : i32 from vector<16xi32>
      %add3A_171 = arith.addi %add3A_156, %reduce_sum3A_170 : i32
      %get3A_172 = arith.constant 144 : index
      %get3A_173 = tpu.vector_load %arg11[%get3A_172] {strides = array<i32>} : memref<1536xi32, #tpu.memory_space<vmem>>, vector<16xi32>,
      %broadcast_in_dim3A_174 = arith.constant true
      %broadcast_in_dim3A_175 = vector.broadcast %broadcast_in_dim3A_174 : i1 to vector<16xi1>
      %masked_cumsum3A_176 = tpu.scan <sum>, %get3A_173 masked %broadcast_in_dim3A_175 : vector<16xi32>, vector<16xi1> -> vector<16xi32>
      %sub3A_177 = arith.subi %masked_cumsum3A_176, %get3A_173 : vector<16xi32>
      %add3A_178 = vector.broadcast %add3A_171 : i32 to vector<16xi32>
      %add3A_179 = arith.addi %sub3A_177, %add3A_178 : vector<16xi32>
      %swap3A_180 = arith.constant 144 : index
      %swap3A_181 = tpu.vector_load %arg12[%swap3A_180] {strides = array<i32>} : memref<1536xi32, #tpu.memory_space<vmem>>, vector<16xi32>,
      tpu.vector_store %arg12[%swap3A_180], %add3A_179 {strides = array<i32>} : memref<1536xi32, #tpu.memory_space<vmem>>, vector<16xi32>,
      %reduce_sum3A_182 = arith.constant true
      %reduce_sum3A_183 = vector.broadcast %reduce_sum3A_182 : i1 to vector<16xi1>
      %reduce_sum3A_184 = tpu.scan <sum>, %get3A_173 masked %reduce_sum3A_183 : vector<16xi32>, vector<16xi1> -> vector<16xi32>
      %reduce_sum3A_185 = vector.extract %reduce_sum3A_184[15] : i32 from vector<16xi32>
      %add3A_186 = arith.addi %add3A_171, %reduce_sum3A_185 : i32
      %get3A_187 = arith.constant 160 : index
      %get3A_188 = tpu.vector_load %arg11[%get3A_187] {strides = array<i32>} : memref<1536xi32, #tpu.memory_space<vmem>>, vector<16xi32>,
      %broadcast_in_dim3A_189 = arith.constant true
      %broadcast_in_dim3A_190 = vector.broadcast %broadcast_in_dim3A_189 : i1 to vector<16xi1>
      %masked_cumsum3A_191 = tpu.scan <sum>, %get3A_188 masked %broadcast_in_dim3A_190 : vector<16xi32>, vector<16xi1> -> vector<16xi32>
      %sub3A_192 = arith.subi %masked_cumsum3A_191, %get3A_188 : vector<16xi32>
      %add3A_193 = vector.broadcast %add3A_186 : i32 to vector<16xi32>
      %add3A_194 = arith.addi %sub3A_192, %add3A_193 : vector<16xi32>
      %swap3A_195 = arith.constant 160 : index
      %swap3A_196 = tpu.vector_load %arg12[%swap3A_195] {strides = array<i32>} : memref<1536xi32, #tpu.memory_space<vmem>>, vector<16xi32>,
      tpu.vector_store %arg12[%swap3A_195], %add3A_194 {strides = array<i32>} : memref<1536xi32, #tpu.memory_space<vmem>>, vector<16xi32>,
      %reduce_sum3A_197 = arith.constant true
      %reduce_sum3A_198 = vector.broadcast %reduce_sum3A_197 : i1 to vector<16xi1>
      %reduce_sum3A_199 = tpu.scan <sum>, %get3A_188 masked %reduce_sum3A_198 : vector<16xi32>, vector<16xi1> -> vector<16xi32>
      %reduce_sum3A_200 = vector.extract %reduce_sum3A_199[15] : i32 from vector<16xi32>
      %add3A_201 = arith.addi %add3A_186, %reduce_sum3A_200 : i32
      %get3A_202 = arith.constant 176 : index
      %get3A_203 = tpu.vector_load %arg11[%get3A_202] {strides = array<i32>} : memref<1536xi32, #tpu.memory_space<vmem>>, vector<16xi32>,
      %broadcast_in_dim3A_204 = arith.constant true
      %broadcast_in_dim3A_205 = vector.broadcast %broadcast_in_dim3A_204 : i1 to vector<16xi1>
      %masked_cumsum3A_206 = tpu.scan <sum>, %get3A_203 masked %broadcast_in_dim3A_205 : vector<16xi32>, vector<16xi1> -> vector<16xi32>
      %sub3A_207 = arith.subi %masked_cumsum3A_206, %get3A_203 : vector<16xi32>
      %add3A_208 = vector.broadcast %add3A_201 : i32 to vector<16xi32>
      %add3A_209 = arith.addi %sub3A_207, %add3A_208 : vector<16xi32>
      %swap3A_210 = arith.constant 176 : index
      %swap3A_211 = tpu.vector_load %arg12[%swap3A_210] {strides = array<i32>} : memref<1536xi32, #tpu.memory_space<vmem>>, vector<16xi32>,
      tpu.vector_store %arg12[%swap3A_210], %add3A_209 {strides = array<i32>} : memref<1536xi32, #tpu.memory_space<vmem>>, vector<16xi32>,
      %reduce_sum3A_212 = arith.constant true
      %reduce_sum3A_213 = vector.broadcast %reduce_sum3A_212 : i1 to vector<16xi1>
      %reduce_sum3A_214 = tpu.scan <sum>, %get3A_203 masked %reduce_sum3A_213 : vector<16xi32>, vector<16xi1> -> vector<16xi32>
      %reduce_sum3A_215 = vector.extract %reduce_sum3A_214[15] : i32 from vector<16xi32>
      %add3A_216 = arith.addi %add3A_201, %reduce_sum3A_215 : i32
      %get3A_217 = arith.constant 192 : index
      %get3A_218 = tpu.vector_load %arg11[%get3A_217] {strides = array<i32>} : memref<1536xi32, #tpu.memory_space<vmem>>, vector<16xi32>,
      %broadcast_in_dim3A_219 = arith.constant true
      %broadcast_in_dim3A_220 = vector.broadcast %broadcast_in_dim3A_219 : i1 to vector<16xi1>
      %masked_cumsum3A_221 = tpu.scan <sum>, %get3A_218 masked %broadcast_in_dim3A_220 : vector<16xi32>, vector<16xi1> -> vector<16xi32>
      %sub3A_222 = arith.subi %masked_cumsum3A_221, %get3A_218 : vector<16xi32>
      %add3A_223 = vector.broadcast %add3A_216 : i32 to vector<16xi32>
      %add3A_224 = arith.addi %sub3A_222, %add3A_223 : vector<16xi32>
      %swap3A_225 = arith.constant 192 : index
      %swap3A_226 = tpu.vector_load %arg12[%swap3A_225] {strides = array<i32>} : memref<1536xi32, #tpu.memory_space<vmem>>, vector<16xi32>,
      tpu.vector_store %arg12[%swap3A_225], %add3A_224 {strides = array<i32>} : memref<1536xi32, #tpu.memory_space<vmem>>, vector<16xi32>,
      %reduce_sum3A_227 = arith.constant true
      %reduce_sum3A_228 = vector.broadcast %reduce_sum3A_227 : i1 to vector<16xi1>
      %reduce_sum3A_229 = tpu.scan <sum>, %get3A_218 masked %reduce_sum3A_228 : vector<16xi32>, vector<16xi1> -> vector<16xi32>
      %reduce_sum3A_230 = vector.extract %reduce_sum3A_229[15] : i32 from vector<16xi32>
      %add3A_231 = arith.addi %add3A_216, %reduce_sum3A_230 : i32
      %get3A_232 = arith.constant 208 : index
      %get3A_233 = tpu.vector_load %arg11[%get3A_232] {strides = array<i32>} : memref<1536xi32, #tpu.memory_space<vmem>>, vector<16xi32>,
      %broadcast_in_dim3A_234 = arith.constant true
      %broadcast_in_dim3A_235 = vector.broadcast %broadcast_in_dim3A_234 : i1 to vector<16xi1>
      %masked_cumsum3A_236 = tpu.scan <sum>, %get3A_233 masked %broadcast_in_dim3A_235 : vector<16xi32>, vector<16xi1> -> vector<16xi32>
      %sub3A_237 = arith.subi %masked_cumsum3A_236, %get3A_233 : vector<16xi32>
      %add3A_238 = vector.broadcast %add3A_231 : i32 to vector<16xi32>
      %add3A_239 = arith.addi %sub3A_237, %add3A_238 : vector<16xi32>
      %swap3A_240 = arith.constant 208 : index
      %swap3A_241 = tpu.vector_load %arg12[%swap3A_240] {strides = array<i32>} : memref<1536xi32, #tpu.memory_space<vmem>>, vector<16xi32>,
      tpu.vector_store %arg12[%swap3A_240], %add3A_239 {strides = array<i32>} : memref<1536xi32, #tpu.memory_space<vmem>>, vector<16xi32>,
      %reduce_sum3A_242 = arith.constant true
      %reduce_sum3A_243 = vector.broadcast %reduce_sum3A_242 : i1 to vector<16xi1>
      %reduce_sum3A_244 = tpu.scan <sum>, %get3A_233 masked %reduce_sum3A_243 : vector<16xi32>, vector<16xi1> -> vector<16xi32>
      %reduce_sum3A_245 = vector.extract %reduce_sum3A_244[15] : i32 from vector<16xi32>
      %add3A_246 = arith.addi %add3A_231, %reduce_sum3A_245 : i32
      %get3A_247 = arith.constant 224 : index
      %get3A_248 = tpu.vector_load %arg11[%get3A_247] {strides = array<i32>} : memref<1536xi32, #tpu.memory_space<vmem>>, vector<16xi32>,
      %broadcast_in_dim3A_249 = arith.constant true
      %broadcast_in_dim3A_250 = vector.broadcast %broadcast_in_dim3A_249 : i1 to vector<16xi1>
      %masked_cumsum3A_251 = tpu.scan <sum>, %get3A_248 masked %broadcast_in_dim3A_250 : vector<16xi32>, vector<16xi1> -> vector<16xi32>
      %sub3A_252 = arith.subi %masked_cumsum3A_251, %get3A_248 : vector<16xi32>
      %add3A_253 = vector.broadcast %add3A_246 : i32 to vector<16xi32>
      %add3A_254 = arith.addi %sub3A_252, %add3A_253 : vector<16xi32>
      %swap3A_255 = arith.constant 224 : index
      %swap3A_256 = tpu.vector_load %arg12[%swap3A_255] {strides = array<i32>} : memref<1536xi32, #tpu.memory_space<vmem>>, vector<16xi32>,
      tpu.vector_store %arg12[%swap3A_255], %add3A_254 {strides = array<i32>} : memref<1536xi32, #tpu.memory_space<vmem>>, vector<16xi32>,
      %reduce_sum3A_257 = arith.constant true
      %reduce_sum3A_258 = vector.broadcast %reduce_sum3A_257 : i1 to vector<16xi1>
      %reduce_sum3A_259 = tpu.scan <sum>, %get3A_248 masked %reduce_sum3A_258 : vector<16xi32>, vector<16xi1> -> vector<16xi32>
      %reduce_sum3A_260 = vector.extract %reduce_sum3A_259[15] : i32 from vector<16xi32>
      %add3A_261 = arith.addi %add3A_246, %reduce_sum3A_260 : i32
      %get3A_262 = arith.constant 240 : index
      %get3A_263 = tpu.vector_load %arg11[%get3A_262] {strides = array<i32>} : memref<1536xi32, #tpu.memory_space<vmem>>, vector<16xi32>,
      %broadcast_in_dim3A_264 = arith.constant true
      %broadcast_in_dim3A_265 = vector.broadcast %broadcast_in_dim3A_264 : i1 to vector<16xi1>
      %masked_cumsum3A_266 = tpu.scan <sum>, %get3A_263 masked %broadcast_in_dim3A_265 : vector<16xi32>, vector<16xi1> -> vector<16xi32>
      %sub3A_267 = arith.subi %masked_cumsum3A_266, %get3A_263 : vector<16xi32>
      %add3A_268 = vector.broadcast %add3A_261 : i32 to vector<16xi32>
      %add3A_269 = arith.addi %sub3A_267, %add3A_268 : vector<16xi32>
      %swap3A_270 = arith.constant 240 : index
      %swap3A_271 = tpu.vector_load %arg12[%swap3A_270] {strides = array<i32>} : memref<1536xi32, #tpu.memory_space<vmem>>, vector<16xi32>,
      tpu.vector_store %arg12[%swap3A_270], %add3A_269 {strides = array<i32>} : memref<1536xi32, #tpu.memory_space<vmem>>, vector<16xi32>,
      %reduce_sum3A_272 = arith.constant true
      %reduce_sum3A_273 = vector.broadcast %reduce_sum3A_272 : i1 to vector<16xi1>
      %reduce_sum3A_274 = tpu.scan <sum>, %get3A_263 masked %reduce_sum3A_273 : vector<16xi32>, vector<16xi1> -> vector<16xi32>
      %reduce_sum3A_275 = vector.extract %reduce_sum3A_274[15] : i32 from vector<16xi32>
      %add3A_276 = arith.addi %add3A_261, %reduce_sum3A_275 : i32
      %get3A_277 = arith.constant 256 : index
      %get3A_278 = tpu.vector_load %arg11[%get3A_277] {strides = array<i32>} : memref<1536xi32, #tpu.memory_space<vmem>>, vector<16xi32>,
      %broadcast_in_dim3A_279 = arith.constant true
      %broadcast_in_dim3A_280 = vector.broadcast %broadcast_in_dim3A_279 : i1 to vector<16xi1>
      %masked_cumsum3A_281 = tpu.scan <sum>, %get3A_278 masked %broadcast_in_dim3A_280 : vector<16xi32>, vector<16xi1> -> vector<16xi32>
      %sub3A_282 = arith.subi %masked_cumsum3A_281, %get3A_278 : vector<16xi32>
      %add3A_283 = vector.broadcast %add3A_276 : i32 to vector<16xi32>
      %add3A_284 = arith.addi %sub3A_282, %add3A_283 : vector<16xi32>
      %swap3A_285 = arith.constant 256 : index
      %swap3A_286 = tpu.vector_load %arg12[%swap3A_285] {strides = array<i32>} : memref<1536xi32, #tpu.memory_space<vmem>>, vector<16xi32>,
      tpu.vector_store %arg12[%swap3A_285], %add3A_284 {strides = array<i32>} : memref<1536xi32, #tpu.memory_space<vmem>>, vector<16xi32>,
      %reduce_sum3A_287 = arith.constant true
      %reduce_sum3A_288 = vector.broadcast %reduce_sum3A_287 : i1 to vector<16xi1>
      %reduce_sum3A_289 = tpu.scan <sum>, %get3A_278 masked %reduce_sum3A_288 : vector<16xi32>, vector<16xi1> -> vector<16xi32>
      %reduce_sum3A_290 = vector.extract %reduce_sum3A_289[15] : i32 from vector<16xi32>
      %add3A_291 = arith.addi %add3A_276, %reduce_sum3A_290 : i32
      %get3A_292 = arith.constant 272 : index
      %get3A_293 = tpu.vector_load %arg11[%get3A_292] {strides = array<i32>} : memref<1536xi32, #tpu.memory_space<vmem>>, vector<16xi32>,
      %broadcast_in_dim3A_294 = arith.constant true
      %broadcast_in_dim3A_295 = vector.broadcast %broadcast_in_dim3A_294 : i1 to vector<16xi1>
      %masked_cumsum3A_296 = tpu.scan <sum>, %get3A_293 masked %broadcast_in_dim3A_295 : vector<16xi32>, vector<16xi1> -> vector<16xi32>
      %sub3A_297 = arith.subi %masked_cumsum3A_296, %get3A_293 : vector<16xi32>
      %add3A_298 = vector.broadcast %add3A_291 : i32 to vector<16xi32>
      %add3A_299 = arith.addi %sub3A_297, %add3A_298 : vector<16xi32>
      %swap3A_300 = arith.constant 272 : index
      %swap3A_301 = tpu.vector_load %arg12[%swap3A_300] {strides = array<i32>} : memref<1536xi32, #tpu.memory_space<vmem>>, vector<16xi32>,
      tpu.vector_store %arg12[%swap3A_300], %add3A_299 {strides = array<i32>} : memref<1536xi32, #tpu.memory_space<vmem>>, vector<16xi32>,
      %reduce_sum3A_302 = arith.constant true
      %reduce_sum3A_303 = vector.broadcast %reduce_sum3A_302 : i1 to vector<16xi1>
      %reduce_sum3A_304 = tpu.scan <sum>, %get3A_293 masked %reduce_sum3A_303 : vector<16xi32>, vector<16xi1> -> vector<16xi32>
      %reduce_sum3A_305 = vector.extract %reduce_sum3A_304[15] : i32 from vector<16xi32>
      %add3A_306 = arith.addi %add3A_291, %reduce_sum3A_305 : i32
      %get3A_307 = arith.constant 288 : index
      %get3A_308 = tpu.vector_load %arg11[%get3A_307] {strides = array<i32>} : memref<1536xi32, #tpu.memory_space<vmem>>, vector<16xi32>,
      %broadcast_in_dim3A_309 = arith.constant true
      %broadcast_in_dim3A_310 = vector.broadcast %broadcast_in_dim3A_309 : i1 to vector<16xi1>
      %masked_cumsum3A_311 = tpu.scan <sum>, %get3A_308 masked %broadcast_in_dim3A_310 : vector<16xi32>, vector<16xi1> -> vector<16xi32>
      %sub3A_312 = arith.subi %masked_cumsum3A_311, %get3A_308 : vector<16xi32>
      %add3A_313 = vector.broadcast %add3A_306 : i32 to vector<16xi32>
      %add3A_314 = arith.addi %sub3A_312, %add3A_313 : vector<16xi32>
      %swap3A_315 = arith.constant 288 : index
      %swap3A_316 = tpu.vector_load %arg12[%swap3A_315] {strides = array<i32>} : memref<1536xi32, #tpu.memory_space<vmem>>, vector<16xi32>,
      tpu.vector_store %arg12[%swap3A_315], %add3A_314 {strides = array<i32>} : memref<1536xi32, #tpu.memory_space<vmem>>, vector<16xi32>,
      %reduce_sum3A_317 = arith.constant true
      %reduce_sum3A_318 = vector.broadcast %reduce_sum3A_317 : i1 to vector<16xi1>
      %reduce_sum3A_319 = tpu.scan <sum>, %get3A_308 masked %reduce_sum3A_318 : vector<16xi32>, vector<16xi1> -> vector<16xi32>
      %reduce_sum3A_320 = vector.extract %reduce_sum3A_319[15] : i32 from vector<16xi32>
      %add3A_321 = arith.addi %add3A_306, %reduce_sum3A_320 : i32
      %get3A_322 = arith.constant 304 : index
      %get3A_323 = tpu.vector_load %arg11[%get3A_322] {strides = array<i32>} : memref<1536xi32, #tpu.memory_space<vmem>>, vector<16xi32>,
      %broadcast_in_dim3A_324 = arith.constant true
      %broadcast_in_dim3A_325 = vector.broadcast %broadcast_in_dim3A_324 : i1 to vector<16xi1>
      %masked_cumsum3A_326 = tpu.scan <sum>, %get3A_323 masked %broadcast_in_dim3A_325 : vector<16xi32>, vector<16xi1> -> vector<16xi32>
      %sub3A_327 = arith.subi %masked_cumsum3A_326, %get3A_323 : vector<16xi32>
      %add3A_328 = vector.broadcast %add3A_321 : i32 to vector<16xi32>
      %add3A_329 = arith.addi %sub3A_327, %add3A_328 : vector<16xi32>
      %swap3A_330 = arith.constant 304 : index
      %swap3A_331 = tpu.vector_load %arg12[%swap3A_330] {strides = array<i32>} : memref<1536xi32, #tpu.memory_space<vmem>>, vector<16xi32>,
      tpu.vector_store %arg12[%swap3A_330], %add3A_329 {strides = array<i32>} : memref<1536xi32, #tpu.memory_space<vmem>>, vector<16xi32>,
      %reduce_sum3A_332 = arith.constant true
      %reduce_sum3A_333 = vector.broadcast %reduce_sum3A_332 : i1 to vector<16xi1>
      %reduce_sum3A_334 = tpu.scan <sum>, %get3A_323 masked %reduce_sum3A_333 : vector<16xi32>, vector<16xi1> -> vector<16xi32>
      %reduce_sum3A_335 = vector.extract %reduce_sum3A_334[15] : i32 from vector<16xi32>
      %add3A_336 = arith.addi %add3A_321, %reduce_sum3A_335 : i32
      %get3A_337 = arith.constant 320 : index
      %get3A_338 = tpu.vector_load %arg11[%get3A_337] {strides = array<i32>} : memref<1536xi32, #tpu.memory_space<vmem>>, vector<16xi32>,
      %broadcast_in_dim3A_339 = arith.constant true
      %broadcast_in_dim3A_340 = vector.broadcast %broadcast_in_dim3A_339 : i1 to vector<16xi1>
      %masked_cumsum3A_341 = tpu.scan <sum>, %get3A_338 masked %broadcast_in_dim3A_340 : vector<16xi32>, vector<16xi1> -> vector<16xi32>
      %sub3A_342 = arith.subi %masked_cumsum3A_341, %get3A_338 : vector<16xi32>
      %add3A_343 = vector.broadcast %add3A_336 : i32 to vector<16xi32>
      %add3A_344 = arith.addi %sub3A_342, %add3A_343 : vector<16xi32>
      %swap3A_345 = arith.constant 320 : index
      %swap3A_346 = tpu.vector_load %arg12[%swap3A_345] {strides = array<i32>} : memref<1536xi32, #tpu.memory_space<vmem>>, vector<16xi32>,
      tpu.vector_store %arg12[%swap3A_345], %add3A_344 {strides = array<i32>} : memref<1536xi32, #tpu.memory_space<vmem>>, vector<16xi32>,
      %reduce_sum3A_347 = arith.constant true
      %reduce_sum3A_348 = vector.broadcast %reduce_sum3A_347 : i1 to vector<16xi1>
      %reduce_sum3A_349 = tpu.scan <sum>, %get3A_338 masked %reduce_sum3A_348 : vector<16xi32>, vector<16xi1> -> vector<16xi32>
      %reduce_sum3A_350 = vector.extract %reduce_sum3A_349[15] : i32 from vector<16xi32>
      %add3A_351 = arith.addi %add3A_336, %reduce_sum3A_350 : i32
      %get3A_352 = arith.constant 336 : index
      %get3A_353 = tpu.vector_load %arg11[%get3A_352] {strides = array<i32>} : memref<1536xi32, #tpu.memory_space<vmem>>, vector<16xi32>,
      %broadcast_in_dim3A_354 = arith.constant true
      %broadcast_in_dim3A_355 = vector.broadcast %broadcast_in_dim3A_354 : i1 to vector<16xi1>
      %masked_cumsum3A_356 = tpu.scan <sum>, %get3A_353 masked %broadcast_in_dim3A_355 : vector<16xi32>, vector<16xi1> -> vector<16xi32>
      %sub3A_357 = arith.subi %masked_cumsum3A_356, %get3A_353 : vector<16xi32>
      %add3A_358 = vector.broadcast %add3A_351 : i32 to vector<16xi32>
      %add3A_359 = arith.addi %sub3A_357, %add3A_358 : vector<16xi32>
      %swap3A_360 = arith.constant 336 : index
      %swap3A_361 = tpu.vector_load %arg12[%swap3A_360] {strides = array<i32>} : memref<1536xi32, #tpu.memory_space<vmem>>, vector<16xi32>,
      tpu.vector_store %arg12[%swap3A_360], %add3A_359 {strides = array<i32>} : memref<1536xi32, #tpu.memory_space<vmem>>, vector<16xi32>,
      %reduce_sum3A_362 = arith.constant true
      %reduce_sum3A_363 = vector.broadcast %reduce_sum3A_362 : i1 to vector<16xi1>
      %reduce_sum3A_364 = tpu.scan <sum>, %get3A_353 masked %reduce_sum3A_363 : vector<16xi32>, vector<16xi1> -> vector<16xi32>
      %reduce_sum3A_365 = vector.extract %reduce_sum3A_364[15] : i32 from vector<16xi32>
      %add3A_366 = arith.addi %add3A_351, %reduce_sum3A_365 : i32
      %get3A_367 = arith.constant 352 : index
      %get3A_368 = tpu.vector_load %arg11[%get3A_367] {strides = array<i32>} : memref<1536xi32, #tpu.memory_space<vmem>>, vector<16xi32>,
      %broadcast_in_dim3A_369 = arith.constant true
      %broadcast_in_dim3A_370 = vector.broadcast %broadcast_in_dim3A_369 : i1 to vector<16xi1>
      %masked_cumsum3A_371 = tpu.scan <sum>, %get3A_368 masked %broadcast_in_dim3A_370 : vector<16xi32>, vector<16xi1> -> vector<16xi32>
      %sub3A_372 = arith.subi %masked_cumsum3A_371, %get3A_368 : vector<16xi32>
      %add3A_373 = vector.broadcast %add3A_366 : i32 to vector<16xi32>
      %add3A_374 = arith.addi %sub3A_372, %add3A_373 : vector<16xi32>
      %swap3A_375 = arith.constant 352 : index
      %swap3A_376 = tpu.vector_load %arg12[%swap3A_375] {strides = array<i32>} : memref<1536xi32, #tpu.memory_space<vmem>>, vector<16xi32>,
      tpu.vector_store %arg12[%swap3A_375], %add3A_374 {strides = array<i32>} : memref<1536xi32, #tpu.memory_space<vmem>>, vector<16xi32>,
      %reduce_sum3A_377 = arith.constant true
      %reduce_sum3A_378 = vector.broadcast %reduce_sum3A_377 : i1 to vector<16xi1>
      %reduce_sum3A_379 = tpu.scan <sum>, %get3A_368 masked %reduce_sum3A_378 : vector<16xi32>, vector<16xi1> -> vector<16xi32>
      %reduce_sum3A_380 = vector.extract %reduce_sum3A_379[15] : i32 from vector<16xi32>
      %add3A_381 = arith.addi %add3A_366, %reduce_sum3A_380 : i32
      %get3A_382 = arith.constant 368 : index
      %get3A_383 = tpu.vector_load %arg11[%get3A_382] {strides = array<i32>} : memref<1536xi32, #tpu.memory_space<vmem>>, vector<16xi32>,
      %broadcast_in_dim3A_384 = arith.constant true
      %broadcast_in_dim3A_385 = vector.broadcast %broadcast_in_dim3A_384 : i1 to vector<16xi1>
      %masked_cumsum3A_386 = tpu.scan <sum>, %get3A_383 masked %broadcast_in_dim3A_385 : vector<16xi32>, vector<16xi1> -> vector<16xi32>
      %sub3A_387 = arith.subi %masked_cumsum3A_386, %get3A_383 : vector<16xi32>
      %add3A_388 = vector.broadcast %add3A_381 : i32 to vector<16xi32>
      %add3A_389 = arith.addi %sub3A_387, %add3A_388 : vector<16xi32>
      %swap3A_390 = arith.constant 368 : index
      %swap3A_391 = tpu.vector_load %arg12[%swap3A_390] {strides = array<i32>} : memref<1536xi32, #tpu.memory_space<vmem>>, vector<16xi32>,
      tpu.vector_store %arg12[%swap3A_390], %add3A_389 {strides = array<i32>} : memref<1536xi32, #tpu.memory_space<vmem>>, vector<16xi32>,
      %reduce_sum3A_392 = arith.constant true
      %reduce_sum3A_393 = vector.broadcast %reduce_sum3A_392 : i1 to vector<16xi1>
      %reduce_sum3A_394 = tpu.scan <sum>, %get3A_383 masked %reduce_sum3A_393 : vector<16xi32>, vector<16xi1> -> vector<16xi32>
      %reduce_sum3A_395 = vector.extract %reduce_sum3A_394[15] : i32 from vector<16xi32>
      %add3A_396 = arith.addi %add3A_381, %reduce_sum3A_395 : i32
      %get3A_397 = arith.constant 384 : index
      %get3A_398 = tpu.vector_load %arg11[%get3A_397] {strides = array<i32>} : memref<1536xi32, #tpu.memory_space<vmem>>, vector<16xi32>,
      %broadcast_in_dim3A_399 = arith.constant true
      %broadcast_in_dim3A_400 = vector.broadcast %broadcast_in_dim3A_399 : i1 to vector<16xi1>
      %masked_cumsum3A_401 = tpu.scan <sum>, %get3A_398 masked %broadcast_in_dim3A_400 : vector<16xi32>, vector<16xi1> -> vector<16xi32>
      %sub3A_402 = arith.subi %masked_cumsum3A_401, %get3A_398 : vector<16xi32>
      %add3A_403 = vector.broadcast %add3A_396 : i32 to vector<16xi32>
      %add3A_404 = arith.addi %sub3A_402, %add3A_403 : vector<16xi32>
      %swap3A_405 = arith.constant 384 : index
      %swap3A_406 = tpu.vector_load %arg12[%swap3A_405] {strides = array<i32>} : memref<1536xi32, #tpu.memory_space<vmem>>, vector<16xi32>,
      tpu.vector_store %arg12[%swap3A_405], %add3A_404 {strides = array<i32>} : memref<1536xi32, #tpu.memory_space<vmem>>, vector<16xi32>,
      %reduce_sum3A_407 = arith.constant true
      %reduce_sum3A_408 = vector.broadcast %reduce_sum3A_407 : i1 to vector<16xi1>
      %reduce_sum3A_409 = tpu.scan <sum>, %get3A_398 masked %reduce_sum3A_408 : vector<16xi32>, vector<16xi1> -> vector<16xi32>
      %reduce_sum3A_410 = vector.extract %reduce_sum3A_409[15] : i32 from vector<16xi32>
      %add3A_411 = arith.addi %add3A_396, %reduce_sum3A_410 : i32
      %get3A_412 = arith.constant 400 : index
      %get3A_413 = tpu.vector_load %arg11[%get3A_412] {strides = array<i32>} : memref<1536xi32, #tpu.memory_space<vmem>>, vector<16xi32>,
      %broadcast_in_dim3A_414 = arith.constant true
      %broadcast_in_dim3A_415 = vector.broadcast %broadcast_in_dim3A_414 : i1 to vector<16xi1>
      %masked_cumsum3A_416 = tpu.scan <sum>, %get3A_413 masked %broadcast_in_dim3A_415 : vector<16xi32>, vector<16xi1> -> vector<16xi32>
      %sub3A_417 = arith.subi %masked_cumsum3A_416, %get3A_413 : vector<16xi32>
      %add3A_418 = vector.broadcast %add3A_411 : i32 to vector<16xi32>
      %add3A_419 = arith.addi %sub3A_417, %add3A_418 : vector<16xi32>
      %swap3A_420 = arith.constant 400 : index
      %swap3A_421 = tpu.vector_load %arg12[%swap3A_420] {strides = array<i32>} : memref<1536xi32, #tpu.memory_space<vmem>>, vector<16xi32>,
      tpu.vector_store %arg12[%swap3A_420], %add3A_419 {strides = array<i32>} : memref<1536xi32, #tpu.memory_space<vmem>>, vector<16xi32>,
      %reduce_sum3A_422 = arith.constant true
      %reduce_sum3A_423 = vector.broadcast %reduce_sum3A_422 : i1 to vector<16xi1>
      %reduce_sum3A_424 = tpu.scan <sum>, %get3A_413 masked %reduce_sum3A_423 : vector<16xi32>, vector<16xi1> -> vector<16xi32>
      %reduce_sum3A_425 = vector.extract %reduce_sum3A_424[15] : i32 from vector<16xi32>
      %add3A_426 = arith.addi %add3A_411, %reduce_sum3A_425 : i32
      %get3A_427 = arith.constant 416 : index
      %get3A_428 = tpu.vector_load %arg11[%get3A_427] {strides = array<i32>} : memref<1536xi32, #tpu.memory_space<vmem>>, vector<16xi32>,
      %broadcast_in_dim3A_429 = arith.constant true
      %broadcast_in_dim3A_430 = vector.broadcast %broadcast_in_dim3A_429 : i1 to vector<16xi1>
      %masked_cumsum3A_431 = tpu.scan <sum>, %get3A_428 masked %broadcast_in_dim3A_430 : vector<16xi32>, vector<16xi1> -> vector<16xi32>
      %sub3A_432 = arith.subi %masked_cumsum3A_431, %get3A_428 : vector<16xi32>
      %add3A_433 = vector.broadcast %add3A_426 : i32 to vector<16xi32>
      %add3A_434 = arith.addi %sub3A_432, %add3A_433 : vector<16xi32>
      %swap3A_435 = arith.constant 416 : index
      %swap3A_436 = tpu.vector_load %arg12[%swap3A_435] {strides = array<i32>} : memref<1536xi32, #tpu.memory_space<vmem>>, vector<16xi32>,
      tpu.vector_store %arg12[%swap3A_435], %add3A_434 {strides = array<i32>} : memref<1536xi32, #tpu.memory_space<vmem>>, vector<16xi32>,
      %reduce_sum3A_437 = arith.constant true
      %reduce_sum3A_438 = vector.broadcast %reduce_sum3A_437 : i1 to vector<16xi1>
      %reduce_sum3A_439 = tpu.scan <sum>, %get3A_428 masked %reduce_sum3A_438 : vector<16xi32>, vector<16xi1> -> vector<16xi32>
      %reduce_sum3A_440 = vector.extract %reduce_sum3A_439[15] : i32 from vector<16xi32>
      %add3A_441 = arith.addi %add3A_426, %reduce_sum3A_440 : i32
      %get3A_442 = arith.constant 432 : index
      %get3A_443 = tpu.vector_load %arg11[%get3A_442] {strides = array<i32>} : memref<1536xi32, #tpu.memory_space<vmem>>, vector<16xi32>,
      %broadcast_in_dim3A_444 = arith.constant true
      %broadcast_in_dim3A_445 = vector.broadcast %broadcast_in_dim3A_444 : i1 to vector<16xi1>
      %masked_cumsum3A_446 = tpu.scan <sum>, %get3A_443 masked %broadcast_in_dim3A_445 : vector<16xi32>, vector<16xi1> -> vector<16xi32>
      %sub3A_447 = arith.subi %masked_cumsum3A_446, %get3A_443 : vector<16xi32>
      %add3A_448 = vector.broadcast %add3A_441 : i32 to vector<16xi32>
      %add3A_449 = arith.addi %sub3A_447, %add3A_448 : vector<16xi32>
      %swap3A_450 = arith.constant 432 : index
      %swap3A_451 = tpu.vector_load %arg12[%swap3A_450] {strides = array<i32>} : memref<1536xi32, #tpu.memory_space<vmem>>, vector<16xi32>,
      tpu.vector_store %arg12[%swap3A_450], %add3A_449 {strides = array<i32>} : memref<1536xi32, #tpu.memory_space<vmem>>, vector<16xi32>,
      %reduce_sum3A_452 = arith.constant true
      %reduce_sum3A_453 = vector.broadcast %reduce_sum3A_452 : i1 to vector<16xi1>
      %reduce_sum3A_454 = tpu.scan <sum>, %get3A_443 masked %reduce_sum3A_453 : vector<16xi32>, vector<16xi1> -> vector<16xi32>
      %reduce_sum3A_455 = vector.extract %reduce_sum3A_454[15] : i32 from vector<16xi32>
      %add3A_456 = arith.addi %add3A_441, %reduce_sum3A_455 : i32
      %get3A_457 = arith.constant 448 : index
      %get3A_458 = tpu.vector_load %arg11[%get3A_457] {strides = array<i32>} : memref<1536xi32, #tpu.memory_space<vmem>>, vector<16xi32>,
      %broadcast_in_dim3A_459 = arith.constant true
      %broadcast_in_dim3A_460 = vector.broadcast %broadcast_in_dim3A_459 : i1 to vector<16xi1>
      %masked_cumsum3A_461 = tpu.scan <sum>, %get3A_458 masked %broadcast_in_dim3A_460 : vector<16xi32>, vector<16xi1> -> vector<16xi32>
      %sub3A_462 = arith.subi %masked_cumsum3A_461, %get3A_458 : vector<16xi32>
      %add3A_463 = vector.broadcast %add3A_456 : i32 to vector<16xi32>
      %add3A_464 = arith.addi %sub3A_462, %add3A_463 : vector<16xi32>
      %swap3A_465 = arith.constant 448 : index
      %swap3A_466 = tpu.vector_load %arg12[%swap3A_465] {strides = array<i32>} : memref<1536xi32, #tpu.memory_space<vmem>>, vector<16xi32>,
      tpu.vector_store %arg12[%swap3A_465], %add3A_464 {strides = array<i32>} : memref<1536xi32, #tpu.memory_space<vmem>>, vector<16xi32>,
      %reduce_sum3A_467 = arith.constant true
      %reduce_sum3A_468 = vector.broadcast %reduce_sum3A_467 : i1 to vector<16xi1>
      %reduce_sum3A_469 = tpu.scan <sum>, %get3A_458 masked %reduce_sum3A_468 : vector<16xi32>, vector<16xi1> -> vector<16xi32>
      %reduce_sum3A_470 = vector.extract %reduce_sum3A_469[15] : i32 from vector<16xi32>
      %add3A_471 = arith.addi %add3A_456, %reduce_sum3A_470 : i32
      %get3A_472 = arith.constant 464 : index
      %get3A_473 = tpu.vector_load %arg11[%get3A_472] {strides = array<i32>} : memref<1536xi32, #tpu.memory_space<vmem>>, vector<16xi32>,
      %broadcast_in_dim3A_474 = arith.constant true
      %broadcast_in_dim3A_475 = vector.broadcast %broadcast_in_dim3A_474 : i1 to vector<16xi1>
      %masked_cumsum3A_476 = tpu.scan <sum>, %get3A_473 masked %broadcast_in_dim3A_475 : vector<16xi32>, vector<16xi1> -> vector<16xi32>
      %sub3A_477 = arith.subi %masked_cumsum3A_476, %get3A_473 : vector<16xi32>
      %add3A_478 = vector.broadcast %add3A_471 : i32 to vector<16xi32>
      %add3A_479 = arith.addi %sub3A_477, %add3A_478 : vector<16xi32>
      %swap3A_480 = arith.constant 464 : index
      %swap3A_481 = tpu.vector_load %arg12[%swap3A_480] {strides = array<i32>} : memref<1536xi32, #tpu.memory_space<vmem>>, vector<16xi32>,
      tpu.vector_store %arg12[%swap3A_480], %add3A_479 {strides = array<i32>} : memref<1536xi32, #tpu.memory_space<vmem>>, vector<16xi32>,
      %reduce_sum3A_482 = arith.constant true
      %reduce_sum3A_483 = vector.broadcast %reduce_sum3A_482 : i1 to vector<16xi1>
      %reduce_sum3A_484 = tpu.scan <sum>, %get3A_473 masked %reduce_sum3A_483 : vector<16xi32>, vector<16xi1> -> vector<16xi32>
      %reduce_sum3A_485 = vector.extract %reduce_sum3A_484[15] : i32 from vector<16xi32>
      %add3A_486 = arith.addi %add3A_471, %reduce_sum3A_485 : i32
      %get3A_487 = arith.constant 480 : index
      %get3A_488 = tpu.vector_load %arg11[%get3A_487] {strides = array<i32>} : memref<1536xi32, #tpu.memory_space<vmem>>, vector<16xi32>,
      %broadcast_in_dim3A_489 = arith.constant true
      %broadcast_in_dim3A_490 = vector.broadcast %broadcast_in_dim3A_489 : i1 to vector<16xi1>
      %masked_cumsum3A_491 = tpu.scan <sum>, %get3A_488 masked %broadcast_in_dim3A_490 : vector<16xi32>, vector<16xi1> -> vector<16xi32>
      %sub3A_492 = arith.subi %masked_cumsum3A_491, %get3A_488 : vector<16xi32>
      %add3A_493 = vector.broadcast %add3A_486 : i32 to vector<16xi32>
      %add3A_494 = arith.addi %sub3A_492, %add3A_493 : vector<16xi32>
      %swap3A_495 = arith.constant 480 : index
      %swap3A_496 = tpu.vector_load %arg12[%swap3A_495] {strides = array<i32>} : memref<1536xi32, #tpu.memory_space<vmem>>, vector<16xi32>,
      tpu.vector_store %arg12[%swap3A_495], %add3A_494 {strides = array<i32>} : memref<1536xi32, #tpu.memory_space<vmem>>, vector<16xi32>,
      %reduce_sum3A_497 = arith.constant true
      %reduce_sum3A_498 = vector.broadcast %reduce_sum3A_497 : i1 to vector<16xi1>
      %reduce_sum3A_499 = tpu.scan <sum>, %get3A_488 masked %reduce_sum3A_498 : vector<16xi32>, vector<16xi1> -> vector<16xi32>
      %reduce_sum3A_500 = vector.extract %reduce_sum3A_499[15] : i32 from vector<16xi32>
      %add3A_501 = arith.addi %add3A_486, %reduce_sum3A_500 : i32
      %get3A_502 = arith.constant 496 : index
      %get3A_503 = tpu.vector_load %arg11[%get3A_502] {strides = array<i32>} : memref<1536xi32, #tpu.memory_space<vmem>>, vector<16xi32>,
      %broadcast_in_dim3A_504 = arith.constant true
      %broadcast_in_dim3A_505 = vector.broadcast %broadcast_in_dim3A_504 : i1 to vector<16xi1>
      %masked_cumsum3A_506 = tpu.scan <sum>, %get3A_503 masked %broadcast_in_dim3A_505 : vector<16xi32>, vector<16xi1> -> vector<16xi32>
      %sub3A_507 = arith.subi %masked_cumsum3A_506, %get3A_503 : vector<16xi32>
      %add3A_508 = vector.broadcast %add3A_501 : i32 to vector<16xi32>
      %add3A_509 = arith.addi %sub3A_507, %add3A_508 : vector<16xi32>
      %swap3A_510 = arith.constant 496 : index
      %swap3A_511 = tpu.vector_load %arg12[%swap3A_510] {strides = array<i32>} : memref<1536xi32, #tpu.memory_space<vmem>>, vector<16xi32>,
      tpu.vector_store %arg12[%swap3A_510], %add3A_509 {strides = array<i32>} : memref<1536xi32, #tpu.memory_space<vmem>>, vector<16xi32>,
      %reduce_sum3A_512 = arith.constant true
      %reduce_sum3A_513 = vector.broadcast %reduce_sum3A_512 : i1 to vector<16xi1>
      %reduce_sum3A_514 = tpu.scan <sum>, %get3A_503 masked %reduce_sum3A_513 : vector<16xi32>, vector<16xi1> -> vector<16xi32>
      %reduce_sum3A_515 = vector.extract %reduce_sum3A_514[15] : i32 from vector<16xi32>
      %add3A_516 = arith.addi %add3A_501, %reduce_sum3A_515 : i32
      %get3A_517 = arith.constant 512 : index
      %get3A_518 = tpu.vector_load %arg11[%get3A_517] {strides = array<i32>} : memref<1536xi32, #tpu.memory_space<vmem>>, vector<16xi32>,
      %broadcast_in_dim3A_519 = arith.constant true
      %broadcast_in_dim3A_520 = vector.broadcast %broadcast_in_dim3A_519 : i1 to vector<16xi1>
      %masked_cumsum3A_521 = tpu.scan <sum>, %get3A_518 masked %broadcast_in_dim3A_520 : vector<16xi32>, vector<16xi1> -> vector<16xi32>
      %sub3A_522 = arith.subi %masked_cumsum3A_521, %get3A_518 : vector<16xi32>
      %add3A_523 = vector.broadcast %add3A_516 : i32 to vector<16xi32>
      %add3A_524 = arith.addi %sub3A_522, %add3A_523 : vector<16xi32>
      %swap3A_525 = arith.constant 512 : index
      %swap3A_526 = tpu.vector_load %arg12[%swap3A_525] {strides = array<i32>} : memref<1536xi32, #tpu.memory_space<vmem>>, vector<16xi32>,
      tpu.vector_store %arg12[%swap3A_525], %add3A_524 {strides = array<i32>} : memref<1536xi32, #tpu.memory_space<vmem>>, vector<16xi32>,
      %reduce_sum3A_527 = arith.constant true
      %reduce_sum3A_528 = vector.broadcast %reduce_sum3A_527 : i1 to vector<16xi1>
      %reduce_sum3A_529 = tpu.scan <sum>, %get3A_518 masked %reduce_sum3A_528 : vector<16xi32>, vector<16xi1> -> vector<16xi32>
      %reduce_sum3A_530 = vector.extract %reduce_sum3A_529[15] : i32 from vector<16xi32>
      %add3A_531 = arith.addi %add3A_516, %reduce_sum3A_530 : i32
      %get3A_532 = arith.constant 528 : index
      %get3A_533 = tpu.vector_load %arg11[%get3A_532] {strides = array<i32>} : memref<1536xi32, #tpu.memory_space<vmem>>, vector<16xi32>,
      %broadcast_in_dim3A_534 = arith.constant true
      %broadcast_in_dim3A_535 = vector.broadcast %broadcast_in_dim3A_534 : i1 to vector<16xi1>
      %masked_cumsum3A_536 = tpu.scan <sum>, %get3A_533 masked %broadcast_in_dim3A_535 : vector<16xi32>, vector<16xi1> -> vector<16xi32>
      %sub3A_537 = arith.subi %masked_cumsum3A_536, %get3A_533 : vector<16xi32>
      %add3A_538 = vector.broadcast %add3A_531 : i32 to vector<16xi32>
      %add3A_539 = arith.addi %sub3A_537, %add3A_538 : vector<16xi32>
      %swap3A_540 = arith.constant 528 : index
      %swap3A_541 = tpu.vector_load %arg12[%swap3A_540] {strides = array<i32>} : memref<1536xi32, #tpu.memory_space<vmem>>, vector<16xi32>,
      tpu.vector_store %arg12[%swap3A_540], %add3A_539 {strides = array<i32>} : memref<1536xi32, #tpu.memory_space<vmem>>, vector<16xi32>,
      %reduce_sum3A_542 = arith.constant true
      %reduce_sum3A_543 = vector.broadcast %reduce_sum3A_542 : i1 to vector<16xi1>
      %reduce_sum3A_544 = tpu.scan <sum>, %get3A_533 masked %reduce_sum3A_543 : vector<16xi32>, vector<16xi1> -> vector<16xi32>
      %reduce_sum3A_545 = vector.extract %reduce_sum3A_544[15] : i32 from vector<16xi32>
      %add3A_546 = arith.addi %add3A_531, %reduce_sum3A_545 : i32
      %get3A_547 = arith.constant 544 : index
      %get3A_548 = tpu.vector_load %arg11[%get3A_547] {strides = array<i32>} : memref<1536xi32, #tpu.memory_space<vmem>>, vector<16xi32>,
      %broadcast_in_dim3A_549 = arith.constant true
      %broadcast_in_dim3A_550 = vector.broadcast %broadcast_in_dim3A_549 : i1 to vector<16xi1>
      %masked_cumsum3A_551 = tpu.scan <sum>, %get3A_548 masked %broadcast_in_dim3A_550 : vector<16xi32>, vector<16xi1> -> vector<16xi32>
      %sub3A_552 = arith.subi %masked_cumsum3A_551, %get3A_548 : vector<16xi32>
      %add3A_553 = vector.broadcast %add3A_546 : i32 to vector<16xi32>
      %add3A_554 = arith.addi %sub3A_552, %add3A_553 : vector<16xi32>
      %swap3A_555 = arith.constant 544 : index
      %swap3A_556 = tpu.vector_load %arg12[%swap3A_555] {strides = array<i32>} : memref<1536xi32, #tpu.memory_space<vmem>>, vector<16xi32>,
      tpu.vector_store %arg12[%swap3A_555], %add3A_554 {strides = array<i32>} : memref<1536xi32, #tpu.memory_space<vmem>>, vector<16xi32>,
      %reduce_sum3A_557 = arith.constant true
      %reduce_sum3A_558 = vector.broadcast %reduce_sum3A_557 : i1 to vector<16xi1>
      %reduce_sum3A_559 = tpu.scan <sum>, %get3A_548 masked %reduce_sum3A_558 : vector<16xi32>, vector<16xi1> -> vector<16xi32>
      %reduce_sum3A_560 = vector.extract %reduce_sum3A_559[15] : i32 from vector<16xi32>
      %add3A_561 = arith.addi %add3A_546, %reduce_sum3A_560 : i32
      %get3A_562 = arith.constant 560 : index
      %get3A_563 = tpu.vector_load %arg11[%get3A_562] {strides = array<i32>} : memref<1536xi32, #tpu.memory_space<vmem>>, vector<16xi32>,
      %broadcast_in_dim3A_564 = arith.constant true
      %broadcast_in_dim3A_565 = vector.broadcast %broadcast_in_dim3A_564 : i1 to vector<16xi1>
      %masked_cumsum3A_566 = tpu.scan <sum>, %get3A_563 masked %broadcast_in_dim3A_565 : vector<16xi32>, vector<16xi1> -> vector<16xi32>
      %sub3A_567 = arith.subi %masked_cumsum3A_566, %get3A_563 : vector<16xi32>
      %add3A_568 = vector.broadcast %add3A_561 : i32 to vector<16xi32>
      %add3A_569 = arith.addi %sub3A_567, %add3A_568 : vector<16xi32>
      %swap3A_570 = arith.constant 560 : index
      %swap3A_571 = tpu.vector_load %arg12[%swap3A_570] {strides = array<i32>} : memref<1536xi32, #tpu.memory_space<vmem>>, vector<16xi32>,
      tpu.vector_store %arg12[%swap3A_570], %add3A_569 {strides = array<i32>} : memref<1536xi32, #tpu.memory_space<vmem>>, vector<16xi32>,
      %reduce_sum3A_572 = arith.constant true
      %reduce_sum3A_573 = vector.broadcast %reduce_sum3A_572 : i1 to vector<16xi1>
      %reduce_sum3A_574 = tpu.scan <sum>, %get3A_563 masked %reduce_sum3A_573 : vector<16xi32>, vector<16xi1> -> vector<16xi32>
      %reduce_sum3A_575 = vector.extract %reduce_sum3A_574[15] : i32 from vector<16xi32>
      %add3A_576 = arith.addi %add3A_561, %reduce_sum3A_575 : i32
      %get3A_577 = arith.constant 576 : index
      %get3A_578 = tpu.vector_load %arg11[%get3A_577] {strides = array<i32>} : memref<1536xi32, #tpu.memory_space<vmem>>, vector<16xi32>,
      %broadcast_in_dim3A_579 = arith.constant true
      %broadcast_in_dim3A_580 = vector.broadcast %broadcast_in_dim3A_579 : i1 to vector<16xi1>
      %masked_cumsum3A_581 = tpu.scan <sum>, %get3A_578 masked %broadcast_in_dim3A_580 : vector<16xi32>, vector<16xi1> -> vector<16xi32>
      %sub3A_582 = arith.subi %masked_cumsum3A_581, %get3A_578 : vector<16xi32>
      %add3A_583 = vector.broadcast %add3A_576 : i32 to vector<16xi32>
      %add3A_584 = arith.addi %sub3A_582, %add3A_583 : vector<16xi32>
      %swap3A_585 = arith.constant 576 : index
      %swap3A_586 = tpu.vector_load %arg12[%swap3A_585] {strides = array<i32>} : memref<1536xi32, #tpu.memory_space<vmem>>, vector<16xi32>,
      tpu.vector_store %arg12[%swap3A_585], %add3A_584 {strides = array<i32>} : memref<1536xi32, #tpu.memory_space<vmem>>, vector<16xi32>,
      %reduce_sum3A_587 = arith.constant true
      %reduce_sum3A_588 = vector.broadcast %reduce_sum3A_587 : i1 to vector<16xi1>
      %reduce_sum3A_589 = tpu.scan <sum>, %get3A_578 masked %reduce_sum3A_588 : vector<16xi32>, vector<16xi1> -> vector<16xi32>
      %reduce_sum3A_590 = vector.extract %reduce_sum3A_589[15] : i32 from vector<16xi32>
      %add3A_591 = arith.addi %add3A_576, %reduce_sum3A_590 : i32
      %get3A_592 = arith.constant 592 : index
      %get3A_593 = tpu.vector_load %arg11[%get3A_592] {strides = array<i32>} : memref<1536xi32, #tpu.memory_space<vmem>>, vector<16xi32>,
      %broadcast_in_dim3A_594 = arith.constant true
      %broadcast_in_dim3A_595 = vector.broadcast %broadcast_in_dim3A_594 : i1 to vector<16xi1>
      %masked_cumsum3A_596 = tpu.scan <sum>, %get3A_593 masked %broadcast_in_dim3A_595 : vector<16xi32>, vector<16xi1> -> vector<16xi32>
      %sub3A_597 = arith.subi %masked_cumsum3A_596, %get3A_593 : vector<16xi32>
      %add3A_598 = vector.broadcast %add3A_591 : i32 to vector<16xi32>
      %add3A_599 = arith.addi %sub3A_597, %add3A_598 : vector<16xi32>
      %swap3A_600 = arith.constant 592 : index
      %swap3A_601 = tpu.vector_load %arg12[%swap3A_600] {strides = array<i32>} : memref<1536xi32, #tpu.memory_space<vmem>>, vector<16xi32>,
      tpu.vector_store %arg12[%swap3A_600], %add3A_599 {strides = array<i32>} : memref<1536xi32, #tpu.memory_space<vmem>>, vector<16xi32>,
      %reduce_sum3A_602 = arith.constant true
      %reduce_sum3A_603 = vector.broadcast %reduce_sum3A_602 : i1 to vector<16xi1>
      %reduce_sum3A_604 = tpu.scan <sum>, %get3A_593 masked %reduce_sum3A_603 : vector<16xi32>, vector<16xi1> -> vector<16xi32>
      %reduce_sum3A_605 = vector.extract %reduce_sum3A_604[15] : i32 from vector<16xi32>
      %add3A_606 = arith.addi %add3A_591, %reduce_sum3A_605 : i32
      %get3A_607 = arith.constant 608 : index
      %get3A_608 = tpu.vector_load %arg11[%get3A_607] {strides = array<i32>} : memref<1536xi32, #tpu.memory_space<vmem>>, vector<16xi32>,
      %broadcast_in_dim3A_609 = arith.constant true
      %broadcast_in_dim3A_610 = vector.broadcast %broadcast_in_dim3A_609 : i1 to vector<16xi1>
      %masked_cumsum3A_611 = tpu.scan <sum>, %get3A_608 masked %broadcast_in_dim3A_610 : vector<16xi32>, vector<16xi1> -> vector<16xi32>
      %sub3A_612 = arith.subi %masked_cumsum3A_611, %get3A_608 : vector<16xi32>
      %add3A_613 = vector.broadcast %add3A_606 : i32 to vector<16xi32>
      %add3A_614 = arith.addi %sub3A_612, %add3A_613 : vector<16xi32>
      %swap3A_615 = arith.constant 608 : index
      %swap3A_616 = tpu.vector_load %arg12[%swap3A_615] {strides = array<i32>} : memref<1536xi32, #tpu.memory_space<vmem>>, vector<16xi32>,
      tpu.vector_store %arg12[%swap3A_615], %add3A_614 {strides = array<i32>} : memref<1536xi32, #tpu.memory_space<vmem>>, vector<16xi32>,
      %reduce_sum3A_617 = arith.constant true
      %reduce_sum3A_618 = vector.broadcast %reduce_sum3A_617 : i1 to vector<16xi1>
      %reduce_sum3A_619 = tpu.scan <sum>, %get3A_608 masked %reduce_sum3A_618 : vector<16xi32>, vector<16xi1> -> vector<16xi32>
      %reduce_sum3A_620 = vector.extract %reduce_sum3A_619[15] : i32 from vector<16xi32>
      %add3A_621 = arith.addi %add3A_606, %reduce_sum3A_620 : i32
      %get3A_622 = arith.constant 624 : index
      %get3A_623 = tpu.vector_load %arg11[%get3A_622] {strides = array<i32>} : memref<1536xi32, #tpu.memory_space<vmem>>, vector<16xi32>,
      %broadcast_in_dim3A_624 = arith.constant true
      %broadcast_in_dim3A_625 = vector.broadcast %broadcast_in_dim3A_624 : i1 to vector<16xi1>
      %masked_cumsum3A_626 = tpu.scan <sum>, %get3A_623 masked %broadcast_in_dim3A_625 : vector<16xi32>, vector<16xi1> -> vector<16xi32>
      %sub3A_627 = arith.subi %masked_cumsum3A_626, %get3A_623 : vector<16xi32>
      %add3A_628 = vector.broadcast %add3A_621 : i32 to vector<16xi32>
      %add3A_629 = arith.addi %sub3A_627, %add3A_628 : vector<16xi32>
      %swap3A_630 = arith.constant 624 : index
      %swap3A_631 = tpu.vector_load %arg12[%swap3A_630] {strides = array<i32>} : memref<1536xi32, #tpu.memory_space<vmem>>, vector<16xi32>,
      tpu.vector_store %arg12[%swap3A_630], %add3A_629 {strides = array<i32>} : memref<1536xi32, #tpu.memory_space<vmem>>, vector<16xi32>,
      %reduce_sum3A_632 = arith.constant true
      %reduce_sum3A_633 = vector.broadcast %reduce_sum3A_632 : i1 to vector<16xi1>
      %reduce_sum3A_634 = tpu.scan <sum>, %get3A_623 masked %reduce_sum3A_633 : vector<16xi32>, vector<16xi1> -> vector<16xi32>
      %reduce_sum3A_635 = vector.extract %reduce_sum3A_634[15] : i32 from vector<16xi32>
      %add3A_636 = arith.addi %add3A_621, %reduce_sum3A_635 : i32
      %get3A_637 = arith.constant 640 : index
      %get3A_638 = tpu.vector_load %arg11[%get3A_637] {strides = array<i32>} : memref<1536xi32, #tpu.memory_space<vmem>>, vector<16xi32>,
      %broadcast_in_dim3A_639 = arith.constant true
      %broadcast_in_dim3A_640 = vector.broadcast %broadcast_in_dim3A_639 : i1 to vector<16xi1>
      %masked_cumsum3A_641 = tpu.scan <sum>, %get3A_638 masked %broadcast_in_dim3A_640 : vector<16xi32>, vector<16xi1> -> vector<16xi32>
      %sub3A_642 = arith.subi %masked_cumsum3A_641, %get3A_638 : vector<16xi32>
      %add3A_643 = vector.broadcast %add3A_636 : i32 to vector<16xi32>
      %add3A_644 = arith.addi %sub3A_642, %add3A_643 : vector<16xi32>
      %swap3A_645 = arith.constant 640 : index
      %swap3A_646 = tpu.vector_load %arg12[%swap3A_645] {strides = array<i32>} : memref<1536xi32, #tpu.memory_space<vmem>>, vector<16xi32>,
      tpu.vector_store %arg12[%swap3A_645], %add3A_644 {strides = array<i32>} : memref<1536xi32, #tpu.memory_space<vmem>>, vector<16xi32>,
      %reduce_sum3A_647 = arith.constant true
      %reduce_sum3A_648 = vector.broadcast %reduce_sum3A_647 : i1 to vector<16xi1>
      %reduce_sum3A_649 = tpu.scan <sum>, %get3A_638 masked %reduce_sum3A_648 : vector<16xi32>, vector<16xi1> -> vector<16xi32>
      %reduce_sum3A_650 = vector.extract %reduce_sum3A_649[15] : i32 from vector<16xi32>
      %add3A_651 = arith.addi %add3A_636, %reduce_sum3A_650 : i32
      %get3A_652 = arith.constant 656 : index
      %get3A_653 = tpu.vector_load %arg11[%get3A_652] {strides = array<i32>} : memref<1536xi32, #tpu.memory_space<vmem>>, vector<16xi32>,
      %broadcast_in_dim3A_654 = arith.constant true
      %broadcast_in_dim3A_655 = vector.broadcast %broadcast_in_dim3A_654 : i1 to vector<16xi1>
      %masked_cumsum3A_656 = tpu.scan <sum>, %get3A_653 masked %broadcast_in_dim3A_655 : vector<16xi32>, vector<16xi1> -> vector<16xi32>
      %sub3A_657 = arith.subi %masked_cumsum3A_656, %get3A_653 : vector<16xi32>
      %add3A_658 = vector.broadcast %add3A_651 : i32 to vector<16xi32>
      %add3A_659 = arith.addi %sub3A_657, %add3A_658 : vector<16xi32>
      %swap3A_660 = arith.constant 656 : index
      %swap3A_661 = tpu.vector_load %arg12[%swap3A_660] {strides = array<i32>} : memref<1536xi32, #tpu.memory_space<vmem>>, vector<16xi32>,
      tpu.vector_store %arg12[%swap3A_660], %add3A_659 {strides = array<i32>} : memref<1536xi32, #tpu.memory_space<vmem>>, vector<16xi32>,
      %reduce_sum3A_662 = arith.constant true
      %reduce_sum3A_663 = vector.broadcast %reduce_sum3A_662 : i1 to vector<16xi1>
      %reduce_sum3A_664 = tpu.scan <sum>, %get3A_653 masked %reduce_sum3A_663 : vector<16xi32>, vector<16xi1> -> vector<16xi32>
      %reduce_sum3A_665 = vector.extract %reduce_sum3A_664[15] : i32 from vector<16xi32>
      %add3A_666 = arith.addi %add3A_651, %reduce_sum3A_665 : i32
      %get3A_667 = arith.constant 672 : index
      %get3A_668 = tpu.vector_load %arg11[%get3A_667] {strides = array<i32>} : memref<1536xi32, #tpu.memory_space<vmem>>, vector<16xi32>,
      %broadcast_in_dim3A_669 = arith.constant true
      %broadcast_in_dim3A_670 = vector.broadcast %broadcast_in_dim3A_669 : i1 to vector<16xi1>
      %masked_cumsum3A_671 = tpu.scan <sum>, %get3A_668 masked %broadcast_in_dim3A_670 : vector<16xi32>, vector<16xi1> -> vector<16xi32>
      %sub3A_672 = arith.subi %masked_cumsum3A_671, %get3A_668 : vector<16xi32>
      %add3A_673 = vector.broadcast %add3A_666 : i32 to vector<16xi32>
      %add3A_674 = arith.addi %sub3A_672, %add3A_673 : vector<16xi32>
      %swap3A_675 = arith.constant 672 : index
      %swap3A_676 = tpu.vector_load %arg12[%swap3A_675] {strides = array<i32>} : memref<1536xi32, #tpu.memory_space<vmem>>, vector<16xi32>,
      tpu.vector_store %arg12[%swap3A_675], %add3A_674 {strides = array<i32>} : memref<1536xi32, #tpu.memory_space<vmem>>, vector<16xi32>,
      %reduce_sum3A_677 = arith.constant true
      %reduce_sum3A_678 = vector.broadcast %reduce_sum3A_677 : i1 to vector<16xi1>
      %reduce_sum3A_679 = tpu.scan <sum>, %get3A_668 masked %reduce_sum3A_678 : vector<16xi32>, vector<16xi1> -> vector<16xi32>
      %reduce_sum3A_680 = vector.extract %reduce_sum3A_679[15] : i32 from vector<16xi32>
      %add3A_681 = arith.addi %add3A_666, %reduce_sum3A_680 : i32
      %get3A_682 = arith.constant 688 : index
      %get3A_683 = tpu.vector_load %arg11[%get3A_682] {strides = array<i32>} : memref<1536xi32, #tpu.memory_space<vmem>>, vector<16xi32>,
      %broadcast_in_dim3A_684 = arith.constant true
      %broadcast_in_dim3A_685 = vector.broadcast %broadcast_in_dim3A_684 : i1 to vector<16xi1>
      %masked_cumsum3A_686 = tpu.scan <sum>, %get3A_683 masked %broadcast_in_dim3A_685 : vector<16xi32>, vector<16xi1> -> vector<16xi32>
      %sub3A_687 = arith.subi %masked_cumsum3A_686, %get3A_683 : vector<16xi32>
      %add3A_688 = vector.broadcast %add3A_681 : i32 to vector<16xi32>
      %add3A_689 = arith.addi %sub3A_687, %add3A_688 : vector<16xi32>
      %swap3A_690 = arith.constant 688 : index
      %swap3A_691 = tpu.vector_load %arg12[%swap3A_690] {strides = array<i32>} : memref<1536xi32, #tpu.memory_space<vmem>>, vector<16xi32>,
      tpu.vector_store %arg12[%swap3A_690], %add3A_689 {strides = array<i32>} : memref<1536xi32, #tpu.memory_space<vmem>>, vector<16xi32>,
      %reduce_sum3A_692 = arith.constant true
      %reduce_sum3A_693 = vector.broadcast %reduce_sum3A_692 : i1 to vector<16xi1>
      %reduce_sum3A_694 = tpu.scan <sum>, %get3A_683 masked %reduce_sum3A_693 : vector<16xi32>, vector<16xi1> -> vector<16xi32>
      %reduce_sum3A_695 = vector.extract %reduce_sum3A_694[15] : i32 from vector<16xi32>
      %add3A_696 = arith.addi %add3A_681, %reduce_sum3A_695 : i32
      %get3A_697 = arith.constant 704 : index
      %get3A_698 = tpu.vector_load %arg11[%get3A_697] {strides = array<i32>} : memref<1536xi32, #tpu.memory_space<vmem>>, vector<16xi32>,
      %broadcast_in_dim3A_699 = arith.constant true
      %broadcast_in_dim3A_700 = vector.broadcast %broadcast_in_dim3A_699 : i1 to vector<16xi1>
      %masked_cumsum3A_701 = tpu.scan <sum>, %get3A_698 masked %broadcast_in_dim3A_700 : vector<16xi32>, vector<16xi1> -> vector<16xi32>
      %sub3A_702 = arith.subi %masked_cumsum3A_701, %get3A_698 : vector<16xi32>
      %add3A_703 = vector.broadcast %add3A_696 : i32 to vector<16xi32>
      %add3A_704 = arith.addi %sub3A_702, %add3A_703 : vector<16xi32>
      %swap3A_705 = arith.constant 704 : index
      %swap3A_706 = tpu.vector_load %arg12[%swap3A_705] {strides = array<i32>} : memref<1536xi32, #tpu.memory_space<vmem>>, vector<16xi32>,
      tpu.vector_store %arg12[%swap3A_705], %add3A_704 {strides = array<i32>} : memref<1536xi32, #tpu.memory_space<vmem>>, vector<16xi32>,
      %reduce_sum3A_707 = arith.constant true
      %reduce_sum3A_708 = vector.broadcast %reduce_sum3A_707 : i1 to vector<16xi1>
      %reduce_sum3A_709 = tpu.scan <sum>, %get3A_698 masked %reduce_sum3A_708 : vector<16xi32>, vector<16xi1> -> vector<16xi32>
      %reduce_sum3A_710 = vector.extract %reduce_sum3A_709[15] : i32 from vector<16xi32>
      %add3A_711 = arith.addi %add3A_696, %reduce_sum3A_710 : i32
      %get3A_712 = arith.constant 720 : index
      %get3A_713 = tpu.vector_load %arg11[%get3A_712] {strides = array<i32>} : memref<1536xi32, #tpu.memory_space<vmem>>, vector<16xi32>,
      %broadcast_in_dim3A_714 = arith.constant true
      %broadcast_in_dim3A_715 = vector.broadcast %broadcast_in_dim3A_714 : i1 to vector<16xi1>
      %masked_cumsum3A_716 = tpu.scan <sum>, %get3A_713 masked %broadcast_in_dim3A_715 : vector<16xi32>, vector<16xi1> -> vector<16xi32>
      %sub3A_717 = arith.subi %masked_cumsum3A_716, %get3A_713 : vector<16xi32>
      %add3A_718 = vector.broadcast %add3A_711 : i32 to vector<16xi32>
      %add3A_719 = arith.addi %sub3A_717, %add3A_718 : vector<16xi32>
      %swap3A_720 = arith.constant 720 : index
      %swap3A_721 = tpu.vector_load %arg12[%swap3A_720] {strides = array<i32>} : memref<1536xi32, #tpu.memory_space<vmem>>, vector<16xi32>,
      tpu.vector_store %arg12[%swap3A_720], %add3A_719 {strides = array<i32>} : memref<1536xi32, #tpu.memory_space<vmem>>, vector<16xi32>,
      %reduce_sum3A_722 = arith.constant true
      %reduce_sum3A_723 = vector.broadcast %reduce_sum3A_722 : i1 to vector<16xi1>
      %reduce_sum3A_724 = tpu.scan <sum>, %get3A_713 masked %reduce_sum3A_723 : vector<16xi32>, vector<16xi1> -> vector<16xi32>
      %reduce_sum3A_725 = vector.extract %reduce_sum3A_724[15] : i32 from vector<16xi32>
      %add3A_726 = arith.addi %add3A_711, %reduce_sum3A_725 : i32
      %get3A_727 = arith.constant 736 : index
      %get3A_728 = tpu.vector_load %arg11[%get3A_727] {strides = array<i32>} : memref<1536xi32, #tpu.memory_space<vmem>>, vector<16xi32>,
      %broadcast_in_dim3A_729 = arith.constant true
      %broadcast_in_dim3A_730 = vector.broadcast %broadcast_in_dim3A_729 : i1 to vector<16xi1>
      %masked_cumsum3A_731 = tpu.scan <sum>, %get3A_728 masked %broadcast_in_dim3A_730 : vector<16xi32>, vector<16xi1> -> vector<16xi32>
      %sub3A_732 = arith.subi %masked_cumsum3A_731, %get3A_728 : vector<16xi32>
      %add3A_733 = vector.broadcast %add3A_726 : i32 to vector<16xi32>
      %add3A_734 = arith.addi %sub3A_732, %add3A_733 : vector<16xi32>
      %swap3A_735 = arith.constant 736 : index
      %swap3A_736 = tpu.vector_load %arg12[%swap3A_735] {strides = array<i32>} : memref<1536xi32, #tpu.memory_space<vmem>>, vector<16xi32>,
      tpu.vector_store %arg12[%swap3A_735], %add3A_734 {strides = array<i32>} : memref<1536xi32, #tpu.memory_space<vmem>>, vector<16xi32>,
      %reduce_sum3A_737 = arith.constant true
      %reduce_sum3A_738 = vector.broadcast %reduce_sum3A_737 : i1 to vector<16xi1>
      %reduce_sum3A_739 = tpu.scan <sum>, %get3A_728 masked %reduce_sum3A_738 : vector<16xi32>, vector<16xi1> -> vector<16xi32>
      %reduce_sum3A_740 = vector.extract %reduce_sum3A_739[15] : i32 from vector<16xi32>
      %add3A_741 = arith.addi %add3A_726, %reduce_sum3A_740 : i32
      %get3A_742 = arith.constant 752 : index
      %get3A_743 = tpu.vector_load %arg11[%get3A_742] {strides = array<i32>} : memref<1536xi32, #tpu.memory_space<vmem>>, vector<16xi32>,
      %broadcast_in_dim3A_744 = arith.constant true
      %broadcast_in_dim3A_745 = vector.broadcast %broadcast_in_dim3A_744 : i1 to vector<16xi1>
      %masked_cumsum3A_746 = tpu.scan <sum>, %get3A_743 masked %broadcast_in_dim3A_745 : vector<16xi32>, vector<16xi1> -> vector<16xi32>
      %sub3A_747 = arith.subi %masked_cumsum3A_746, %get3A_743 : vector<16xi32>
      %add3A_748 = vector.broadcast %add3A_741 : i32 to vector<16xi32>
      %add3A_749 = arith.addi %sub3A_747, %add3A_748 : vector<16xi32>
      %swap3A_750 = arith.constant 752 : index
      %swap3A_751 = tpu.vector_load %arg12[%swap3A_750] {strides = array<i32>} : memref<1536xi32, #tpu.memory_space<vmem>>, vector<16xi32>,
      tpu.vector_store %arg12[%swap3A_750], %add3A_749 {strides = array<i32>} : memref<1536xi32, #tpu.memory_space<vmem>>, vector<16xi32>,
      %reduce_sum3A_752 = arith.constant true
      %reduce_sum3A_753 = vector.broadcast %reduce_sum3A_752 : i1 to vector<16xi1>
      %reduce_sum3A_754 = tpu.scan <sum>, %get3A_743 masked %reduce_sum3A_753 : vector<16xi32>, vector<16xi1> -> vector<16xi32>
      %reduce_sum3A_755 = vector.extract %reduce_sum3A_754[15] : i32 from vector<16xi32>
      %add3A_756 = arith.addi %add3A_741, %reduce_sum3A_755 : i32
      %get3A_757 = arith.constant 768 : index
      %get3A_758 = tpu.vector_load %arg11[%get3A_757] {strides = array<i32>} : memref<1536xi32, #tpu.memory_space<vmem>>, vector<16xi32>,
      %broadcast_in_dim3A_759 = arith.constant true
      %broadcast_in_dim3A_760 = vector.broadcast %broadcast_in_dim3A_759 : i1 to vector<16xi1>
      %masked_cumsum3A_761 = tpu.scan <sum>, %get3A_758 masked %broadcast_in_dim3A_760 : vector<16xi32>, vector<16xi1> -> vector<16xi32>
      %sub3A_762 = arith.subi %masked_cumsum3A_761, %get3A_758 : vector<16xi32>
      %add3A_763 = vector.broadcast %add3A_756 : i32 to vector<16xi32>
      %add3A_764 = arith.addi %sub3A_762, %add3A_763 : vector<16xi32>
      %swap3A_765 = arith.constant 768 : index
      %swap3A_766 = tpu.vector_load %arg12[%swap3A_765] {strides = array<i32>} : memref<1536xi32, #tpu.memory_space<vmem>>, vector<16xi32>,
      tpu.vector_store %arg12[%swap3A_765], %add3A_764 {strides = array<i32>} : memref<1536xi32, #tpu.memory_space<vmem>>, vector<16xi32>,
      %reduce_sum3A_767 = arith.constant true
      %reduce_sum3A_768 = vector.broadcast %reduce_sum3A_767 : i1 to vector<16xi1>
      %reduce_sum3A_769 = tpu.scan <sum>, %get3A_758 masked %reduce_sum3A_768 : vector<16xi32>, vector<16xi1> -> vector<16xi32>
      %reduce_sum3A_770 = vector.extract %reduce_sum3A_769[15] : i32 from vector<16xi32>
      %add3A_771 = arith.addi %add3A_756, %reduce_sum3A_770 : i32
      %get3A_772 = arith.constant 784 : index
      %get3A_773 = tpu.vector_load %arg11[%get3A_772] {strides = array<i32>} : memref<1536xi32, #tpu.memory_space<vmem>>, vector<16xi32>,
      %broadcast_in_dim3A_774 = arith.constant true
      %broadcast_in_dim3A_775 = vector.broadcast %broadcast_in_dim3A_774 : i1 to vector<16xi1>
      %masked_cumsum3A_776 = tpu.scan <sum>, %get3A_773 masked %broadcast_in_dim3A_775 : vector<16xi32>, vector<16xi1> -> vector<16xi32>
      %sub3A_777 = arith.subi %masked_cumsum3A_776, %get3A_773 : vector<16xi32>
      %add3A_778 = vector.broadcast %add3A_771 : i32 to vector<16xi32>
      %add3A_779 = arith.addi %sub3A_777, %add3A_778 : vector<16xi32>
      %swap3A_780 = arith.constant 784 : index
      %swap3A_781 = tpu.vector_load %arg12[%swap3A_780] {strides = array<i32>} : memref<1536xi32, #tpu.memory_space<vmem>>, vector<16xi32>,
      tpu.vector_store %arg12[%swap3A_780], %add3A_779 {strides = array<i32>} : memref<1536xi32, #tpu.memory_space<vmem>>, vector<16xi32>,
      %reduce_sum3A_782 = arith.constant true
      %reduce_sum3A_783 = vector.broadcast %reduce_sum3A_782 : i1 to vector<16xi1>
      %reduce_sum3A_784 = tpu.scan <sum>, %get3A_773 masked %reduce_sum3A_783 : vector<16xi32>, vector<16xi1> -> vector<16xi32>
      %reduce_sum3A_785 = vector.extract %reduce_sum3A_784[15] : i32 from vector<16xi32>
      %add3A_786 = arith.addi %add3A_771, %reduce_sum3A_785 : i32
      %get3A_787 = arith.constant 800 : index
      %get3A_788 = tpu.vector_load %arg11[%get3A_787] {strides = array<i32>} : memref<1536xi32, #tpu.memory_space<vmem>>, vector<16xi32>,
      %broadcast_in_dim3A_789 = arith.constant true
      %broadcast_in_dim3A_790 = vector.broadcast %broadcast_in_dim3A_789 : i1 to vector<16xi1>
      %masked_cumsum3A_791 = tpu.scan <sum>, %get3A_788 masked %broadcast_in_dim3A_790 : vector<16xi32>, vector<16xi1> -> vector<16xi32>
      %sub3A_792 = arith.subi %masked_cumsum3A_791, %get3A_788 : vector<16xi32>
      %add3A_793 = vector.broadcast %add3A_786 : i32 to vector<16xi32>
      %add3A_794 = arith.addi %sub3A_792, %add3A_793 : vector<16xi32>
      %swap3A_795 = arith.constant 800 : index
      %swap3A_796 = tpu.vector_load %arg12[%swap3A_795] {strides = array<i32>} : memref<1536xi32, #tpu.memory_space<vmem>>, vector<16xi32>,
      tpu.vector_store %arg12[%swap3A_795], %add3A_794 {strides = array<i32>} : memref<1536xi32, #tpu.memory_space<vmem>>, vector<16xi32>,
      %reduce_sum3A_797 = arith.constant true
      %reduce_sum3A_798 = vector.broadcast %reduce_sum3A_797 : i1 to vector<16xi1>
      %reduce_sum3A_799 = tpu.scan <sum>, %get3A_788 masked %reduce_sum3A_798 : vector<16xi32>, vector<16xi1> -> vector<16xi32>
      %reduce_sum3A_800 = vector.extract %reduce_sum3A_799[15] : i32 from vector<16xi32>
      %add3A_801 = arith.addi %add3A_786, %reduce_sum3A_800 : i32
      %get3A_802 = arith.constant 816 : index
      %get3A_803 = tpu.vector_load %arg11[%get3A_802] {strides = array<i32>} : memref<1536xi32, #tpu.memory_space<vmem>>, vector<16xi32>,
      %broadcast_in_dim3A_804 = arith.constant true
      %broadcast_in_dim3A_805 = vector.broadcast %broadcast_in_dim3A_804 : i1 to vector<16xi1>
      %masked_cumsum3A_806 = tpu.scan <sum>, %get3A_803 masked %broadcast_in_dim3A_805 : vector<16xi32>, vector<16xi1> -> vector<16xi32>
      %sub3A_807 = arith.subi %masked_cumsum3A_806, %get3A_803 : vector<16xi32>
      %add3A_808 = vector.broadcast %add3A_801 : i32 to vector<16xi32>
      %add3A_809 = arith.addi %sub3A_807, %add3A_808 : vector<16xi32>
      %swap3A_810 = arith.constant 816 : index
      %swap3A_811 = tpu.vector_load %arg12[%swap3A_810] {strides = array<i32>} : memref<1536xi32, #tpu.memory_space<vmem>>, vector<16xi32>,
      tpu.vector_store %arg12[%swap3A_810], %add3A_809 {strides = array<i32>} : memref<1536xi32, #tpu.memory_space<vmem>>, vector<16xi32>,
      %reduce_sum3A_812 = arith.constant true
      %reduce_sum3A_813 = vector.broadcast %reduce_sum3A_812 : i1 to vector<16xi1>
      %reduce_sum3A_814 = tpu.scan <sum>, %get3A_803 masked %reduce_sum3A_813 : vector<16xi32>, vector<16xi1> -> vector<16xi32>
      %reduce_sum3A_815 = vector.extract %reduce_sum3A_814[15] : i32 from vector<16xi32>
      %add3A_816 = arith.addi %add3A_801, %reduce_sum3A_815 : i32
      %get3A_817 = arith.constant 832 : index
      %get3A_818 = tpu.vector_load %arg11[%get3A_817] {strides = array<i32>} : memref<1536xi32, #tpu.memory_space<vmem>>, vector<16xi32>,
      %broadcast_in_dim3A_819 = arith.constant true
      %broadcast_in_dim3A_820 = vector.broadcast %broadcast_in_dim3A_819 : i1 to vector<16xi1>
      %masked_cumsum3A_821 = tpu.scan <sum>, %get3A_818 masked %broadcast_in_dim3A_820 : vector<16xi32>, vector<16xi1> -> vector<16xi32>
      %sub3A_822 = arith.subi %masked_cumsum3A_821, %get3A_818 : vector<16xi32>
      %add3A_823 = vector.broadcast %add3A_816 : i32 to vector<16xi32>
      %add3A_824 = arith.addi %sub3A_822, %add3A_823 : vector<16xi32>
      %swap3A_825 = arith.constant 832 : index
      %swap3A_826 = tpu.vector_load %arg12[%swap3A_825] {strides = array<i32>} : memref<1536xi32, #tpu.memory_space<vmem>>, vector<16xi32>,
      tpu.vector_store %arg12[%swap3A_825], %add3A_824 {strides = array<i32>} : memref<1536xi32, #tpu.memory_space<vmem>>, vector<16xi32>,
      %reduce_sum3A_827 = arith.constant true
      %reduce_sum3A_828 = vector.broadcast %reduce_sum3A_827 : i1 to vector<16xi1>
      %reduce_sum3A_829 = tpu.scan <sum>, %get3A_818 masked %reduce_sum3A_828 : vector<16xi32>, vector<16xi1> -> vector<16xi32>
      %reduce_sum3A_830 = vector.extract %reduce_sum3A_829[15] : i32 from vector<16xi32>
      %add3A_831 = arith.addi %add3A_816, %reduce_sum3A_830 : i32
      %get3A_832 = arith.constant 848 : index
      %get3A_833 = tpu.vector_load %arg11[%get3A_832] {strides = array<i32>} : memref<1536xi32, #tpu.memory_space<vmem>>, vector<16xi32>,
      %broadcast_in_dim3A_834 = arith.constant true
      %broadcast_in_dim3A_835 = vector.broadcast %broadcast_in_dim3A_834 : i1 to vector<16xi1>
      %masked_cumsum3A_836 = tpu.scan <sum>, %get3A_833 masked %broadcast_in_dim3A_835 : vector<16xi32>, vector<16xi1> -> vector<16xi32>
      %sub3A_837 = arith.subi %masked_cumsum3A_836, %get3A_833 : vector<16xi32>
      %add3A_838 = vector.broadcast %add3A_831 : i32 to vector<16xi32>
      %add3A_839 = arith.addi %sub3A_837, %add3A_838 : vector<16xi32>
      %swap3A_840 = arith.constant 848 : index
      %swap3A_841 = tpu.vector_load %arg12[%swap3A_840] {strides = array<i32>} : memref<1536xi32, #tpu.memory_space<vmem>>, vector<16xi32>,
      tpu.vector_store %arg12[%swap3A_840], %add3A_839 {strides = array<i32>} : memref<1536xi32, #tpu.memory_space<vmem>>, vector<16xi32>,
      %reduce_sum3A_842 = arith.constant true
      %reduce_sum3A_843 = vector.broadcast %reduce_sum3A_842 : i1 to vector<16xi1>
      %reduce_sum3A_844 = tpu.scan <sum>, %get3A_833 masked %reduce_sum3A_843 : vector<16xi32>, vector<16xi1> -> vector<16xi32>
      %reduce_sum3A_845 = vector.extract %reduce_sum3A_844[15] : i32 from vector<16xi32>
      %add3A_846 = arith.addi %add3A_831, %reduce_sum3A_845 : i32
      %get3A_847 = arith.constant 864 : index
      %get3A_848 = tpu.vector_load %arg11[%get3A_847] {strides = array<i32>} : memref<1536xi32, #tpu.memory_space<vmem>>, vector<16xi32>,
      %broadcast_in_dim3A_849 = arith.constant true
      %broadcast_in_dim3A_850 = vector.broadcast %broadcast_in_dim3A_849 : i1 to vector<16xi1>
      %masked_cumsum3A_851 = tpu.scan <sum>, %get3A_848 masked %broadcast_in_dim3A_850 : vector<16xi32>, vector<16xi1> -> vector<16xi32>
      %sub3A_852 = arith.subi %masked_cumsum3A_851, %get3A_848 : vector<16xi32>
      %add3A_853 = vector.broadcast %add3A_846 : i32 to vector<16xi32>
      %add3A_854 = arith.addi %sub3A_852, %add3A_853 : vector<16xi32>
      %swap3A_855 = arith.constant 864 : index
      %swap3A_856 = tpu.vector_load %arg12[%swap3A_855] {strides = array<i32>} : memref<1536xi32, #tpu.memory_space<vmem>>, vector<16xi32>,
      tpu.vector_store %arg12[%swap3A_855], %add3A_854 {strides = array<i32>} : memref<1536xi32, #tpu.memory_space<vmem>>, vector<16xi32>,
      %reduce_sum3A_857 = arith.constant true
      %reduce_sum3A_858 = vector.broadcast %reduce_sum3A_857 : i1 to vector<16xi1>
      %reduce_sum3A_859 = tpu.scan <sum>, %get3A_848 masked %reduce_sum3A_858 : vector<16xi32>, vector<16xi1> -> vector<16xi32>
      %reduce_sum3A_860 = vector.extract %reduce_sum3A_859[15] : i32 from vector<16xi32>
      %add3A_861 = arith.addi %add3A_846, %reduce_sum3A_860 : i32
      %get3A_862 = arith.constant 880 : index
      %get3A_863 = tpu.vector_load %arg11[%get3A_862] {strides = array<i32>} : memref<1536xi32, #tpu.memory_space<vmem>>, vector<16xi32>,
      %broadcast_in_dim3A_864 = arith.constant true
      %broadcast_in_dim3A_865 = vector.broadcast %broadcast_in_dim3A_864 : i1 to vector<16xi1>
      %masked_cumsum3A_866 = tpu.scan <sum>, %get3A_863 masked %broadcast_in_dim3A_865 : vector<16xi32>, vector<16xi1> -> vector<16xi32>
      %sub3A_867 = arith.subi %masked_cumsum3A_866, %get3A_863 : vector<16xi32>
      %add3A_868 = vector.broadcast %add3A_861 : i32 to vector<16xi32>
      %add3A_869 = arith.addi %sub3A_867, %add3A_868 : vector<16xi32>
      %swap3A_870 = arith.constant 880 : index
      %swap3A_871 = tpu.vector_load %arg12[%swap3A_870] {strides = array<i32>} : memref<1536xi32, #tpu.memory_space<vmem>>, vector<16xi32>,
      tpu.vector_store %arg12[%swap3A_870], %add3A_869 {strides = array<i32>} : memref<1536xi32, #tpu.memory_space<vmem>>, vector<16xi32>,
      %reduce_sum3A_872 = arith.constant true
      %reduce_sum3A_873 = vector.broadcast %reduce_sum3A_872 : i1 to vector<16xi1>
      %reduce_sum3A_874 = tpu.scan <sum>, %get3A_863 masked %reduce_sum3A_873 : vector<16xi32>, vector<16xi1> -> vector<16xi32>
      %reduce_sum3A_875 = vector.extract %reduce_sum3A_874[15] : i32 from vector<16xi32>
      %add3A_876 = arith.addi %add3A_861, %reduce_sum3A_875 : i32
      %get3A_877 = arith.constant 896 : index
      %get3A_878 = tpu.vector_load %arg11[%get3A_877] {strides = array<i32>} : memref<1536xi32, #tpu.memory_space<vmem>>, vector<16xi32>,
      %broadcast_in_dim3A_879 = arith.constant true
      %broadcast_in_dim3A_880 = vector.broadcast %broadcast_in_dim3A_879 : i1 to vector<16xi1>
      %masked_cumsum3A_881 = tpu.scan <sum>, %get3A_878 masked %broadcast_in_dim3A_880 : vector<16xi32>, vector<16xi1> -> vector<16xi32>
      %sub3A_882 = arith.subi %masked_cumsum3A_881, %get3A_878 : vector<16xi32>
      %add3A_883 = vector.broadcast %add3A_876 : i32 to vector<16xi32>
      %add3A_884 = arith.addi %sub3A_882, %add3A_883 : vector<16xi32>
      %swap3A_885 = arith.constant 896 : index
      %swap3A_886 = tpu.vector_load %arg12[%swap3A_885] {strides = array<i32>} : memref<1536xi32, #tpu.memory_space<vmem>>, vector<16xi32>,
      tpu.vector_store %arg12[%swap3A_885], %add3A_884 {strides = array<i32>} : memref<1536xi32, #tpu.memory_space<vmem>>, vector<16xi32>,
      %reduce_sum3A_887 = arith.constant true
      %reduce_sum3A_888 = vector.broadcast %reduce_sum3A_887 : i1 to vector<16xi1>
      %reduce_sum3A_889 = tpu.scan <sum>, %get3A_878 masked %reduce_sum3A_888 : vector<16xi32>, vector<16xi1> -> vector<16xi32>
      %reduce_sum3A_890 = vector.extract %reduce_sum3A_889[15] : i32 from vector<16xi32>
      %add3A_891 = arith.addi %add3A_876, %reduce_sum3A_890 : i32
      %get3A_892 = arith.constant 912 : index
      %get3A_893 = tpu.vector_load %arg11[%get3A_892] {strides = array<i32>} : memref<1536xi32, #tpu.memory_space<vmem>>, vector<16xi32>,
      %broadcast_in_dim3A_894 = arith.constant true
      %broadcast_in_dim3A_895 = vector.broadcast %broadcast_in_dim3A_894 : i1 to vector<16xi1>
      %masked_cumsum3A_896 = tpu.scan <sum>, %get3A_893 masked %broadcast_in_dim3A_895 : vector<16xi32>, vector<16xi1> -> vector<16xi32>
      %sub3A_897 = arith.subi %masked_cumsum3A_896, %get3A_893 : vector<16xi32>
      %add3A_898 = vector.broadcast %add3A_891 : i32 to vector<16xi32>
      %add3A_899 = arith.addi %sub3A_897, %add3A_898 : vector<16xi32>
      %swap3A_900 = arith.constant 912 : index
      %swap3A_901 = tpu.vector_load %arg12[%swap3A_900] {strides = array<i32>} : memref<1536xi32, #tpu.memory_space<vmem>>, vector<16xi32>,
      tpu.vector_store %arg12[%swap3A_900], %add3A_899 {strides = array<i32>} : memref<1536xi32, #tpu.memory_space<vmem>>, vector<16xi32>,
      %reduce_sum3A_902 = arith.constant true
      %reduce_sum3A_903 = vector.broadcast %reduce_sum3A_902 : i1 to vector<16xi1>
      %reduce_sum3A_904 = tpu.scan <sum>, %get3A_893 masked %reduce_sum3A_903 : vector<16xi32>, vector<16xi1> -> vector<16xi32>
      %reduce_sum3A_905 = vector.extract %reduce_sum3A_904[15] : i32 from vector<16xi32>
      %add3A_906 = arith.addi %add3A_891, %reduce_sum3A_905 : i32
      %get3A_907 = arith.constant 928 : index
      %get3A_908 = tpu.vector_load %arg11[%get3A_907] {strides = array<i32>} : memref<1536xi32, #tpu.memory_space<vmem>>, vector<16xi32>,
      %broadcast_in_dim3A_909 = arith.constant true
      %broadcast_in_dim3A_910 = vector.broadcast %broadcast_in_dim3A_909 : i1 to vector<16xi1>
      %masked_cumsum3A_911 = tpu.scan <sum>, %get3A_908 masked %broadcast_in_dim3A_910 : vector<16xi32>, vector<16xi1> -> vector<16xi32>
      %sub3A_912 = arith.subi %masked_cumsum3A_911, %get3A_908 : vector<16xi32>
      %add3A_913 = vector.broadcast %add3A_906 : i32 to vector<16xi32>
      %add3A_914 = arith.addi %sub3A_912, %add3A_913 : vector<16xi32>
      %swap3A_915 = arith.constant 928 : index
      %swap3A_916 = tpu.vector_load %arg12[%swap3A_915] {strides = array<i32>} : memref<1536xi32, #tpu.memory_space<vmem>>, vector<16xi32>,
      tpu.vector_store %arg12[%swap3A_915], %add3A_914 {strides = array<i32>} : memref<1536xi32, #tpu.memory_space<vmem>>, vector<16xi32>,
      %reduce_sum3A_917 = arith.constant true
      %reduce_sum3A_918 = vector.broadcast %reduce_sum3A_917 : i1 to vector<16xi1>
      %reduce_sum3A_919 = tpu.scan <sum>, %get3A_908 masked %reduce_sum3A_918 : vector<16xi32>, vector<16xi1> -> vector<16xi32>
      %reduce_sum3A_920 = vector.extract %reduce_sum3A_919[15] : i32 from vector<16xi32>
      %add3A_921 = arith.addi %add3A_906, %reduce_sum3A_920 : i32
      %get3A_922 = arith.constant 944 : index
      %get3A_923 = tpu.vector_load %arg11[%get3A_922] {strides = array<i32>} : memref<1536xi32, #tpu.memory_space<vmem>>, vector<16xi32>,
      %broadcast_in_dim3A_924 = arith.constant true
      %broadcast_in_dim3A_925 = vector.broadcast %broadcast_in_dim3A_924 : i1 to vector<16xi1>
      %masked_cumsum3A_926 = tpu.scan <sum>, %get3A_923 masked %broadcast_in_dim3A_925 : vector<16xi32>, vector<16xi1> -> vector<16xi32>
      %sub3A_927 = arith.subi %masked_cumsum3A_926, %get3A_923 : vector<16xi32>
      %add3A_928 = vector.broadcast %add3A_921 : i32 to vector<16xi32>
      %add3A_929 = arith.addi %sub3A_927, %add3A_928 : vector<16xi32>
      %swap3A_930 = arith.constant 944 : index
      %swap3A_931 = tpu.vector_load %arg12[%swap3A_930] {strides = array<i32>} : memref<1536xi32, #tpu.memory_space<vmem>>, vector<16xi32>,
      tpu.vector_store %arg12[%swap3A_930], %add3A_929 {strides = array<i32>} : memref<1536xi32, #tpu.memory_space<vmem>>, vector<16xi32>,
      %reduce_sum3A_932 = arith.constant true
      %reduce_sum3A_933 = vector.broadcast %reduce_sum3A_932 : i1 to vector<16xi1>
      %reduce_sum3A_934 = tpu.scan <sum>, %get3A_923 masked %reduce_sum3A_933 : vector<16xi32>, vector<16xi1> -> vector<16xi32>
      %reduce_sum3A_935 = vector.extract %reduce_sum3A_934[15] : i32 from vector<16xi32>
      %add3A_936 = arith.addi %add3A_921, %reduce_sum3A_935 : i32
      %get3A_937 = arith.constant 960 : index
      %get3A_938 = tpu.vector_load %arg11[%get3A_937] {strides = array<i32>} : memref<1536xi32, #tpu.memory_space<vmem>>, vector<16xi32>,
      %broadcast_in_dim3A_939 = arith.constant true
      %broadcast_in_dim3A_940 = vector.broadcast %broadcast_in_dim3A_939 : i1 to vector<16xi1>
      %masked_cumsum3A_941 = tpu.scan <sum>, %get3A_938 masked %broadcast_in_dim3A_940 : vector<16xi32>, vector<16xi1> -> vector<16xi32>
      %sub3A_942 = arith.subi %masked_cumsum3A_941, %get3A_938 : vector<16xi32>
      %add3A_943 = vector.broadcast %add3A_936 : i32 to vector<16xi32>
      %add3A_944 = arith.addi %sub3A_942, %add3A_943 : vector<16xi32>
      %swap3A_945 = arith.constant 960 : index
      %swap3A_946 = tpu.vector_load %arg12[%swap3A_945] {strides = array<i32>} : memref<1536xi32, #tpu.memory_space<vmem>>, vector<16xi32>,
      tpu.vector_store %arg12[%swap3A_945], %add3A_944 {strides = array<i32>} : memref<1536xi32, #tpu.memory_space<vmem>>, vector<16xi32>,
      %reduce_sum3A_947 = arith.constant true
      %reduce_sum3A_948 = vector.broadcast %reduce_sum3A_947 : i1 to vector<16xi1>
      %reduce_sum3A_949 = tpu.scan <sum>, %get3A_938 masked %reduce_sum3A_948 : vector<16xi32>, vector<16xi1> -> vector<16xi32>
      %reduce_sum3A_950 = vector.extract %reduce_sum3A_949[15] : i32 from vector<16xi32>
      %add3A_951 = arith.addi %add3A_936, %reduce_sum3A_950 : i32
      %get3A_952 = arith.constant 976 : index
      %get3A_953 = tpu.vector_load %arg11[%get3A_952] {strides = array<i32>} : memref<1536xi32, #tpu.memory_space<vmem>>, vector<16xi32>,
      %broadcast_in_dim3A_954 = arith.constant true
      %broadcast_in_dim3A_955 = vector.broadcast %broadcast_in_dim3A_954 : i1 to vector<16xi1>
      %masked_cumsum3A_956 = tpu.scan <sum>, %get3A_953 masked %broadcast_in_dim3A_955 : vector<16xi32>, vector<16xi1> -> vector<16xi32>
      %sub3A_957 = arith.subi %masked_cumsum3A_956, %get3A_953 : vector<16xi32>
      %add3A_958 = vector.broadcast %add3A_951 : i32 to vector<16xi32>
      %add3A_959 = arith.addi %sub3A_957, %add3A_958 : vector<16xi32>
      %swap3A_960 = arith.constant 976 : index
      %swap3A_961 = tpu.vector_load %arg12[%swap3A_960] {strides = array<i32>} : memref<1536xi32, #tpu.memory_space<vmem>>, vector<16xi32>,
      tpu.vector_store %arg12[%swap3A_960], %add3A_959 {strides = array<i32>} : memref<1536xi32, #tpu.memory_space<vmem>>, vector<16xi32>,
      %reduce_sum3A_962 = arith.constant true
      %reduce_sum3A_963 = vector.broadcast %reduce_sum3A_962 : i1 to vector<16xi1>
      %reduce_sum3A_964 = tpu.scan <sum>, %get3A_953 masked %reduce_sum3A_963 : vector<16xi32>, vector<16xi1> -> vector<16xi32>
      %reduce_sum3A_965 = vector.extract %reduce_sum3A_964[15] : i32 from vector<16xi32>
      %add3A_966 = arith.addi %add3A_951, %reduce_sum3A_965 : i32
      %get3A_967 = arith.constant 992 : index
      %get3A_968 = tpu.vector_load %arg11[%get3A_967] {strides = array<i32>} : memref<1536xi32, #tpu.memory_space<vmem>>, vector<16xi32>,
      %broadcast_in_dim3A_969 = arith.constant true
      %broadcast_in_dim3A_970 = vector.broadcast %broadcast_in_dim3A_969 : i1 to vector<16xi1>
      %masked_cumsum3A_971 = tpu.scan <sum>, %get3A_968 masked %broadcast_in_dim3A_970 : vector<16xi32>, vector<16xi1> -> vector<16xi32>
      %sub3A_972 = arith.subi %masked_cumsum3A_971, %get3A_968 : vector<16xi32>
      %add3A_973 = vector.broadcast %add3A_966 : i32 to vector<16xi32>
      %add3A_974 = arith.addi %sub3A_972, %add3A_973 : vector<16xi32>
      %swap3A_975 = arith.constant 992 : index
      %swap3A_976 = tpu.vector_load %arg12[%swap3A_975] {strides = array<i32>} : memref<1536xi32, #tpu.memory_space<vmem>>, vector<16xi32>,
      tpu.vector_store %arg12[%swap3A_975], %add3A_974 {strides = array<i32>} : memref<1536xi32, #tpu.memory_space<vmem>>, vector<16xi32>,
      %reduce_sum3A_977 = arith.constant true
      %reduce_sum3A_978 = vector.broadcast %reduce_sum3A_977 : i1 to vector<16xi1>
      %reduce_sum3A_979 = tpu.scan <sum>, %get3A_968 masked %reduce_sum3A_978 : vector<16xi32>, vector<16xi1> -> vector<16xi32>
      %reduce_sum3A_980 = vector.extract %reduce_sum3A_979[15] : i32 from vector<16xi32>
      %add3A_981 = arith.addi %add3A_966, %reduce_sum3A_980 : i32
      %get3A_982 = arith.constant 1008 : index
      %get3A_983 = tpu.vector_load %arg11[%get3A_982] {strides = array<i32>} : memref<1536xi32, #tpu.memory_space<vmem>>, vector<16xi32>,
      %broadcast_in_dim3A_984 = arith.constant true
      %broadcast_in_dim3A_985 = vector.broadcast %broadcast_in_dim3A_984 : i1 to vector<16xi1>
      %masked_cumsum3A_986 = tpu.scan <sum>, %get3A_983 masked %broadcast_in_dim3A_985 : vector<16xi32>, vector<16xi1> -> vector<16xi32>
      %sub3A_987 = arith.subi %masked_cumsum3A_986, %get3A_983 : vector<16xi32>
      %add3A_988 = vector.broadcast %add3A_981 : i32 to vector<16xi32>
      %add3A_989 = arith.addi %sub3A_987, %add3A_988 : vector<16xi32>
      %swap3A_990 = arith.constant 1008 : index
      %swap3A_991 = tpu.vector_load %arg12[%swap3A_990] {strides = array<i32>} : memref<1536xi32, #tpu.memory_space<vmem>>, vector<16xi32>,
      tpu.vector_store %arg12[%swap3A_990], %add3A_989 {strides = array<i32>} : memref<1536xi32, #tpu.memory_space<vmem>>, vector<16xi32>,
      %reduce_sum3A_992 = arith.constant true
      %reduce_sum3A_993 = vector.broadcast %reduce_sum3A_992 : i1 to vector<16xi1>
      %reduce_sum3A_994 = tpu.scan <sum>, %get3A_983 masked %reduce_sum3A_993 : vector<16xi32>, vector<16xi1> -> vector<16xi32>
      %reduce_sum3A_995 = vector.extract %reduce_sum3A_994[15] : i32 from vector<16xi32>
      %add3A_996 = arith.addi %add3A_981, %reduce_sum3A_995 : i32
      %get3A_997 = arith.constant 1024 : index
      %get3A_998 = tpu.vector_load %arg11[%get3A_997] {strides = array<i32>} : memref<1536xi32, #tpu.memory_space<vmem>>, vector<16xi32>,
      %broadcast_in_dim3A_999 = arith.constant true
      %broadcast_in_dim3A_1000 = vector.broadcast %broadcast_in_dim3A_999 : i1 to vector<16xi1>
      %masked_cumsum3A_1001 = tpu.scan <sum>, %get3A_998 masked %broadcast_in_dim3A_1000 : vector<16xi32>, vector<16xi1> -> vector<16xi32>
      %sub3A_1002 = arith.subi %masked_cumsum3A_1001, %get3A_998 : vector<16xi32>
      %add3A_1003 = vector.broadcast %add3A_996 : i32 to vector<16xi32>
      %add3A_1004 = arith.addi %sub3A_1002, %add3A_1003 : vector<16xi32>
      %swap3A_1005 = arith.constant 1024 : index
      %swap3A_1006 = tpu.vector_load %arg12[%swap3A_1005] {strides = array<i32>} : memref<1536xi32, #tpu.memory_space<vmem>>, vector<16xi32>,
      tpu.vector_store %arg12[%swap3A_1005], %add3A_1004 {strides = array<i32>} : memref<1536xi32, #tpu.memory_space<vmem>>, vector<16xi32>,
      %reduce_sum3A_1007 = arith.constant true
      %reduce_sum3A_1008 = vector.broadcast %reduce_sum3A_1007 : i1 to vector<16xi1>
      %reduce_sum3A_1009 = tpu.scan <sum>, %get3A_998 masked %reduce_sum3A_1008 : vector<16xi32>, vector<16xi1> -> vector<16xi32>
      %reduce_sum3A_1010 = vector.extract %reduce_sum3A_1009[15] : i32 from vector<16xi32>
      %add3A_1011 = arith.addi %add3A_996, %reduce_sum3A_1010 : i32
      %get3A_1012 = arith.constant 1040 : index
      %get3A_1013 = tpu.vector_load %arg11[%get3A_1012] {strides = array<i32>} : memref<1536xi32, #tpu.memory_space<vmem>>, vector<16xi32>,
      %broadcast_in_dim3A_1014 = arith.constant true
      %broadcast_in_dim3A_1015 = vector.broadcast %broadcast_in_dim3A_1014 : i1 to vector<16xi1>
      %masked_cumsum3A_1016 = tpu.scan <sum>, %get3A_1013 masked %broadcast_in_dim3A_1015 : vector<16xi32>, vector<16xi1> -> vector<16xi32>
      %sub3A_1017 = arith.subi %masked_cumsum3A_1016, %get3A_1013 : vector<16xi32>
      %add3A_1018 = vector.broadcast %add3A_1011 : i32 to vector<16xi32>
      %add3A_1019 = arith.addi %sub3A_1017, %add3A_1018 : vector<16xi32>
      %swap3A_1020 = arith.constant 1040 : index
      %swap3A_1021 = tpu.vector_load %arg12[%swap3A_1020] {strides = array<i32>} : memref<1536xi32, #tpu.memory_space<vmem>>, vector<16xi32>,
      tpu.vector_store %arg12[%swap3A_1020], %add3A_1019 {strides = array<i32>} : memref<1536xi32, #tpu.memory_space<vmem>>, vector<16xi32>,
      %reduce_sum3A_1022 = arith.constant true
      %reduce_sum3A_1023 = vector.broadcast %reduce_sum3A_1022 : i1 to vector<16xi1>
      %reduce_sum3A_1024 = tpu.scan <sum>, %get3A_1013 masked %reduce_sum3A_1023 : vector<16xi32>, vector<16xi1> -> vector<16xi32>
      %reduce_sum3A_1025 = vector.extract %reduce_sum3A_1024[15] : i32 from vector<16xi32>
      %add3A_1026 = arith.addi %add3A_1011, %reduce_sum3A_1025 : i32
      %get3A_1027 = arith.constant 1056 : index
      %get3A_1028 = tpu.vector_load %arg11[%get3A_1027] {strides = array<i32>} : memref<1536xi32, #tpu.memory_space<vmem>>, vector<16xi32>,
      %broadcast_in_dim3A_1029 = arith.constant true
      %broadcast_in_dim3A_1030 = vector.broadcast %broadcast_in_dim3A_1029 : i1 to vector<16xi1>
      %masked_cumsum3A_1031 = tpu.scan <sum>, %get3A_1028 masked %broadcast_in_dim3A_1030 : vector<16xi32>, vector<16xi1> -> vector<16xi32>
      %sub3A_1032 = arith.subi %masked_cumsum3A_1031, %get3A_1028 : vector<16xi32>
      %add3A_1033 = vector.broadcast %add3A_1026 : i32 to vector<16xi32>
      %add3A_1034 = arith.addi %sub3A_1032, %add3A_1033 : vector<16xi32>
      %swap3A_1035 = arith.constant 1056 : index
      %swap3A_1036 = tpu.vector_load %arg12[%swap3A_1035] {strides = array<i32>} : memref<1536xi32, #tpu.memory_space<vmem>>, vector<16xi32>,
      tpu.vector_store %arg12[%swap3A_1035], %add3A_1034 {strides = array<i32>} : memref<1536xi32, #tpu.memory_space<vmem>>, vector<16xi32>,
      %reduce_sum3A_1037 = arith.constant true
      %reduce_sum3A_1038 = vector.broadcast %reduce_sum3A_1037 : i1 to vector<16xi1>
      %reduce_sum3A_1039 = tpu.scan <sum>, %get3A_1028 masked %reduce_sum3A_1038 : vector<16xi32>, vector<16xi1> -> vector<16xi32>
      %reduce_sum3A_1040 = vector.extract %reduce_sum3A_1039[15] : i32 from vector<16xi32>
      %add3A_1041 = arith.addi %add3A_1026, %reduce_sum3A_1040 : i32
      %get3A_1042 = arith.constant 1072 : index
      %get3A_1043 = tpu.vector_load %arg11[%get3A_1042] {strides = array<i32>} : memref<1536xi32, #tpu.memory_space<vmem>>, vector<16xi32>,
      %broadcast_in_dim3A_1044 = arith.constant true
      %broadcast_in_dim3A_1045 = vector.broadcast %broadcast_in_dim3A_1044 : i1 to vector<16xi1>
      %masked_cumsum3A_1046 = tpu.scan <sum>, %get3A_1043 masked %broadcast_in_dim3A_1045 : vector<16xi32>, vector<16xi1> -> vector<16xi32>
      %sub3A_1047 = arith.subi %masked_cumsum3A_1046, %get3A_1043 : vector<16xi32>
      %add3A_1048 = vector.broadcast %add3A_1041 : i32 to vector<16xi32>
      %add3A_1049 = arith.addi %sub3A_1047, %add3A_1048 : vector<16xi32>
      %swap3A_1050 = arith.constant 1072 : index
      %swap3A_1051 = tpu.vector_load %arg12[%swap3A_1050] {strides = array<i32>} : memref<1536xi32, #tpu.memory_space<vmem>>, vector<16xi32>,
      tpu.vector_store %arg12[%swap3A_1050], %add3A_1049 {strides = array<i32>} : memref<1536xi32, #tpu.memory_space<vmem>>, vector<16xi32>,
      %reduce_sum3A_1052 = arith.constant true
      %reduce_sum3A_1053 = vector.broadcast %reduce_sum3A_1052 : i1 to vector<16xi1>
      %reduce_sum3A_1054 = tpu.scan <sum>, %get3A_1043 masked %reduce_sum3A_1053 : vector<16xi32>, vector<16xi1> -> vector<16xi32>
      %reduce_sum3A_1055 = vector.extract %reduce_sum3A_1054[15] : i32 from vector<16xi32>
      %add3A_1056 = arith.addi %add3A_1041, %reduce_sum3A_1055 : i32
      %get3A_1057 = arith.constant 1088 : index
      %get3A_1058 = tpu.vector_load %arg11[%get3A_1057] {strides = array<i32>} : memref<1536xi32, #tpu.memory_space<vmem>>, vector<16xi32>,
      %broadcast_in_dim3A_1059 = arith.constant true
      %broadcast_in_dim3A_1060 = vector.broadcast %broadcast_in_dim3A_1059 : i1 to vector<16xi1>
      %masked_cumsum3A_1061 = tpu.scan <sum>, %get3A_1058 masked %broadcast_in_dim3A_1060 : vector<16xi32>, vector<16xi1> -> vector<16xi32>
      %sub3A_1062 = arith.subi %masked_cumsum3A_1061, %get3A_1058 : vector<16xi32>
      %add3A_1063 = vector.broadcast %add3A_1056 : i32 to vector<16xi32>
      %add3A_1064 = arith.addi %sub3A_1062, %add3A_1063 : vector<16xi32>
      %swap3A_1065 = arith.constant 1088 : index
      %swap3A_1066 = tpu.vector_load %arg12[%swap3A_1065] {strides = array<i32>} : memref<1536xi32, #tpu.memory_space<vmem>>, vector<16xi32>,
      tpu.vector_store %arg12[%swap3A_1065], %add3A_1064 {strides = array<i32>} : memref<1536xi32, #tpu.memory_space<vmem>>, vector<16xi32>,
      %reduce_sum3A_1067 = arith.constant true
      %reduce_sum3A_1068 = vector.broadcast %reduce_sum3A_1067 : i1 to vector<16xi1>
      %reduce_sum3A_1069 = tpu.scan <sum>, %get3A_1058 masked %reduce_sum3A_1068 : vector<16xi32>, vector<16xi1> -> vector<16xi32>
      %reduce_sum3A_1070 = vector.extract %reduce_sum3A_1069[15] : i32 from vector<16xi32>
      %add3A_1071 = arith.addi %add3A_1056, %reduce_sum3A_1070 : i32
      %get3A_1072 = arith.constant 1104 : index
      %get3A_1073 = tpu.vector_load %arg11[%get3A_1072] {strides = array<i32>} : memref<1536xi32, #tpu.memory_space<vmem>>, vector<16xi32>,
      %broadcast_in_dim3A_1074 = arith.constant true
      %broadcast_in_dim3A_1075 = vector.broadcast %broadcast_in_dim3A_1074 : i1 to vector<16xi1>
      %masked_cumsum3A_1076 = tpu.scan <sum>, %get3A_1073 masked %broadcast_in_dim3A_1075 : vector<16xi32>, vector<16xi1> -> vector<16xi32>
      %sub3A_1077 = arith.subi %masked_cumsum3A_1076, %get3A_1073 : vector<16xi32>
      %add3A_1078 = vector.broadcast %add3A_1071 : i32 to vector<16xi32>
      %add3A_1079 = arith.addi %sub3A_1077, %add3A_1078 : vector<16xi32>
      %swap3A_1080 = arith.constant 1104 : index
      %swap3A_1081 = tpu.vector_load %arg12[%swap3A_1080] {strides = array<i32>} : memref<1536xi32, #tpu.memory_space<vmem>>, vector<16xi32>,
      tpu.vector_store %arg12[%swap3A_1080], %add3A_1079 {strides = array<i32>} : memref<1536xi32, #tpu.memory_space<vmem>>, vector<16xi32>,
      %reduce_sum3A_1082 = arith.constant true
      %reduce_sum3A_1083 = vector.broadcast %reduce_sum3A_1082 : i1 to vector<16xi1>
      %reduce_sum3A_1084 = tpu.scan <sum>, %get3A_1073 masked %reduce_sum3A_1083 : vector<16xi32>, vector<16xi1> -> vector<16xi32>
      %reduce_sum3A_1085 = vector.extract %reduce_sum3A_1084[15] : i32 from vector<16xi32>
      %add3A_1086 = arith.addi %add3A_1071, %reduce_sum3A_1085 : i32
      %get3A_1087 = arith.constant 1120 : index
      %get3A_1088 = tpu.vector_load %arg11[%get3A_1087] {strides = array<i32>} : memref<1536xi32, #tpu.memory_space<vmem>>, vector<16xi32>,
      %broadcast_in_dim3A_1089 = arith.constant true
      %broadcast_in_dim3A_1090 = vector.broadcast %broadcast_in_dim3A_1089 : i1 to vector<16xi1>
      %masked_cumsum3A_1091 = tpu.scan <sum>, %get3A_1088 masked %broadcast_in_dim3A_1090 : vector<16xi32>, vector<16xi1> -> vector<16xi32>
      %sub3A_1092 = arith.subi %masked_cumsum3A_1091, %get3A_1088 : vector<16xi32>
      %add3A_1093 = vector.broadcast %add3A_1086 : i32 to vector<16xi32>
      %add3A_1094 = arith.addi %sub3A_1092, %add3A_1093 : vector<16xi32>
      %swap3A_1095 = arith.constant 1120 : index
      %swap3A_1096 = tpu.vector_load %arg12[%swap3A_1095] {strides = array<i32>} : memref<1536xi32, #tpu.memory_space<vmem>>, vector<16xi32>,
      tpu.vector_store %arg12[%swap3A_1095], %add3A_1094 {strides = array<i32>} : memref<1536xi32, #tpu.memory_space<vmem>>, vector<16xi32>,
      %reduce_sum3A_1097 = arith.constant true
      %reduce_sum3A_1098 = vector.broadcast %reduce_sum3A_1097 : i1 to vector<16xi1>
      %reduce_sum3A_1099 = tpu.scan <sum>, %get3A_1088 masked %reduce_sum3A_1098 : vector<16xi32>, vector<16xi1> -> vector<16xi32>
      %reduce_sum3A_1100 = vector.extract %reduce_sum3A_1099[15] : i32 from vector<16xi32>
      %add3A_1101 = arith.addi %add3A_1086, %reduce_sum3A_1100 : i32
      %get3A_1102 = arith.constant 1136 : index
      %get3A_1103 = tpu.vector_load %arg11[%get3A_1102] {strides = array<i32>} : memref<1536xi32, #tpu.memory_space<vmem>>, vector<16xi32>,
      %broadcast_in_dim3A_1104 = arith.constant true
      %broadcast_in_dim3A_1105 = vector.broadcast %broadcast_in_dim3A_1104 : i1 to vector<16xi1>
      %masked_cumsum3A_1106 = tpu.scan <sum>, %get3A_1103 masked %broadcast_in_dim3A_1105 : vector<16xi32>, vector<16xi1> -> vector<16xi32>
      %sub3A_1107 = arith.subi %masked_cumsum3A_1106, %get3A_1103 : vector<16xi32>
      %add3A_1108 = vector.broadcast %add3A_1101 : i32 to vector<16xi32>
      %add3A_1109 = arith.addi %sub3A_1107, %add3A_1108 : vector<16xi32>
      %swap3A_1110 = arith.constant 1136 : index
      %swap3A_1111 = tpu.vector_load %arg12[%swap3A_1110] {strides = array<i32>} : memref<1536xi32, #tpu.memory_space<vmem>>, vector<16xi32>,
      tpu.vector_store %arg12[%swap3A_1110], %add3A_1109 {strides = array<i32>} : memref<1536xi32, #tpu.memory_space<vmem>>, vector<16xi32>,
      %reduce_sum3A_1112 = arith.constant true
      %reduce_sum3A_1113 = vector.broadcast %reduce_sum3A_1112 : i1 to vector<16xi1>
      %reduce_sum3A_1114 = tpu.scan <sum>, %get3A_1103 masked %reduce_sum3A_1113 : vector<16xi32>, vector<16xi1> -> vector<16xi32>
      %reduce_sum3A_1115 = vector.extract %reduce_sum3A_1114[15] : i32 from vector<16xi32>
      %add3A_1116 = arith.addi %add3A_1101, %reduce_sum3A_1115 : i32
      %get3A_1117 = arith.constant 1152 : index
      %get3A_1118 = tpu.vector_load %arg11[%get3A_1117] {strides = array<i32>} : memref<1536xi32, #tpu.memory_space<vmem>>, vector<16xi32>,
      %broadcast_in_dim3A_1119 = arith.constant true
      %broadcast_in_dim3A_1120 = vector.broadcast %broadcast_in_dim3A_1119 : i1 to vector<16xi1>
      %masked_cumsum3A_1121 = tpu.scan <sum>, %get3A_1118 masked %broadcast_in_dim3A_1120 : vector<16xi32>, vector<16xi1> -> vector<16xi32>
      %sub3A_1122 = arith.subi %masked_cumsum3A_1121, %get3A_1118 : vector<16xi32>
      %add3A_1123 = vector.broadcast %add3A_1116 : i32 to vector<16xi32>
      %add3A_1124 = arith.addi %sub3A_1122, %add3A_1123 : vector<16xi32>
      %swap3A_1125 = arith.constant 1152 : index
      %swap3A_1126 = tpu.vector_load %arg12[%swap3A_1125] {strides = array<i32>} : memref<1536xi32, #tpu.memory_space<vmem>>, vector<16xi32>,
      tpu.vector_store %arg12[%swap3A_1125], %add3A_1124 {strides = array<i32>} : memref<1536xi32, #tpu.memory_space<vmem>>, vector<16xi32>,
      %reduce_sum3A_1127 = arith.constant true
      %reduce_sum3A_1128 = vector.broadcast %reduce_sum3A_1127 : i1 to vector<16xi1>
      %reduce_sum3A_1129 = tpu.scan <sum>, %get3A_1118 masked %reduce_sum3A_1128 : vector<16xi32>, vector<16xi1> -> vector<16xi32>
      %reduce_sum3A_1130 = vector.extract %reduce_sum3A_1129[15] : i32 from vector<16xi32>
      %add3A_1131 = arith.addi %add3A_1116, %reduce_sum3A_1130 : i32
      %get3A_1132 = arith.constant 1168 : index
      %get3A_1133 = tpu.vector_load %arg11[%get3A_1132] {strides = array<i32>} : memref<1536xi32, #tpu.memory_space<vmem>>, vector<16xi32>,
      %broadcast_in_dim3A_1134 = arith.constant true
      %broadcast_in_dim3A_1135 = vector.broadcast %broadcast_in_dim3A_1134 : i1 to vector<16xi1>
      %masked_cumsum3A_1136 = tpu.scan <sum>, %get3A_1133 masked %broadcast_in_dim3A_1135 : vector<16xi32>, vector<16xi1> -> vector<16xi32>
      %sub3A_1137 = arith.subi %masked_cumsum3A_1136, %get3A_1133 : vector<16xi32>
      %add3A_1138 = vector.broadcast %add3A_1131 : i32 to vector<16xi32>
      %add3A_1139 = arith.addi %sub3A_1137, %add3A_1138 : vector<16xi32>
      %swap3A_1140 = arith.constant 1168 : index
      %swap3A_1141 = tpu.vector_load %arg12[%swap3A_1140] {strides = array<i32>} : memref<1536xi32, #tpu.memory_space<vmem>>, vector<16xi32>,
      tpu.vector_store %arg12[%swap3A_1140], %add3A_1139 {strides = array<i32>} : memref<1536xi32, #tpu.memory_space<vmem>>, vector<16xi32>,
      %reduce_sum3A_1142 = arith.constant true
      %reduce_sum3A_1143 = vector.broadcast %reduce_sum3A_1142 : i1 to vector<16xi1>
      %reduce_sum3A_1144 = tpu.scan <sum>, %get3A_1133 masked %reduce_sum3A_1143 : vector<16xi32>, vector<16xi1> -> vector<16xi32>
      %reduce_sum3A_1145 = vector.extract %reduce_sum3A_1144[15] : i32 from vector<16xi32>
      %add3A_1146 = arith.addi %add3A_1131, %reduce_sum3A_1145 : i32
      %get3A_1147 = arith.constant 1184 : index
      %get3A_1148 = tpu.vector_load %arg11[%get3A_1147] {strides = array<i32>} : memref<1536xi32, #tpu.memory_space<vmem>>, vector<16xi32>,
      %broadcast_in_dim3A_1149 = arith.constant true
      %broadcast_in_dim3A_1150 = vector.broadcast %broadcast_in_dim3A_1149 : i1 to vector<16xi1>
      %masked_cumsum3A_1151 = tpu.scan <sum>, %get3A_1148 masked %broadcast_in_dim3A_1150 : vector<16xi32>, vector<16xi1> -> vector<16xi32>
      %sub3A_1152 = arith.subi %masked_cumsum3A_1151, %get3A_1148 : vector<16xi32>
      %add3A_1153 = vector.broadcast %add3A_1146 : i32 to vector<16xi32>
      %add3A_1154 = arith.addi %sub3A_1152, %add3A_1153 : vector<16xi32>
      %swap3A_1155 = arith.constant 1184 : index
      %swap3A_1156 = tpu.vector_load %arg12[%swap3A_1155] {strides = array<i32>} : memref<1536xi32, #tpu.memory_space<vmem>>, vector<16xi32>,
      tpu.vector_store %arg12[%swap3A_1155], %add3A_1154 {strides = array<i32>} : memref<1536xi32, #tpu.memory_space<vmem>>, vector<16xi32>,
      %reduce_sum3A_1157 = arith.constant true
      %reduce_sum3A_1158 = vector.broadcast %reduce_sum3A_1157 : i1 to vector<16xi1>
      %reduce_sum3A_1159 = tpu.scan <sum>, %get3A_1148 masked %reduce_sum3A_1158 : vector<16xi32>, vector<16xi1> -> vector<16xi32>
      %reduce_sum3A_1160 = vector.extract %reduce_sum3A_1159[15] : i32 from vector<16xi32>
      %add3A_1161 = arith.addi %add3A_1146, %reduce_sum3A_1160 : i32
      %get3A_1162 = arith.constant 1200 : index
      %get3A_1163 = tpu.vector_load %arg11[%get3A_1162] {strides = array<i32>} : memref<1536xi32, #tpu.memory_space<vmem>>, vector<16xi32>,
      %broadcast_in_dim3A_1164 = arith.constant true
      %broadcast_in_dim3A_1165 = vector.broadcast %broadcast_in_dim3A_1164 : i1 to vector<16xi1>
      %masked_cumsum3A_1166 = tpu.scan <sum>, %get3A_1163 masked %broadcast_in_dim3A_1165 : vector<16xi32>, vector<16xi1> -> vector<16xi32>
      %sub3A_1167 = arith.subi %masked_cumsum3A_1166, %get3A_1163 : vector<16xi32>
      %add3A_1168 = vector.broadcast %add3A_1161 : i32 to vector<16xi32>
      %add3A_1169 = arith.addi %sub3A_1167, %add3A_1168 : vector<16xi32>
      %swap3A_1170 = arith.constant 1200 : index
      %swap3A_1171 = tpu.vector_load %arg12[%swap3A_1170] {strides = array<i32>} : memref<1536xi32, #tpu.memory_space<vmem>>, vector<16xi32>,
      tpu.vector_store %arg12[%swap3A_1170], %add3A_1169 {strides = array<i32>} : memref<1536xi32, #tpu.memory_space<vmem>>, vector<16xi32>,
      %reduce_sum3A_1172 = arith.constant true
      %reduce_sum3A_1173 = vector.broadcast %reduce_sum3A_1172 : i1 to vector<16xi1>
      %reduce_sum3A_1174 = tpu.scan <sum>, %get3A_1163 masked %reduce_sum3A_1173 : vector<16xi32>, vector<16xi1> -> vector<16xi32>
      %reduce_sum3A_1175 = vector.extract %reduce_sum3A_1174[15] : i32 from vector<16xi32>
      %add3A_1176 = arith.addi %add3A_1161, %reduce_sum3A_1175 : i32
      %get3A_1177 = arith.constant 1216 : index
      %get3A_1178 = tpu.vector_load %arg11[%get3A_1177] {strides = array<i32>} : memref<1536xi32, #tpu.memory_space<vmem>>, vector<16xi32>,
      %broadcast_in_dim3A_1179 = arith.constant true
      %broadcast_in_dim3A_1180 = vector.broadcast %broadcast_in_dim3A_1179 : i1 to vector<16xi1>
      %masked_cumsum3A_1181 = tpu.scan <sum>, %get3A_1178 masked %broadcast_in_dim3A_1180 : vector<16xi32>, vector<16xi1> -> vector<16xi32>
      %sub3A_1182 = arith.subi %masked_cumsum3A_1181, %get3A_1178 : vector<16xi32>
      %add3A_1183 = vector.broadcast %add3A_1176 : i32 to vector<16xi32>
      %add3A_1184 = arith.addi %sub3A_1182, %add3A_1183 : vector<16xi32>
      %swap3A_1185 = arith.constant 1216 : index
      %swap3A_1186 = tpu.vector_load %arg12[%swap3A_1185] {strides = array<i32>} : memref<1536xi32, #tpu.memory_space<vmem>>, vector<16xi32>,
      tpu.vector_store %arg12[%swap3A_1185], %add3A_1184 {strides = array<i32>} : memref<1536xi32, #tpu.memory_space<vmem>>, vector<16xi32>,
      %reduce_sum3A_1187 = arith.constant true
      %reduce_sum3A_1188 = vector.broadcast %reduce_sum3A_1187 : i1 to vector<16xi1>
      %reduce_sum3A_1189 = tpu.scan <sum>, %get3A_1178 masked %reduce_sum3A_1188 : vector<16xi32>, vector<16xi1> -> vector<16xi32>
      %reduce_sum3A_1190 = vector.extract %reduce_sum3A_1189[15] : i32 from vector<16xi32>
      %add3A_1191 = arith.addi %add3A_1176, %reduce_sum3A_1190 : i32
      %get3A_1192 = arith.constant 1232 : index
      %get3A_1193 = tpu.vector_load %arg11[%get3A_1192] {strides = array<i32>} : memref<1536xi32, #tpu.memory_space<vmem>>, vector<16xi32>,
      %broadcast_in_dim3A_1194 = arith.constant true
      %broadcast_in_dim3A_1195 = vector.broadcast %broadcast_in_dim3A_1194 : i1 to vector<16xi1>
      %masked_cumsum3A_1196 = tpu.scan <sum>, %get3A_1193 masked %broadcast_in_dim3A_1195 : vector<16xi32>, vector<16xi1> -> vector<16xi32>
      %sub3A_1197 = arith.subi %masked_cumsum3A_1196, %get3A_1193 : vector<16xi32>
      %add3A_1198 = vector.broadcast %add3A_1191 : i32 to vector<16xi32>
      %add3A_1199 = arith.addi %sub3A_1197, %add3A_1198 : vector<16xi32>
      %swap3A_1200 = arith.constant 1232 : index
      %swap3A_1201 = tpu.vector_load %arg12[%swap3A_1200] {strides = array<i32>} : memref<1536xi32, #tpu.memory_space<vmem>>, vector<16xi32>,
      tpu.vector_store %arg12[%swap3A_1200], %add3A_1199 {strides = array<i32>} : memref<1536xi32, #tpu.memory_space<vmem>>, vector<16xi32>,
      %reduce_sum3A_1202 = arith.constant true
      %reduce_sum3A_1203 = vector.broadcast %reduce_sum3A_1202 : i1 to vector<16xi1>
      %reduce_sum3A_1204 = tpu.scan <sum>, %get3A_1193 masked %reduce_sum3A_1203 : vector<16xi32>, vector<16xi1> -> vector<16xi32>
      %reduce_sum3A_1205 = vector.extract %reduce_sum3A_1204[15] : i32 from vector<16xi32>
      %add3A_1206 = arith.addi %add3A_1191, %reduce_sum3A_1205 : i32
      %get3A_1207 = arith.constant 1248 : index
      %get3A_1208 = tpu.vector_load %arg11[%get3A_1207] {strides = array<i32>} : memref<1536xi32, #tpu.memory_space<vmem>>, vector<16xi32>,
      %broadcast_in_dim3A_1209 = arith.constant true
      %broadcast_in_dim3A_1210 = vector.broadcast %broadcast_in_dim3A_1209 : i1 to vector<16xi1>
      %masked_cumsum3A_1211 = tpu.scan <sum>, %get3A_1208 masked %broadcast_in_dim3A_1210 : vector<16xi32>, vector<16xi1> -> vector<16xi32>
      %sub3A_1212 = arith.subi %masked_cumsum3A_1211, %get3A_1208 : vector<16xi32>
      %add3A_1213 = vector.broadcast %add3A_1206 : i32 to vector<16xi32>
      %add3A_1214 = arith.addi %sub3A_1212, %add3A_1213 : vector<16xi32>
      %swap3A_1215 = arith.constant 1248 : index
      %swap3A_1216 = tpu.vector_load %arg12[%swap3A_1215] {strides = array<i32>} : memref<1536xi32, #tpu.memory_space<vmem>>, vector<16xi32>,
      tpu.vector_store %arg12[%swap3A_1215], %add3A_1214 {strides = array<i32>} : memref<1536xi32, #tpu.memory_space<vmem>>, vector<16xi32>,
      %reduce_sum3A_1217 = arith.constant true
      %reduce_sum3A_1218 = vector.broadcast %reduce_sum3A_1217 : i1 to vector<16xi1>
      %reduce_sum3A_1219 = tpu.scan <sum>, %get3A_1208 masked %reduce_sum3A_1218 : vector<16xi32>, vector<16xi1> -> vector<16xi32>
      %reduce_sum3A_1220 = vector.extract %reduce_sum3A_1219[15] : i32 from vector<16xi32>
      %add3A_1221 = arith.addi %add3A_1206, %reduce_sum3A_1220 : i32
      %get3A_1222 = arith.constant 1264 : index
      %get3A_1223 = tpu.vector_load %arg11[%get3A_1222] {strides = array<i32>} : memref<1536xi32, #tpu.memory_space<vmem>>, vector<16xi32>,
      %broadcast_in_dim3A_1224 = arith.constant true
      %broadcast_in_dim3A_1225 = vector.broadcast %broadcast_in_dim3A_1224 : i1 to vector<16xi1>
      %masked_cumsum3A_1226 = tpu.scan <sum>, %get3A_1223 masked %broadcast_in_dim3A_1225 : vector<16xi32>, vector<16xi1> -> vector<16xi32>
      %sub3A_1227 = arith.subi %masked_cumsum3A_1226, %get3A_1223 : vector<16xi32>
      %add3A_1228 = vector.broadcast %add3A_1221 : i32 to vector<16xi32>
      %add3A_1229 = arith.addi %sub3A_1227, %add3A_1228 : vector<16xi32>
      %swap3A_1230 = arith.constant 1264 : index
      %swap3A_1231 = tpu.vector_load %arg12[%swap3A_1230] {strides = array<i32>} : memref<1536xi32, #tpu.memory_space<vmem>>, vector<16xi32>,
      tpu.vector_store %arg12[%swap3A_1230], %add3A_1229 {strides = array<i32>} : memref<1536xi32, #tpu.memory_space<vmem>>, vector<16xi32>,
      %reduce_sum3A_1232 = arith.constant true
      %reduce_sum3A_1233 = vector.broadcast %reduce_sum3A_1232 : i1 to vector<16xi1>
      %reduce_sum3A_1234 = tpu.scan <sum>, %get3A_1223 masked %reduce_sum3A_1233 : vector<16xi32>, vector<16xi1> -> vector<16xi32>
      %reduce_sum3A_1235 = vector.extract %reduce_sum3A_1234[15] : i32 from vector<16xi32>
      %add3A_1236 = arith.addi %add3A_1221, %reduce_sum3A_1235 : i32
      %get3A_1237 = arith.constant 1280 : index
      %get3A_1238 = tpu.vector_load %arg11[%get3A_1237] {strides = array<i32>} : memref<1536xi32, #tpu.memory_space<vmem>>, vector<16xi32>,
      %broadcast_in_dim3A_1239 = arith.constant true
      %broadcast_in_dim3A_1240 = vector.broadcast %broadcast_in_dim3A_1239 : i1 to vector<16xi1>
      %masked_cumsum3A_1241 = tpu.scan <sum>, %get3A_1238 masked %broadcast_in_dim3A_1240 : vector<16xi32>, vector<16xi1> -> vector<16xi32>
      %sub3A_1242 = arith.subi %masked_cumsum3A_1241, %get3A_1238 : vector<16xi32>
      %add3A_1243 = vector.broadcast %add3A_1236 : i32 to vector<16xi32>
      %add3A_1244 = arith.addi %sub3A_1242, %add3A_1243 : vector<16xi32>
      %swap3A_1245 = arith.constant 1280 : index
      %swap3A_1246 = tpu.vector_load %arg12[%swap3A_1245] {strides = array<i32>} : memref<1536xi32, #tpu.memory_space<vmem>>, vector<16xi32>,
      tpu.vector_store %arg12[%swap3A_1245], %add3A_1244 {strides = array<i32>} : memref<1536xi32, #tpu.memory_space<vmem>>, vector<16xi32>,
      %reduce_sum3A_1247 = arith.constant true
      %reduce_sum3A_1248 = vector.broadcast %reduce_sum3A_1247 : i1 to vector<16xi1>
      %reduce_sum3A_1249 = tpu.scan <sum>, %get3A_1238 masked %reduce_sum3A_1248 : vector<16xi32>, vector<16xi1> -> vector<16xi32>
      %reduce_sum3A_1250 = vector.extract %reduce_sum3A_1249[15] : i32 from vector<16xi32>
      %add3A_1251 = arith.addi %add3A_1236, %reduce_sum3A_1250 : i32
      %get3A_1252 = arith.constant 1296 : index
      %get3A_1253 = tpu.vector_load %arg11[%get3A_1252] {strides = array<i32>} : memref<1536xi32, #tpu.memory_space<vmem>>, vector<16xi32>,
      %broadcast_in_dim3A_1254 = arith.constant true
      %broadcast_in_dim3A_1255 = vector.broadcast %broadcast_in_dim3A_1254 : i1 to vector<16xi1>
      %masked_cumsum3A_1256 = tpu.scan <sum>, %get3A_1253 masked %broadcast_in_dim3A_1255 : vector<16xi32>, vector<16xi1> -> vector<16xi32>
      %sub3A_1257 = arith.subi %masked_cumsum3A_1256, %get3A_1253 : vector<16xi32>
      %add3A_1258 = vector.broadcast %add3A_1251 : i32 to vector<16xi32>
      %add3A_1259 = arith.addi %sub3A_1257, %add3A_1258 : vector<16xi32>
      %swap3A_1260 = arith.constant 1296 : index
      %swap3A_1261 = tpu.vector_load %arg12[%swap3A_1260] {strides = array<i32>} : memref<1536xi32, #tpu.memory_space<vmem>>, vector<16xi32>,
      tpu.vector_store %arg12[%swap3A_1260], %add3A_1259 {strides = array<i32>} : memref<1536xi32, #tpu.memory_space<vmem>>, vector<16xi32>,
      %reduce_sum3A_1262 = arith.constant true
      %reduce_sum3A_1263 = vector.broadcast %reduce_sum3A_1262 : i1 to vector<16xi1>
      %reduce_sum3A_1264 = tpu.scan <sum>, %get3A_1253 masked %reduce_sum3A_1263 : vector<16xi32>, vector<16xi1> -> vector<16xi32>
      %reduce_sum3A_1265 = vector.extract %reduce_sum3A_1264[15] : i32 from vector<16xi32>
      %add3A_1266 = arith.addi %add3A_1251, %reduce_sum3A_1265 : i32
      %get3A_1267 = arith.constant 1312 : index
      %get3A_1268 = tpu.vector_load %arg11[%get3A_1267] {strides = array<i32>} : memref<1536xi32, #tpu.memory_space<vmem>>, vector<16xi32>,
      %broadcast_in_dim3A_1269 = arith.constant true
      %broadcast_in_dim3A_1270 = vector.broadcast %broadcast_in_dim3A_1269 : i1 to vector<16xi1>
      %masked_cumsum3A_1271 = tpu.scan <sum>, %get3A_1268 masked %broadcast_in_dim3A_1270 : vector<16xi32>, vector<16xi1> -> vector<16xi32>
      %sub3A_1272 = arith.subi %masked_cumsum3A_1271, %get3A_1268 : vector<16xi32>
      %add3A_1273 = vector.broadcast %add3A_1266 : i32 to vector<16xi32>
      %add3A_1274 = arith.addi %sub3A_1272, %add3A_1273 : vector<16xi32>
      %swap3A_1275 = arith.constant 1312 : index
      %swap3A_1276 = tpu.vector_load %arg12[%swap3A_1275] {strides = array<i32>} : memref<1536xi32, #tpu.memory_space<vmem>>, vector<16xi32>,
      tpu.vector_store %arg12[%swap3A_1275], %add3A_1274 {strides = array<i32>} : memref<1536xi32, #tpu.memory_space<vmem>>, vector<16xi32>,
      %reduce_sum3A_1277 = arith.constant true
      %reduce_sum3A_1278 = vector.broadcast %reduce_sum3A_1277 : i1 to vector<16xi1>
      %reduce_sum3A_1279 = tpu.scan <sum>, %get3A_1268 masked %reduce_sum3A_1278 : vector<16xi32>, vector<16xi1> -> vector<16xi32>
      %reduce_sum3A_1280 = vector.extract %reduce_sum3A_1279[15] : i32 from vector<16xi32>
      %add3A_1281 = arith.addi %add3A_1266, %reduce_sum3A_1280 : i32
      %get3A_1282 = arith.constant 1328 : index
      %get3A_1283 = tpu.vector_load %arg11[%get3A_1282] {strides = array<i32>} : memref<1536xi32, #tpu.memory_space<vmem>>, vector<16xi32>,
      %broadcast_in_dim3A_1284 = arith.constant true
      %broadcast_in_dim3A_1285 = vector.broadcast %broadcast_in_dim3A_1284 : i1 to vector<16xi1>
      %masked_cumsum3A_1286 = tpu.scan <sum>, %get3A_1283 masked %broadcast_in_dim3A_1285 : vector<16xi32>, vector<16xi1> -> vector<16xi32>
      %sub3A_1287 = arith.subi %masked_cumsum3A_1286, %get3A_1283 : vector<16xi32>
      %add3A_1288 = vector.broadcast %add3A_1281 : i32 to vector<16xi32>
      %add3A_1289 = arith.addi %sub3A_1287, %add3A_1288 : vector<16xi32>
      %swap3A_1290 = arith.constant 1328 : index
      %swap3A_1291 = tpu.vector_load %arg12[%swap3A_1290] {strides = array<i32>} : memref<1536xi32, #tpu.memory_space<vmem>>, vector<16xi32>,
      tpu.vector_store %arg12[%swap3A_1290], %add3A_1289 {strides = array<i32>} : memref<1536xi32, #tpu.memory_space<vmem>>, vector<16xi32>,
      %reduce_sum3A_1292 = arith.constant true
      %reduce_sum3A_1293 = vector.broadcast %reduce_sum3A_1292 : i1 to vector<16xi1>
      %reduce_sum3A_1294 = tpu.scan <sum>, %get3A_1283 masked %reduce_sum3A_1293 : vector<16xi32>, vector<16xi1> -> vector<16xi32>
      %reduce_sum3A_1295 = vector.extract %reduce_sum3A_1294[15] : i32 from vector<16xi32>
      %add3A_1296 = arith.addi %add3A_1281, %reduce_sum3A_1295 : i32
      %broadcast_in_dim3A_1297 = vector.broadcast %add3A_1296 : i32 to vector<16xi32>
      %swap3A_1298 = arith.constant 1344 : index
      %swap3A_1299 = tpu.vector_load %arg12[%swap3A_1298] {strides = array<i32>} : memref<1536xi32, #tpu.memory_space<vmem>>, vector<16xi32>,
      tpu.vector_store %arg12[%swap3A_1298], %broadcast_in_dim3A_1297 {strides = array<i32>} : memref<1536xi32, #tpu.memory_space<vmem>>, vector<16xi32>,
      %mul3A_1300 = arith.constant 32 : i32
      %mul3A_1301 = arith.muli %add3A, %mul3A_1300 : i32
      %add3A_1302 = arith.addi %mul3A_1301, %add3A_17 : i32
      %iota3A = tpu.iota {dimensions = array<i32: 0>} : vector<16xi32>
      %add3A_1303 = arith.constant 0 : i32
      %add3A_1304 = vector.broadcast %add3A_1303 : i32 to vector<16xi32>
      %add3A_1305 = arith.addi %add3A_1304, %iota3A : vector<16xi32>
      %shift_left3A = arith.constant 5 : i32
      %shift_left3A_1306 = vector.broadcast %shift_left3A : i32 to vector<16xi32>
      %shift_left3A_1307 = arith.shli %add3A_1305, %shift_left3A_1306 : vector<16xi32>
      %gather3A = tpu.vector_load_idx %arg12[%shift_left3A_1307] : memref<1536xi32, #tpu.memory_space<vmem>>[vector<16xi32>], vector<16xi32>,
      %add3A_1308 = vector.broadcast %multiple_of3A : i32 to vector<16xi32>
      %add3A_1309 = arith.addi %gather3A, %add3A_1308 : vector<16xi32>
      %swap3A_1310 = arith.constant 0 : index
      %swap3A_1311 = tpu.vector_load %arg13[%swap3A_1310] {strides = array<i32>} : memref<16xi32, #tpu.memory_space<vmem>>, vector<16xi32>,
      tpu.vector_store %arg13[%swap3A_1310], %add3A_1309 {strides = array<i32>} : memref<16xi32, #tpu.memory_space<vmem>>, vector<16xi32>,
      %le3A = arith.constant 42 : i32
      %le3A_1312 = vector.broadcast %le3A : i32 to vector<16xi32>
      %le3A_1313 = arith.cmpi sle, %add3A_1305, %le3A_1312 : vector<16xi32>
      %mul3A_1314 = arith.constant 1024 : i32
      %mul3A_1315 = vector.broadcast %mul3A_1314 : i32 to vector<16xi32>
      %mul3A_1316 = arith.muli %add3A_1305, %mul3A_1315 : vector<16xi32>
      %add3A_1317 = vector.broadcast %add3A_1302 : i32 to vector<16xi32>
      %add3A_1318 = arith.addi %mul3A_1316, %add3A_1317 : vector<16xi32>
      %jit3A = arith.constant 1073741824 : i32
      %broadcast_in_dim3A_1319 = vector.broadcast %jit3A : i32 to vector<16xi32>
      %select_n3A = arith.select %le3A_1313, %add3A_1318, %broadcast_in_dim3A_1319 : vector<16xi1>, vector<16xi32>
      "tpu.region"() ({
        %run_scoped3A = tpu.sem_alloc : memref<!tpu.dma_semaphore, #tpu.memory_space<semaphore_mem>>
        %dma_start3A_1377 = arith.constant 0 : i32
        %dma_start3A_1378 = tpu.memref_slice %arg6[%dma_start3A_1377] : memref<49152xi32, #tpu.memory_space<hbm>> -> memref<49152xi32, #tpu.memory_space<hbm>>
        %dma_start3A_1379 = arith.constant 1073741824 : i32
        tpu.enqueue_indirect_dma source(%arg13 : memref<16xi32, #tpu.memory_space<vmem>>) target(%dma_start3A_1378 : memref<49152xi32, #tpu.memory_space<hbm>>) offsets(%select_n3A : vector<16xi32>) offset_filter(%dma_start3A_1379) semaphore(%run_scoped3A : memref<!tpu.dma_semaphore, #tpu.memory_space<semaphore_mem>>)
        %dma_wait3A_1380 = arith.constant 0 : i32
        %dma_wait3A_1381 = tpu.memref_slice %arg6[%dma_wait3A_1380] : memref<49152xi32, #tpu.memory_space<hbm>> -> memref<49152xi32, #tpu.memory_space<hbm>>
        tpu.wait_indirect_dma semaphore(%run_scoped3A : memref<!tpu.dma_semaphore, #tpu.memory_space<semaphore_mem>>) src(%arg13 : memref<16xi32, #tpu.memory_space<vmem>>) dst(%dma_wait3A_1381 : memref<49152xi32, #tpu.memory_space<hbm>>)
        tpu.yield
      }) : () -> ()
      %iota3A_1320 = tpu.iota {dimensions = array<i32: 0>} : vector<16xi32>
      %add3A_1321 = arith.constant 16 : i32
      %add3A_1322 = vector.broadcast %add3A_1321 : i32 to vector<16xi32>
      %add3A_1323 = arith.addi %add3A_1322, %iota3A_1320 : vector<16xi32>
      %shift_left3A_1324 = arith.constant 5 : i32
      %shift_left3A_1325 = vector.broadcast %shift_left3A_1324 : i32 to vector<16xi32>
      %shift_left3A_1326 = arith.shli %add3A_1323, %shift_left3A_1325 : vector<16xi32>
      %gather3A_1327 = tpu.vector_load_idx %arg12[%shift_left3A_1326] : memref<1536xi32, #tpu.memory_space<vmem>>[vector<16xi32>], vector<16xi32>,
      %add3A_1328 = vector.broadcast %multiple_of3A : i32 to vector<16xi32>
      %add3A_1329 = arith.addi %gather3A_1327, %add3A_1328 : vector<16xi32>
      %swap3A_1330 = arith.constant 0 : index
      %swap3A_1331 = tpu.vector_load %arg13[%swap3A_1330] {strides = array<i32>} : memref<16xi32, #tpu.memory_space<vmem>>, vector<16xi32>,
      tpu.vector_store %arg13[%swap3A_1330], %add3A_1329 {strides = array<i32>} : memref<16xi32, #tpu.memory_space<vmem>>, vector<16xi32>,
      %le3A_1332 = arith.constant 42 : i32
      %le3A_1333 = vector.broadcast %le3A_1332 : i32 to vector<16xi32>
      %le3A_1334 = arith.cmpi sle, %add3A_1323, %le3A_1333 : vector<16xi32>
      %mul3A_1335 = arith.constant 1024 : i32
      %mul3A_1336 = vector.broadcast %mul3A_1335 : i32 to vector<16xi32>
      %mul3A_1337 = arith.muli %add3A_1323, %mul3A_1336 : vector<16xi32>
      %add3A_1338 = vector.broadcast %add3A_1302 : i32 to vector<16xi32>
      %add3A_1339 = arith.addi %mul3A_1337, %add3A_1338 : vector<16xi32>
      %jit3A_1340 = arith.constant 1073741824 : i32
      %broadcast_in_dim3A_1341 = vector.broadcast %jit3A_1340 : i32 to vector<16xi32>
      %select_n3A_1342 = arith.select %le3A_1334, %add3A_1339, %broadcast_in_dim3A_1341 : vector<16xi1>, vector<16xi32>
      "tpu.region"() ({
        %run_scoped3A = tpu.sem_alloc : memref<!tpu.dma_semaphore, #tpu.memory_space<semaphore_mem>>
        %dma_start3A_1377 = arith.constant 0 : i32
        %dma_start3A_1378 = tpu.memref_slice %arg6[%dma_start3A_1377] : memref<49152xi32, #tpu.memory_space<hbm>> -> memref<49152xi32, #tpu.memory_space<hbm>>
        %dma_start3A_1379 = arith.constant 1073741824 : i32
        tpu.enqueue_indirect_dma source(%arg13 : memref<16xi32, #tpu.memory_space<vmem>>) target(%dma_start3A_1378 : memref<49152xi32, #tpu.memory_space<hbm>>) offsets(%select_n3A_1342 : vector<16xi32>) offset_filter(%dma_start3A_1379) semaphore(%run_scoped3A : memref<!tpu.dma_semaphore, #tpu.memory_space<semaphore_mem>>)
        %dma_wait3A_1380 = arith.constant 0 : i32
        %dma_wait3A_1381 = tpu.memref_slice %arg6[%dma_wait3A_1380] : memref<49152xi32, #tpu.memory_space<hbm>> -> memref<49152xi32, #tpu.memory_space<hbm>>
        tpu.wait_indirect_dma semaphore(%run_scoped3A : memref<!tpu.dma_semaphore, #tpu.memory_space<semaphore_mem>>) src(%arg13 : memref<16xi32, #tpu.memory_space<vmem>>) dst(%dma_wait3A_1381 : memref<49152xi32, #tpu.memory_space<hbm>>)
        tpu.yield
      }) : () -> ()
      %iota3A_1343 = tpu.iota {dimensions = array<i32: 0>} : vector<16xi32>
      %add3A_1344 = arith.constant 32 : i32
      %add3A_1345 = vector.broadcast %add3A_1344 : i32 to vector<16xi32>
      %add3A_1346 = arith.addi %add3A_1345, %iota3A_1343 : vector<16xi32>
      %shift_left3A_1347 = arith.constant 5 : i32
      %shift_left3A_1348 = vector.broadcast %shift_left3A_1347 : i32 to vector<16xi32>
      %shift_left3A_1349 = arith.shli %add3A_1346, %shift_left3A_1348 : vector<16xi32>
      %gather3A_1350 = tpu.vector_load_idx %arg12[%shift_left3A_1349] : memref<1536xi32, #tpu.memory_space<vmem>>[vector<16xi32>], vector<16xi32>,
      %add3A_1351 = vector.broadcast %multiple_of3A : i32 to vector<16xi32>
      %add3A_1352 = arith.addi %gather3A_1350, %add3A_1351 : vector<16xi32>
      %swap3A_1353 = arith.constant 0 : index
      %swap3A_1354 = tpu.vector_load %arg13[%swap3A_1353] {strides = array<i32>} : memref<16xi32, #tpu.memory_space<vmem>>, vector<16xi32>,
      tpu.vector_store %arg13[%swap3A_1353], %add3A_1352 {strides = array<i32>} : memref<16xi32, #tpu.memory_space<vmem>>, vector<16xi32>,
      %le3A_1355 = arith.constant 42 : i32
      %le3A_1356 = vector.broadcast %le3A_1355 : i32 to vector<16xi32>
      %le3A_1357 = arith.cmpi sle, %add3A_1346, %le3A_1356 : vector<16xi32>
      %mul3A_1358 = arith.constant 1024 : i32
      %mul3A_1359 = vector.broadcast %mul3A_1358 : i32 to vector<16xi32>
      %mul3A_1360 = arith.muli %add3A_1346, %mul3A_1359 : vector<16xi32>
      %add3A_1361 = vector.broadcast %add3A_1302 : i32 to vector<16xi32>
      %add3A_1362 = arith.addi %mul3A_1360, %add3A_1361 : vector<16xi32>
      %jit3A_1363 = arith.constant 1073741824 : i32
      %broadcast_in_dim3A_1364 = vector.broadcast %jit3A_1363 : i32 to vector<16xi32>
      %select_n3A_1365 = arith.select %le3A_1357, %add3A_1362, %broadcast_in_dim3A_1364 : vector<16xi1>, vector<16xi32>
      "tpu.region"() ({
        %run_scoped3A = tpu.sem_alloc : memref<!tpu.dma_semaphore, #tpu.memory_space<semaphore_mem>>
        %dma_start3A_1377 = arith.constant 0 : i32
        %dma_start3A_1378 = tpu.memref_slice %arg6[%dma_start3A_1377] : memref<49152xi32, #tpu.memory_space<hbm>> -> memref<49152xi32, #tpu.memory_space<hbm>>
        %dma_start3A_1379 = arith.constant 1073741824 : i32
        tpu.enqueue_indirect_dma source(%arg13 : memref<16xi32, #tpu.memory_space<vmem>>) target(%dma_start3A_1378 : memref<49152xi32, #tpu.memory_space<hbm>>) offsets(%select_n3A_1365 : vector<16xi32>) offset_filter(%dma_start3A_1379) semaphore(%run_scoped3A : memref<!tpu.dma_semaphore, #tpu.memory_space<semaphore_mem>>)
        %dma_wait3A_1380 = arith.constant 0 : i32
        %dma_wait3A_1381 = tpu.memref_slice %arg6[%dma_wait3A_1380] : memref<49152xi32, #tpu.memory_space<hbm>> -> memref<49152xi32, #tpu.memory_space<hbm>>
        tpu.wait_indirect_dma semaphore(%run_scoped3A : memref<!tpu.dma_semaphore, #tpu.memory_space<semaphore_mem>>) src(%arg13 : memref<16xi32, #tpu.memory_space<vmem>>) dst(%dma_wait3A_1381 : memref<49152xi32, #tpu.memory_space<hbm>>)
        tpu.yield
      }) : () -> ()
      %gt3A = arith.constant 0 : i32
      %gt3A_1366 = arith.cmpi sgt, %add3A_17, %gt3A : i32
      %convert_element_type3A = arith.extui %gt3A_1366 : i1 to i32
      %cond3A = arith.constant 0 : i32
      %cond3A_1367 = arith.cmpi ne, %convert_element_type3A, %cond3A : i32
      scf.if %cond3A_1367 {
        %dma_wait3A_1377 = arith.constant 0 : i32
        %dma_wait3A_1378 = tpu.memref_slice %arg4[%dma_wait3A_1377] : memref<19268608xi32, #tpu.memory_space<hbm>> -> memref<28672xi32, #tpu.memory_space<hbm>>
        %dma_wait3A_1379 = arith.constant 0 : i32
        %dma_wait3A_1380 = tpu.memref_slice %arg4[%dma_wait3A_1379] : memref<19268608xi32, #tpu.memory_space<hbm>> -> memref<28672xi32, #tpu.memory_space<hbm>>
        tpu.wait_dma2 semaphore(%arg14 : memref<!tpu.dma_semaphore, #tpu.memory_space<semaphore_mem>>) src(%arg9 : memref<28672xi32, #tpu.memory_space<vmem>>) dst(%dma_wait3A_1380 : memref<28672xi32, #tpu.memory_space<hbm>>)
        %dma_wait3A_1381 = arith.constant 0 : i32
        %dma_wait3A_1382 = tpu.memref_slice %arg5[%dma_wait3A_1381] : memref<19268608xf32, #tpu.memory_space<hbm>> -> memref<28672xf32, #tpu.memory_space<hbm>>
        %dma_wait3A_1383 = arith.constant 0 : i32
        %dma_wait3A_1384 = tpu.memref_slice %arg5[%dma_wait3A_1383] : memref<19268608xf32, #tpu.memory_space<hbm>> -> memref<28672xf32, #tpu.memory_space<hbm>>
        tpu.wait_dma2 semaphore(%arg14 : memref<!tpu.dma_semaphore, #tpu.memory_space<semaphore_mem>>) src(%arg10 : memref<28672xf32, #tpu.memory_space<vmem>>) dst(%dma_wait3A_1384 : memref<28672xf32, #tpu.memory_space<hbm>>)
      } else {
      }
      %scan3A_1368 = arith.constant 0 : i32
      %scan3A_1369 = arith.constant 896 : i32
      %scan3A_1370 = arith.addi %scan3A_1368, %scan3A_1369 : i32
      %scan3A_1371 = arith.constant 4 : i32
      scf.for %scan3A_1377 = %scan3A_1368 to %scan3A_1370 step %scan3A_1371  : i32 {
        %mul3A_1378 = arith.constant 1 : i32
        %mul3A_1379 = arith.muli %scan3A_1377, %mul3A_1378 : i32
        %add3A_1380 = arith.constant 0 : i32
        %add3A_1381 = arith.addi %add3A_1380, %mul3A_1379 : i32
        %mul3A_1382 = arith.constant 16 : i32
        %mul3A_1383 = arith.muli %add3A_1381, %mul3A_1382 : i32
        %add3A_1384 = arith.constant 14336 : i32
        %add3A_1385 = arith.addi %add3A_1384, %mul3A_1383 : i32
        %mul3A_1386 = arith.constant 16 : i32
        %mul3A_1387 = arith.muli %add3A_1381, %mul3A_1386 : i32
        %get3A_1388 = arith.index_cast %mul3A_1387 : i32 to index
        %get3A_1389 = tpu.vector_load %arg7[%get3A_1388] {strides = array<i32>} : memref<28672xi32, #tpu.memory_space<vmem>>, vector<16xi32>,
        %get3A_1390 = arith.index_cast %add3A_1385 : i32 to index
        %get3A_1391 = tpu.vector_load %arg7[%get3A_1390] {strides = array<i32>} : memref<28672xi32, #tpu.memory_space<vmem>>, vector<16xi32>,
        %shift_right_logical3A = arith.constant 18 : i32
        %shift_right_logical3A_1392 = vector.broadcast %shift_right_logical3A : i32 to vector<16xi32>
        %shift_right_logical3A_1393 = arith.shrui %get3A_1389, %shift_right_logical3A_1392 : vector<16xi32>
        %mul3A_1394 = arith.constant 9363 : i32
        %mul3A_1395 = vector.broadcast %mul3A_1394 : i32 to vector<16xi32>
        %mul3A_1396 = arith.muli %shift_right_logical3A_1393, %mul3A_1395 : vector<16xi32>
        %shift_right_logical3A_1397 = arith.constant 16 : i32
        %shift_right_logical3A_1398 = vector.broadcast %shift_right_logical3A_1397 : i32 to vector<16xi32>
        %shift_right_logical3A_1399 = arith.shrui %mul3A_1396, %shift_right_logical3A_1398 : vector<16xi32>
        %shift_right_logical3A_1400 = arith.constant 18 : i32
        %shift_right_logical3A_1401 = vector.broadcast %shift_right_logical3A_1400 : i32 to vector<16xi32>
        %shift_right_logical3A_1402 = arith.shrui %get3A_1391, %shift_right_logical3A_1401 : vector<16xi32>
        %mul3A_1403 = arith.constant 9363 : i32
        %mul3A_1404 = vector.broadcast %mul3A_1403 : i32 to vector<16xi32>
        %mul3A_1405 = arith.muli %shift_right_logical3A_1402, %mul3A_1404 : vector<16xi32>
        %shift_right_logical3A_1406 = arith.constant 16 : i32
        %shift_right_logical3A_1407 = vector.broadcast %shift_right_logical3A_1406 : i32 to vector<16xi32>
        %shift_right_logical3A_1408 = arith.shrui %mul3A_1405, %shift_right_logical3A_1407 : vector<16xi32>
        %shift_left3A_1409 = arith.constant 5 : i32
        %shift_left3A_1410 = vector.broadcast %shift_left3A_1409 : i32 to vector<16xi32>
        %shift_left3A_1411 = arith.shli %shift_right_logical3A_1399, %shift_left3A_1410 : vector<16xi32>
        %iota3A_1412 = tpu.iota {dimensions = array<i32: 0>} : vector<16xi32>
        %or3A = arith.ori %shift_left3A_1411, %iota3A_1412 : vector<16xi32>
        %shift_left3A_1413 = arith.constant 5 : i32
        %shift_left3A_1414 = vector.broadcast %shift_left3A_1413 : i32 to vector<16xi32>
        %shift_left3A_1415 = arith.shli %shift_right_logical3A_1408, %shift_left3A_1414 : vector<16xi32>
        %iota3A_1416 = tpu.iota {dimensions = array<i32: 0>} : vector<16xi32>
        %add3A_1417 = arith.constant 16 : i32
        %add3A_1418 = vector.broadcast %add3A_1417 : i32 to vector<16xi32>
        %add3A_1419 = arith.addi %add3A_1418, %iota3A_1416 : vector<16xi32>
        %or3A_1420 = arith.ori %shift_left3A_1415, %add3A_1419 : vector<16xi32>
        %gather3A_1421 = tpu.vector_load_idx %arg12[%or3A] : memref<1536xi32, #tpu.memory_space<vmem>>[vector<16xi32>], vector<16xi32>,
        %gather3A_1422 = tpu.vector_load_idx %arg12[%or3A_1420] : memref<1536xi32, #tpu.memory_space<vmem>>[vector<16xi32>], vector<16xi32>,
        %mul3A_1423 = arith.constant 1835008 : i32
        %mul3A_1424 = vector.broadcast %mul3A_1423 : i32 to vector<16xi32>
        %mul3A_1425 = arith.muli %shift_right_logical3A_1399, %mul3A_1424 : vector<16xi32>
        %sub3A_1426 = arith.subi %get3A_1389, %mul3A_1425 : vector<16xi32>
        tpu.vector_store_idx %arg9[%gather3A_1421], %sub3A_1426 : memref<28672xi32, #tpu.memory_space<vmem>>[vector<16xi32>], vector<16xi32>,
        %mul3A_1427 = arith.constant 1835008 : i32
        %mul3A_1428 = vector.broadcast %mul3A_1427 : i32 to vector<16xi32>
        %mul3A_1429 = arith.muli %shift_right_logical3A_1408, %mul3A_1428 : vector<16xi32>
        %sub3A_1430 = arith.subi %get3A_1391, %mul3A_1429 : vector<16xi32>
        tpu.vector_store_idx %arg9[%gather3A_1422], %sub3A_1430 : memref<28672xi32, #tpu.memory_space<vmem>>[vector<16xi32>], vector<16xi32>,
        %mul3A_1431 = arith.constant 16 : i32
        %mul3A_1432 = arith.muli %add3A_1381, %mul3A_1431 : i32
        %get3A_1433 = arith.index_cast %mul3A_1432 : i32 to index
        %get3A_1434 = tpu.vector_load %arg8[%get3A_1433] {strides = array<i32>} : memref<28672xf32, #tpu.memory_space<vmem>>, vector<16xf32>,
        tpu.vector_store_idx %arg10[%gather3A_1421], %get3A_1434 : memref<28672xf32, #tpu.memory_space<vmem>>[vector<16xi32>], vector<16xf32>,
        %get3A_1435 = arith.index_cast %add3A_1385 : i32 to index
        %get3A_1436 = tpu.vector_load %arg8[%get3A_1435] {strides = array<i32>} : memref<28672xf32, #tpu.memory_space<vmem>>, vector<16xf32>,
        tpu.vector_store_idx %arg10[%gather3A_1422], %get3A_1436 : memref<28672xf32, #tpu.memory_space<vmem>>[vector<16xi32>], vector<16xf32>,
        %add3A_1437 = arith.constant 1 : i32
        %add3A_1438 = vector.broadcast %add3A_1437 : i32 to vector<16xi32>
        %add3A_1439 = arith.addi %gather3A_1421, %add3A_1438 : vector<16xi32>
        tpu.vector_store_idx %arg12[%or3A], %add3A_1439 : memref<1536xi32, #tpu.memory_space<vmem>>[vector<16xi32>], vector<16xi32>,
        %add3A_1440 = arith.constant 1 : i32
        %add3A_1441 = vector.broadcast %add3A_1440 : i32 to vector<16xi32>
        %add3A_1442 = arith.addi %gather3A_1422, %add3A_1441 : vector<16xi32>
        tpu.vector_store_idx %arg12[%or3A_1420], %add3A_1442 : memref<1536xi32, #tpu.memory_space<vmem>>[vector<16xi32>], vector<16xi32>,
        %scan3A_1443 = arith.constant 1 : i32
        %scan3A_1444 = arith.addi %scan3A_1377, %scan3A_1443 : i32
        %mul3A_1445 = arith.constant 1 : i32
        %mul3A_1446 = arith.muli %scan3A_1444, %mul3A_1445 : i32
        %add3A_1447 = arith.constant 0 : i32
        %add3A_1448 = arith.addi %add3A_1447, %mul3A_1446 : i32
        %mul3A_1449 = arith.constant 16 : i32
        %mul3A_1450 = arith.muli %add3A_1448, %mul3A_1449 : i32
        %add3A_1451 = arith.constant 14336 : i32
        %add3A_1452 = arith.addi %add3A_1451, %mul3A_1450 : i32
        %mul3A_1453 = arith.constant 16 : i32
        %mul3A_1454 = arith.muli %add3A_1448, %mul3A_1453 : i32
        %get3A_1455 = arith.index_cast %mul3A_1454 : i32 to index
        %get3A_1456 = tpu.vector_load %arg7[%get3A_1455] {strides = array<i32>} : memref<28672xi32, #tpu.memory_space<vmem>>, vector<16xi32>,
        %get3A_1457 = arith.index_cast %add3A_1452 : i32 to index
        %get3A_1458 = tpu.vector_load %arg7[%get3A_1457] {strides = array<i32>} : memref<28672xi32, #tpu.memory_space<vmem>>, vector<16xi32>,
        %shift_right_logical3A_1459 = arith.constant 18 : i32
        %shift_right_logical3A_1460 = vector.broadcast %shift_right_logical3A_1459 : i32 to vector<16xi32>
        %shift_right_logical3A_1461 = arith.shrui %get3A_1456, %shift_right_logical3A_1460 : vector<16xi32>
        %mul3A_1462 = arith.constant 9363 : i32
        %mul3A_1463 = vector.broadcast %mul3A_1462 : i32 to vector<16xi32>
        %mul3A_1464 = arith.muli %shift_right_logical3A_1461, %mul3A_1463 : vector<16xi32>
        %shift_right_logical3A_1465 = arith.constant 16 : i32
        %shift_right_logical3A_1466 = vector.broadcast %shift_right_logical3A_1465 : i32 to vector<16xi32>
        %shift_right_logical3A_1467 = arith.shrui %mul3A_1464, %shift_right_logical3A_1466 : vector<16xi32>
        %shift_right_logical3A_1468 = arith.constant 18 : i32
        %shift_right_logical3A_1469 = vector.broadcast %shift_right_logical3A_1468 : i32 to vector<16xi32>
        %shift_right_logical3A_1470 = arith.shrui %get3A_1458, %shift_right_logical3A_1469 : vector<16xi32>
        %mul3A_1471 = arith.constant 9363 : i32
        %mul3A_1472 = vector.broadcast %mul3A_1471 : i32 to vector<16xi32>
        %mul3A_1473 = arith.muli %shift_right_logical3A_1470, %mul3A_1472 : vector<16xi32>
        %shift_right_logical3A_1474 = arith.constant 16 : i32
        %shift_right_logical3A_1475 = vector.broadcast %shift_right_logical3A_1474 : i32 to vector<16xi32>
        %shift_right_logical3A_1476 = arith.shrui %mul3A_1473, %shift_right_logical3A_1475 : vector<16xi32>
        %shift_left3A_1477 = arith.constant 5 : i32
        %shift_left3A_1478 = vector.broadcast %shift_left3A_1477 : i32 to vector<16xi32>
        %shift_left3A_1479 = arith.shli %shift_right_logical3A_1467, %shift_left3A_1478 : vector<16xi32>
        %iota3A_1480 = tpu.iota {dimensions = array<i32: 0>} : vector<16xi32>
        %or3A_1481 = arith.ori %shift_left3A_1479, %iota3A_1480 : vector<16xi32>
        %shift_left3A_1482 = arith.constant 5 : i32
        %shift_left3A_1483 = vector.broadcast %shift_left3A_1482 : i32 to vector<16xi32>
        %shift_left3A_1484 = arith.shli %shift_right_logical3A_1476, %shift_left3A_1483 : vector<16xi32>
        %iota3A_1485 = tpu.iota {dimensions = array<i32: 0>} : vector<16xi32>
        %add3A_1486 = arith.constant 16 : i32
        %add3A_1487 = vector.broadcast %add3A_1486 : i32 to vector<16xi32>
        %add3A_1488 = arith.addi %add3A_1487, %iota3A_1485 : vector<16xi32>
        %or3A_1489 = arith.ori %shift_left3A_1484, %add3A_1488 : vector<16xi32>
        %gather3A_1490 = tpu.vector_load_idx %arg12[%or3A_1481] : memref<1536xi32, #tpu.memory_space<vmem>>[vector<16xi32>], vector<16xi32>,
        %gather3A_1491 = tpu.vector_load_idx %arg12[%or3A_1489] : memref<1536xi32, #tpu.memory_space<vmem>>[vector<16xi32>], vector<16xi32>,
        %mul3A_1492 = arith.constant 1835008 : i32
        %mul3A_1493 = vector.broadcast %mul3A_1492 : i32 to vector<16xi32>
        %mul3A_1494 = arith.muli %shift_right_logical3A_1467, %mul3A_1493 : vector<16xi32>
        %sub3A_1495 = arith.subi %get3A_1456, %mul3A_1494 : vector<16xi32>
        tpu.vector_store_idx %arg9[%gather3A_1490], %sub3A_1495 : memref<28672xi32, #tpu.memory_space<vmem>>[vector<16xi32>], vector<16xi32>,
        %mul3A_1496 = arith.constant 1835008 : i32
        %mul3A_1497 = vector.broadcast %mul3A_1496 : i32 to vector<16xi32>
        %mul3A_1498 = arith.muli %shift_right_logical3A_1476, %mul3A_1497 : vector<16xi32>
        %sub3A_1499 = arith.subi %get3A_1458, %mul3A_1498 : vector<16xi32>
        tpu.vector_store_idx %arg9[%gather3A_1491], %sub3A_1499 : memref<28672xi32, #tpu.memory_space<vmem>>[vector<16xi32>], vector<16xi32>,
        %mul3A_1500 = arith.constant 16 : i32
        %mul3A_1501 = arith.muli %add3A_1448, %mul3A_1500 : i32
        %get3A_1502 = arith.index_cast %mul3A_1501 : i32 to index
        %get3A_1503 = tpu.vector_load %arg8[%get3A_1502] {strides = array<i32>} : memref<28672xf32, #tpu.memory_space<vmem>>, vector<16xf32>,
        tpu.vector_store_idx %arg10[%gather3A_1490], %get3A_1503 : memref<28672xf32, #tpu.memory_space<vmem>>[vector<16xi32>], vector<16xf32>,
        %get3A_1504 = arith.index_cast %add3A_1452 : i32 to index
        %get3A_1505 = tpu.vector_load %arg8[%get3A_1504] {strides = array<i32>} : memref<28672xf32, #tpu.memory_space<vmem>>, vector<16xf32>,
        tpu.vector_store_idx %arg10[%gather3A_1491], %get3A_1505 : memref<28672xf32, #tpu.memory_space<vmem>>[vector<16xi32>], vector<16xf32>,
        %add3A_1506 = arith.constant 1 : i32
        %add3A_1507 = vector.broadcast %add3A_1506 : i32 to vector<16xi32>
        %add3A_1508 = arith.addi %gather3A_1490, %add3A_1507 : vector<16xi32>
        tpu.vector_store_idx %arg12[%or3A_1481], %add3A_1508 : memref<1536xi32, #tpu.memory_space<vmem>>[vector<16xi32>], vector<16xi32>,
        %add3A_1509 = arith.constant 1 : i32
        %add3A_1510 = vector.broadcast %add3A_1509 : i32 to vector<16xi32>
        %add3A_1511 = arith.addi %gather3A_1491, %add3A_1510 : vector<16xi32>
        tpu.vector_store_idx %arg12[%or3A_1489], %add3A_1511 : memref<1536xi32, #tpu.memory_space<vmem>>[vector<16xi32>], vector<16xi32>,
        %scan3A_1512 = arith.constant 2 : i32
        %scan3A_1513 = arith.addi %scan3A_1377, %scan3A_1512 : i32
        %mul3A_1514 = arith.constant 1 : i32
        %mul3A_1515 = arith.muli %scan3A_1513, %mul3A_1514 : i32
        %add3A_1516 = arith.constant 0 : i32
        %add3A_1517 = arith.addi %add3A_1516, %mul3A_1515 : i32
        %mul3A_1518 = arith.constant 16 : i32
        %mul3A_1519 = arith.muli %add3A_1517, %mul3A_1518 : i32
        %add3A_1520 = arith.constant 14336 : i32
        %add3A_1521 = arith.addi %add3A_1520, %mul3A_1519 : i32
        %mul3A_1522 = arith.constant 16 : i32
        %mul3A_1523 = arith.muli %add3A_1517, %mul3A_1522 : i32
        %get3A_1524 = arith.index_cast %mul3A_1523 : i32 to index
        %get3A_1525 = tpu.vector_load %arg7[%get3A_1524] {strides = array<i32>} : memref<28672xi32, #tpu.memory_space<vmem>>, vector<16xi32>,
        %get3A_1526 = arith.index_cast %add3A_1521 : i32 to index
        %get3A_1527 = tpu.vector_load %arg7[%get3A_1526] {strides = array<i32>} : memref<28672xi32, #tpu.memory_space<vmem>>, vector<16xi32>,
        %shift_right_logical3A_1528 = arith.constant 18 : i32
        %shift_right_logical3A_1529 = vector.broadcast %shift_right_logical3A_1528 : i32 to vector<16xi32>
        %shift_right_logical3A_1530 = arith.shrui %get3A_1525, %shift_right_logical3A_1529 : vector<16xi32>
        %mul3A_1531 = arith.constant 9363 : i32
        %mul3A_1532 = vector.broadcast %mul3A_1531 : i32 to vector<16xi32>
        %mul3A_1533 = arith.muli %shift_right_logical3A_1530, %mul3A_1532 : vector<16xi32>
        %shift_right_logical3A_1534 = arith.constant 16 : i32
        %shift_right_logical3A_1535 = vector.broadcast %shift_right_logical3A_1534 : i32 to vector<16xi32>
        %shift_right_logical3A_1536 = arith.shrui %mul3A_1533, %shift_right_logical3A_1535 : vector<16xi32>
        %shift_right_logical3A_1537 = arith.constant 18 : i32
        %shift_right_logical3A_1538 = vector.broadcast %shift_right_logical3A_1537 : i32 to vector<16xi32>
        %shift_right_logical3A_1539 = arith.shrui %get3A_1527, %shift_right_logical3A_1538 : vector<16xi32>
        %mul3A_1540 = arith.constant 9363 : i32
        %mul3A_1541 = vector.broadcast %mul3A_1540 : i32 to vector<16xi32>
        %mul3A_1542 = arith.muli %shift_right_logical3A_1539, %mul3A_1541 : vector<16xi32>
        %shift_right_logical3A_1543 = arith.constant 16 : i32
        %shift_right_logical3A_1544 = vector.broadcast %shift_right_logical3A_1543 : i32 to vector<16xi32>
        %shift_right_logical3A_1545 = arith.shrui %mul3A_1542, %shift_right_logical3A_1544 : vector<16xi32>
        %shift_left3A_1546 = arith.constant 5 : i32
        %shift_left3A_1547 = vector.broadcast %shift_left3A_1546 : i32 to vector<16xi32>
        %shift_left3A_1548 = arith.shli %shift_right_logical3A_1536, %shift_left3A_1547 : vector<16xi32>
        %iota3A_1549 = tpu.iota {dimensions = array<i32: 0>} : vector<16xi32>
        %or3A_1550 = arith.ori %shift_left3A_1548, %iota3A_1549 : vector<16xi32>
        %shift_left3A_1551 = arith.constant 5 : i32
        %shift_left3A_1552 = vector.broadcast %shift_left3A_1551 : i32 to vector<16xi32>
        %shift_left3A_1553 = arith.shli %shift_right_logical3A_1545, %shift_left3A_1552 : vector<16xi32>
        %iota3A_1554 = tpu.iota {dimensions = array<i32: 0>} : vector<16xi32>
        %add3A_1555 = arith.constant 16 : i32
        %add3A_1556 = vector.broadcast %add3A_1555 : i32 to vector<16xi32>
        %add3A_1557 = arith.addi %add3A_1556, %iota3A_1554 : vector<16xi32>
        %or3A_1558 = arith.ori %shift_left3A_1553, %add3A_1557 : vector<16xi32>
        %gather3A_1559 = tpu.vector_load_idx %arg12[%or3A_1550] : memref<1536xi32, #tpu.memory_space<vmem>>[vector<16xi32>], vector<16xi32>,
        %gather3A_1560 = tpu.vector_load_idx %arg12[%or3A_1558] : memref<1536xi32, #tpu.memory_space<vmem>>[vector<16xi32>], vector<16xi32>,
        %mul3A_1561 = arith.constant 1835008 : i32
        %mul3A_1562 = vector.broadcast %mul3A_1561 : i32 to vector<16xi32>
        %mul3A_1563 = arith.muli %shift_right_logical3A_1536, %mul3A_1562 : vector<16xi32>
        %sub3A_1564 = arith.subi %get3A_1525, %mul3A_1563 : vector<16xi32>
        tpu.vector_store_idx %arg9[%gather3A_1559], %sub3A_1564 : memref<28672xi32, #tpu.memory_space<vmem>>[vector<16xi32>], vector<16xi32>,
        %mul3A_1565 = arith.constant 1835008 : i32
        %mul3A_1566 = vector.broadcast %mul3A_1565 : i32 to vector<16xi32>
        %mul3A_1567 = arith.muli %shift_right_logical3A_1545, %mul3A_1566 : vector<16xi32>
        %sub3A_1568 = arith.subi %get3A_1527, %mul3A_1567 : vector<16xi32>
        tpu.vector_store_idx %arg9[%gather3A_1560], %sub3A_1568 : memref<28672xi32, #tpu.memory_space<vmem>>[vector<16xi32>], vector<16xi32>,
        %mul3A_1569 = arith.constant 16 : i32
        %mul3A_1570 = arith.muli %add3A_1517, %mul3A_1569 : i32
        %get3A_1571 = arith.index_cast %mul3A_1570 : i32 to index
        %get3A_1572 = tpu.vector_load %arg8[%get3A_1571] {strides = array<i32>} : memref<28672xf32, #tpu.memory_space<vmem>>, vector<16xf32>,
        tpu.vector_store_idx %arg10[%gather3A_1559], %get3A_1572 : memref<28672xf32, #tpu.memory_space<vmem>>[vector<16xi32>], vector<16xf32>,
        %get3A_1573 = arith.index_cast %add3A_1521 : i32 to index
        %get3A_1574 = tpu.vector_load %arg8[%get3A_1573] {strides = array<i32>} : memref<28672xf32, #tpu.memory_space<vmem>>, vector<16xf32>,
        tpu.vector_store_idx %arg10[%gather3A_1560], %get3A_1574 : memref<28672xf32, #tpu.memory_space<vmem>>[vector<16xi32>], vector<16xf32>,
        %add3A_1575 = arith.constant 1 : i32
        %add3A_1576 = vector.broadcast %add3A_1575 : i32 to vector<16xi32>
        %add3A_1577 = arith.addi %gather3A_1559, %add3A_1576 : vector<16xi32>
        tpu.vector_store_idx %arg12[%or3A_1550], %add3A_1577 : memref<1536xi32, #tpu.memory_space<vmem>>[vector<16xi32>], vector<16xi32>,
        %add3A_1578 = arith.constant 1 : i32
        %add3A_1579 = vector.broadcast %add3A_1578 : i32 to vector<16xi32>
        %add3A_1580 = arith.addi %gather3A_1560, %add3A_1579 : vector<16xi32>
        tpu.vector_store_idx %arg12[%or3A_1558], %add3A_1580 : memref<1536xi32, #tpu.memory_space<vmem>>[vector<16xi32>], vector<16xi32>,
        %scan3A_1581 = arith.constant 3 : i32
        %scan3A_1582 = arith.addi %scan3A_1377, %scan3A_1581 : i32
        %mul3A_1583 = arith.constant 1 : i32
        %mul3A_1584 = arith.muli %scan3A_1582, %mul3A_1583 : i32
        %add3A_1585 = arith.constant 0 : i32
        %add3A_1586 = arith.addi %add3A_1585, %mul3A_1584 : i32
        %mul3A_1587 = arith.constant 16 : i32
        %mul3A_1588 = arith.muli %add3A_1586, %mul3A_1587 : i32
        %add3A_1589 = arith.constant 14336 : i32
        %add3A_1590 = arith.addi %add3A_1589, %mul3A_1588 : i32
        %mul3A_1591 = arith.constant 16 : i32
        %mul3A_1592 = arith.muli %add3A_1586, %mul3A_1591 : i32
        %get3A_1593 = arith.index_cast %mul3A_1592 : i32 to index
        %get3A_1594 = tpu.vector_load %arg7[%get3A_1593] {strides = array<i32>} : memref<28672xi32, #tpu.memory_space<vmem>>, vector<16xi32>,
        %get3A_1595 = arith.index_cast %add3A_1590 : i32 to index
        %get3A_1596 = tpu.vector_load %arg7[%get3A_1595] {strides = array<i32>} : memref<28672xi32, #tpu.memory_space<vmem>>, vector<16xi32>,
        %shift_right_logical3A_1597 = arith.constant 18 : i32
        %shift_right_logical3A_1598 = vector.broadcast %shift_right_logical3A_1597 : i32 to vector<16xi32>
        %shift_right_logical3A_1599 = arith.shrui %get3A_1594, %shift_right_logical3A_1598 : vector<16xi32>
        %mul3A_1600 = arith.constant 9363 : i32
        %mul3A_1601 = vector.broadcast %mul3A_1600 : i32 to vector<16xi32>
        %mul3A_1602 = arith.muli %shift_right_logical3A_1599, %mul3A_1601 : vector<16xi32>
        %shift_right_logical3A_1603 = arith.constant 16 : i32
        %shift_right_logical3A_1604 = vector.broadcast %shift_right_logical3A_1603 : i32 to vector<16xi32>
        %shift_right_logical3A_1605 = arith.shrui %mul3A_1602, %shift_right_logical3A_1604 : vector<16xi32>
        %shift_right_logical3A_1606 = arith.constant 18 : i32
        %shift_right_logical3A_1607 = vector.broadcast %shift_right_logical3A_1606 : i32 to vector<16xi32>
        %shift_right_logical3A_1608 = arith.shrui %get3A_1596, %shift_right_logical3A_1607 : vector<16xi32>
        %mul3A_1609 = arith.constant 9363 : i32
        %mul3A_1610 = vector.broadcast %mul3A_1609 : i32 to vector<16xi32>
        %mul3A_1611 = arith.muli %shift_right_logical3A_1608, %mul3A_1610 : vector<16xi32>
        %shift_right_logical3A_1612 = arith.constant 16 : i32
        %shift_right_logical3A_1613 = vector.broadcast %shift_right_logical3A_1612 : i32 to vector<16xi32>
        %shift_right_logical3A_1614 = arith.shrui %mul3A_1611, %shift_right_logical3A_1613 : vector<16xi32>
        %shift_left3A_1615 = arith.constant 5 : i32
        %shift_left3A_1616 = vector.broadcast %shift_left3A_1615 : i32 to vector<16xi32>
        %shift_left3A_1617 = arith.shli %shift_right_logical3A_1605, %shift_left3A_1616 : vector<16xi32>
        %iota3A_1618 = tpu.iota {dimensions = array<i32: 0>} : vector<16xi32>
        %or3A_1619 = arith.ori %shift_left3A_1617, %iota3A_1618 : vector<16xi32>
        %shift_left3A_1620 = arith.constant 5 : i32
        %shift_left3A_1621 = vector.broadcast %shift_left3A_1620 : i32 to vector<16xi32>
        %shift_left3A_1622 = arith.shli %shift_right_logical3A_1614, %shift_left3A_1621 : vector<16xi32>
        %iota3A_1623 = tpu.iota {dimensions = array<i32: 0>} : vector<16xi32>
        %add3A_1624 = arith.constant 16 : i32
        %add3A_1625 = vector.broadcast %add3A_1624 : i32 to vector<16xi32>
        %add3A_1626 = arith.addi %add3A_1625, %iota3A_1623 : vector<16xi32>
        %or3A_1627 = arith.ori %shift_left3A_1622, %add3A_1626 : vector<16xi32>
        %gather3A_1628 = tpu.vector_load_idx %arg12[%or3A_1619] : memref<1536xi32, #tpu.memory_space<vmem>>[vector<16xi32>], vector<16xi32>,
        %gather3A_1629 = tpu.vector_load_idx %arg12[%or3A_1627] : memref<1536xi32, #tpu.memory_space<vmem>>[vector<16xi32>], vector<16xi32>,
        %mul3A_1630 = arith.constant 1835008 : i32
        %mul3A_1631 = vector.broadcast %mul3A_1630 : i32 to vector<16xi32>
        %mul3A_1632 = arith.muli %shift_right_logical3A_1605, %mul3A_1631 : vector<16xi32>
        %sub3A_1633 = arith.subi %get3A_1594, %mul3A_1632 : vector<16xi32>
        tpu.vector_store_idx %arg9[%gather3A_1628], %sub3A_1633 : memref<28672xi32, #tpu.memory_space<vmem>>[vector<16xi32>], vector<16xi32>,
        %mul3A_1634 = arith.constant 1835008 : i32
        %mul3A_1635 = vector.broadcast %mul3A_1634 : i32 to vector<16xi32>
        %mul3A_1636 = arith.muli %shift_right_logical3A_1614, %mul3A_1635 : vector<16xi32>
        %sub3A_1637 = arith.subi %get3A_1596, %mul3A_1636 : vector<16xi32>
        tpu.vector_store_idx %arg9[%gather3A_1629], %sub3A_1637 : memref<28672xi32, #tpu.memory_space<vmem>>[vector<16xi32>], vector<16xi32>,
        %mul3A_1638 = arith.constant 16 : i32
        %mul3A_1639 = arith.muli %add3A_1586, %mul3A_1638 : i32
        %get3A_1640 = arith.index_cast %mul3A_1639 : i32 to index
        %get3A_1641 = tpu.vector_load %arg8[%get3A_1640] {strides = array<i32>} : memref<28672xf32, #tpu.memory_space<vmem>>, vector<16xf32>,
        tpu.vector_store_idx %arg10[%gather3A_1628], %get3A_1641 : memref<28672xf32, #tpu.memory_space<vmem>>[vector<16xi32>], vector<16xf32>,
        %get3A_1642 = arith.index_cast %add3A_1590 : i32 to index
        %get3A_1643 = tpu.vector_load %arg8[%get3A_1642] {strides = array<i32>} : memref<28672xf32, #tpu.memory_space<vmem>>, vector<16xf32>,
        tpu.vector_store_idx %arg10[%gather3A_1629], %get3A_1643 : memref<28672xf32, #tpu.memory_space<vmem>>[vector<16xi32>], vector<16xf32>,
        %add3A_1644 = arith.constant 1 : i32
        %add3A_1645 = vector.broadcast %add3A_1644 : i32 to vector<16xi32>
        %add3A_1646 = arith.addi %gather3A_1628, %add3A_1645 : vector<16xi32>
        tpu.vector_store_idx %arg12[%or3A_1619], %add3A_1646 : memref<1536xi32, #tpu.memory_space<vmem>>[vector<16xi32>], vector<16xi32>,
        %add3A_1647 = arith.constant 1 : i32
        %add3A_1648 = vector.broadcast %add3A_1647 : i32 to vector<16xi32>
        %add3A_1649 = arith.addi %gather3A_1629, %add3A_1648 : vector<16xi32>
        tpu.vector_store_idx %arg12[%or3A_1627], %add3A_1649 : memref<1536xi32, #tpu.memory_space<vmem>>[vector<16xi32>], vector<16xi32>,
      }
      %scan3A_1372 = arith.constant 896 : i32
      %dma_start3A_1373 = tpu.memref_slice %arg4[%multiple_of3A] : memref<19268608xi32, #tpu.memory_space<hbm>> -> memref<28672xi32, #tpu.memory_space<hbm>>
      %dma_start3A_1374 = tpu.memref_slice %arg4[%multiple_of3A] : memref<19268608xi32, #tpu.memory_space<hbm>> -> memref<28672xi32, #tpu.memory_space<hbm>>
      tpu.enqueue_dma source(%arg9 : memref<28672xi32, #tpu.memory_space<vmem>>) target(%dma_start3A_1374 : memref<28672xi32, #tpu.memory_space<hbm>>) target_semaphore(%arg14 : memref<!tpu.dma_semaphore, #tpu.memory_space<semaphore_mem>>)
      %dma_start3A_1375 = tpu.memref_slice %arg5[%multiple_of3A] : memref<19268608xf32, #tpu.memory_space<hbm>> -> memref<28672xf32, #tpu.memory_space<hbm>>
      %dma_start3A_1376 = tpu.memref_slice %arg5[%multiple_of3A] : memref<19268608xf32, #tpu.memory_space<hbm>> -> memref<28672xf32, #tpu.memory_space<hbm>>
      tpu.enqueue_dma source(%arg10 : memref<28672xf32, #tpu.memory_space<vmem>>) target(%dma_start3A_1376 : memref<28672xf32, #tpu.memory_space<hbm>>) target_semaphore(%arg14 : memref<!tpu.dma_semaphore, #tpu.memory_space<semaphore_mem>>)
    }
    %scan3A_5 = arith.constant 21 : i32
    %dma_wait3A = arith.constant 0 : i32
    %dma_wait3A_6 = tpu.memref_slice %arg4[%dma_wait3A] : memref<19268608xi32, #tpu.memory_space<hbm>> -> memref<28672xi32, #tpu.memory_space<hbm>>
    %dma_wait3A_7 = arith.constant 0 : i32
    %dma_wait3A_8 = tpu.memref_slice %arg4[%dma_wait3A_7] : memref<19268608xi32, #tpu.memory_space<hbm>> -> memref<28672xi32, #tpu.memory_space<hbm>>
    tpu.wait_dma2 semaphore(%arg14 : memref<!tpu.dma_semaphore, #tpu.memory_space<semaphore_mem>>) src(%arg9 : memref<28672xi32, #tpu.memory_space<vmem>>) dst(%dma_wait3A_8 : memref<28672xi32, #tpu.memory_space<hbm>>)
    %dma_wait3A_9 = arith.constant 0 : i32
    %dma_wait3A_10 = tpu.memref_slice %arg5[%dma_wait3A_9] : memref<19268608xf32, #tpu.memory_space<hbm>> -> memref<28672xf32, #tpu.memory_space<hbm>>
    %dma_wait3A_11 = arith.constant 0 : i32
    %dma_wait3A_12 = tpu.memref_slice %arg5[%dma_wait3A_11] : memref<19268608xf32, #tpu.memory_space<hbm>> -> memref<28672xf32, #tpu.memory_space<hbm>>
    tpu.wait_dma2 semaphore(%arg14 : memref<!tpu.dma_semaphore, #tpu.memory_space<semaphore_mem>>) src(%arg10 : memref<28672xf32, #tpu.memory_space<vmem>>) dst(%dma_wait3A_12 : memref<28672xf32, #tpu.memory_space<hbm>>)
    return
  }
}

#map = affine_map<(d0, d1) -> (0)>
module attributes {stable_mosaic.version = 14 : i64} {
  func.func @_k2_acc(%arg0: i32, %arg1: i32, %arg2: memref<19268608xi32, #tpu.memory_space<hbm>>, %arg3: memref<19268608xf32, #tpu.memory_space<hbm>>, %arg4: memref<49152xi32, #tpu.memory_space<hbm>>, %arg5: memref<77070336xf32, #tpu.memory_space<hbm>>, %arg6: memref<1835008xf32, #tpu.memory_space<vmem_shared>>, %arg7: memref<1024xi32, #tpu.memory_space<vmem>>, %arg8: memref<1024xi32, #tpu.memory_space<vmem>>, %arg9: memref<4096xi32, #tpu.memory_space<vmem>>, %arg10: memref<4096xf32, #tpu.memory_space<vmem>>, %arg11: memref<4096xf32, #tpu.memory_space<vmem>>, %arg12: memref<!tpu.dma_semaphore, #tpu.memory_space<semaphore_mem>>, %arg13: memref<!tpu.dma_semaphore, #tpu.memory_space<semaphore_mem>>) attributes {dimension_semantics = [#tpu.dimension_semantics<core_parallel>, #tpu.dimension_semantics<subcore_parallel>], iteration_bounds = array<i64: 2, 16>, scalar_prefetch = 0 : i64, scratch_operands = 8 : i64, tpu.core_type = #tpu.core_type<sc_vector_subcore>, window_params = [{transform_indices = #map}, {transform_indices = #map}, {transform_indices = #map}, {transform_indices = #map}]} {
    %scan3A = arith.constant 0 : i32
    %scan3A_0 = arith.constant 256 : i32
    %scan3A_1 = arith.addi %scan3A, %scan3A_0 : i32
    %scan3A_2 = arith.constant 1 : i32
    scf.for %scan3A_9 = %scan3A to %scan3A_1 step %scan3A_2  : i32 {
      %mul3A = arith.constant 1 : i32
      %mul3A_10 = arith.muli %scan3A_9, %mul3A : i32
      %add3A = arith.constant 0 : i32
      %add3A_11 = arith.addi %add3A, %mul3A_10 : i32
      %broadcast_in_dim3A = arith.constant 0.000000e+00 : f32
      %broadcast_in_dim3A_12 = vector.broadcast %broadcast_in_dim3A : f32 to vector<16xf32>
      %mul3A_13 = arith.constant 16 : i32
      %mul3A_14 = arith.muli %add3A_11, %mul3A_13 : i32
      %swap3A = arith.index_cast %mul3A_14 : i32 to index
      %swap3A_15 = tpu.vector_load %arg11[%swap3A] {strides = array<i32>} : memref<4096xf32, #tpu.memory_space<vmem>>, vector<16xf32>,
      tpu.vector_store %arg11[%swap3A], %broadcast_in_dim3A_12 {strides = array<i32>} : memref<4096xf32, #tpu.memory_space<vmem>>, vector<16xf32>,
    }
    %scan3A_3 = arith.constant 256 : i32
    %scan3A_4 = arith.constant 0 : i32
    %scan3A_5 = arith.constant 21 : i32
    %scan3A_6 = arith.addi %scan3A_4, %scan3A_5 : i32
    %scan3A_7 = arith.constant 1 : i32
    scf.for %scan3A_9 = %scan3A_4 to %scan3A_6 step %scan3A_7  : i32 {
      %mul3A = arith.constant 1 : i32
      %mul3A_10 = arith.muli %scan3A_9, %mul3A : i32
      %add3A = arith.constant 0 : i32
      %add3A_11 = arith.addi %add3A, %mul3A_10 : i32
      %mul3A_12 = arith.constant 2 : i32
      %mul3A_13 = arith.muli %mul3A_12, %add3A_11 : i32
      %add3A_14 = arith.addi %mul3A_13, %arg0 : i32
      %mul3A_15 = arith.constant 1024 : i32
      %mul3A_16 = arith.muli %add3A_14, %mul3A_15 : i32
      %multiple_of3A = tpu.assume_multiple %mul3A_16, 16 : i32
      "tpu.region"() ({
        %run_scoped3A = tpu.sem_alloc : memref<!tpu.dma_semaphore, #tpu.memory_space<semaphore_mem>>
        %dma_start3A_287 = tpu.memref_slice %arg4[%multiple_of3A] : memref<49152xi32, #tpu.memory_space<hbm>> -> memref<1024xi32, #tpu.memory_space<hbm>>
        %dma_start3A_288 = tpu.memref_slice %arg4[%multiple_of3A] : memref<49152xi32, #tpu.memory_space<hbm>> -> memref<1024xi32, #tpu.memory_space<hbm>>
        tpu.enqueue_dma source(%dma_start3A_288 : memref<1024xi32, #tpu.memory_space<hbm>>) target(%arg7 : memref<1024xi32, #tpu.memory_space<vmem>>) target_semaphore(%run_scoped3A : memref<!tpu.dma_semaphore, #tpu.memory_space<semaphore_mem>>)
        %dma_wait3A_289 = tpu.memref_slice %arg4[%multiple_of3A] : memref<49152xi32, #tpu.memory_space<hbm>> -> memref<1024xi32, #tpu.memory_space<hbm>>
        %dma_wait3A_290 = tpu.memref_slice %arg4[%multiple_of3A] : memref<49152xi32, #tpu.memory_space<hbm>> -> memref<1024xi32, #tpu.memory_space<hbm>>
        tpu.wait_dma2 semaphore(%run_scoped3A : memref<!tpu.dma_semaphore, #tpu.memory_space<semaphore_mem>>) src(%dma_wait3A_290 : memref<1024xi32, #tpu.memory_space<hbm>>) dst(%arg7 : memref<1024xi32, #tpu.memory_space<vmem>>)
        tpu.yield
      }) : () -> ()
      %add3A_17 = arith.constant 1 : i32
      %add3A_18 = arith.addi %add3A_14, %add3A_17 : i32
      %mul3A_19 = arith.constant 1024 : i32
      %mul3A_20 = arith.muli %add3A_18, %mul3A_19 : i32
      %multiple_of3A_21 = tpu.assume_multiple %mul3A_20, 16 : i32
      "tpu.region"() ({
        %run_scoped3A = tpu.sem_alloc : memref<!tpu.dma_semaphore, #tpu.memory_space<semaphore_mem>>
        %dma_start3A_287 = tpu.memref_slice %arg4[%multiple_of3A_21] : memref<49152xi32, #tpu.memory_space<hbm>> -> memref<1024xi32, #tpu.memory_space<hbm>>
        %dma_start3A_288 = tpu.memref_slice %arg4[%multiple_of3A_21] : memref<49152xi32, #tpu.memory_space<hbm>> -> memref<1024xi32, #tpu.memory_space<hbm>>
        tpu.enqueue_dma source(%dma_start3A_288 : memref<1024xi32, #tpu.memory_space<hbm>>) target(%arg8 : memref<1024xi32, #tpu.memory_space<vmem>>) target_semaphore(%run_scoped3A : memref<!tpu.dma_semaphore, #tpu.memory_space<semaphore_mem>>)
        %dma_wait3A_289 = tpu.memref_slice %arg4[%multiple_of3A_21] : memref<49152xi32, #tpu.memory_space<hbm>> -> memref<1024xi32, #tpu.memory_space<hbm>>
        %dma_wait3A_290 = tpu.memref_slice %arg4[%multiple_of3A_21] : memref<49152xi32, #tpu.memory_space<hbm>> -> memref<1024xi32, #tpu.memory_space<hbm>>
        tpu.wait_dma2 semaphore(%run_scoped3A : memref<!tpu.dma_semaphore, #tpu.memory_space<semaphore_mem>>) src(%dma_wait3A_290 : memref<1024xi32, #tpu.memory_space<hbm>>) dst(%arg8 : memref<1024xi32, #tpu.memory_space<vmem>>)
        tpu.yield
      }) : () -> ()
      %mul3A_22 = arith.constant 114688 : i32
      %mul3A_23 = arith.muli %arg1, %mul3A_22 : i32
      %add3A_24 = arith.constant 0 : i32
      %add3A_25 = arith.addi %mul3A_23, %add3A_24 : i32
      %multiple_of3A_26 = tpu.assume_multiple %add3A_25, 4096 : i32
      %mul3A_27 = arith.constant 114688 : i32
      %mul3A_28 = arith.muli %arg1, %mul3A_27 : i32
      %add3A_29 = arith.constant 4096 : i32
      %add3A_30 = arith.addi %mul3A_28, %add3A_29 : i32
      %multiple_of3A_31 = tpu.assume_multiple %add3A_30, 4096 : i32
      %mul3A_32 = arith.constant 114688 : i32
      %mul3A_33 = arith.muli %arg1, %mul3A_32 : i32
      %add3A_34 = arith.constant 8192 : i32
      %add3A_35 = arith.addi %mul3A_33, %add3A_34 : i32
      %multiple_of3A_36 = tpu.assume_multiple %add3A_35, 4096 : i32
      %mul3A_37 = arith.constant 114688 : i32
      %mul3A_38 = arith.muli %arg1, %mul3A_37 : i32
      %add3A_39 = arith.constant 12288 : i32
      %add3A_40 = arith.addi %mul3A_38, %add3A_39 : i32
      %multiple_of3A_41 = tpu.assume_multiple %add3A_40, 4096 : i32
      %mul3A_42 = arith.constant 114688 : i32
      %mul3A_43 = arith.muli %arg1, %mul3A_42 : i32
      %add3A_44 = arith.constant 16384 : i32
      %add3A_45 = arith.addi %mul3A_43, %add3A_44 : i32
      %multiple_of3A_46 = tpu.assume_multiple %add3A_45, 4096 : i32
      %mul3A_47 = arith.constant 114688 : i32
      %mul3A_48 = arith.muli %arg1, %mul3A_47 : i32
      %add3A_49 = arith.constant 20480 : i32
      %add3A_50 = arith.addi %mul3A_48, %add3A_49 : i32
      %multiple_of3A_51 = tpu.assume_multiple %add3A_50, 4096 : i32
      %mul3A_52 = arith.constant 114688 : i32
      %mul3A_53 = arith.muli %arg1, %mul3A_52 : i32
      %add3A_54 = arith.constant 24576 : i32
      %add3A_55 = arith.addi %mul3A_53, %add3A_54 : i32
      %multiple_of3A_56 = tpu.assume_multiple %add3A_55, 4096 : i32
      %mul3A_57 = arith.constant 114688 : i32
      %mul3A_58 = arith.muli %arg1, %mul3A_57 : i32
      %add3A_59 = arith.constant 28672 : i32
      %add3A_60 = arith.addi %mul3A_58, %add3A_59 : i32
      %multiple_of3A_61 = tpu.assume_multiple %add3A_60, 4096 : i32
      %mul3A_62 = arith.constant 114688 : i32
      %mul3A_63 = arith.muli %arg1, %mul3A_62 : i32
      %add3A_64 = arith.constant 32768 : i32
      %add3A_65 = arith.addi %mul3A_63, %add3A_64 : i32
      %multiple_of3A_66 = tpu.assume_multiple %add3A_65, 4096 : i32
      %mul3A_67 = arith.constant 114688 : i32
      %mul3A_68 = arith.muli %arg1, %mul3A_67 : i32
      %add3A_69 = arith.constant 36864 : i32
      %add3A_70 = arith.addi %mul3A_68, %add3A_69 : i32
      %multiple_of3A_71 = tpu.assume_multiple %add3A_70, 4096 : i32
      %mul3A_72 = arith.constant 114688 : i32
      %mul3A_73 = arith.muli %arg1, %mul3A_72 : i32
      %add3A_74 = arith.constant 40960 : i32
      %add3A_75 = arith.addi %mul3A_73, %add3A_74 : i32
      %multiple_of3A_76 = tpu.assume_multiple %add3A_75, 4096 : i32
      %mul3A_77 = arith.constant 114688 : i32
      %mul3A_78 = arith.muli %arg1, %mul3A_77 : i32
      %add3A_79 = arith.constant 45056 : i32
      %add3A_80 = arith.addi %mul3A_78, %add3A_79 : i32
      %multiple_of3A_81 = tpu.assume_multiple %add3A_80, 4096 : i32
      %mul3A_82 = arith.constant 114688 : i32
      %mul3A_83 = arith.muli %arg1, %mul3A_82 : i32
      %add3A_84 = arith.constant 49152 : i32
      %add3A_85 = arith.addi %mul3A_83, %add3A_84 : i32
      %multiple_of3A_86 = tpu.assume_multiple %add3A_85, 4096 : i32
      %mul3A_87 = arith.constant 114688 : i32
      %mul3A_88 = arith.muli %arg1, %mul3A_87 : i32
      %add3A_89 = arith.constant 53248 : i32
      %add3A_90 = arith.addi %mul3A_88, %add3A_89 : i32
      %multiple_of3A_91 = tpu.assume_multiple %add3A_90, 4096 : i32
      %mul3A_92 = arith.constant 114688 : i32
      %mul3A_93 = arith.muli %arg1, %mul3A_92 : i32
      %add3A_94 = arith.constant 57344 : i32
      %add3A_95 = arith.addi %mul3A_93, %add3A_94 : i32
      %multiple_of3A_96 = tpu.assume_multiple %add3A_95, 4096 : i32
      %mul3A_97 = arith.constant 114688 : i32
      %mul3A_98 = arith.muli %arg1, %mul3A_97 : i32
      %add3A_99 = arith.constant 61440 : i32
      %add3A_100 = arith.addi %mul3A_98, %add3A_99 : i32
      %multiple_of3A_101 = tpu.assume_multiple %add3A_100, 4096 : i32
      %mul3A_102 = arith.constant 114688 : i32
      %mul3A_103 = arith.muli %arg1, %mul3A_102 : i32
      %add3A_104 = arith.constant 65536 : i32
      %add3A_105 = arith.addi %mul3A_103, %add3A_104 : i32
      %multiple_of3A_106 = tpu.assume_multiple %add3A_105, 4096 : i32
      %mul3A_107 = arith.constant 114688 : i32
      %mul3A_108 = arith.muli %arg1, %mul3A_107 : i32
      %add3A_109 = arith.constant 69632 : i32
      %add3A_110 = arith.addi %mul3A_108, %add3A_109 : i32
      %multiple_of3A_111 = tpu.assume_multiple %add3A_110, 4096 : i32
      %mul3A_112 = arith.constant 114688 : i32
      %mul3A_113 = arith.muli %arg1, %mul3A_112 : i32
      %add3A_114 = arith.constant 73728 : i32
      %add3A_115 = arith.addi %mul3A_113, %add3A_114 : i32
      %multiple_of3A_116 = tpu.assume_multiple %add3A_115, 4096 : i32
      %mul3A_117 = arith.constant 114688 : i32
      %mul3A_118 = arith.muli %arg1, %mul3A_117 : i32
      %add3A_119 = arith.constant 77824 : i32
      %add3A_120 = arith.addi %mul3A_118, %add3A_119 : i32
      %multiple_of3A_121 = tpu.assume_multiple %add3A_120, 4096 : i32
      %mul3A_122 = arith.constant 114688 : i32
      %mul3A_123 = arith.muli %arg1, %mul3A_122 : i32
      %add3A_124 = arith.constant 81920 : i32
      %add3A_125 = arith.addi %mul3A_123, %add3A_124 : i32
      %multiple_of3A_126 = tpu.assume_multiple %add3A_125, 4096 : i32
      %mul3A_127 = arith.constant 114688 : i32
      %mul3A_128 = arith.muli %arg1, %mul3A_127 : i32
      %add3A_129 = arith.constant 86016 : i32
      %add3A_130 = arith.addi %mul3A_128, %add3A_129 : i32
      %multiple_of3A_131 = tpu.assume_multiple %add3A_130, 4096 : i32
      %mul3A_132 = arith.constant 114688 : i32
      %mul3A_133 = arith.muli %arg1, %mul3A_132 : i32
      %add3A_134 = arith.constant 90112 : i32
      %add3A_135 = arith.addi %mul3A_133, %add3A_134 : i32
      %multiple_of3A_136 = tpu.assume_multiple %add3A_135, 4096 : i32
      %mul3A_137 = arith.constant 114688 : i32
      %mul3A_138 = arith.muli %arg1, %mul3A_137 : i32
      %add3A_139 = arith.constant 94208 : i32
      %add3A_140 = arith.addi %mul3A_138, %add3A_139 : i32
      %multiple_of3A_141 = tpu.assume_multiple %add3A_140, 4096 : i32
      %mul3A_142 = arith.constant 114688 : i32
      %mul3A_143 = arith.muli %arg1, %mul3A_142 : i32
      %add3A_144 = arith.constant 98304 : i32
      %add3A_145 = arith.addi %mul3A_143, %add3A_144 : i32
      %multiple_of3A_146 = tpu.assume_multiple %add3A_145, 4096 : i32
      %mul3A_147 = arith.constant 114688 : i32
      %mul3A_148 = arith.muli %arg1, %mul3A_147 : i32
      %add3A_149 = arith.constant 102400 : i32
      %add3A_150 = arith.addi %mul3A_148, %add3A_149 : i32
      %multiple_of3A_151 = tpu.assume_multiple %add3A_150, 4096 : i32
      %mul3A_152 = arith.constant 114688 : i32
      %mul3A_153 = arith.muli %arg1, %mul3A_152 : i32
      %add3A_154 = arith.constant 106496 : i32
      %add3A_155 = arith.addi %mul3A_153, %add3A_154 : i32
      %multiple_of3A_156 = tpu.assume_multiple %add3A_155, 4096 : i32
      %mul3A_157 = arith.constant 114688 : i32
      %mul3A_158 = arith.muli %arg1, %mul3A_157 : i32
      %add3A_159 = arith.constant 110592 : i32
      %add3A_160 = arith.addi %mul3A_158, %add3A_159 : i32
      %multiple_of3A_161 = tpu.assume_multiple %add3A_160, 4096 : i32
      %dma_start3A = tpu.memref_slice %arg6[%multiple_of3A_26] : memref<1835008xf32, #tpu.memory_space<vmem_shared>> -> memref<4096xf32, #tpu.memory_space<vmem_shared>>
      %dma_start3A_162 = tpu.memref_slice %arg6[%multiple_of3A_26] : memref<1835008xf32, #tpu.memory_space<vmem_shared>> -> memref<4096xf32, #tpu.memory_space<vmem_shared>>
      tpu.enqueue_dma source(%arg11 : memref<4096xf32, #tpu.memory_space<vmem>>) target(%dma_start3A_162 : memref<4096xf32, #tpu.memory_space<vmem_shared>>) target_semaphore(%arg13 : memref<!tpu.dma_semaphore, #tpu.memory_space<semaphore_mem>>)
      %dma_start3A_163 = tpu.memref_slice %arg6[%multiple_of3A_31] : memref<1835008xf32, #tpu.memory_space<vmem_shared>> -> memref<4096xf32, #tpu.memory_space<vmem_shared>>
      %dma_start3A_164 = tpu.memref_slice %arg6[%multiple_of3A_31] : memref<1835008xf32, #tpu.memory_space<vmem_shared>> -> memref<4096xf32, #tpu.memory_space<vmem_shared>>
      tpu.enqueue_dma source(%arg11 : memref<4096xf32, #tpu.memory_space<vmem>>) target(%dma_start3A_164 : memref<4096xf32, #tpu.memory_space<vmem_shared>>) target_semaphore(%arg13 : memref<!tpu.dma_semaphore, #tpu.memory_space<semaphore_mem>>)
      %dma_start3A_165 = tpu.memref_slice %arg6[%multiple_of3A_36] : memref<1835008xf32, #tpu.memory_space<vmem_shared>> -> memref<4096xf32, #tpu.memory_space<vmem_shared>>
      %dma_start3A_166 = tpu.memref_slice %arg6[%multiple_of3A_36] : memref<1835008xf32, #tpu.memory_space<vmem_shared>> -> memref<4096xf32, #tpu.memory_space<vmem_shared>>
      tpu.enqueue_dma source(%arg11 : memref<4096xf32, #tpu.memory_space<vmem>>) target(%dma_start3A_166 : memref<4096xf32, #tpu.memory_space<vmem_shared>>) target_semaphore(%arg13 : memref<!tpu.dma_semaphore, #tpu.memory_space<semaphore_mem>>)
      %dma_start3A_167 = tpu.memref_slice %arg6[%multiple_of3A_41] : memref<1835008xf32, #tpu.memory_space<vmem_shared>> -> memref<4096xf32, #tpu.memory_space<vmem_shared>>
      %dma_start3A_168 = tpu.memref_slice %arg6[%multiple_of3A_41] : memref<1835008xf32, #tpu.memory_space<vmem_shared>> -> memref<4096xf32, #tpu.memory_space<vmem_shared>>
      tpu.enqueue_dma source(%arg11 : memref<4096xf32, #tpu.memory_space<vmem>>) target(%dma_start3A_168 : memref<4096xf32, #tpu.memory_space<vmem_shared>>) target_semaphore(%arg13 : memref<!tpu.dma_semaphore, #tpu.memory_space<semaphore_mem>>)
      %dma_start3A_169 = tpu.memref_slice %arg6[%multiple_of3A_46] : memref<1835008xf32, #tpu.memory_space<vmem_shared>> -> memref<4096xf32, #tpu.memory_space<vmem_shared>>
      %dma_start3A_170 = tpu.memref_slice %arg6[%multiple_of3A_46] : memref<1835008xf32, #tpu.memory_space<vmem_shared>> -> memref<4096xf32, #tpu.memory_space<vmem_shared>>
      tpu.enqueue_dma source(%arg11 : memref<4096xf32, #tpu.memory_space<vmem>>) target(%dma_start3A_170 : memref<4096xf32, #tpu.memory_space<vmem_shared>>) target_semaphore(%arg13 : memref<!tpu.dma_semaphore, #tpu.memory_space<semaphore_mem>>)
      %dma_start3A_171 = tpu.memref_slice %arg6[%multiple_of3A_51] : memref<1835008xf32, #tpu.memory_space<vmem_shared>> -> memref<4096xf32, #tpu.memory_space<vmem_shared>>
      %dma_start3A_172 = tpu.memref_slice %arg6[%multiple_of3A_51] : memref<1835008xf32, #tpu.memory_space<vmem_shared>> -> memref<4096xf32, #tpu.memory_space<vmem_shared>>
      tpu.enqueue_dma source(%arg11 : memref<4096xf32, #tpu.memory_space<vmem>>) target(%dma_start3A_172 : memref<4096xf32, #tpu.memory_space<vmem_shared>>) target_semaphore(%arg13 : memref<!tpu.dma_semaphore, #tpu.memory_space<semaphore_mem>>)
      %dma_start3A_173 = tpu.memref_slice %arg6[%multiple_of3A_56] : memref<1835008xf32, #tpu.memory_space<vmem_shared>> -> memref<4096xf32, #tpu.memory_space<vmem_shared>>
      %dma_start3A_174 = tpu.memref_slice %arg6[%multiple_of3A_56] : memref<1835008xf32, #tpu.memory_space<vmem_shared>> -> memref<4096xf32, #tpu.memory_space<vmem_shared>>
      tpu.enqueue_dma source(%arg11 : memref<4096xf32, #tpu.memory_space<vmem>>) target(%dma_start3A_174 : memref<4096xf32, #tpu.memory_space<vmem_shared>>) target_semaphore(%arg13 : memref<!tpu.dma_semaphore, #tpu.memory_space<semaphore_mem>>)
      %dma_start3A_175 = tpu.memref_slice %arg6[%multiple_of3A_61] : memref<1835008xf32, #tpu.memory_space<vmem_shared>> -> memref<4096xf32, #tpu.memory_space<vmem_shared>>
      %dma_start3A_176 = tpu.memref_slice %arg6[%multiple_of3A_61] : memref<1835008xf32, #tpu.memory_space<vmem_shared>> -> memref<4096xf32, #tpu.memory_space<vmem_shared>>
      tpu.enqueue_dma source(%arg11 : memref<4096xf32, #tpu.memory_space<vmem>>) target(%dma_start3A_176 : memref<4096xf32, #tpu.memory_space<vmem_shared>>) target_semaphore(%arg13 : memref<!tpu.dma_semaphore, #tpu.memory_space<semaphore_mem>>)
      %dma_start3A_177 = tpu.memref_slice %arg6[%multiple_of3A_66] : memref<1835008xf32, #tpu.memory_space<vmem_shared>> -> memref<4096xf32, #tpu.memory_space<vmem_shared>>
      %dma_start3A_178 = tpu.memref_slice %arg6[%multiple_of3A_66] : memref<1835008xf32, #tpu.memory_space<vmem_shared>> -> memref<4096xf32, #tpu.memory_space<vmem_shared>>
      tpu.enqueue_dma source(%arg11 : memref<4096xf32, #tpu.memory_space<vmem>>) target(%dma_start3A_178 : memref<4096xf32, #tpu.memory_space<vmem_shared>>) target_semaphore(%arg13 : memref<!tpu.dma_semaphore, #tpu.memory_space<semaphore_mem>>)
      %dma_start3A_179 = tpu.memref_slice %arg6[%multiple_of3A_71] : memref<1835008xf32, #tpu.memory_space<vmem_shared>> -> memref<4096xf32, #tpu.memory_space<vmem_shared>>
      %dma_start3A_180 = tpu.memref_slice %arg6[%multiple_of3A_71] : memref<1835008xf32, #tpu.memory_space<vmem_shared>> -> memref<4096xf32, #tpu.memory_space<vmem_shared>>
      tpu.enqueue_dma source(%arg11 : memref<4096xf32, #tpu.memory_space<vmem>>) target(%dma_start3A_180 : memref<4096xf32, #tpu.memory_space<vmem_shared>>) target_semaphore(%arg13 : memref<!tpu.dma_semaphore, #tpu.memory_space<semaphore_mem>>)
      %dma_start3A_181 = tpu.memref_slice %arg6[%multiple_of3A_76] : memref<1835008xf32, #tpu.memory_space<vmem_shared>> -> memref<4096xf32, #tpu.memory_space<vmem_shared>>
      %dma_start3A_182 = tpu.memref_slice %arg6[%multiple_of3A_76] : memref<1835008xf32, #tpu.memory_space<vmem_shared>> -> memref<4096xf32, #tpu.memory_space<vmem_shared>>
      tpu.enqueue_dma source(%arg11 : memref<4096xf32, #tpu.memory_space<vmem>>) target(%dma_start3A_182 : memref<4096xf32, #tpu.memory_space<vmem_shared>>) target_semaphore(%arg13 : memref<!tpu.dma_semaphore, #tpu.memory_space<semaphore_mem>>)
      %dma_start3A_183 = tpu.memref_slice %arg6[%multiple_of3A_81] : memref<1835008xf32, #tpu.memory_space<vmem_shared>> -> memref<4096xf32, #tpu.memory_space<vmem_shared>>
      %dma_start3A_184 = tpu.memref_slice %arg6[%multiple_of3A_81] : memref<1835008xf32, #tpu.memory_space<vmem_shared>> -> memref<4096xf32, #tpu.memory_space<vmem_shared>>
      tpu.enqueue_dma source(%arg11 : memref<4096xf32, #tpu.memory_space<vmem>>) target(%dma_start3A_184 : memref<4096xf32, #tpu.memory_space<vmem_shared>>) target_semaphore(%arg13 : memref<!tpu.dma_semaphore, #tpu.memory_space<semaphore_mem>>)
      %dma_start3A_185 = tpu.memref_slice %arg6[%multiple_of3A_86] : memref<1835008xf32, #tpu.memory_space<vmem_shared>> -> memref<4096xf32, #tpu.memory_space<vmem_shared>>
      %dma_start3A_186 = tpu.memref_slice %arg6[%multiple_of3A_86] : memref<1835008xf32, #tpu.memory_space<vmem_shared>> -> memref<4096xf32, #tpu.memory_space<vmem_shared>>
      tpu.enqueue_dma source(%arg11 : memref<4096xf32, #tpu.memory_space<vmem>>) target(%dma_start3A_186 : memref<4096xf32, #tpu.memory_space<vmem_shared>>) target_semaphore(%arg13 : memref<!tpu.dma_semaphore, #tpu.memory_space<semaphore_mem>>)
      %dma_start3A_187 = tpu.memref_slice %arg6[%multiple_of3A_91] : memref<1835008xf32, #tpu.memory_space<vmem_shared>> -> memref<4096xf32, #tpu.memory_space<vmem_shared>>
      %dma_start3A_188 = tpu.memref_slice %arg6[%multiple_of3A_91] : memref<1835008xf32, #tpu.memory_space<vmem_shared>> -> memref<4096xf32, #tpu.memory_space<vmem_shared>>
      tpu.enqueue_dma source(%arg11 : memref<4096xf32, #tpu.memory_space<vmem>>) target(%dma_start3A_188 : memref<4096xf32, #tpu.memory_space<vmem_shared>>) target_semaphore(%arg13 : memref<!tpu.dma_semaphore, #tpu.memory_space<semaphore_mem>>)
      %dma_start3A_189 = tpu.memref_slice %arg6[%multiple_of3A_96] : memref<1835008xf32, #tpu.memory_space<vmem_shared>> -> memref<4096xf32, #tpu.memory_space<vmem_shared>>
      %dma_start3A_190 = tpu.memref_slice %arg6[%multiple_of3A_96] : memref<1835008xf32, #tpu.memory_space<vmem_shared>> -> memref<4096xf32, #tpu.memory_space<vmem_shared>>
      tpu.enqueue_dma source(%arg11 : memref<4096xf32, #tpu.memory_space<vmem>>) target(%dma_start3A_190 : memref<4096xf32, #tpu.memory_space<vmem_shared>>) target_semaphore(%arg13 : memref<!tpu.dma_semaphore, #tpu.memory_space<semaphore_mem>>)
      %dma_start3A_191 = tpu.memref_slice %arg6[%multiple_of3A_101] : memref<1835008xf32, #tpu.memory_space<vmem_shared>> -> memref<4096xf32, #tpu.memory_space<vmem_shared>>
      %dma_start3A_192 = tpu.memref_slice %arg6[%multiple_of3A_101] : memref<1835008xf32, #tpu.memory_space<vmem_shared>> -> memref<4096xf32, #tpu.memory_space<vmem_shared>>
      tpu.enqueue_dma source(%arg11 : memref<4096xf32, #tpu.memory_space<vmem>>) target(%dma_start3A_192 : memref<4096xf32, #tpu.memory_space<vmem_shared>>) target_semaphore(%arg13 : memref<!tpu.dma_semaphore, #tpu.memory_space<semaphore_mem>>)
      %dma_start3A_193 = tpu.memref_slice %arg6[%multiple_of3A_106] : memref<1835008xf32, #tpu.memory_space<vmem_shared>> -> memref<4096xf32, #tpu.memory_space<vmem_shared>>
      %dma_start3A_194 = tpu.memref_slice %arg6[%multiple_of3A_106] : memref<1835008xf32, #tpu.memory_space<vmem_shared>> -> memref<4096xf32, #tpu.memory_space<vmem_shared>>
      tpu.enqueue_dma source(%arg11 : memref<4096xf32, #tpu.memory_space<vmem>>) target(%dma_start3A_194 : memref<4096xf32, #tpu.memory_space<vmem_shared>>) target_semaphore(%arg13 : memref<!tpu.dma_semaphore, #tpu.memory_space<semaphore_mem>>)
      %dma_start3A_195 = tpu.memref_slice %arg6[%multiple_of3A_111] : memref<1835008xf32, #tpu.memory_space<vmem_shared>> -> memref<4096xf32, #tpu.memory_space<vmem_shared>>
      %dma_start3A_196 = tpu.memref_slice %arg6[%multiple_of3A_111] : memref<1835008xf32, #tpu.memory_space<vmem_shared>> -> memref<4096xf32, #tpu.memory_space<vmem_shared>>
      tpu.enqueue_dma source(%arg11 : memref<4096xf32, #tpu.memory_space<vmem>>) target(%dma_start3A_196 : memref<4096xf32, #tpu.memory_space<vmem_shared>>) target_semaphore(%arg13 : memref<!tpu.dma_semaphore, #tpu.memory_space<semaphore_mem>>)
      %dma_start3A_197 = tpu.memref_slice %arg6[%multiple_of3A_116] : memref<1835008xf32, #tpu.memory_space<vmem_shared>> -> memref<4096xf32, #tpu.memory_space<vmem_shared>>
      %dma_start3A_198 = tpu.memref_slice %arg6[%multiple_of3A_116] : memref<1835008xf32, #tpu.memory_space<vmem_shared>> -> memref<4096xf32, #tpu.memory_space<vmem_shared>>
      tpu.enqueue_dma source(%arg11 : memref<4096xf32, #tpu.memory_space<vmem>>) target(%dma_start3A_198 : memref<4096xf32, #tpu.memory_space<vmem_shared>>) target_semaphore(%arg13 : memref<!tpu.dma_semaphore, #tpu.memory_space<semaphore_mem>>)
      %dma_start3A_199 = tpu.memref_slice %arg6[%multiple_of3A_121] : memref<1835008xf32, #tpu.memory_space<vmem_shared>> -> memref<4096xf32, #tpu.memory_space<vmem_shared>>
      %dma_start3A_200 = tpu.memref_slice %arg6[%multiple_of3A_121] : memref<1835008xf32, #tpu.memory_space<vmem_shared>> -> memref<4096xf32, #tpu.memory_space<vmem_shared>>
      tpu.enqueue_dma source(%arg11 : memref<4096xf32, #tpu.memory_space<vmem>>) target(%dma_start3A_200 : memref<4096xf32, #tpu.memory_space<vmem_shared>>) target_semaphore(%arg13 : memref<!tpu.dma_semaphore, #tpu.memory_space<semaphore_mem>>)
      %dma_start3A_201 = tpu.memref_slice %arg6[%multiple_of3A_126] : memref<1835008xf32, #tpu.memory_space<vmem_shared>> -> memref<4096xf32, #tpu.memory_space<vmem_shared>>
      %dma_start3A_202 = tpu.memref_slice %arg6[%multiple_of3A_126] : memref<1835008xf32, #tpu.memory_space<vmem_shared>> -> memref<4096xf32, #tpu.memory_space<vmem_shared>>
      tpu.enqueue_dma source(%arg11 : memref<4096xf32, #tpu.memory_space<vmem>>) target(%dma_start3A_202 : memref<4096xf32, #tpu.memory_space<vmem_shared>>) target_semaphore(%arg13 : memref<!tpu.dma_semaphore, #tpu.memory_space<semaphore_mem>>)
      %dma_start3A_203 = tpu.memref_slice %arg6[%multiple_of3A_131] : memref<1835008xf32, #tpu.memory_space<vmem_shared>> -> memref<4096xf32, #tpu.memory_space<vmem_shared>>
      %dma_start3A_204 = tpu.memref_slice %arg6[%multiple_of3A_131] : memref<1835008xf32, #tpu.memory_space<vmem_shared>> -> memref<4096xf32, #tpu.memory_space<vmem_shared>>
      tpu.enqueue_dma source(%arg11 : memref<4096xf32, #tpu.memory_space<vmem>>) target(%dma_start3A_204 : memref<4096xf32, #tpu.memory_space<vmem_shared>>) target_semaphore(%arg13 : memref<!tpu.dma_semaphore, #tpu.memory_space<semaphore_mem>>)
      %dma_start3A_205 = tpu.memref_slice %arg6[%multiple_of3A_136] : memref<1835008xf32, #tpu.memory_space<vmem_shared>> -> memref<4096xf32, #tpu.memory_space<vmem_shared>>
      %dma_start3A_206 = tpu.memref_slice %arg6[%multiple_of3A_136] : memref<1835008xf32, #tpu.memory_space<vmem_shared>> -> memref<4096xf32, #tpu.memory_space<vmem_shared>>
      tpu.enqueue_dma source(%arg11 : memref<4096xf32, #tpu.memory_space<vmem>>) target(%dma_start3A_206 : memref<4096xf32, #tpu.memory_space<vmem_shared>>) target_semaphore(%arg13 : memref<!tpu.dma_semaphore, #tpu.memory_space<semaphore_mem>>)
      %dma_start3A_207 = tpu.memref_slice %arg6[%multiple_of3A_141] : memref<1835008xf32, #tpu.memory_space<vmem_shared>> -> memref<4096xf32, #tpu.memory_space<vmem_shared>>
      %dma_start3A_208 = tpu.memref_slice %arg6[%multiple_of3A_141] : memref<1835008xf32, #tpu.memory_space<vmem_shared>> -> memref<4096xf32, #tpu.memory_space<vmem_shared>>
      tpu.enqueue_dma source(%arg11 : memref<4096xf32, #tpu.memory_space<vmem>>) target(%dma_start3A_208 : memref<4096xf32, #tpu.memory_space<vmem_shared>>) target_semaphore(%arg13 : memref<!tpu.dma_semaphore, #tpu.memory_space<semaphore_mem>>)
      %dma_start3A_209 = tpu.memref_slice %arg6[%multiple_of3A_146] : memref<1835008xf32, #tpu.memory_space<vmem_shared>> -> memref<4096xf32, #tpu.memory_space<vmem_shared>>
      %dma_start3A_210 = tpu.memref_slice %arg6[%multiple_of3A_146] : memref<1835008xf32, #tpu.memory_space<vmem_shared>> -> memref<4096xf32, #tpu.memory_space<vmem_shared>>
      tpu.enqueue_dma source(%arg11 : memref<4096xf32, #tpu.memory_space<vmem>>) target(%dma_start3A_210 : memref<4096xf32, #tpu.memory_space<vmem_shared>>) target_semaphore(%arg13 : memref<!tpu.dma_semaphore, #tpu.memory_space<semaphore_mem>>)
      %dma_start3A_211 = tpu.memref_slice %arg6[%multiple_of3A_151] : memref<1835008xf32, #tpu.memory_space<vmem_shared>> -> memref<4096xf32, #tpu.memory_space<vmem_shared>>
      %dma_start3A_212 = tpu.memref_slice %arg6[%multiple_of3A_151] : memref<1835008xf32, #tpu.memory_space<vmem_shared>> -> memref<4096xf32, #tpu.memory_space<vmem_shared>>
      tpu.enqueue_dma source(%arg11 : memref<4096xf32, #tpu.memory_space<vmem>>) target(%dma_start3A_212 : memref<4096xf32, #tpu.memory_space<vmem_shared>>) target_semaphore(%arg13 : memref<!tpu.dma_semaphore, #tpu.memory_space<semaphore_mem>>)
      %dma_start3A_213 = tpu.memref_slice %arg6[%multiple_of3A_156] : memref<1835008xf32, #tpu.memory_space<vmem_shared>> -> memref<4096xf32, #tpu.memory_space<vmem_shared>>
      %dma_start3A_214 = tpu.memref_slice %arg6[%multiple_of3A_156] : memref<1835008xf32, #tpu.memory_space<vmem_shared>> -> memref<4096xf32, #tpu.memory_space<vmem_shared>>
      tpu.enqueue_dma source(%arg11 : memref<4096xf32, #tpu.memory_space<vmem>>) target(%dma_start3A_214 : memref<4096xf32, #tpu.memory_space<vmem_shared>>) target_semaphore(%arg13 : memref<!tpu.dma_semaphore, #tpu.memory_space<semaphore_mem>>)
      %dma_start3A_215 = tpu.memref_slice %arg6[%multiple_of3A_161] : memref<1835008xf32, #tpu.memory_space<vmem_shared>> -> memref<4096xf32, #tpu.memory_space<vmem_shared>>
      %dma_start3A_216 = tpu.memref_slice %arg6[%multiple_of3A_161] : memref<1835008xf32, #tpu.memory_space<vmem_shared>> -> memref<4096xf32, #tpu.memory_space<vmem_shared>>
      tpu.enqueue_dma source(%arg11 : memref<4096xf32, #tpu.memory_space<vmem>>) target(%dma_start3A_216 : memref<4096xf32, #tpu.memory_space<vmem_shared>>) target_semaphore(%arg13 : memref<!tpu.dma_semaphore, #tpu.memory_space<semaphore_mem>>)
      %dma_wait3A = tpu.memref_slice %arg6[%multiple_of3A_26] : memref<1835008xf32, #tpu.memory_space<vmem_shared>> -> memref<4096xf32, #tpu.memory_space<vmem_shared>>
      %dma_wait3A_217 = tpu.memref_slice %arg6[%multiple_of3A_26] : memref<1835008xf32, #tpu.memory_space<vmem_shared>> -> memref<4096xf32, #tpu.memory_space<vmem_shared>>
      tpu.wait_dma2 semaphore(%arg13 : memref<!tpu.dma_semaphore, #tpu.memory_space<semaphore_mem>>) src(%arg11 : memref<4096xf32, #tpu.memory_space<vmem>>) dst(%dma_wait3A_217 : memref<4096xf32, #tpu.memory_space<vmem_shared>>)
      %dma_wait3A_218 = tpu.memref_slice %arg6[%multiple_of3A_31] : memref<1835008xf32, #tpu.memory_space<vmem_shared>> -> memref<4096xf32, #tpu.memory_space<vmem_shared>>
      %dma_wait3A_219 = tpu.memref_slice %arg6[%multiple_of3A_31] : memref<1835008xf32, #tpu.memory_space<vmem_shared>> -> memref<4096xf32, #tpu.memory_space<vmem_shared>>
      tpu.wait_dma2 semaphore(%arg13 : memref<!tpu.dma_semaphore, #tpu.memory_space<semaphore_mem>>) src(%arg11 : memref<4096xf32, #tpu.memory_space<vmem>>) dst(%dma_wait3A_219 : memref<4096xf32, #tpu.memory_space<vmem_shared>>)
      %dma_wait3A_220 = tpu.memref_slice %arg6[%multiple_of3A_36] : memref<1835008xf32, #tpu.memory_space<vmem_shared>> -> memref<4096xf32, #tpu.memory_space<vmem_shared>>
      %dma_wait3A_221 = tpu.memref_slice %arg6[%multiple_of3A_36] : memref<1835008xf32, #tpu.memory_space<vmem_shared>> -> memref<4096xf32, #tpu.memory_space<vmem_shared>>
      tpu.wait_dma2 semaphore(%arg13 : memref<!tpu.dma_semaphore, #tpu.memory_space<semaphore_mem>>) src(%arg11 : memref<4096xf32, #tpu.memory_space<vmem>>) dst(%dma_wait3A_221 : memref<4096xf32, #tpu.memory_space<vmem_shared>>)
      %dma_wait3A_222 = tpu.memref_slice %arg6[%multiple_of3A_41] : memref<1835008xf32, #tpu.memory_space<vmem_shared>> -> memref<4096xf32, #tpu.memory_space<vmem_shared>>
      %dma_wait3A_223 = tpu.memref_slice %arg6[%multiple_of3A_41] : memref<1835008xf32, #tpu.memory_space<vmem_shared>> -> memref<4096xf32, #tpu.memory_space<vmem_shared>>
      tpu.wait_dma2 semaphore(%arg13 : memref<!tpu.dma_semaphore, #tpu.memory_space<semaphore_mem>>) src(%arg11 : memref<4096xf32, #tpu.memory_space<vmem>>) dst(%dma_wait3A_223 : memref<4096xf32, #tpu.memory_space<vmem_shared>>)
      %dma_wait3A_224 = tpu.memref_slice %arg6[%multiple_of3A_46] : memref<1835008xf32, #tpu.memory_space<vmem_shared>> -> memref<4096xf32, #tpu.memory_space<vmem_shared>>
      %dma_wait3A_225 = tpu.memref_slice %arg6[%multiple_of3A_46] : memref<1835008xf32, #tpu.memory_space<vmem_shared>> -> memref<4096xf32, #tpu.memory_space<vmem_shared>>
      tpu.wait_dma2 semaphore(%arg13 : memref<!tpu.dma_semaphore, #tpu.memory_space<semaphore_mem>>) src(%arg11 : memref<4096xf32, #tpu.memory_space<vmem>>) dst(%dma_wait3A_225 : memref<4096xf32, #tpu.memory_space<vmem_shared>>)
      %dma_wait3A_226 = tpu.memref_slice %arg6[%multiple_of3A_51] : memref<1835008xf32, #tpu.memory_space<vmem_shared>> -> memref<4096xf32, #tpu.memory_space<vmem_shared>>
      %dma_wait3A_227 = tpu.memref_slice %arg6[%multiple_of3A_51] : memref<1835008xf32, #tpu.memory_space<vmem_shared>> -> memref<4096xf32, #tpu.memory_space<vmem_shared>>
      tpu.wait_dma2 semaphore(%arg13 : memref<!tpu.dma_semaphore, #tpu.memory_space<semaphore_mem>>) src(%arg11 : memref<4096xf32, #tpu.memory_space<vmem>>) dst(%dma_wait3A_227 : memref<4096xf32, #tpu.memory_space<vmem_shared>>)
      %dma_wait3A_228 = tpu.memref_slice %arg6[%multiple_of3A_56] : memref<1835008xf32, #tpu.memory_space<vmem_shared>> -> memref<4096xf32, #tpu.memory_space<vmem_shared>>
      %dma_wait3A_229 = tpu.memref_slice %arg6[%multiple_of3A_56] : memref<1835008xf32, #tpu.memory_space<vmem_shared>> -> memref<4096xf32, #tpu.memory_space<vmem_shared>>
      tpu.wait_dma2 semaphore(%arg13 : memref<!tpu.dma_semaphore, #tpu.memory_space<semaphore_mem>>) src(%arg11 : memref<4096xf32, #tpu.memory_space<vmem>>) dst(%dma_wait3A_229 : memref<4096xf32, #tpu.memory_space<vmem_shared>>)
      %dma_wait3A_230 = tpu.memref_slice %arg6[%multiple_of3A_61] : memref<1835008xf32, #tpu.memory_space<vmem_shared>> -> memref<4096xf32, #tpu.memory_space<vmem_shared>>
      %dma_wait3A_231 = tpu.memref_slice %arg6[%multiple_of3A_61] : memref<1835008xf32, #tpu.memory_space<vmem_shared>> -> memref<4096xf32, #tpu.memory_space<vmem_shared>>
      tpu.wait_dma2 semaphore(%arg13 : memref<!tpu.dma_semaphore, #tpu.memory_space<semaphore_mem>>) src(%arg11 : memref<4096xf32, #tpu.memory_space<vmem>>) dst(%dma_wait3A_231 : memref<4096xf32, #tpu.memory_space<vmem_shared>>)
      %dma_wait3A_232 = tpu.memref_slice %arg6[%multiple_of3A_66] : memref<1835008xf32, #tpu.memory_space<vmem_shared>> -> memref<4096xf32, #tpu.memory_space<vmem_shared>>
      %dma_wait3A_233 = tpu.memref_slice %arg6[%multiple_of3A_66] : memref<1835008xf32, #tpu.memory_space<vmem_shared>> -> memref<4096xf32, #tpu.memory_space<vmem_shared>>
      tpu.wait_dma2 semaphore(%arg13 : memref<!tpu.dma_semaphore, #tpu.memory_space<semaphore_mem>>) src(%arg11 : memref<4096xf32, #tpu.memory_space<vmem>>) dst(%dma_wait3A_233 : memref<4096xf32, #tpu.memory_space<vmem_shared>>)
      %dma_wait3A_234 = tpu.memref_slice %arg6[%multiple_of3A_71] : memref<1835008xf32, #tpu.memory_space<vmem_shared>> -> memref<4096xf32, #tpu.memory_space<vmem_shared>>
      %dma_wait3A_235 = tpu.memref_slice %arg6[%multiple_of3A_71] : memref<1835008xf32, #tpu.memory_space<vmem_shared>> -> memref<4096xf32, #tpu.memory_space<vmem_shared>>
      tpu.wait_dma2 semaphore(%arg13 : memref<!tpu.dma_semaphore, #tpu.memory_space<semaphore_mem>>) src(%arg11 : memref<4096xf32, #tpu.memory_space<vmem>>) dst(%dma_wait3A_235 : memref<4096xf32, #tpu.memory_space<vmem_shared>>)
      %dma_wait3A_236 = tpu.memref_slice %arg6[%multiple_of3A_76] : memref<1835008xf32, #tpu.memory_space<vmem_shared>> -> memref<4096xf32, #tpu.memory_space<vmem_shared>>
      %dma_wait3A_237 = tpu.memref_slice %arg6[%multiple_of3A_76] : memref<1835008xf32, #tpu.memory_space<vmem_shared>> -> memref<4096xf32, #tpu.memory_space<vmem_shared>>
      tpu.wait_dma2 semaphore(%arg13 : memref<!tpu.dma_semaphore, #tpu.memory_space<semaphore_mem>>) src(%arg11 : memref<4096xf32, #tpu.memory_space<vmem>>) dst(%dma_wait3A_237 : memref<4096xf32, #tpu.memory_space<vmem_shared>>)
      %dma_wait3A_238 = tpu.memref_slice %arg6[%multiple_of3A_81] : memref<1835008xf32, #tpu.memory_space<vmem_shared>> -> memref<4096xf32, #tpu.memory_space<vmem_shared>>
      %dma_wait3A_239 = tpu.memref_slice %arg6[%multiple_of3A_81] : memref<1835008xf32, #tpu.memory_space<vmem_shared>> -> memref<4096xf32, #tpu.memory_space<vmem_shared>>
      tpu.wait_dma2 semaphore(%arg13 : memref<!tpu.dma_semaphore, #tpu.memory_space<semaphore_mem>>) src(%arg11 : memref<4096xf32, #tpu.memory_space<vmem>>) dst(%dma_wait3A_239 : memref<4096xf32, #tpu.memory_space<vmem_shared>>)
      %dma_wait3A_240 = tpu.memref_slice %arg6[%multiple_of3A_86] : memref<1835008xf32, #tpu.memory_space<vmem_shared>> -> memref<4096xf32, #tpu.memory_space<vmem_shared>>
      %dma_wait3A_241 = tpu.memref_slice %arg6[%multiple_of3A_86] : memref<1835008xf32, #tpu.memory_space<vmem_shared>> -> memref<4096xf32, #tpu.memory_space<vmem_shared>>
      tpu.wait_dma2 semaphore(%arg13 : memref<!tpu.dma_semaphore, #tpu.memory_space<semaphore_mem>>) src(%arg11 : memref<4096xf32, #tpu.memory_space<vmem>>) dst(%dma_wait3A_241 : memref<4096xf32, #tpu.memory_space<vmem_shared>>)
      %dma_wait3A_242 = tpu.memref_slice %arg6[%multiple_of3A_91] : memref<1835008xf32, #tpu.memory_space<vmem_shared>> -> memref<4096xf32, #tpu.memory_space<vmem_shared>>
      %dma_wait3A_243 = tpu.memref_slice %arg6[%multiple_of3A_91] : memref<1835008xf32, #tpu.memory_space<vmem_shared>> -> memref<4096xf32, #tpu.memory_space<vmem_shared>>
      tpu.wait_dma2 semaphore(%arg13 : memref<!tpu.dma_semaphore, #tpu.memory_space<semaphore_mem>>) src(%arg11 : memref<4096xf32, #tpu.memory_space<vmem>>) dst(%dma_wait3A_243 : memref<4096xf32, #tpu.memory_space<vmem_shared>>)
      %dma_wait3A_244 = tpu.memref_slice %arg6[%multiple_of3A_96] : memref<1835008xf32, #tpu.memory_space<vmem_shared>> -> memref<4096xf32, #tpu.memory_space<vmem_shared>>
      %dma_wait3A_245 = tpu.memref_slice %arg6[%multiple_of3A_96] : memref<1835008xf32, #tpu.memory_space<vmem_shared>> -> memref<4096xf32, #tpu.memory_space<vmem_shared>>
      tpu.wait_dma2 semaphore(%arg13 : memref<!tpu.dma_semaphore, #tpu.memory_space<semaphore_mem>>) src(%arg11 : memref<4096xf32, #tpu.memory_space<vmem>>) dst(%dma_wait3A_245 : memref<4096xf32, #tpu.memory_space<vmem_shared>>)
      %dma_wait3A_246 = tpu.memref_slice %arg6[%multiple_of3A_101] : memref<1835008xf32, #tpu.memory_space<vmem_shared>> -> memref<4096xf32, #tpu.memory_space<vmem_shared>>
      %dma_wait3A_247 = tpu.memref_slice %arg6[%multiple_of3A_101] : memref<1835008xf32, #tpu.memory_space<vmem_shared>> -> memref<4096xf32, #tpu.memory_space<vmem_shared>>
      tpu.wait_dma2 semaphore(%arg13 : memref<!tpu.dma_semaphore, #tpu.memory_space<semaphore_mem>>) src(%arg11 : memref<4096xf32, #tpu.memory_space<vmem>>) dst(%dma_wait3A_247 : memref<4096xf32, #tpu.memory_space<vmem_shared>>)
      %dma_wait3A_248 = tpu.memref_slice %arg6[%multiple_of3A_106] : memref<1835008xf32, #tpu.memory_space<vmem_shared>> -> memref<4096xf32, #tpu.memory_space<vmem_shared>>
      %dma_wait3A_249 = tpu.memref_slice %arg6[%multiple_of3A_106] : memref<1835008xf32, #tpu.memory_space<vmem_shared>> -> memref<4096xf32, #tpu.memory_space<vmem_shared>>
      tpu.wait_dma2 semaphore(%arg13 : memref<!tpu.dma_semaphore, #tpu.memory_space<semaphore_mem>>) src(%arg11 : memref<4096xf32, #tpu.memory_space<vmem>>) dst(%dma_wait3A_249 : memref<4096xf32, #tpu.memory_space<vmem_shared>>)
      %dma_wait3A_250 = tpu.memref_slice %arg6[%multiple_of3A_111] : memref<1835008xf32, #tpu.memory_space<vmem_shared>> -> memref<4096xf32, #tpu.memory_space<vmem_shared>>
      %dma_wait3A_251 = tpu.memref_slice %arg6[%multiple_of3A_111] : memref<1835008xf32, #tpu.memory_space<vmem_shared>> -> memref<4096xf32, #tpu.memory_space<vmem_shared>>
      tpu.wait_dma2 semaphore(%arg13 : memref<!tpu.dma_semaphore, #tpu.memory_space<semaphore_mem>>) src(%arg11 : memref<4096xf32, #tpu.memory_space<vmem>>) dst(%dma_wait3A_251 : memref<4096xf32, #tpu.memory_space<vmem_shared>>)
      %dma_wait3A_252 = tpu.memref_slice %arg6[%multiple_of3A_116] : memref<1835008xf32, #tpu.memory_space<vmem_shared>> -> memref<4096xf32, #tpu.memory_space<vmem_shared>>
      %dma_wait3A_253 = tpu.memref_slice %arg6[%multiple_of3A_116] : memref<1835008xf32, #tpu.memory_space<vmem_shared>> -> memref<4096xf32, #tpu.memory_space<vmem_shared>>
      tpu.wait_dma2 semaphore(%arg13 : memref<!tpu.dma_semaphore, #tpu.memory_space<semaphore_mem>>) src(%arg11 : memref<4096xf32, #tpu.memory_space<vmem>>) dst(%dma_wait3A_253 : memref<4096xf32, #tpu.memory_space<vmem_shared>>)
      %dma_wait3A_254 = tpu.memref_slice %arg6[%multiple_of3A_121] : memref<1835008xf32, #tpu.memory_space<vmem_shared>> -> memref<4096xf32, #tpu.memory_space<vmem_shared>>
      %dma_wait3A_255 = tpu.memref_slice %arg6[%multiple_of3A_121] : memref<1835008xf32, #tpu.memory_space<vmem_shared>> -> memref<4096xf32, #tpu.memory_space<vmem_shared>>
      tpu.wait_dma2 semaphore(%arg13 : memref<!tpu.dma_semaphore, #tpu.memory_space<semaphore_mem>>) src(%arg11 : memref<4096xf32, #tpu.memory_space<vmem>>) dst(%dma_wait3A_255 : memref<4096xf32, #tpu.memory_space<vmem_shared>>)
      %dma_wait3A_256 = tpu.memref_slice %arg6[%multiple_of3A_126] : memref<1835008xf32, #tpu.memory_space<vmem_shared>> -> memref<4096xf32, #tpu.memory_space<vmem_shared>>
      %dma_wait3A_257 = tpu.memref_slice %arg6[%multiple_of3A_126] : memref<1835008xf32, #tpu.memory_space<vmem_shared>> -> memref<4096xf32, #tpu.memory_space<vmem_shared>>
      tpu.wait_dma2 semaphore(%arg13 : memref<!tpu.dma_semaphore, #tpu.memory_space<semaphore_mem>>) src(%arg11 : memref<4096xf32, #tpu.memory_space<vmem>>) dst(%dma_wait3A_257 : memref<4096xf32, #tpu.memory_space<vmem_shared>>)
      %dma_wait3A_258 = tpu.memref_slice %arg6[%multiple_of3A_131] : memref<1835008xf32, #tpu.memory_space<vmem_shared>> -> memref<4096xf32, #tpu.memory_space<vmem_shared>>
      %dma_wait3A_259 = tpu.memref_slice %arg6[%multiple_of3A_131] : memref<1835008xf32, #tpu.memory_space<vmem_shared>> -> memref<4096xf32, #tpu.memory_space<vmem_shared>>
      tpu.wait_dma2 semaphore(%arg13 : memref<!tpu.dma_semaphore, #tpu.memory_space<semaphore_mem>>) src(%arg11 : memref<4096xf32, #tpu.memory_space<vmem>>) dst(%dma_wait3A_259 : memref<4096xf32, #tpu.memory_space<vmem_shared>>)
      %dma_wait3A_260 = tpu.memref_slice %arg6[%multiple_of3A_136] : memref<1835008xf32, #tpu.memory_space<vmem_shared>> -> memref<4096xf32, #tpu.memory_space<vmem_shared>>
      %dma_wait3A_261 = tpu.memref_slice %arg6[%multiple_of3A_136] : memref<1835008xf32, #tpu.memory_space<vmem_shared>> -> memref<4096xf32, #tpu.memory_space<vmem_shared>>
      tpu.wait_dma2 semaphore(%arg13 : memref<!tpu.dma_semaphore, #tpu.memory_space<semaphore_mem>>) src(%arg11 : memref<4096xf32, #tpu.memory_space<vmem>>) dst(%dma_wait3A_261 : memref<4096xf32, #tpu.memory_space<vmem_shared>>)
      %dma_wait3A_262 = tpu.memref_slice %arg6[%multiple_of3A_141] : memref<1835008xf32, #tpu.memory_space<vmem_shared>> -> memref<4096xf32, #tpu.memory_space<vmem_shared>>
      %dma_wait3A_263 = tpu.memref_slice %arg6[%multiple_of3A_141] : memref<1835008xf32, #tpu.memory_space<vmem_shared>> -> memref<4096xf32, #tpu.memory_space<vmem_shared>>
      tpu.wait_dma2 semaphore(%arg13 : memref<!tpu.dma_semaphore, #tpu.memory_space<semaphore_mem>>) src(%arg11 : memref<4096xf32, #tpu.memory_space<vmem>>) dst(%dma_wait3A_263 : memref<4096xf32, #tpu.memory_space<vmem_shared>>)
      %dma_wait3A_264 = tpu.memref_slice %arg6[%multiple_of3A_146] : memref<1835008xf32, #tpu.memory_space<vmem_shared>> -> memref<4096xf32, #tpu.memory_space<vmem_shared>>
      %dma_wait3A_265 = tpu.memref_slice %arg6[%multiple_of3A_146] : memref<1835008xf32, #tpu.memory_space<vmem_shared>> -> memref<4096xf32, #tpu.memory_space<vmem_shared>>
      tpu.wait_dma2 semaphore(%arg13 : memref<!tpu.dma_semaphore, #tpu.memory_space<semaphore_mem>>) src(%arg11 : memref<4096xf32, #tpu.memory_space<vmem>>) dst(%dma_wait3A_265 : memref<4096xf32, #tpu.memory_space<vmem_shared>>)
      %dma_wait3A_266 = tpu.memref_slice %arg6[%multiple_of3A_151] : memref<1835008xf32, #tpu.memory_space<vmem_shared>> -> memref<4096xf32, #tpu.memory_space<vmem_shared>>
      %dma_wait3A_267 = tpu.memref_slice %arg6[%multiple_of3A_151] : memref<1835008xf32, #tpu.memory_space<vmem_shared>> -> memref<4096xf32, #tpu.memory_space<vmem_shared>>
      tpu.wait_dma2 semaphore(%arg13 : memref<!tpu.dma_semaphore, #tpu.memory_space<semaphore_mem>>) src(%arg11 : memref<4096xf32, #tpu.memory_space<vmem>>) dst(%dma_wait3A_267 : memref<4096xf32, #tpu.memory_space<vmem_shared>>)
      %dma_wait3A_268 = tpu.memref_slice %arg6[%multiple_of3A_156] : memref<1835008xf32, #tpu.memory_space<vmem_shared>> -> memref<4096xf32, #tpu.memory_space<vmem_shared>>
      %dma_wait3A_269 = tpu.memref_slice %arg6[%multiple_of3A_156] : memref<1835008xf32, #tpu.memory_space<vmem_shared>> -> memref<4096xf32, #tpu.memory_space<vmem_shared>>
      tpu.wait_dma2 semaphore(%arg13 : memref<!tpu.dma_semaphore, #tpu.memory_space<semaphore_mem>>) src(%arg11 : memref<4096xf32, #tpu.memory_space<vmem>>) dst(%dma_wait3A_269 : memref<4096xf32, #tpu.memory_space<vmem_shared>>)
      %dma_wait3A_270 = tpu.memref_slice %arg6[%multiple_of3A_161] : memref<1835008xf32, #tpu.memory_space<vmem_shared>> -> memref<4096xf32, #tpu.memory_space<vmem_shared>>
      %dma_wait3A_271 = tpu.memref_slice %arg6[%multiple_of3A_161] : memref<1835008xf32, #tpu.memory_space<vmem_shared>> -> memref<4096xf32, #tpu.memory_space<vmem_shared>>
      tpu.wait_dma2 semaphore(%arg13 : memref<!tpu.dma_semaphore, #tpu.memory_space<semaphore_mem>>) src(%arg11 : memref<4096xf32, #tpu.memory_space<vmem>>) dst(%dma_wait3A_271 : memref<4096xf32, #tpu.memory_space<vmem_shared>>)
      %barrier3A = arith.constant 0 : index
      tpu.barrier barrier_id(%barrier3A)
      %scan3A_272 = arith.constant 0 : i32
      %scan3A_273 = arith.constant 16 : i32
      %scan3A_274 = arith.addi %scan3A_272, %scan3A_273 : i32
      %scan3A_275 = arith.constant 1 : i32
      scf.for %scan3A_287 = %scan3A_272 to %scan3A_274 step %scan3A_275  : i32 {
        %mul3A_288 = arith.constant 1 : i32
        %mul3A_289 = arith.muli %scan3A_287, %mul3A_288 : i32
        %add3A_290 = arith.constant 0 : i32
        %add3A_291 = arith.addi %add3A_290, %mul3A_289 : i32
        %mul3A_292 = arith.constant 4 : i32
        %mul3A_293 = arith.muli %add3A_291, %mul3A_292 : i32
        %add3A_294 = arith.constant 0 : i32
        %add3A_295 = arith.addi %mul3A_293, %add3A_294 : i32
        %mul3A_296 = arith.constant 64 : i32
        %mul3A_297 = arith.muli %arg1, %mul3A_296 : i32
        %add3A_298 = arith.addi %mul3A_297, %add3A_295 : i32
        %and3A = arith.constant 31 : i32
        %and3A_299 = arith.andi %add3A_295, %and3A : i32
        %lt3A = arith.constant 21 : i32
        %lt3A_300 = arith.cmpi slt, %and3A_299, %lt3A : i32
        %shift_right_logical3A = arith.constant 4 : i32
        %shift_right_logical3A_301 = arith.shrui %add3A_298, %shift_right_logical3A : i32
        %mul3A_302 = arith.constant 16 : i32
        %mul3A_303 = arith.muli %shift_right_logical3A_301, %mul3A_302 : i32
        %multiple_of3A_304 = tpu.assume_multiple %mul3A_303, 16 : i32
        %get3A = arith.index_cast %multiple_of3A_304 : i32 to index
        %get3A_305 = tpu.vector_load %arg7[%get3A] {strides = array<i32>} : memref<1024xi32, #tpu.memory_space<vmem>>, vector<16xi32>,
        %and3A_306 = arith.constant 15 : i32
        %and3A_307 = arith.andi %add3A_298, %and3A_306 : i32
        %iota3A = tpu.iota {dimensions = array<i32: 0>} : vector<16xi32>
        %eq3A = vector.broadcast %and3A_307 : i32 to vector<16xi32>
        %eq3A_308 = arith.cmpi eq, %iota3A, %eq3A : vector<16xi32>
        %jit3A = arith.constant 0 : i32
        %broadcast_in_dim3A = vector.broadcast %jit3A : i32 to vector<16xi32>
        %select_n3A = arith.select %eq3A_308, %get3A_305, %broadcast_in_dim3A : vector<16xi1>, vector<16xi32>
        %reduce_sum3A = arith.constant true
        %reduce_sum3A_309 = vector.broadcast %reduce_sum3A : i1 to vector<16xi1>
        %reduce_sum3A_310 = tpu.scan <sum>, %select_n3A masked %reduce_sum3A_309 : vector<16xi32>, vector<16xi1> -> vector<16xi32>
        %reduce_sum3A_311 = vector.extract %reduce_sum3A_310[15] : i32 from vector<16xi32>
        %jit3A_312 = arith.constant 0 : i32
        %select_n3A_313 = arith.select %lt3A_300, %reduce_sum3A_311, %jit3A_312 : i32
        %shift_right_logical3A_314 = arith.constant 4 : i32
        %shift_right_logical3A_315 = arith.shrui %add3A_298, %shift_right_logical3A_314 : i32
        %mul3A_316 = arith.constant 16 : i32
        %mul3A_317 = arith.muli %shift_right_logical3A_315, %mul3A_316 : i32
        %multiple_of3A_318 = tpu.assume_multiple %mul3A_317, 16 : i32
        %get3A_319 = arith.index_cast %multiple_of3A_318 : i32 to index
        %get3A_320 = tpu.vector_load %arg8[%get3A_319] {strides = array<i32>} : memref<1024xi32, #tpu.memory_space<vmem>>, vector<16xi32>,
        %and3A_321 = arith.constant 15 : i32
        %and3A_322 = arith.andi %add3A_298, %and3A_321 : i32
        %iota3A_323 = tpu.iota {dimensions = array<i32: 0>} : vector<16xi32>
        %eq3A_324 = vector.broadcast %and3A_322 : i32 to vector<16xi32>
        %eq3A_325 = arith.cmpi eq, %iota3A_323, %eq3A_324 : vector<16xi32>
        %jit3A_326 = arith.constant 0 : i32
        %broadcast_in_dim3A_327 = vector.broadcast %jit3A_326 : i32 to vector<16xi32>
        %select_n3A_328 = arith.select %eq3A_325, %get3A_320, %broadcast_in_dim3A_327 : vector<16xi1>, vector<16xi32>
        %reduce_sum3A_329 = arith.constant true
        %reduce_sum3A_330 = vector.broadcast %reduce_sum3A_329 : i1 to vector<16xi1>
        %reduce_sum3A_331 = tpu.scan <sum>, %select_n3A_328 masked %reduce_sum3A_330 : vector<16xi32>, vector<16xi1> -> vector<16xi32>
        %reduce_sum3A_332 = vector.extract %reduce_sum3A_331[15] : i32 from vector<16xi32>
        %jit3A_333 = arith.constant 0 : i32
        %select_n3A_334 = arith.select %lt3A_300, %reduce_sum3A_332, %jit3A_333 : i32
        %and3A_335 = arith.constant -16 : i32
        %and3A_336 = arith.andi %select_n3A_313, %and3A_335 : i32
        %sub3A = arith.subi %select_n3A_334, %and3A_336 : i32
        %add3A_337 = arith.constant 1023 : i32
        %add3A_338 = arith.addi %sub3A, %add3A_337 : i32
        %shift_right_logical3A_339 = arith.constant 10 : i32
        %shift_right_logical3A_340 = arith.shrui %add3A_338, %shift_right_logical3A_339 : i32
        %jit3A_341 = arith.constant 0 : i32
        %select_n3A_342 = arith.select %lt3A_300, %shift_right_logical3A_340, %jit3A_341 : i32
        %add3A_343 = arith.constant 1 : i32
        %add3A_344 = arith.addi %mul3A_293, %add3A_343 : i32
        %mul3A_345 = arith.constant 64 : i32
        %mul3A_346 = arith.muli %arg1, %mul3A_345 : i32
        %add3A_347 = arith.addi %mul3A_346, %add3A_344 : i32
        %and3A_348 = arith.constant 31 : i32
        %and3A_349 = arith.andi %add3A_344, %and3A_348 : i32
        %lt3A_350 = arith.constant 21 : i32
        %lt3A_351 = arith.cmpi slt, %and3A_349, %lt3A_350 : i32
        %shift_right_logical3A_352 = arith.constant 4 : i32
        %shift_right_logical3A_353 = arith.shrui %add3A_347, %shift_right_logical3A_352 : i32
        %mul3A_354 = arith.constant 16 : i32
        %mul3A_355 = arith.muli %shift_right_logical3A_353, %mul3A_354 : i32
        %multiple_of3A_356 = tpu.assume_multiple %mul3A_355, 16 : i32
        %get3A_357 = arith.index_cast %multiple_of3A_356 : i32 to index
        %get3A_358 = tpu.vector_load %arg7[%get3A_357] {strides = array<i32>} : memref<1024xi32, #tpu.memory_space<vmem>>, vector<16xi32>,
        %and3A_359 = arith.constant 15 : i32
        %and3A_360 = arith.andi %add3A_347, %and3A_359 : i32
        %iota3A_361 = tpu.iota {dimensions = array<i32: 0>} : vector<16xi32>
        %eq3A_362 = vector.broadcast %and3A_360 : i32 to vector<16xi32>
        %eq3A_363 = arith.cmpi eq, %iota3A_361, %eq3A_362 : vector<16xi32>
        %jit3A_364 = arith.constant 0 : i32
        %broadcast_in_dim3A_365 = vector.broadcast %jit3A_364 : i32 to vector<16xi32>
        %select_n3A_366 = arith.select %eq3A_363, %get3A_358, %broadcast_in_dim3A_365 : vector<16xi1>, vector<16xi32>
        %reduce_sum3A_367 = arith.constant true
        %reduce_sum3A_368 = vector.broadcast %reduce_sum3A_367 : i1 to vector<16xi1>
        %reduce_sum3A_369 = tpu.scan <sum>, %select_n3A_366 masked %reduce_sum3A_368 : vector<16xi32>, vector<16xi1> -> vector<16xi32>
        %reduce_sum3A_370 = vector.extract %reduce_sum3A_369[15] : i32 from vector<16xi32>
        %jit3A_371 = arith.constant 0 : i32
        %select_n3A_372 = arith.select %lt3A_351, %reduce_sum3A_370, %jit3A_371 : i32
        %shift_right_logical3A_373 = arith.constant 4 : i32
        %shift_right_logical3A_374 = arith.shrui %add3A_347, %shift_right_logical3A_373 : i32
        %mul3A_375 = arith.constant 16 : i32
        %mul3A_376 = arith.muli %shift_right_logical3A_374, %mul3A_375 : i32
        %multiple_of3A_377 = tpu.assume_multiple %mul3A_376, 16 : i32
        %get3A_378 = arith.index_cast %multiple_of3A_377 : i32 to index
        %get3A_379 = tpu.vector_load %arg8[%get3A_378] {strides = array<i32>} : memref<1024xi32, #tpu.memory_space<vmem>>, vector<16xi32>,
        %and3A_380 = arith.constant 15 : i32
        %and3A_381 = arith.andi %add3A_347, %and3A_380 : i32
        %iota3A_382 = tpu.iota {dimensions = array<i32: 0>} : vector<16xi32>
        %eq3A_383 = vector.broadcast %and3A_381 : i32 to vector<16xi32>
        %eq3A_384 = arith.cmpi eq, %iota3A_382, %eq3A_383 : vector<16xi32>
        %jit3A_385 = arith.constant 0 : i32
        %broadcast_in_dim3A_386 = vector.broadcast %jit3A_385 : i32 to vector<16xi32>
        %select_n3A_387 = arith.select %eq3A_384, %get3A_379, %broadcast_in_dim3A_386 : vector<16xi1>, vector<16xi32>
        %reduce_sum3A_388 = arith.constant true
        %reduce_sum3A_389 = vector.broadcast %reduce_sum3A_388 : i1 to vector<16xi1>
        %reduce_sum3A_390 = tpu.scan <sum>, %select_n3A_387 masked %reduce_sum3A_389 : vector<16xi32>, vector<16xi1> -> vector<16xi32>
        %reduce_sum3A_391 = vector.extract %reduce_sum3A_390[15] : i32 from vector<16xi32>
        %jit3A_392 = arith.constant 0 : i32
        %select_n3A_393 = arith.select %lt3A_351, %reduce_sum3A_391, %jit3A_392 : i32
        %and3A_394 = arith.constant -16 : i32
        %and3A_395 = arith.andi %select_n3A_372, %and3A_394 : i32
        %sub3A_396 = arith.subi %select_n3A_393, %and3A_395 : i32
        %add3A_397 = arith.constant 1023 : i32
        %add3A_398 = arith.addi %sub3A_396, %add3A_397 : i32
        %shift_right_logical3A_399 = arith.constant 10 : i32
        %shift_right_logical3A_400 = arith.shrui %add3A_398, %shift_right_logical3A_399 : i32
        %jit3A_401 = arith.constant 0 : i32
        %select_n3A_402 = arith.select %lt3A_351, %shift_right_logical3A_400, %jit3A_401 : i32
        %add3A_403 = arith.constant 2 : i32
        %add3A_404 = arith.addi %mul3A_293, %add3A_403 : i32
        %mul3A_405 = arith.constant 64 : i32
        %mul3A_406 = arith.muli %arg1, %mul3A_405 : i32
        %add3A_407 = arith.addi %mul3A_406, %add3A_404 : i32
        %and3A_408 = arith.constant 31 : i32
        %and3A_409 = arith.andi %add3A_404, %and3A_408 : i32
        %lt3A_410 = arith.constant 21 : i32
        %lt3A_411 = arith.cmpi slt, %and3A_409, %lt3A_410 : i32
        %shift_right_logical3A_412 = arith.constant 4 : i32
        %shift_right_logical3A_413 = arith.shrui %add3A_407, %shift_right_logical3A_412 : i32
        %mul3A_414 = arith.constant 16 : i32
        %mul3A_415 = arith.muli %shift_right_logical3A_413, %mul3A_414 : i32
        %multiple_of3A_416 = tpu.assume_multiple %mul3A_415, 16 : i32
        %get3A_417 = arith.index_cast %multiple_of3A_416 : i32 to index
        %get3A_418 = tpu.vector_load %arg7[%get3A_417] {strides = array<i32>} : memref<1024xi32, #tpu.memory_space<vmem>>, vector<16xi32>,
        %and3A_419 = arith.constant 15 : i32
        %and3A_420 = arith.andi %add3A_407, %and3A_419 : i32
        %iota3A_421 = tpu.iota {dimensions = array<i32: 0>} : vector<16xi32>
        %eq3A_422 = vector.broadcast %and3A_420 : i32 to vector<16xi32>
        %eq3A_423 = arith.cmpi eq, %iota3A_421, %eq3A_422 : vector<16xi32>
        %jit3A_424 = arith.constant 0 : i32
        %broadcast_in_dim3A_425 = vector.broadcast %jit3A_424 : i32 to vector<16xi32>
        %select_n3A_426 = arith.select %eq3A_423, %get3A_418, %broadcast_in_dim3A_425 : vector<16xi1>, vector<16xi32>
        %reduce_sum3A_427 = arith.constant true
        %reduce_sum3A_428 = vector.broadcast %reduce_sum3A_427 : i1 to vector<16xi1>
        %reduce_sum3A_429 = tpu.scan <sum>, %select_n3A_426 masked %reduce_sum3A_428 : vector<16xi32>, vector<16xi1> -> vector<16xi32>
        %reduce_sum3A_430 = vector.extract %reduce_sum3A_429[15] : i32 from vector<16xi32>
        %jit3A_431 = arith.constant 0 : i32
        %select_n3A_432 = arith.select %lt3A_411, %reduce_sum3A_430, %jit3A_431 : i32
        %shift_right_logical3A_433 = arith.constant 4 : i32
        %shift_right_logical3A_434 = arith.shrui %add3A_407, %shift_right_logical3A_433 : i32
        %mul3A_435 = arith.constant 16 : i32
        %mul3A_436 = arith.muli %shift_right_logical3A_434, %mul3A_435 : i32
        %multiple_of3A_437 = tpu.assume_multiple %mul3A_436, 16 : i32
        %get3A_438 = arith.index_cast %multiple_of3A_437 : i32 to index
        %get3A_439 = tpu.vector_load %arg8[%get3A_438] {strides = array<i32>} : memref<1024xi32, #tpu.memory_space<vmem>>, vector<16xi32>,
        %and3A_440 = arith.constant 15 : i32
        %and3A_441 = arith.andi %add3A_407, %and3A_440 : i32
        %iota3A_442 = tpu.iota {dimensions = array<i32: 0>} : vector<16xi32>
        %eq3A_443 = vector.broadcast %and3A_441 : i32 to vector<16xi32>
        %eq3A_444 = arith.cmpi eq, %iota3A_442, %eq3A_443 : vector<16xi32>
        %jit3A_445 = arith.constant 0 : i32
        %broadcast_in_dim3A_446 = vector.broadcast %jit3A_445 : i32 to vector<16xi32>
        %select_n3A_447 = arith.select %eq3A_444, %get3A_439, %broadcast_in_dim3A_446 : vector<16xi1>, vector<16xi32>
        %reduce_sum3A_448 = arith.constant true
        %reduce_sum3A_449 = vector.broadcast %reduce_sum3A_448 : i1 to vector<16xi1>
        %reduce_sum3A_450 = tpu.scan <sum>, %select_n3A_447 masked %reduce_sum3A_449 : vector<16xi32>, vector<16xi1> -> vector<16xi32>
        %reduce_sum3A_451 = vector.extract %reduce_sum3A_450[15] : i32 from vector<16xi32>
        %jit3A_452 = arith.constant 0 : i32
        %select_n3A_453 = arith.select %lt3A_411, %reduce_sum3A_451, %jit3A_452 : i32
        %and3A_454 = arith.constant -16 : i32
        %and3A_455 = arith.andi %select_n3A_432, %and3A_454 : i32
        %sub3A_456 = arith.subi %select_n3A_453, %and3A_455 : i32
        %add3A_457 = arith.constant 1023 : i32
        %add3A_458 = arith.addi %sub3A_456, %add3A_457 : i32
        %shift_right_logical3A_459 = arith.constant 10 : i32
        %shift_right_logical3A_460 = arith.shrui %add3A_458, %shift_right_logical3A_459 : i32
        %jit3A_461 = arith.constant 0 : i32
        %select_n3A_462 = arith.select %lt3A_411, %shift_right_logical3A_460, %jit3A_461 : i32
        %add3A_463 = arith.constant 3 : i32
        %add3A_464 = arith.addi %mul3A_293, %add3A_463 : i32
        %mul3A_465 = arith.constant 64 : i32
        %mul3A_466 = arith.muli %arg1, %mul3A_465 : i32
        %add3A_467 = arith.addi %mul3A_466, %add3A_464 : i32
        %and3A_468 = arith.constant 31 : i32
        %and3A_469 = arith.andi %add3A_464, %and3A_468 : i32
        %lt3A_470 = arith.constant 21 : i32
        %lt3A_471 = arith.cmpi slt, %and3A_469, %lt3A_470 : i32
        %shift_right_logical3A_472 = arith.constant 4 : i32
        %shift_right_logical3A_473 = arith.shrui %add3A_467, %shift_right_logical3A_472 : i32
        %mul3A_474 = arith.constant 16 : i32
        %mul3A_475 = arith.muli %shift_right_logical3A_473, %mul3A_474 : i32
        %multiple_of3A_476 = tpu.assume_multiple %mul3A_475, 16 : i32
        %get3A_477 = arith.index_cast %multiple_of3A_476 : i32 to index
        %get3A_478 = tpu.vector_load %arg7[%get3A_477] {strides = array<i32>} : memref<1024xi32, #tpu.memory_space<vmem>>, vector<16xi32>,
        %and3A_479 = arith.constant 15 : i32
        %and3A_480 = arith.andi %add3A_467, %and3A_479 : i32
        %iota3A_481 = tpu.iota {dimensions = array<i32: 0>} : vector<16xi32>
        %eq3A_482 = vector.broadcast %and3A_480 : i32 to vector<16xi32>
        %eq3A_483 = arith.cmpi eq, %iota3A_481, %eq3A_482 : vector<16xi32>
        %jit3A_484 = arith.constant 0 : i32
        %broadcast_in_dim3A_485 = vector.broadcast %jit3A_484 : i32 to vector<16xi32>
        %select_n3A_486 = arith.select %eq3A_483, %get3A_478, %broadcast_in_dim3A_485 : vector<16xi1>, vector<16xi32>
        %reduce_sum3A_487 = arith.constant true
        %reduce_sum3A_488 = vector.broadcast %reduce_sum3A_487 : i1 to vector<16xi1>
        %reduce_sum3A_489 = tpu.scan <sum>, %select_n3A_486 masked %reduce_sum3A_488 : vector<16xi32>, vector<16xi1> -> vector<16xi32>
        %reduce_sum3A_490 = vector.extract %reduce_sum3A_489[15] : i32 from vector<16xi32>
        %jit3A_491 = arith.constant 0 : i32
        %select_n3A_492 = arith.select %lt3A_471, %reduce_sum3A_490, %jit3A_491 : i32
        %shift_right_logical3A_493 = arith.constant 4 : i32
        %shift_right_logical3A_494 = arith.shrui %add3A_467, %shift_right_logical3A_493 : i32
        %mul3A_495 = arith.constant 16 : i32
        %mul3A_496 = arith.muli %shift_right_logical3A_494, %mul3A_495 : i32
        %multiple_of3A_497 = tpu.assume_multiple %mul3A_496, 16 : i32
        %get3A_498 = arith.index_cast %multiple_of3A_497 : i32 to index
        %get3A_499 = tpu.vector_load %arg8[%get3A_498] {strides = array<i32>} : memref<1024xi32, #tpu.memory_space<vmem>>, vector<16xi32>,
        %and3A_500 = arith.constant 15 : i32
        %and3A_501 = arith.andi %add3A_467, %and3A_500 : i32
        %iota3A_502 = tpu.iota {dimensions = array<i32: 0>} : vector<16xi32>
        %eq3A_503 = vector.broadcast %and3A_501 : i32 to vector<16xi32>
        %eq3A_504 = arith.cmpi eq, %iota3A_502, %eq3A_503 : vector<16xi32>
        %jit3A_505 = arith.constant 0 : i32
        %broadcast_in_dim3A_506 = vector.broadcast %jit3A_505 : i32 to vector<16xi32>
        %select_n3A_507 = arith.select %eq3A_504, %get3A_499, %broadcast_in_dim3A_506 : vector<16xi1>, vector<16xi32>
        %reduce_sum3A_508 = arith.constant true
        %reduce_sum3A_509 = vector.broadcast %reduce_sum3A_508 : i1 to vector<16xi1>
        %reduce_sum3A_510 = tpu.scan <sum>, %select_n3A_507 masked %reduce_sum3A_509 : vector<16xi32>, vector<16xi1> -> vector<16xi32>
        %reduce_sum3A_511 = vector.extract %reduce_sum3A_510[15] : i32 from vector<16xi32>
        %jit3A_512 = arith.constant 0 : i32
        %select_n3A_513 = arith.select %lt3A_471, %reduce_sum3A_511, %jit3A_512 : i32
        %and3A_514 = arith.constant -16 : i32
        %and3A_515 = arith.andi %select_n3A_492, %and3A_514 : i32
        %sub3A_516 = arith.subi %select_n3A_513, %and3A_515 : i32
        %add3A_517 = arith.constant 1023 : i32
        %add3A_518 = arith.addi %sub3A_516, %add3A_517 : i32
        %shift_right_logical3A_519 = arith.constant 10 : i32
        %shift_right_logical3A_520 = arith.shrui %add3A_518, %shift_right_logical3A_519 : i32
        %jit3A_521 = arith.constant 0 : i32
        %select_n3A_522 = arith.select %lt3A_471, %shift_right_logical3A_520, %jit3A_521 : i32
        %max3A = arith.maxsi %select_n3A_342, %select_n3A_402 : i32
        %max3A_523 = arith.maxsi %max3A, %select_n3A_462 : i32
        %max3A_524 = arith.maxsi %max3A_523, %select_n3A_522 : i32
        %sub3A_525 = arith.constant 0 : i32
        %sub3A_526 = arith.subi %max3A_524, %sub3A_525 : i32
        %sub3A_527 = arith.constant 1 : i32
        %sub3A_528 = arith.constant 1 : i32
        %sub3A_529 = arith.subi %sub3A_527, %sub3A_528 : i32
        %add3A_530 = arith.addi %sub3A_526, %sub3A_529 : i32
        %div3A = arith.constant 1 : i32
        %div3A_531 = arith.divsi %add3A_530, %div3A : i32
        %while3A = arith.constant 1 : i32
        %while3A_532 = arith.constant 0 : i32
        %while3A_533 = arith.constant 0 : i32
        %while3A_534 = arith.subi %div3A_531, %while3A_533 : i32
        %while3A_535 = arith.addi %while3A_533, %while3A_534 : i32
        %while3A_536 = arith.constant 1 : i32
        %while3A_537 = arith.divsi %while3A_534, %while3A_536 : i32
        %while3A_538 = arith.muli %while3A_537, %while3A_536 : i32
        %while3A_539 = arith.addi %while3A_533, %while3A_538 : i32
        %while3A_540 = arith.constant 1 : i32
        scf.for %while3A_542 = %while3A_533 to %while3A_539 step %while3A_540  : i32 {
          %mul3A_543 = arith.muli %while3A_542, %while3A : i32
          %add3A_544 = arith.addi %while3A_532, %mul3A_543 : i32
          %mul3A_545 = arith.constant 1024 : i32
          %mul3A_546 = arith.muli %add3A_544, %mul3A_545 : i32
          %add3A_547 = arith.addi %and3A_336, %mul3A_546 : i32
          %multiple_of3A_548 = tpu.assume_multiple %add3A_547, 16 : i32
          %mul3A_549 = arith.constant 1024 : i32
          %mul3A_550 = arith.muli %add3A_544, %mul3A_549 : i32
          %add3A_551 = arith.addi %and3A_395, %mul3A_550 : i32
          %multiple_of3A_552 = tpu.assume_multiple %add3A_551, 16 : i32
          %mul3A_553 = arith.constant 1024 : i32
          %mul3A_554 = arith.muli %add3A_544, %mul3A_553 : i32
          %add3A_555 = arith.addi %and3A_455, %mul3A_554 : i32
          %multiple_of3A_556 = tpu.assume_multiple %add3A_555, 16 : i32
          %mul3A_557 = arith.constant 1024 : i32
          %mul3A_558 = arith.muli %add3A_544, %mul3A_557 : i32
          %add3A_559 = arith.addi %and3A_515, %mul3A_558 : i32
          %multiple_of3A_560 = tpu.assume_multiple %add3A_559, 16 : i32
          %lt3A_561 = arith.cmpi slt, %add3A_544, %select_n3A_342 : i32
          %convert_element_type3A = arith.extui %lt3A_561 : i1 to i32
          %cond3A = arith.constant 0 : i32
          %cond3A_562 = arith.cmpi ne, %convert_element_type3A, %cond3A : i32
          scf.if %cond3A_562 {
            %dma_start3A_647 = arith.constant 0 : i32
            %dma_start3A_648 = tpu.memref_slice %arg9[%dma_start3A_647] : memref<4096xi32, #tpu.memory_space<vmem>> -> memref<1024xi32, #tpu.memory_space<vmem>>
            %dma_start3A_649 = tpu.memref_slice %arg2[%multiple_of3A_548] : memref<19268608xi32, #tpu.memory_space<hbm>> -> memref<1024xi32, #tpu.memory_space<hbm>>
            %dma_start3A_650 = arith.constant 0 : i32
            %dma_start3A_651 = tpu.memref_slice %arg9[%dma_start3A_650] : memref<4096xi32, #tpu.memory_space<vmem>> -> memref<1024xi32, #tpu.memory_space<vmem>>
            %dma_start3A_652 = tpu.memref_slice %arg2[%multiple_of3A_548] : memref<19268608xi32, #tpu.memory_space<hbm>> -> memref<1024xi32, #tpu.memory_space<hbm>>
            tpu.enqueue_dma source(%dma_start3A_652 : memref<1024xi32, #tpu.memory_space<hbm>>) target(%dma_start3A_651 : memref<1024xi32, #tpu.memory_space<vmem>>) target_semaphore(%arg12 : memref<!tpu.dma_semaphore, #tpu.memory_space<semaphore_mem>>)
            %dma_start3A_653 = arith.constant 0 : i32
            %dma_start3A_654 = tpu.memref_slice %arg10[%dma_start3A_653] : memref<4096xf32, #tpu.memory_space<vmem>> -> memref<1024xf32, #tpu.memory_space<vmem>>
            %dma_start3A_655 = tpu.memref_slice %arg3[%multiple_of3A_548] : memref<19268608xf32, #tpu.memory_space<hbm>> -> memref<1024xf32, #tpu.memory_space<hbm>>
            %dma_start3A_656 = arith.constant 0 : i32
            %dma_start3A_657 = tpu.memref_slice %arg10[%dma_start3A_656] : memref<4096xf32, #tpu.memory_space<vmem>> -> memref<1024xf32, #tpu.memory_space<vmem>>
            %dma_start3A_658 = tpu.memref_slice %arg3[%multiple_of3A_548] : memref<19268608xf32, #tpu.memory_space<hbm>> -> memref<1024xf32, #tpu.memory_space<hbm>>
            tpu.enqueue_dma source(%dma_start3A_658 : memref<1024xf32, #tpu.memory_space<hbm>>) target(%dma_start3A_657 : memref<1024xf32, #tpu.memory_space<vmem>>) target_semaphore(%arg12 : memref<!tpu.dma_semaphore, #tpu.memory_space<semaphore_mem>>)
          } else {
          }
          %lt3A_563 = arith.cmpi slt, %add3A_544, %select_n3A_402 : i32
          %convert_element_type3A_564 = arith.extui %lt3A_563 : i1 to i32
          %cond3A_565 = arith.constant 0 : i32
          %cond3A_566 = arith.cmpi ne, %convert_element_type3A_564, %cond3A_565 : i32
          scf.if %cond3A_566 {
            %dma_start3A_647 = arith.constant 1024 : i32
            %dma_start3A_648 = tpu.memref_slice %arg9[%dma_start3A_647] : memref<4096xi32, #tpu.memory_space<vmem>> -> memref<1024xi32, #tpu.memory_space<vmem>>
            %dma_start3A_649 = tpu.memref_slice %arg2[%multiple_of3A_552] : memref<19268608xi32, #tpu.memory_space<hbm>> -> memref<1024xi32, #tpu.memory_space<hbm>>
            %dma_start3A_650 = arith.constant 1024 : i32
            %dma_start3A_651 = tpu.memref_slice %arg9[%dma_start3A_650] : memref<4096xi32, #tpu.memory_space<vmem>> -> memref<1024xi32, #tpu.memory_space<vmem>>
            %dma_start3A_652 = tpu.memref_slice %arg2[%multiple_of3A_552] : memref<19268608xi32, #tpu.memory_space<hbm>> -> memref<1024xi32, #tpu.memory_space<hbm>>
            tpu.enqueue_dma source(%dma_start3A_652 : memref<1024xi32, #tpu.memory_space<hbm>>) target(%dma_start3A_651 : memref<1024xi32, #tpu.memory_space<vmem>>) target_semaphore(%arg12 : memref<!tpu.dma_semaphore, #tpu.memory_space<semaphore_mem>>)
            %dma_start3A_653 = arith.constant 1024 : i32
            %dma_start3A_654 = tpu.memref_slice %arg10[%dma_start3A_653] : memref<4096xf32, #tpu.memory_space<vmem>> -> memref<1024xf32, #tpu.memory_space<vmem>>
            %dma_start3A_655 = tpu.memref_slice %arg3[%multiple_of3A_552] : memref<19268608xf32, #tpu.memory_space<hbm>> -> memref<1024xf32, #tpu.memory_space<hbm>>
            %dma_start3A_656 = arith.constant 1024 : i32
            %dma_start3A_657 = tpu.memref_slice %arg10[%dma_start3A_656] : memref<4096xf32, #tpu.memory_space<vmem>> -> memref<1024xf32, #tpu.memory_space<vmem>>
            %dma_start3A_658 = tpu.memref_slice %arg3[%multiple_of3A_552] : memref<19268608xf32, #tpu.memory_space<hbm>> -> memref<1024xf32, #tpu.memory_space<hbm>>
            tpu.enqueue_dma source(%dma_start3A_658 : memref<1024xf32, #tpu.memory_space<hbm>>) target(%dma_start3A_657 : memref<1024xf32, #tpu.memory_space<vmem>>) target_semaphore(%arg12 : memref<!tpu.dma_semaphore, #tpu.memory_space<semaphore_mem>>)
          } else {
          }
          %lt3A_567 = arith.cmpi slt, %add3A_544, %select_n3A_462 : i32
          %convert_element_type3A_568 = arith.extui %lt3A_567 : i1 to i32
          %cond3A_569 = arith.constant 0 : i32
          %cond3A_570 = arith.cmpi ne, %convert_element_type3A_568, %cond3A_569 : i32
          scf.if %cond3A_570 {
            %dma_start3A_647 = arith.constant 2048 : i32
            %dma_start3A_648 = tpu.memref_slice %arg9[%dma_start3A_647] : memref<4096xi32, #tpu.memory_space<vmem>> -> memref<1024xi32, #tpu.memory_space<vmem>>
            %dma_start3A_649 = tpu.memref_slice %arg2[%multiple_of3A_556] : memref<19268608xi32, #tpu.memory_space<hbm>> -> memref<1024xi32, #tpu.memory_space<hbm>>
            %dma_start3A_650 = arith.constant 2048 : i32
            %dma_start3A_651 = tpu.memref_slice %arg9[%dma_start3A_650] : memref<4096xi32, #tpu.memory_space<vmem>> -> memref<1024xi32, #tpu.memory_space<vmem>>
            %dma_start3A_652 = tpu.memref_slice %arg2[%multiple_of3A_556] : memref<19268608xi32, #tpu.memory_space<hbm>> -> memref<1024xi32, #tpu.memory_space<hbm>>
            tpu.enqueue_dma source(%dma_start3A_652 : memref<1024xi32, #tpu.memory_space<hbm>>) target(%dma_start3A_651 : memref<1024xi32, #tpu.memory_space<vmem>>) target_semaphore(%arg12 : memref<!tpu.dma_semaphore, #tpu.memory_space<semaphore_mem>>)
            %dma_start3A_653 = arith.constant 2048 : i32
            %dma_start3A_654 = tpu.memref_slice %arg10[%dma_start3A_653] : memref<4096xf32, #tpu.memory_space<vmem>> -> memref<1024xf32, #tpu.memory_space<vmem>>
            %dma_start3A_655 = tpu.memref_slice %arg3[%multiple_of3A_556] : memref<19268608xf32, #tpu.memory_space<hbm>> -> memref<1024xf32, #tpu.memory_space<hbm>>
            %dma_start3A_656 = arith.constant 2048 : i32
            %dma_start3A_657 = tpu.memref_slice %arg10[%dma_start3A_656] : memref<4096xf32, #tpu.memory_space<vmem>> -> memref<1024xf32, #tpu.memory_space<vmem>>
            %dma_start3A_658 = tpu.memref_slice %arg3[%multiple_of3A_556] : memref<19268608xf32, #tpu.memory_space<hbm>> -> memref<1024xf32, #tpu.memory_space<hbm>>
            tpu.enqueue_dma source(%dma_start3A_658 : memref<1024xf32, #tpu.memory_space<hbm>>) target(%dma_start3A_657 : memref<1024xf32, #tpu.memory_space<vmem>>) target_semaphore(%arg12 : memref<!tpu.dma_semaphore, #tpu.memory_space<semaphore_mem>>)
          } else {
          }
          %lt3A_571 = arith.cmpi slt, %add3A_544, %select_n3A_522 : i32
          %convert_element_type3A_572 = arith.extui %lt3A_571 : i1 to i32
          %cond3A_573 = arith.constant 0 : i32
          %cond3A_574 = arith.cmpi ne, %convert_element_type3A_572, %cond3A_573 : i32
          scf.if %cond3A_574 {
            %dma_start3A_647 = arith.constant 3072 : i32
            %dma_start3A_648 = tpu.memref_slice %arg9[%dma_start3A_647] : memref<4096xi32, #tpu.memory_space<vmem>> -> memref<1024xi32, #tpu.memory_space<vmem>>
            %dma_start3A_649 = tpu.memref_slice %arg2[%multiple_of3A_560] : memref<19268608xi32, #tpu.memory_space<hbm>> -> memref<1024xi32, #tpu.memory_space<hbm>>
            %dma_start3A_650 = arith.constant 3072 : i32
            %dma_start3A_651 = tpu.memref_slice %arg9[%dma_start3A_650] : memref<4096xi32, #tpu.memory_space<vmem>> -> memref<1024xi32, #tpu.memory_space<vmem>>
            %dma_start3A_652 = tpu.memref_slice %arg2[%multiple_of3A_560] : memref<19268608xi32, #tpu.memory_space<hbm>> -> memref<1024xi32, #tpu.memory_space<hbm>>
            tpu.enqueue_dma source(%dma_start3A_652 : memref<1024xi32, #tpu.memory_space<hbm>>) target(%dma_start3A_651 : memref<1024xi32, #tpu.memory_space<vmem>>) target_semaphore(%arg12 : memref<!tpu.dma_semaphore, #tpu.memory_space<semaphore_mem>>)
            %dma_start3A_653 = arith.constant 3072 : i32
            %dma_start3A_654 = tpu.memref_slice %arg10[%dma_start3A_653] : memref<4096xf32, #tpu.memory_space<vmem>> -> memref<1024xf32, #tpu.memory_space<vmem>>
            %dma_start3A_655 = tpu.memref_slice %arg3[%multiple_of3A_560] : memref<19268608xf32, #tpu.memory_space<hbm>> -> memref<1024xf32, #tpu.memory_space<hbm>>
            %dma_start3A_656 = arith.constant 3072 : i32
            %dma_start3A_657 = tpu.memref_slice %arg10[%dma_start3A_656] : memref<4096xf32, #tpu.memory_space<vmem>> -> memref<1024xf32, #tpu.memory_space<vmem>>
            %dma_start3A_658 = tpu.memref_slice %arg3[%multiple_of3A_560] : memref<19268608xf32, #tpu.memory_space<hbm>> -> memref<1024xf32, #tpu.memory_space<hbm>>
            tpu.enqueue_dma source(%dma_start3A_658 : memref<1024xf32, #tpu.memory_space<hbm>>) target(%dma_start3A_657 : memref<1024xf32, #tpu.memory_space<vmem>>) target_semaphore(%arg12 : memref<!tpu.dma_semaphore, #tpu.memory_space<semaphore_mem>>)
          } else {
          }
          %lt3A_575 = arith.cmpi slt, %add3A_544, %select_n3A_342 : i32
          %convert_element_type3A_576 = arith.extui %lt3A_575 : i1 to i32
          %cond3A_577 = arith.constant 0 : i32
          %cond3A_578 = arith.cmpi ne, %convert_element_type3A_576, %cond3A_577 : i32
          scf.if %cond3A_578 {
            %dma_wait3A_647 = arith.constant 0 : i32
            %dma_wait3A_648 = tpu.memref_slice %arg9[%dma_wait3A_647] : memref<4096xi32, #tpu.memory_space<vmem>> -> memref<1024xi32, #tpu.memory_space<vmem>>
            %dma_wait3A_649 = tpu.memref_slice %arg2[%multiple_of3A_548] : memref<19268608xi32, #tpu.memory_space<hbm>> -> memref<1024xi32, #tpu.memory_space<hbm>>
            %dma_wait3A_650 = arith.constant 0 : i32
            %dma_wait3A_651 = tpu.memref_slice %arg9[%dma_wait3A_650] : memref<4096xi32, #tpu.memory_space<vmem>> -> memref<1024xi32, #tpu.memory_space<vmem>>
            %dma_wait3A_652 = tpu.memref_slice %arg2[%multiple_of3A_548] : memref<19268608xi32, #tpu.memory_space<hbm>> -> memref<1024xi32, #tpu.memory_space<hbm>>
            tpu.wait_dma2 semaphore(%arg12 : memref<!tpu.dma_semaphore, #tpu.memory_space<semaphore_mem>>) src(%dma_wait3A_652 : memref<1024xi32, #tpu.memory_space<hbm>>) dst(%dma_wait3A_651 : memref<1024xi32, #tpu.memory_space<vmem>>)
            %dma_wait3A_653 = arith.constant 0 : i32
            %dma_wait3A_654 = tpu.memref_slice %arg10[%dma_wait3A_653] : memref<4096xf32, #tpu.memory_space<vmem>> -> memref<1024xf32, #tpu.memory_space<vmem>>
            %dma_wait3A_655 = tpu.memref_slice %arg3[%multiple_of3A_548] : memref<19268608xf32, #tpu.memory_space<hbm>> -> memref<1024xf32, #tpu.memory_space<hbm>>
            %dma_wait3A_656 = arith.constant 0 : i32
            %dma_wait3A_657 = tpu.memref_slice %arg10[%dma_wait3A_656] : memref<4096xf32, #tpu.memory_space<vmem>> -> memref<1024xf32, #tpu.memory_space<vmem>>
            %dma_wait3A_658 = tpu.memref_slice %arg3[%multiple_of3A_548] : memref<19268608xf32, #tpu.memory_space<hbm>> -> memref<1024xf32, #tpu.memory_space<hbm>>
            tpu.wait_dma2 semaphore(%arg12 : memref<!tpu.dma_semaphore, #tpu.memory_space<semaphore_mem>>) src(%dma_wait3A_658 : memref<1024xf32, #tpu.memory_space<hbm>>) dst(%dma_wait3A_657 : memref<1024xf32, #tpu.memory_space<vmem>>)
          } else {
          }
          %lt3A_579 = arith.cmpi slt, %add3A_544, %select_n3A_402 : i32
          %convert_element_type3A_580 = arith.extui %lt3A_579 : i1 to i32
          %cond3A_581 = arith.constant 0 : i32
          %cond3A_582 = arith.cmpi ne, %convert_element_type3A_580, %cond3A_581 : i32
          scf.if %cond3A_582 {
            %dma_wait3A_647 = arith.constant 1024 : i32
            %dma_wait3A_648 = tpu.memref_slice %arg9[%dma_wait3A_647] : memref<4096xi32, #tpu.memory_space<vmem>> -> memref<1024xi32, #tpu.memory_space<vmem>>
            %dma_wait3A_649 = tpu.memref_slice %arg2[%multiple_of3A_552] : memref<19268608xi32, #tpu.memory_space<hbm>> -> memref<1024xi32, #tpu.memory_space<hbm>>
            %dma_wait3A_650 = arith.constant 1024 : i32
            %dma_wait3A_651 = tpu.memref_slice %arg9[%dma_wait3A_650] : memref<4096xi32, #tpu.memory_space<vmem>> -> memref<1024xi32, #tpu.memory_space<vmem>>
            %dma_wait3A_652 = tpu.memref_slice %arg2[%multiple_of3A_552] : memref<19268608xi32, #tpu.memory_space<hbm>> -> memref<1024xi32, #tpu.memory_space<hbm>>
            tpu.wait_dma2 semaphore(%arg12 : memref<!tpu.dma_semaphore, #tpu.memory_space<semaphore_mem>>) src(%dma_wait3A_652 : memref<1024xi32, #tpu.memory_space<hbm>>) dst(%dma_wait3A_651 : memref<1024xi32, #tpu.memory_space<vmem>>)
            %dma_wait3A_653 = arith.constant 1024 : i32
            %dma_wait3A_654 = tpu.memref_slice %arg10[%dma_wait3A_653] : memref<4096xf32, #tpu.memory_space<vmem>> -> memref<1024xf32, #tpu.memory_space<vmem>>
            %dma_wait3A_655 = tpu.memref_slice %arg3[%multiple_of3A_552] : memref<19268608xf32, #tpu.memory_space<hbm>> -> memref<1024xf32, #tpu.memory_space<hbm>>
            %dma_wait3A_656 = arith.constant 1024 : i32
            %dma_wait3A_657 = tpu.memref_slice %arg10[%dma_wait3A_656] : memref<4096xf32, #tpu.memory_space<vmem>> -> memref<1024xf32, #tpu.memory_space<vmem>>
            %dma_wait3A_658 = tpu.memref_slice %arg3[%multiple_of3A_552] : memref<19268608xf32, #tpu.memory_space<hbm>> -> memref<1024xf32, #tpu.memory_space<hbm>>
            tpu.wait_dma2 semaphore(%arg12 : memref<!tpu.dma_semaphore, #tpu.memory_space<semaphore_mem>>) src(%dma_wait3A_658 : memref<1024xf32, #tpu.memory_space<hbm>>) dst(%dma_wait3A_657 : memref<1024xf32, #tpu.memory_space<vmem>>)
          } else {
          }
          %lt3A_583 = arith.cmpi slt, %add3A_544, %select_n3A_462 : i32
          %convert_element_type3A_584 = arith.extui %lt3A_583 : i1 to i32
          %cond3A_585 = arith.constant 0 : i32
          %cond3A_586 = arith.cmpi ne, %convert_element_type3A_584, %cond3A_585 : i32
          scf.if %cond3A_586 {
            %dma_wait3A_647 = arith.constant 2048 : i32
            %dma_wait3A_648 = tpu.memref_slice %arg9[%dma_wait3A_647] : memref<4096xi32, #tpu.memory_space<vmem>> -> memref<1024xi32, #tpu.memory_space<vmem>>
            %dma_wait3A_649 = tpu.memref_slice %arg2[%multiple_of3A_556] : memref<19268608xi32, #tpu.memory_space<hbm>> -> memref<1024xi32, #tpu.memory_space<hbm>>
            %dma_wait3A_650 = arith.constant 2048 : i32
            %dma_wait3A_651 = tpu.memref_slice %arg9[%dma_wait3A_650] : memref<4096xi32, #tpu.memory_space<vmem>> -> memref<1024xi32, #tpu.memory_space<vmem>>
            %dma_wait3A_652 = tpu.memref_slice %arg2[%multiple_of3A_556] : memref<19268608xi32, #tpu.memory_space<hbm>> -> memref<1024xi32, #tpu.memory_space<hbm>>
            tpu.wait_dma2 semaphore(%arg12 : memref<!tpu.dma_semaphore, #tpu.memory_space<semaphore_mem>>) src(%dma_wait3A_652 : memref<1024xi32, #tpu.memory_space<hbm>>) dst(%dma_wait3A_651 : memref<1024xi32, #tpu.memory_space<vmem>>)
            %dma_wait3A_653 = arith.constant 2048 : i32
            %dma_wait3A_654 = tpu.memref_slice %arg10[%dma_wait3A_653] : memref<4096xf32, #tpu.memory_space<vmem>> -> memref<1024xf32, #tpu.memory_space<vmem>>
            %dma_wait3A_655 = tpu.memref_slice %arg3[%multiple_of3A_556] : memref<19268608xf32, #tpu.memory_space<hbm>> -> memref<1024xf32, #tpu.memory_space<hbm>>
            %dma_wait3A_656 = arith.constant 2048 : i32
            %dma_wait3A_657 = tpu.memref_slice %arg10[%dma_wait3A_656] : memref<4096xf32, #tpu.memory_space<vmem>> -> memref<1024xf32, #tpu.memory_space<vmem>>
            %dma_wait3A_658 = tpu.memref_slice %arg3[%multiple_of3A_556] : memref<19268608xf32, #tpu.memory_space<hbm>> -> memref<1024xf32, #tpu.memory_space<hbm>>
            tpu.wait_dma2 semaphore(%arg12 : memref<!tpu.dma_semaphore, #tpu.memory_space<semaphore_mem>>) src(%dma_wait3A_658 : memref<1024xf32, #tpu.memory_space<hbm>>) dst(%dma_wait3A_657 : memref<1024xf32, #tpu.memory_space<vmem>>)
          } else {
          }
          %lt3A_587 = arith.cmpi slt, %add3A_544, %select_n3A_522 : i32
          %convert_element_type3A_588 = arith.extui %lt3A_587 : i1 to i32
          %cond3A_589 = arith.constant 0 : i32
          %cond3A_590 = arith.cmpi ne, %convert_element_type3A_588, %cond3A_589 : i32
          scf.if %cond3A_590 {
            %dma_wait3A_647 = arith.constant 3072 : i32
            %dma_wait3A_648 = tpu.memref_slice %arg9[%dma_wait3A_647] : memref<4096xi32, #tpu.memory_space<vmem>> -> memref<1024xi32, #tpu.memory_space<vmem>>
            %dma_wait3A_649 = tpu.memref_slice %arg2[%multiple_of3A_560] : memref<19268608xi32, #tpu.memory_space<hbm>> -> memref<1024xi32, #tpu.memory_space<hbm>>
            %dma_wait3A_650 = arith.constant 3072 : i32
            %dma_wait3A_651 = tpu.memref_slice %arg9[%dma_wait3A_650] : memref<4096xi32, #tpu.memory_space<vmem>> -> memref<1024xi32, #tpu.memory_space<vmem>>
            %dma_wait3A_652 = tpu.memref_slice %arg2[%multiple_of3A_560] : memref<19268608xi32, #tpu.memory_space<hbm>> -> memref<1024xi32, #tpu.memory_space<hbm>>
            tpu.wait_dma2 semaphore(%arg12 : memref<!tpu.dma_semaphore, #tpu.memory_space<semaphore_mem>>) src(%dma_wait3A_652 : memref<1024xi32, #tpu.memory_space<hbm>>) dst(%dma_wait3A_651 : memref<1024xi32, #tpu.memory_space<vmem>>)
            %dma_wait3A_653 = arith.constant 3072 : i32
            %dma_wait3A_654 = tpu.memref_slice %arg10[%dma_wait3A_653] : memref<4096xf32, #tpu.memory_space<vmem>> -> memref<1024xf32, #tpu.memory_space<vmem>>
            %dma_wait3A_655 = tpu.memref_slice %arg3[%multiple_of3A_560] : memref<19268608xf32, #tpu.memory_space<hbm>> -> memref<1024xf32, #tpu.memory_space<hbm>>
            %dma_wait3A_656 = arith.constant 3072 : i32
            %dma_wait3A_657 = tpu.memref_slice %arg10[%dma_wait3A_656] : memref<4096xf32, #tpu.memory_space<vmem>> -> memref<1024xf32, #tpu.memory_space<vmem>>
            %dma_wait3A_658 = tpu.memref_slice %arg3[%multiple_of3A_560] : memref<19268608xf32, #tpu.memory_space<hbm>> -> memref<1024xf32, #tpu.memory_space<hbm>>
            tpu.wait_dma2 semaphore(%arg12 : memref<!tpu.dma_semaphore, #tpu.memory_space<semaphore_mem>>) src(%dma_wait3A_658 : memref<1024xf32, #tpu.memory_space<hbm>>) dst(%dma_wait3A_657 : memref<1024xf32, #tpu.memory_space<vmem>>)
          } else {
          }
          %broadcast_in_dim3A_591 = arith.constant 1073741824 : i32
          %broadcast_in_dim3A_592 = vector.broadcast %broadcast_in_dim3A_591 : i32 to vector<16xi32>
          %sub3A_593 = arith.subi %select_n3A_313, %multiple_of3A_548 : i32
          %max3A_594 = arith.constant 0 : i32
          %max3A_595 = arith.maxsi %sub3A_593, %max3A_594 : i32
          %sub3A_596 = arith.subi %select_n3A_334, %multiple_of3A_548 : i32
          %min3A = arith.constant 1024 : i32
          %min3A_597 = arith.minsi %sub3A_596, %min3A : i32
          %lt3A_598 = arith.cmpi slt, %add3A_544, %select_n3A_342 : i32
          %convert_element_type3A_599 = arith.extui %lt3A_598 : i1 to i32
          %cond3A_600 = arith.constant 0 : i32
          %cond3A_601 = arith.cmpi ne, %convert_element_type3A_599, %cond3A_600 : i32
          scf.if %cond3A_601 {
            %add3A_647 = arith.constant 15 : i32
            %add3A_648 = arith.addi %max3A_595, %add3A_647 : i32
            %shift_right_logical3A_649 = arith.constant 4 : i32
            %shift_right_logical3A_650 = arith.shrui %add3A_648, %shift_right_logical3A_649 : i32
            %sub3A_651 = arith.constant 0 : i32
            %sub3A_652 = arith.subi %shift_right_logical3A_650, %sub3A_651 : i32
            %sub3A_653 = arith.constant 1 : i32
            %sub3A_654 = arith.constant 1 : i32
            %sub3A_655 = arith.subi %sub3A_653, %sub3A_654 : i32
            %add3A_656 = arith.addi %sub3A_652, %sub3A_655 : i32
            %div3A_657 = arith.constant 1 : i32
            %div3A_658 = arith.divsi %add3A_656, %div3A_657 : i32
            %while3A_659 = arith.constant 1 : i32
            %while3A_660 = arith.constant 0 : i32
            %while3A_661 = arith.constant 0 : i32
            %while3A_662 = arith.subi %div3A_658, %while3A_661 : i32
            %while3A_663 = arith.addi %while3A_661, %while3A_662 : i32
            %while3A_664 = arith.constant 1 : i32
            %while3A_665 = arith.divsi %while3A_662, %while3A_664 : i32
            %while3A_666 = arith.muli %while3A_665, %while3A_664 : i32
            %while3A_667 = arith.addi %while3A_661, %while3A_666 : i32
            %while3A_668 = arith.constant 1 : i32
            scf.for %while3A_690 = %while3A_661 to %while3A_667 step %while3A_668  : i32 {
              %mul3A_691 = arith.muli %while3A_690, %while3A_659 : i32
              %add3A_692 = arith.addi %while3A_660, %mul3A_691 : i32
              %mul3A_693 = arith.constant 16 : i32
              %mul3A_694 = arith.muli %add3A_692, %mul3A_693 : i32
              %add3A_695 = arith.constant 0 : i32
              %add3A_696 = arith.addi %add3A_695, %mul3A_694 : i32
              %multiple_of3A_697 = tpu.assume_multiple %add3A_696, 16 : i32
              %mul3A_698 = arith.constant 16 : i32
              %mul3A_699 = arith.muli %add3A_692, %mul3A_698 : i32
              %iota3A_700 = tpu.iota {dimensions = array<i32: 0>} : vector<16xi32>
              %add3A_701 = vector.broadcast %mul3A_699 : i32 to vector<16xi32>
              %add3A_702 = arith.addi %add3A_701, %iota3A_700 : vector<16xi32>
              %ge3A_703 = vector.broadcast %max3A_595 : i32 to vector<16xi32>
              %ge3A_704 = arith.cmpi sge, %add3A_702, %ge3A_703 : vector<16xi32>
              %lt3A_705 = vector.broadcast %min3A_597 : i32 to vector<16xi32>
              %lt3A_706 = arith.cmpi slt, %add3A_702, %lt3A_705 : vector<16xi32>
              %and3A_707 = arith.andi %ge3A_704, %lt3A_706 : vector<16xi1>
              %get3A_708 = arith.index_cast %multiple_of3A_697 : i32 to index
              %get3A_709 = tpu.vector_load %arg9[%get3A_708] {strides = array<i32>} : memref<4096xi32, #tpu.memory_space<vmem>>, vector<16xi32>,
              %jit3A_710 = arith.constant 1073741824 : i32
              %broadcast_in_dim3A_711 = vector.broadcast %jit3A_710 : i32 to vector<16xi32>
              %select_n3A_712 = arith.select %and3A_707, %get3A_709, %broadcast_in_dim3A_711 : vector<16xi1>, vector<16xi32>
              %swap3A = arith.index_cast %multiple_of3A_697 : i32 to index
              %swap3A_713 = tpu.vector_load %arg9[%swap3A] {strides = array<i32>} : memref<4096xi32, #tpu.memory_space<vmem>>, vector<16xi32>,
              tpu.vector_store %arg9[%swap3A], %select_n3A_712 {strides = array<i32>} : memref<4096xi32, #tpu.memory_space<vmem>>, vector<16xi32>,
            }
            %while3A_669 = arith.constant 1 : i32
            scf.for %while3A_690 = %while3A_667 to %while3A_663 step %while3A_669  : i32 {
              %mul3A_691 = arith.muli %while3A_690, %while3A_659 : i32
              %add3A_692 = arith.addi %while3A_660, %mul3A_691 : i32
              %mul3A_693 = arith.constant 16 : i32
              %mul3A_694 = arith.muli %add3A_692, %mul3A_693 : i32
              %add3A_695 = arith.constant 0 : i32
              %add3A_696 = arith.addi %add3A_695, %mul3A_694 : i32
              %multiple_of3A_697 = tpu.assume_multiple %add3A_696, 16 : i32
              %mul3A_698 = arith.constant 16 : i32
              %mul3A_699 = arith.muli %add3A_692, %mul3A_698 : i32
              %iota3A_700 = tpu.iota {dimensions = array<i32: 0>} : vector<16xi32>
              %add3A_701 = vector.broadcast %mul3A_699 : i32 to vector<16xi32>
              %add3A_702 = arith.addi %add3A_701, %iota3A_700 : vector<16xi32>
              %ge3A_703 = vector.broadcast %max3A_595 : i32 to vector<16xi32>
              %ge3A_704 = arith.cmpi sge, %add3A_702, %ge3A_703 : vector<16xi32>
              %lt3A_705 = vector.broadcast %min3A_597 : i32 to vector<16xi32>
              %lt3A_706 = arith.cmpi slt, %add3A_702, %lt3A_705 : vector<16xi32>
              %and3A_707 = arith.andi %ge3A_704, %lt3A_706 : vector<16xi1>
              %get3A_708 = arith.index_cast %multiple_of3A_697 : i32 to index
              %get3A_709 = tpu.vector_load %arg9[%get3A_708] {strides = array<i32>} : memref<4096xi32, #tpu.memory_space<vmem>>, vector<16xi32>,
              %jit3A_710 = arith.constant 1073741824 : i32
              %broadcast_in_dim3A_711 = vector.broadcast %jit3A_710 : i32 to vector<16xi32>
              %select_n3A_712 = arith.select %and3A_707, %get3A_709, %broadcast_in_dim3A_711 : vector<16xi1>, vector<16xi32>
              %swap3A = arith.index_cast %multiple_of3A_697 : i32 to index
              %swap3A_713 = tpu.vector_load %arg9[%swap3A] {strides = array<i32>} : memref<4096xi32, #tpu.memory_space<vmem>>, vector<16xi32>,
              tpu.vector_store %arg9[%swap3A], %select_n3A_712 {strides = array<i32>} : memref<4096xi32, #tpu.memory_space<vmem>>, vector<16xi32>,
            }
            %shift_right_logical3A_670 = arith.constant 4 : i32
            %shift_right_logical3A_671 = arith.shrui %min3A_597, %shift_right_logical3A_670 : i32
            %sub3A_672 = arith.constant 64 : i32
            %sub3A_673 = arith.subi %sub3A_672, %shift_right_logical3A_671 : i32
            %sub3A_674 = arith.constant 1 : i32
            %sub3A_675 = arith.constant 1 : i32
            %sub3A_676 = arith.subi %sub3A_674, %sub3A_675 : i32
            %add3A_677 = arith.addi %sub3A_673, %sub3A_676 : i32
            %div3A_678 = arith.constant 1 : i32
            %div3A_679 = arith.divsi %add3A_677, %div3A_678 : i32
            %while3A_680 = arith.constant 1 : i32
            %while3A_681 = arith.constant 0 : i32
            %while3A_682 = arith.subi %div3A_679, %while3A_681 : i32
            %while3A_683 = arith.addi %while3A_681, %while3A_682 : i32
            %while3A_684 = arith.constant 1 : i32
            %while3A_685 = arith.divsi %while3A_682, %while3A_684 : i32
            %while3A_686 = arith.muli %while3A_685, %while3A_684 : i32
            %while3A_687 = arith.addi %while3A_681, %while3A_686 : i32
            %while3A_688 = arith.constant 1 : i32
            scf.for %while3A_690 = %while3A_681 to %while3A_687 step %while3A_688  : i32 {
              %mul3A_691 = arith.muli %while3A_690, %while3A_680 : i32
              %add3A_692 = arith.addi %shift_right_logical3A_671, %mul3A_691 : i32
              %mul3A_693 = arith.constant 16 : i32
              %mul3A_694 = arith.muli %add3A_692, %mul3A_693 : i32
              %add3A_695 = arith.constant 0 : i32
              %add3A_696 = arith.addi %add3A_695, %mul3A_694 : i32
              %multiple_of3A_697 = tpu.assume_multiple %add3A_696, 16 : i32
              %mul3A_698 = arith.constant 16 : i32
              %mul3A_699 = arith.muli %add3A_692, %mul3A_698 : i32
              %iota3A_700 = tpu.iota {dimensions = array<i32: 0>} : vector<16xi32>
              %add3A_701 = vector.broadcast %mul3A_699 : i32 to vector<16xi32>
              %add3A_702 = arith.addi %add3A_701, %iota3A_700 : vector<16xi32>
              %ge3A_703 = vector.broadcast %max3A_595 : i32 to vector<16xi32>
              %ge3A_704 = arith.cmpi sge, %add3A_702, %ge3A_703 : vector<16xi32>
              %lt3A_705 = vector.broadcast %min3A_597 : i32 to vector<16xi32>
              %lt3A_706 = arith.cmpi slt, %add3A_702, %lt3A_705 : vector<16xi32>
              %and3A_707 = arith.andi %ge3A_704, %lt3A_706 : vector<16xi1>
              %get3A_708 = arith.index_cast %multiple_of3A_697 : i32 to index
              %get3A_709 = tpu.vector_load %arg9[%get3A_708] {strides = array<i32>} : memref<4096xi32, #tpu.memory_space<vmem>>, vector<16xi32>,
              %jit3A_710 = arith.constant 1073741824 : i32
              %broadcast_in_dim3A_711 = vector.broadcast %jit3A_710 : i32 to vector<16xi32>
              %select_n3A_712 = arith.select %and3A_707, %get3A_709, %broadcast_in_dim3A_711 : vector<16xi1>, vector<16xi32>
              %swap3A = arith.index_cast %multiple_of3A_697 : i32 to index
              %swap3A_713 = tpu.vector_load %arg9[%swap3A] {strides = array<i32>} : memref<4096xi32, #tpu.memory_space<vmem>>, vector<16xi32>,
              tpu.vector_store %arg9[%swap3A], %select_n3A_712 {strides = array<i32>} : memref<4096xi32, #tpu.memory_space<vmem>>, vector<16xi32>,
            }
            %while3A_689 = arith.constant 1 : i32
            scf.for %while3A_690 = %while3A_687 to %while3A_683 step %while3A_689  : i32 {
              %mul3A_691 = arith.muli %while3A_690, %while3A_680 : i32
              %add3A_692 = arith.addi %shift_right_logical3A_671, %mul3A_691 : i32
              %mul3A_693 = arith.constant 16 : i32
              %mul3A_694 = arith.muli %add3A_692, %mul3A_693 : i32
              %add3A_695 = arith.constant 0 : i32
              %add3A_696 = arith.addi %add3A_695, %mul3A_694 : i32
              %multiple_of3A_697 = tpu.assume_multiple %add3A_696, 16 : i32
              %mul3A_698 = arith.constant 16 : i32
              %mul3A_699 = arith.muli %add3A_692, %mul3A_698 : i32
              %iota3A_700 = tpu.iota {dimensions = array<i32: 0>} : vector<16xi32>
              %add3A_701 = vector.broadcast %mul3A_699 : i32 to vector<16xi32>
              %add3A_702 = arith.addi %add3A_701, %iota3A_700 : vector<16xi32>
              %ge3A_703 = vector.broadcast %max3A_595 : i32 to vector<16xi32>
              %ge3A_704 = arith.cmpi sge, %add3A_702, %ge3A_703 : vector<16xi32>
              %lt3A_705 = vector.broadcast %min3A_597 : i32 to vector<16xi32>
              %lt3A_706 = arith.cmpi slt, %add3A_702, %lt3A_705 : vector<16xi32>
              %and3A_707 = arith.andi %ge3A_704, %lt3A_706 : vector<16xi1>
              %get3A_708 = arith.index_cast %multiple_of3A_697 : i32 to index
              %get3A_709 = tpu.vector_load %arg9[%get3A_708] {strides = array<i32>} : memref<4096xi32, #tpu.memory_space<vmem>>, vector<16xi32>,
              %jit3A_710 = arith.constant 1073741824 : i32
              %broadcast_in_dim3A_711 = vector.broadcast %jit3A_710 : i32 to vector<16xi32>
              %select_n3A_712 = arith.select %and3A_707, %get3A_709, %broadcast_in_dim3A_711 : vector<16xi1>, vector<16xi32>
              %swap3A = arith.index_cast %multiple_of3A_697 : i32 to index
              %swap3A_713 = tpu.vector_load %arg9[%swap3A] {strides = array<i32>} : memref<4096xi32, #tpu.memory_space<vmem>>, vector<16xi32>,
              tpu.vector_store %arg9[%swap3A], %select_n3A_712 {strides = array<i32>} : memref<4096xi32, #tpu.memory_space<vmem>>, vector<16xi32>,
            }
          } else {
          }
          %ge3A = arith.cmpi sge, %add3A_544, %select_n3A_342 : i32
          %convert_element_type3A_602 = arith.extui %ge3A : i1 to i32
          %cond3A_603 = arith.constant 0 : i32
          %cond3A_604 = arith.cmpi ne, %convert_element_type3A_602, %cond3A_603 : i32
          scf.if %cond3A_604 {
            %scan3A_647 = arith.constant 0 : i32
            %scan3A_648 = arith.constant 64 : i32
            %scan3A_649 = arith.addi %scan3A_647, %scan3A_648 : i32
            %scan3A_650 = arith.constant 4 : i32
            scf.for %scan3A_652 = %scan3A_647 to %scan3A_649 step %scan3A_650  : i32 {
              %mul3A_653 = arith.constant 1 : i32
              %mul3A_654 = arith.muli %scan3A_652, %mul3A_653 : i32
              %add3A_655 = arith.constant 0 : i32
              %add3A_656 = arith.addi %add3A_655, %mul3A_654 : i32
              %mul3A_657 = arith.constant 16 : i32
              %mul3A_658 = arith.muli %add3A_656, %mul3A_657 : i32
              %add3A_659 = arith.constant 0 : i32
              %add3A_660 = arith.addi %add3A_659, %mul3A_658 : i32
              %multiple_of3A_661 = tpu.assume_multiple %add3A_660, 16 : i32
              %swap3A = arith.index_cast %multiple_of3A_661 : i32 to index
              %swap3A_662 = tpu.vector_load %arg9[%swap3A] {strides = array<i32>} : memref<4096xi32, #tpu.memory_space<vmem>>, vector<16xi32>,
              tpu.vector_store %arg9[%swap3A], %broadcast_in_dim3A_592 {strides = array<i32>} : memref<4096xi32, #tpu.memory_space<vmem>>, vector<16xi32>,
              %scan3A_663 = arith.constant 1 : i32
              %scan3A_664 = arith.addi %scan3A_652, %scan3A_663 : i32
              %mul3A_665 = arith.constant 1 : i32
              %mul3A_666 = arith.muli %scan3A_664, %mul3A_665 : i32
              %add3A_667 = arith.constant 0 : i32
              %add3A_668 = arith.addi %add3A_667, %mul3A_666 : i32
              %mul3A_669 = arith.constant 16 : i32
              %mul3A_670 = arith.muli %add3A_668, %mul3A_669 : i32
              %add3A_671 = arith.constant 0 : i32
              %add3A_672 = arith.addi %add3A_671, %mul3A_670 : i32
              %multiple_of3A_673 = tpu.assume_multiple %add3A_672, 16 : i32
              %swap3A_674 = arith.index_cast %multiple_of3A_673 : i32 to index
              %swap3A_675 = tpu.vector_load %arg9[%swap3A_674] {strides = array<i32>} : memref<4096xi32, #tpu.memory_space<vmem>>, vector<16xi32>,
              tpu.vector_store %arg9[%swap3A_674], %broadcast_in_dim3A_592 {strides = array<i32>} : memref<4096xi32, #tpu.memory_space<vmem>>, vector<16xi32>,
              %scan3A_676 = arith.constant 2 : i32
              %scan3A_677 = arith.addi %scan3A_652, %scan3A_676 : i32
              %mul3A_678 = arith.constant 1 : i32
              %mul3A_679 = arith.muli %scan3A_677, %mul3A_678 : i32
              %add3A_680 = arith.constant 0 : i32
              %add3A_681 = arith.addi %add3A_680, %mul3A_679 : i32
              %mul3A_682 = arith.constant 16 : i32
              %mul3A_683 = arith.muli %add3A_681, %mul3A_682 : i32
              %add3A_684 = arith.constant 0 : i32
              %add3A_685 = arith.addi %add3A_684, %mul3A_683 : i32
              %multiple_of3A_686 = tpu.assume_multiple %add3A_685, 16 : i32
              %swap3A_687 = arith.index_cast %multiple_of3A_686 : i32 to index
              %swap3A_688 = tpu.vector_load %arg9[%swap3A_687] {strides = array<i32>} : memref<4096xi32, #tpu.memory_space<vmem>>, vector<16xi32>,
              tpu.vector_store %arg9[%swap3A_687], %broadcast_in_dim3A_592 {strides = array<i32>} : memref<4096xi32, #tpu.memory_space<vmem>>, vector<16xi32>,
              %scan3A_689 = arith.constant 3 : i32
              %scan3A_690 = arith.addi %scan3A_652, %scan3A_689 : i32
              %mul3A_691 = arith.constant 1 : i32
              %mul3A_692 = arith.muli %scan3A_690, %mul3A_691 : i32
              %add3A_693 = arith.constant 0 : i32
              %add3A_694 = arith.addi %add3A_693, %mul3A_692 : i32
              %mul3A_695 = arith.constant 16 : i32
              %mul3A_696 = arith.muli %add3A_694, %mul3A_695 : i32
              %add3A_697 = arith.constant 0 : i32
              %add3A_698 = arith.addi %add3A_697, %mul3A_696 : i32
              %multiple_of3A_699 = tpu.assume_multiple %add3A_698, 16 : i32
              %swap3A_700 = arith.index_cast %multiple_of3A_699 : i32 to index
              %swap3A_701 = tpu.vector_load %arg9[%swap3A_700] {strides = array<i32>} : memref<4096xi32, #tpu.memory_space<vmem>>, vector<16xi32>,
              tpu.vector_store %arg9[%swap3A_700], %broadcast_in_dim3A_592 {strides = array<i32>} : memref<4096xi32, #tpu.memory_space<vmem>>, vector<16xi32>,
            }
            %scan3A_651 = arith.constant 64 : i32
          } else {
          }
          %sub3A_605 = arith.subi %select_n3A_372, %multiple_of3A_552 : i32
          %max3A_606 = arith.constant 0 : i32
          %max3A_607 = arith.maxsi %sub3A_605, %max3A_606 : i32
          %sub3A_608 = arith.subi %select_n3A_393, %multiple_of3A_552 : i32
          %min3A_609 = arith.constant 1024 : i32
          %min3A_610 = arith.minsi %sub3A_608, %min3A_609 : i32
          %lt3A_611 = arith.cmpi slt, %add3A_544, %select_n3A_402 : i32
          %convert_element_type3A_612 = arith.extui %lt3A_611 : i1 to i32
          %cond3A_613 = arith.constant 0 : i32
          %cond3A_614 = arith.cmpi ne, %convert_element_type3A_612, %cond3A_613 : i32
          scf.if %cond3A_614 {
            %add3A_647 = arith.constant 15 : i32
            %add3A_648 = arith.addi %max3A_607, %add3A_647 : i32
            %shift_right_logical3A_649 = arith.constant 4 : i32
            %shift_right_logical3A_650 = arith.shrui %add3A_648, %shift_right_logical3A_649 : i32
            %sub3A_651 = arith.constant 0 : i32
            %sub3A_652 = arith.subi %shift_right_logical3A_650, %sub3A_651 : i32
            %sub3A_653 = arith.constant 1 : i32
            %sub3A_654 = arith.constant 1 : i32
            %sub3A_655 = arith.subi %sub3A_653, %sub3A_654 : i32
            %add3A_656 = arith.addi %sub3A_652, %sub3A_655 : i32
            %div3A_657 = arith.constant 1 : i32
            %div3A_658 = arith.divsi %add3A_656, %div3A_657 : i32
            %while3A_659 = arith.constant 1 : i32
            %while3A_660 = arith.constant 0 : i32
            %while3A_661 = arith.constant 0 : i32
            %while3A_662 = arith.subi %div3A_658, %while3A_661 : i32
            %while3A_663 = arith.addi %while3A_661, %while3A_662 : i32
            %while3A_664 = arith.constant 1 : i32
            %while3A_665 = arith.divsi %while3A_662, %while3A_664 : i32
            %while3A_666 = arith.muli %while3A_665, %while3A_664 : i32
            %while3A_667 = arith.addi %while3A_661, %while3A_666 : i32
            %while3A_668 = arith.constant 1 : i32
            scf.for %while3A_690 = %while3A_661 to %while3A_667 step %while3A_668  : i32 {
              %mul3A_691 = arith.muli %while3A_690, %while3A_659 : i32
              %add3A_692 = arith.addi %while3A_660, %mul3A_691 : i32
              %mul3A_693 = arith.constant 16 : i32
              %mul3A_694 = arith.muli %add3A_692, %mul3A_693 : i32
              %add3A_695 = arith.constant 1024 : i32
              %add3A_696 = arith.addi %add3A_695, %mul3A_694 : i32
              %multiple_of3A_697 = tpu.assume_multiple %add3A_696, 16 : i32
              %mul3A_698 = arith.constant 16 : i32
              %mul3A_699 = arith.muli %add3A_692, %mul3A_698 : i32
              %iota3A_700 = tpu.iota {dimensions = array<i32: 0>} : vector<16xi32>
              %add3A_701 = vector.broadcast %mul3A_699 : i32 to vector<16xi32>
              %add3A_702 = arith.addi %add3A_701, %iota3A_700 : vector<16xi32>
              %ge3A_703 = vector.broadcast %max3A_607 : i32 to vector<16xi32>
              %ge3A_704 = arith.cmpi sge, %add3A_702, %ge3A_703 : vector<16xi32>
              %lt3A_705 = vector.broadcast %min3A_610 : i32 to vector<16xi32>
              %lt3A_706 = arith.cmpi slt, %add3A_702, %lt3A_705 : vector<16xi32>
              %and3A_707 = arith.andi %ge3A_704, %lt3A_706 : vector<16xi1>
              %get3A_708 = arith.index_cast %multiple_of3A_697 : i32 to index
              %get3A_709 = tpu.vector_load %arg9[%get3A_708] {strides = array<i32>} : memref<4096xi32, #tpu.memory_space<vmem>>, vector<16xi32>,
              %jit3A_710 = arith.constant 1073741824 : i32
              %broadcast_in_dim3A_711 = vector.broadcast %jit3A_710 : i32 to vector<16xi32>
              %select_n3A_712 = arith.select %and3A_707, %get3A_709, %broadcast_in_dim3A_711 : vector<16xi1>, vector<16xi32>
              %swap3A = arith.index_cast %multiple_of3A_697 : i32 to index
              %swap3A_713 = tpu.vector_load %arg9[%swap3A] {strides = array<i32>} : memref<4096xi32, #tpu.memory_space<vmem>>, vector<16xi32>,
              tpu.vector_store %arg9[%swap3A], %select_n3A_712 {strides = array<i32>} : memref<4096xi32, #tpu.memory_space<vmem>>, vector<16xi32>,
            }
            %while3A_669 = arith.constant 1 : i32
            scf.for %while3A_690 = %while3A_667 to %while3A_663 step %while3A_669  : i32 {
              %mul3A_691 = arith.muli %while3A_690, %while3A_659 : i32
              %add3A_692 = arith.addi %while3A_660, %mul3A_691 : i32
              %mul3A_693 = arith.constant 16 : i32
              %mul3A_694 = arith.muli %add3A_692, %mul3A_693 : i32
              %add3A_695 = arith.constant 1024 : i32
              %add3A_696 = arith.addi %add3A_695, %mul3A_694 : i32
              %multiple_of3A_697 = tpu.assume_multiple %add3A_696, 16 : i32
              %mul3A_698 = arith.constant 16 : i32
              %mul3A_699 = arith.muli %add3A_692, %mul3A_698 : i32
              %iota3A_700 = tpu.iota {dimensions = array<i32: 0>} : vector<16xi32>
              %add3A_701 = vector.broadcast %mul3A_699 : i32 to vector<16xi32>
              %add3A_702 = arith.addi %add3A_701, %iota3A_700 : vector<16xi32>
              %ge3A_703 = vector.broadcast %max3A_607 : i32 to vector<16xi32>
              %ge3A_704 = arith.cmpi sge, %add3A_702, %ge3A_703 : vector<16xi32>
              %lt3A_705 = vector.broadcast %min3A_610 : i32 to vector<16xi32>
              %lt3A_706 = arith.cmpi slt, %add3A_702, %lt3A_705 : vector<16xi32>
              %and3A_707 = arith.andi %ge3A_704, %lt3A_706 : vector<16xi1>
              %get3A_708 = arith.index_cast %multiple_of3A_697 : i32 to index
              %get3A_709 = tpu.vector_load %arg9[%get3A_708] {strides = array<i32>} : memref<4096xi32, #tpu.memory_space<vmem>>, vector<16xi32>,
              %jit3A_710 = arith.constant 1073741824 : i32
              %broadcast_in_dim3A_711 = vector.broadcast %jit3A_710 : i32 to vector<16xi32>
              %select_n3A_712 = arith.select %and3A_707, %get3A_709, %broadcast_in_dim3A_711 : vector<16xi1>, vector<16xi32>
              %swap3A = arith.index_cast %multiple_of3A_697 : i32 to index
              %swap3A_713 = tpu.vector_load %arg9[%swap3A] {strides = array<i32>} : memref<4096xi32, #tpu.memory_space<vmem>>, vector<16xi32>,
              tpu.vector_store %arg9[%swap3A], %select_n3A_712 {strides = array<i32>} : memref<4096xi32, #tpu.memory_space<vmem>>, vector<16xi32>,
            }
            %shift_right_logical3A_670 = arith.constant 4 : i32
            %shift_right_logical3A_671 = arith.shrui %min3A_610, %shift_right_logical3A_670 : i32
            %sub3A_672 = arith.constant 64 : i32
            %sub3A_673 = arith.subi %sub3A_672, %shift_right_logical3A_671 : i32
            %sub3A_674 = arith.constant 1 : i32
            %sub3A_675 = arith.constant 1 : i32
            %sub3A_676 = arith.subi %sub3A_674, %sub3A_675 : i32
            %add3A_677 = arith.addi %sub3A_673, %sub3A_676 : i32
            %div3A_678 = arith.constant 1 : i32
            %div3A_679 = arith.divsi %add3A_677, %div3A_678 : i32
            %while3A_680 = arith.constant 1 : i32
            %while3A_681 = arith.constant 0 : i32
            %while3A_682 = arith.subi %div3A_679, %while3A_681 : i32
            %while3A_683 = arith.addi %while3A_681, %while3A_682 : i32
            %while3A_684 = arith.constant 1 : i32
            %while3A_685 = arith.divsi %while3A_682, %while3A_684 : i32
            %while3A_686 = arith.muli %while3A_685, %while3A_684 : i32
            %while3A_687 = arith.addi %while3A_681, %while3A_686 : i32
            %while3A_688 = arith.constant 1 : i32
            scf.for %while3A_690 = %while3A_681 to %while3A_687 step %while3A_688  : i32 {
              %mul3A_691 = arith.muli %while3A_690, %while3A_680 : i32
              %add3A_692 = arith.addi %shift_right_logical3A_671, %mul3A_691 : i32
              %mul3A_693 = arith.constant 16 : i32
              %mul3A_694 = arith.muli %add3A_692, %mul3A_693 : i32
              %add3A_695 = arith.constant 1024 : i32
              %add3A_696 = arith.addi %add3A_695, %mul3A_694 : i32
              %multiple_of3A_697 = tpu.assume_multiple %add3A_696, 16 : i32
              %mul3A_698 = arith.constant 16 : i32
              %mul3A_699 = arith.muli %add3A_692, %mul3A_698 : i32
              %iota3A_700 = tpu.iota {dimensions = array<i32: 0>} : vector<16xi32>
              %add3A_701 = vector.broadcast %mul3A_699 : i32 to vector<16xi32>
              %add3A_702 = arith.addi %add3A_701, %iota3A_700 : vector<16xi32>
              %ge3A_703 = vector.broadcast %max3A_607 : i32 to vector<16xi32>
              %ge3A_704 = arith.cmpi sge, %add3A_702, %ge3A_703 : vector<16xi32>
              %lt3A_705 = vector.broadcast %min3A_610 : i32 to vector<16xi32>
              %lt3A_706 = arith.cmpi slt, %add3A_702, %lt3A_705 : vector<16xi32>
              %and3A_707 = arith.andi %ge3A_704, %lt3A_706 : vector<16xi1>
              %get3A_708 = arith.index_cast %multiple_of3A_697 : i32 to index
              %get3A_709 = tpu.vector_load %arg9[%get3A_708] {strides = array<i32>} : memref<4096xi32, #tpu.memory_space<vmem>>, vector<16xi32>,
              %jit3A_710 = arith.constant 1073741824 : i32
              %broadcast_in_dim3A_711 = vector.broadcast %jit3A_710 : i32 to vector<16xi32>
              %select_n3A_712 = arith.select %and3A_707, %get3A_709, %broadcast_in_dim3A_711 : vector<16xi1>, vector<16xi32>
              %swap3A = arith.index_cast %multiple_of3A_697 : i32 to index
              %swap3A_713 = tpu.vector_load %arg9[%swap3A] {strides = array<i32>} : memref<4096xi32, #tpu.memory_space<vmem>>, vector<16xi32>,
              tpu.vector_store %arg9[%swap3A], %select_n3A_712 {strides = array<i32>} : memref<4096xi32, #tpu.memory_space<vmem>>, vector<16xi32>,
            }
            %while3A_689 = arith.constant 1 : i32
            scf.for %while3A_690 = %while3A_687 to %while3A_683 step %while3A_689  : i32 {
              %mul3A_691 = arith.muli %while3A_690, %while3A_680 : i32
              %add3A_692 = arith.addi %shift_right_logical3A_671, %mul3A_691 : i32
              %mul3A_693 = arith.constant 16 : i32
              %mul3A_694 = arith.muli %add3A_692, %mul3A_693 : i32
              %add3A_695 = arith.constant 1024 : i32
              %add3A_696 = arith.addi %add3A_695, %mul3A_694 : i32
              %multiple_of3A_697 = tpu.assume_multiple %add3A_696, 16 : i32
              %mul3A_698 = arith.constant 16 : i32
              %mul3A_699 = arith.muli %add3A_692, %mul3A_698 : i32
              %iota3A_700 = tpu.iota {dimensions = array<i32: 0>} : vector<16xi32>
              %add3A_701 = vector.broadcast %mul3A_699 : i32 to vector<16xi32>
              %add3A_702 = arith.addi %add3A_701, %iota3A_700 : vector<16xi32>
              %ge3A_703 = vector.broadcast %max3A_607 : i32 to vector<16xi32>
              %ge3A_704 = arith.cmpi sge, %add3A_702, %ge3A_703 : vector<16xi32>
              %lt3A_705 = vector.broadcast %min3A_610 : i32 to vector<16xi32>
              %lt3A_706 = arith.cmpi slt, %add3A_702, %lt3A_705 : vector<16xi32>
              %and3A_707 = arith.andi %ge3A_704, %lt3A_706 : vector<16xi1>
              %get3A_708 = arith.index_cast %multiple_of3A_697 : i32 to index
              %get3A_709 = tpu.vector_load %arg9[%get3A_708] {strides = array<i32>} : memref<4096xi32, #tpu.memory_space<vmem>>, vector<16xi32>,
              %jit3A_710 = arith.constant 1073741824 : i32
              %broadcast_in_dim3A_711 = vector.broadcast %jit3A_710 : i32 to vector<16xi32>
              %select_n3A_712 = arith.select %and3A_707, %get3A_709, %broadcast_in_dim3A_711 : vector<16xi1>, vector<16xi32>
              %swap3A = arith.index_cast %multiple_of3A_697 : i32 to index
              %swap3A_713 = tpu.vector_load %arg9[%swap3A] {strides = array<i32>} : memref<4096xi32, #tpu.memory_space<vmem>>, vector<16xi32>,
              tpu.vector_store %arg9[%swap3A], %select_n3A_712 {strides = array<i32>} : memref<4096xi32, #tpu.memory_space<vmem>>, vector<16xi32>,
            }
          } else {
          }
          %ge3A_615 = arith.cmpi sge, %add3A_544, %select_n3A_402 : i32
          %convert_element_type3A_616 = arith.extui %ge3A_615 : i1 to i32
          %cond3A_617 = arith.constant 0 : i32
          %cond3A_618 = arith.cmpi ne, %convert_element_type3A_616, %cond3A_617 : i32
          scf.if %cond3A_618 {
            %scan3A_647 = arith.constant 0 : i32
            %scan3A_648 = arith.constant 64 : i32
            %scan3A_649 = arith.addi %scan3A_647, %scan3A_648 : i32
            %scan3A_650 = arith.constant 4 : i32
            scf.for %scan3A_652 = %scan3A_647 to %scan3A_649 step %scan3A_650  : i32 {
              %mul3A_653 = arith.constant 1 : i32
              %mul3A_654 = arith.muli %scan3A_652, %mul3A_653 : i32
              %add3A_655 = arith.constant 0 : i32
              %add3A_656 = arith.addi %add3A_655, %mul3A_654 : i32
              %mul3A_657 = arith.constant 16 : i32
              %mul3A_658 = arith.muli %add3A_656, %mul3A_657 : i32
              %add3A_659 = arith.constant 1024 : i32
              %add3A_660 = arith.addi %add3A_659, %mul3A_658 : i32
              %multiple_of3A_661 = tpu.assume_multiple %add3A_660, 16 : i32
              %swap3A = arith.index_cast %multiple_of3A_661 : i32 to index
              %swap3A_662 = tpu.vector_load %arg9[%swap3A] {strides = array<i32>} : memref<4096xi32, #tpu.memory_space<vmem>>, vector<16xi32>,
              tpu.vector_store %arg9[%swap3A], %broadcast_in_dim3A_592 {strides = array<i32>} : memref<4096xi32, #tpu.memory_space<vmem>>, vector<16xi32>,
              %scan3A_663 = arith.constant 1 : i32
              %scan3A_664 = arith.addi %scan3A_652, %scan3A_663 : i32
              %mul3A_665 = arith.constant 1 : i32
              %mul3A_666 = arith.muli %scan3A_664, %mul3A_665 : i32
              %add3A_667 = arith.constant 0 : i32
              %add3A_668 = arith.addi %add3A_667, %mul3A_666 : i32
              %mul3A_669 = arith.constant 16 : i32
              %mul3A_670 = arith.muli %add3A_668, %mul3A_669 : i32
              %add3A_671 = arith.constant 1024 : i32
              %add3A_672 = arith.addi %add3A_671, %mul3A_670 : i32
              %multiple_of3A_673 = tpu.assume_multiple %add3A_672, 16 : i32
              %swap3A_674 = arith.index_cast %multiple_of3A_673 : i32 to index
              %swap3A_675 = tpu.vector_load %arg9[%swap3A_674] {strides = array<i32>} : memref<4096xi32, #tpu.memory_space<vmem>>, vector<16xi32>,
              tpu.vector_store %arg9[%swap3A_674], %broadcast_in_dim3A_592 {strides = array<i32>} : memref<4096xi32, #tpu.memory_space<vmem>>, vector<16xi32>,
              %scan3A_676 = arith.constant 2 : i32
              %scan3A_677 = arith.addi %scan3A_652, %scan3A_676 : i32
              %mul3A_678 = arith.constant 1 : i32
              %mul3A_679 = arith.muli %scan3A_677, %mul3A_678 : i32
              %add3A_680 = arith.constant 0 : i32
              %add3A_681 = arith.addi %add3A_680, %mul3A_679 : i32
              %mul3A_682 = arith.constant 16 : i32
              %mul3A_683 = arith.muli %add3A_681, %mul3A_682 : i32
              %add3A_684 = arith.constant 1024 : i32
              %add3A_685 = arith.addi %add3A_684, %mul3A_683 : i32
              %multiple_of3A_686 = tpu.assume_multiple %add3A_685, 16 : i32
              %swap3A_687 = arith.index_cast %multiple_of3A_686 : i32 to index
              %swap3A_688 = tpu.vector_load %arg9[%swap3A_687] {strides = array<i32>} : memref<4096xi32, #tpu.memory_space<vmem>>, vector<16xi32>,
              tpu.vector_store %arg9[%swap3A_687], %broadcast_in_dim3A_592 {strides = array<i32>} : memref<4096xi32, #tpu.memory_space<vmem>>, vector<16xi32>,
              %scan3A_689 = arith.constant 3 : i32
              %scan3A_690 = arith.addi %scan3A_652, %scan3A_689 : i32
              %mul3A_691 = arith.constant 1 : i32
              %mul3A_692 = arith.muli %scan3A_690, %mul3A_691 : i32
              %add3A_693 = arith.constant 0 : i32
              %add3A_694 = arith.addi %add3A_693, %mul3A_692 : i32
              %mul3A_695 = arith.constant 16 : i32
              %mul3A_696 = arith.muli %add3A_694, %mul3A_695 : i32
              %add3A_697 = arith.constant 1024 : i32
              %add3A_698 = arith.addi %add3A_697, %mul3A_696 : i32
              %multiple_of3A_699 = tpu.assume_multiple %add3A_698, 16 : i32
              %swap3A_700 = arith.index_cast %multiple_of3A_699 : i32 to index
              %swap3A_701 = tpu.vector_load %arg9[%swap3A_700] {strides = array<i32>} : memref<4096xi32, #tpu.memory_space<vmem>>, vector<16xi32>,
              tpu.vector_store %arg9[%swap3A_700], %broadcast_in_dim3A_592 {strides = array<i32>} : memref<4096xi32, #tpu.memory_space<vmem>>, vector<16xi32>,
            }
            %scan3A_651 = arith.constant 64 : i32
          } else {
          }
          %sub3A_619 = arith.subi %select_n3A_432, %multiple_of3A_556 : i32
          %max3A_620 = arith.constant 0 : i32
          %max3A_621 = arith.maxsi %sub3A_619, %max3A_620 : i32
          %sub3A_622 = arith.subi %select_n3A_453, %multiple_of3A_556 : i32
          %min3A_623 = arith.constant 1024 : i32
          %min3A_624 = arith.minsi %sub3A_622, %min3A_623 : i32
          %lt3A_625 = arith.cmpi slt, %add3A_544, %select_n3A_462 : i32
          %convert_element_type3A_626 = arith.extui %lt3A_625 : i1 to i32
          %cond3A_627 = arith.constant 0 : i32
          %cond3A_628 = arith.cmpi ne, %convert_element_type3A_626, %cond3A_627 : i32
          scf.if %cond3A_628 {
            %add3A_647 = arith.constant 15 : i32
            %add3A_648 = arith.addi %max3A_621, %add3A_647 : i32
            %shift_right_logical3A_649 = arith.constant 4 : i32
            %shift_right_logical3A_650 = arith.shrui %add3A_648, %shift_right_logical3A_649 : i32
            %sub3A_651 = arith.constant 0 : i32
            %sub3A_652 = arith.subi %shift_right_logical3A_650, %sub3A_651 : i32
            %sub3A_653 = arith.constant 1 : i32
            %sub3A_654 = arith.constant 1 : i32
            %sub3A_655 = arith.subi %sub3A_653, %sub3A_654 : i32
            %add3A_656 = arith.addi %sub3A_652, %sub3A_655 : i32
            %div3A_657 = arith.constant 1 : i32
            %div3A_658 = arith.divsi %add3A_656, %div3A_657 : i32
            %while3A_659 = arith.constant 1 : i32
            %while3A_660 = arith.constant 0 : i32
            %while3A_661 = arith.constant 0 : i32
            %while3A_662 = arith.subi %div3A_658, %while3A_661 : i32
            %while3A_663 = arith.addi %while3A_661, %while3A_662 : i32
            %while3A_664 = arith.constant 1 : i32
            %while3A_665 = arith.divsi %while3A_662, %while3A_664 : i32
            %while3A_666 = arith.muli %while3A_665, %while3A_664 : i32
            %while3A_667 = arith.addi %while3A_661, %while3A_666 : i32
            %while3A_668 = arith.constant 1 : i32
            scf.for %while3A_690 = %while3A_661 to %while3A_667 step %while3A_668  : i32 {
              %mul3A_691 = arith.muli %while3A_690, %while3A_659 : i32
              %add3A_692 = arith.addi %while3A_660, %mul3A_691 : i32
              %mul3A_693 = arith.constant 16 : i32
              %mul3A_694 = arith.muli %add3A_692, %mul3A_693 : i32
              %add3A_695 = arith.constant 2048 : i32
              %add3A_696 = arith.addi %add3A_695, %mul3A_694 : i32
              %multiple_of3A_697 = tpu.assume_multiple %add3A_696, 16 : i32
              %mul3A_698 = arith.constant 16 : i32
              %mul3A_699 = arith.muli %add3A_692, %mul3A_698 : i32
              %iota3A_700 = tpu.iota {dimensions = array<i32: 0>} : vector<16xi32>
              %add3A_701 = vector.broadcast %mul3A_699 : i32 to vector<16xi32>
              %add3A_702 = arith.addi %add3A_701, %iota3A_700 : vector<16xi32>
              %ge3A_703 = vector.broadcast %max3A_621 : i32 to vector<16xi32>
              %ge3A_704 = arith.cmpi sge, %add3A_702, %ge3A_703 : vector<16xi32>
              %lt3A_705 = vector.broadcast %min3A_624 : i32 to vector<16xi32>
              %lt3A_706 = arith.cmpi slt, %add3A_702, %lt3A_705 : vector<16xi32>
              %and3A_707 = arith.andi %ge3A_704, %lt3A_706 : vector<16xi1>
              %get3A_708 = arith.index_cast %multiple_of3A_697 : i32 to index
              %get3A_709 = tpu.vector_load %arg9[%get3A_708] {strides = array<i32>} : memref<4096xi32, #tpu.memory_space<vmem>>, vector<16xi32>,
              %jit3A_710 = arith.constant 1073741824 : i32
              %broadcast_in_dim3A_711 = vector.broadcast %jit3A_710 : i32 to vector<16xi32>
              %select_n3A_712 = arith.select %and3A_707, %get3A_709, %broadcast_in_dim3A_711 : vector<16xi1>, vector<16xi32>
              %swap3A = arith.index_cast %multiple_of3A_697 : i32 to index
              %swap3A_713 = tpu.vector_load %arg9[%swap3A] {strides = array<i32>} : memref<4096xi32, #tpu.memory_space<vmem>>, vector<16xi32>,
              tpu.vector_store %arg9[%swap3A], %select_n3A_712 {strides = array<i32>} : memref<4096xi32, #tpu.memory_space<vmem>>, vector<16xi32>,
            }
            %while3A_669 = arith.constant 1 : i32
            scf.for %while3A_690 = %while3A_667 to %while3A_663 step %while3A_669  : i32 {
              %mul3A_691 = arith.muli %while3A_690, %while3A_659 : i32
              %add3A_692 = arith.addi %while3A_660, %mul3A_691 : i32
              %mul3A_693 = arith.constant 16 : i32
              %mul3A_694 = arith.muli %add3A_692, %mul3A_693 : i32
              %add3A_695 = arith.constant 2048 : i32
              %add3A_696 = arith.addi %add3A_695, %mul3A_694 : i32
              %multiple_of3A_697 = tpu.assume_multiple %add3A_696, 16 : i32
              %mul3A_698 = arith.constant 16 : i32
              %mul3A_699 = arith.muli %add3A_692, %mul3A_698 : i32
              %iota3A_700 = tpu.iota {dimensions = array<i32: 0>} : vector<16xi32>
              %add3A_701 = vector.broadcast %mul3A_699 : i32 to vector<16xi32>
              %add3A_702 = arith.addi %add3A_701, %iota3A_700 : vector<16xi32>
              %ge3A_703 = vector.broadcast %max3A_621 : i32 to vector<16xi32>
              %ge3A_704 = arith.cmpi sge, %add3A_702, %ge3A_703 : vector<16xi32>
              %lt3A_705 = vector.broadcast %min3A_624 : i32 to vector<16xi32>
              %lt3A_706 = arith.cmpi slt, %add3A_702, %lt3A_705 : vector<16xi32>
              %and3A_707 = arith.andi %ge3A_704, %lt3A_706 : vector<16xi1>
              %get3A_708 = arith.index_cast %multiple_of3A_697 : i32 to index
              %get3A_709 = tpu.vector_load %arg9[%get3A_708] {strides = array<i32>} : memref<4096xi32, #tpu.memory_space<vmem>>, vector<16xi32>,
              %jit3A_710 = arith.constant 1073741824 : i32
              %broadcast_in_dim3A_711 = vector.broadcast %jit3A_710 : i32 to vector<16xi32>
              %select_n3A_712 = arith.select %and3A_707, %get3A_709, %broadcast_in_dim3A_711 : vector<16xi1>, vector<16xi32>
              %swap3A = arith.index_cast %multiple_of3A_697 : i32 to index
              %swap3A_713 = tpu.vector_load %arg9[%swap3A] {strides = array<i32>} : memref<4096xi32, #tpu.memory_space<vmem>>, vector<16xi32>,
              tpu.vector_store %arg9[%swap3A], %select_n3A_712 {strides = array<i32>} : memref<4096xi32, #tpu.memory_space<vmem>>, vector<16xi32>,
            }
            %shift_right_logical3A_670 = arith.constant 4 : i32
            %shift_right_logical3A_671 = arith.shrui %min3A_624, %shift_right_logical3A_670 : i32
            %sub3A_672 = arith.constant 64 : i32
            %sub3A_673 = arith.subi %sub3A_672, %shift_right_logical3A_671 : i32
            %sub3A_674 = arith.constant 1 : i32
            %sub3A_675 = arith.constant 1 : i32
            %sub3A_676 = arith.subi %sub3A_674, %sub3A_675 : i32
            %add3A_677 = arith.addi %sub3A_673, %sub3A_676 : i32
            %div3A_678 = arith.constant 1 : i32
            %div3A_679 = arith.divsi %add3A_677, %div3A_678 : i32
            %while3A_680 = arith.constant 1 : i32
            %while3A_681 = arith.constant 0 : i32
            %while3A_682 = arith.subi %div3A_679, %while3A_681 : i32
            %while3A_683 = arith.addi %while3A_681, %while3A_682 : i32
            %while3A_684 = arith.constant 1 : i32
            %while3A_685 = arith.divsi %while3A_682, %while3A_684 : i32
            %while3A_686 = arith.muli %while3A_685, %while3A_684 : i32
            %while3A_687 = arith.addi %while3A_681, %while3A_686 : i32
            %while3A_688 = arith.constant 1 : i32
            scf.for %while3A_690 = %while3A_681 to %while3A_687 step %while3A_688  : i32 {
              %mul3A_691 = arith.muli %while3A_690, %while3A_680 : i32
              %add3A_692 = arith.addi %shift_right_logical3A_671, %mul3A_691 : i32
              %mul3A_693 = arith.constant 16 : i32
              %mul3A_694 = arith.muli %add3A_692, %mul3A_693 : i32
              %add3A_695 = arith.constant 2048 : i32
              %add3A_696 = arith.addi %add3A_695, %mul3A_694 : i32
              %multiple_of3A_697 = tpu.assume_multiple %add3A_696, 16 : i32
              %mul3A_698 = arith.constant 16 : i32
              %mul3A_699 = arith.muli %add3A_692, %mul3A_698 : i32
              %iota3A_700 = tpu.iota {dimensions = array<i32: 0>} : vector<16xi32>
              %add3A_701 = vector.broadcast %mul3A_699 : i32 to vector<16xi32>
              %add3A_702 = arith.addi %add3A_701, %iota3A_700 : vector<16xi32>
              %ge3A_703 = vector.broadcast %max3A_621 : i32 to vector<16xi32>
              %ge3A_704 = arith.cmpi sge, %add3A_702, %ge3A_703 : vector<16xi32>
              %lt3A_705 = vector.broadcast %min3A_624 : i32 to vector<16xi32>
              %lt3A_706 = arith.cmpi slt, %add3A_702, %lt3A_705 : vector<16xi32>
              %and3A_707 = arith.andi %ge3A_704, %lt3A_706 : vector<16xi1>
              %get3A_708 = arith.index_cast %multiple_of3A_697 : i32 to index
              %get3A_709 = tpu.vector_load %arg9[%get3A_708] {strides = array<i32>} : memref<4096xi32, #tpu.memory_space<vmem>>, vector<16xi32>,
              %jit3A_710 = arith.constant 1073741824 : i32
              %broadcast_in_dim3A_711 = vector.broadcast %jit3A_710 : i32 to vector<16xi32>
              %select_n3A_712 = arith.select %and3A_707, %get3A_709, %broadcast_in_dim3A_711 : vector<16xi1>, vector<16xi32>
              %swap3A = arith.index_cast %multiple_of3A_697 : i32 to index
              %swap3A_713 = tpu.vector_load %arg9[%swap3A] {strides = array<i32>} : memref<4096xi32, #tpu.memory_space<vmem>>, vector<16xi32>,
              tpu.vector_store %arg9[%swap3A], %select_n3A_712 {strides = array<i32>} : memref<4096xi32, #tpu.memory_space<vmem>>, vector<16xi32>,
            }
            %while3A_689 = arith.constant 1 : i32
            scf.for %while3A_690 = %while3A_687 to %while3A_683 step %while3A_689  : i32 {
              %mul3A_691 = arith.muli %while3A_690, %while3A_680 : i32
              %add3A_692 = arith.addi %shift_right_logical3A_671, %mul3A_691 : i32
              %mul3A_693 = arith.constant 16 : i32
              %mul3A_694 = arith.muli %add3A_692, %mul3A_693 : i32
              %add3A_695 = arith.constant 2048 : i32
              %add3A_696 = arith.addi %add3A_695, %mul3A_694 : i32
              %multiple_of3A_697 = tpu.assume_multiple %add3A_696, 16 : i32
              %mul3A_698 = arith.constant 16 : i32
              %mul3A_699 = arith.muli %add3A_692, %mul3A_698 : i32
              %iota3A_700 = tpu.iota {dimensions = array<i32: 0>} : vector<16xi32>
              %add3A_701 = vector.broadcast %mul3A_699 : i32 to vector<16xi32>
              %add3A_702 = arith.addi %add3A_701, %iota3A_700 : vector<16xi32>
              %ge3A_703 = vector.broadcast %max3A_621 : i32 to vector<16xi32>
              %ge3A_704 = arith.cmpi sge, %add3A_702, %ge3A_703 : vector<16xi32>
              %lt3A_705 = vector.broadcast %min3A_624 : i32 to vector<16xi32>
              %lt3A_706 = arith.cmpi slt, %add3A_702, %lt3A_705 : vector<16xi32>
              %and3A_707 = arith.andi %ge3A_704, %lt3A_706 : vector<16xi1>
              %get3A_708 = arith.index_cast %multiple_of3A_697 : i32 to index
              %get3A_709 = tpu.vector_load %arg9[%get3A_708] {strides = array<i32>} : memref<4096xi32, #tpu.memory_space<vmem>>, vector<16xi32>,
              %jit3A_710 = arith.constant 1073741824 : i32
              %broadcast_in_dim3A_711 = vector.broadcast %jit3A_710 : i32 to vector<16xi32>
              %select_n3A_712 = arith.select %and3A_707, %get3A_709, %broadcast_in_dim3A_711 : vector<16xi1>, vector<16xi32>
              %swap3A = arith.index_cast %multiple_of3A_697 : i32 to index
              %swap3A_713 = tpu.vector_load %arg9[%swap3A] {strides = array<i32>} : memref<4096xi32, #tpu.memory_space<vmem>>, vector<16xi32>,
              tpu.vector_store %arg9[%swap3A], %select_n3A_712 {strides = array<i32>} : memref<4096xi32, #tpu.memory_space<vmem>>, vector<16xi32>,
            }
          } else {
          }
          %ge3A_629 = arith.cmpi sge, %add3A_544, %select_n3A_462 : i32
          %convert_element_type3A_630 = arith.extui %ge3A_629 : i1 to i32
          %cond3A_631 = arith.constant 0 : i32
          %cond3A_632 = arith.cmpi ne, %convert_element_type3A_630, %cond3A_631 : i32
          scf.if %cond3A_632 {
            %scan3A_647 = arith.constant 0 : i32
            %scan3A_648 = arith.constant 64 : i32
            %scan3A_649 = arith.addi %scan3A_647, %scan3A_648 : i32
            %scan3A_650 = arith.constant 4 : i32
            scf.for %scan3A_652 = %scan3A_647 to %scan3A_649 step %scan3A_650  : i32 {
              %mul3A_653 = arith.constant 1 : i32
              %mul3A_654 = arith.muli %scan3A_652, %mul3A_653 : i32
              %add3A_655 = arith.constant 0 : i32
              %add3A_656 = arith.addi %add3A_655, %mul3A_654 : i32
              %mul3A_657 = arith.constant 16 : i32
              %mul3A_658 = arith.muli %add3A_656, %mul3A_657 : i32
              %add3A_659 = arith.constant 2048 : i32
              %add3A_660 = arith.addi %add3A_659, %mul3A_658 : i32
              %multiple_of3A_661 = tpu.assume_multiple %add3A_660, 16 : i32
              %swap3A = arith.index_cast %multiple_of3A_661 : i32 to index
              %swap3A_662 = tpu.vector_load %arg9[%swap3A] {strides = array<i32>} : memref<4096xi32, #tpu.memory_space<vmem>>, vector<16xi32>,
              tpu.vector_store %arg9[%swap3A], %broadcast_in_dim3A_592 {strides = array<i32>} : memref<4096xi32, #tpu.memory_space<vmem>>, vector<16xi32>,
              %scan3A_663 = arith.constant 1 : i32
              %scan3A_664 = arith.addi %scan3A_652, %scan3A_663 : i32
              %mul3A_665 = arith.constant 1 : i32
              %mul3A_666 = arith.muli %scan3A_664, %mul3A_665 : i32
              %add3A_667 = arith.constant 0 : i32
              %add3A_668 = arith.addi %add3A_667, %mul3A_666 : i32
              %mul3A_669 = arith.constant 16 : i32
              %mul3A_670 = arith.muli %add3A_668, %mul3A_669 : i32
              %add3A_671 = arith.constant 2048 : i32
              %add3A_672 = arith.addi %add3A_671, %mul3A_670 : i32
              %multiple_of3A_673 = tpu.assume_multiple %add3A_672, 16 : i32
              %swap3A_674 = arith.index_cast %multiple_of3A_673 : i32 to index
              %swap3A_675 = tpu.vector_load %arg9[%swap3A_674] {strides = array<i32>} : memref<4096xi32, #tpu.memory_space<vmem>>, vector<16xi32>,
              tpu.vector_store %arg9[%swap3A_674], %broadcast_in_dim3A_592 {strides = array<i32>} : memref<4096xi32, #tpu.memory_space<vmem>>, vector<16xi32>,
              %scan3A_676 = arith.constant 2 : i32
              %scan3A_677 = arith.addi %scan3A_652, %scan3A_676 : i32
              %mul3A_678 = arith.constant 1 : i32
              %mul3A_679 = arith.muli %scan3A_677, %mul3A_678 : i32
              %add3A_680 = arith.constant 0 : i32
              %add3A_681 = arith.addi %add3A_680, %mul3A_679 : i32
              %mul3A_682 = arith.constant 16 : i32
              %mul3A_683 = arith.muli %add3A_681, %mul3A_682 : i32
              %add3A_684 = arith.constant 2048 : i32
              %add3A_685 = arith.addi %add3A_684, %mul3A_683 : i32
              %multiple_of3A_686 = tpu.assume_multiple %add3A_685, 16 : i32
              %swap3A_687 = arith.index_cast %multiple_of3A_686 : i32 to index
              %swap3A_688 = tpu.vector_load %arg9[%swap3A_687] {strides = array<i32>} : memref<4096xi32, #tpu.memory_space<vmem>>, vector<16xi32>,
              tpu.vector_store %arg9[%swap3A_687], %broadcast_in_dim3A_592 {strides = array<i32>} : memref<4096xi32, #tpu.memory_space<vmem>>, vector<16xi32>,
              %scan3A_689 = arith.constant 3 : i32
              %scan3A_690 = arith.addi %scan3A_652, %scan3A_689 : i32
              %mul3A_691 = arith.constant 1 : i32
              %mul3A_692 = arith.muli %scan3A_690, %mul3A_691 : i32
              %add3A_693 = arith.constant 0 : i32
              %add3A_694 = arith.addi %add3A_693, %mul3A_692 : i32
              %mul3A_695 = arith.constant 16 : i32
              %mul3A_696 = arith.muli %add3A_694, %mul3A_695 : i32
              %add3A_697 = arith.constant 2048 : i32
              %add3A_698 = arith.addi %add3A_697, %mul3A_696 : i32
              %multiple_of3A_699 = tpu.assume_multiple %add3A_698, 16 : i32
              %swap3A_700 = arith.index_cast %multiple_of3A_699 : i32 to index
              %swap3A_701 = tpu.vector_load %arg9[%swap3A_700] {strides = array<i32>} : memref<4096xi32, #tpu.memory_space<vmem>>, vector<16xi32>,
              tpu.vector_store %arg9[%swap3A_700], %broadcast_in_dim3A_592 {strides = array<i32>} : memref<4096xi32, #tpu.memory_space<vmem>>, vector<16xi32>,
            }
            %scan3A_651 = arith.constant 64 : i32
          } else {
          }
          %sub3A_633 = arith.subi %select_n3A_492, %multiple_of3A_560 : i32
          %max3A_634 = arith.constant 0 : i32
          %max3A_635 = arith.maxsi %sub3A_633, %max3A_634 : i32
          %sub3A_636 = arith.subi %select_n3A_513, %multiple_of3A_560 : i32
          %min3A_637 = arith.constant 1024 : i32
          %min3A_638 = arith.minsi %sub3A_636, %min3A_637 : i32
          %lt3A_639 = arith.cmpi slt, %add3A_544, %select_n3A_522 : i32
          %convert_element_type3A_640 = arith.extui %lt3A_639 : i1 to i32
          %cond3A_641 = arith.constant 0 : i32
          %cond3A_642 = arith.cmpi ne, %convert_element_type3A_640, %cond3A_641 : i32
          scf.if %cond3A_642 {
            %add3A_647 = arith.constant 15 : i32
            %add3A_648 = arith.addi %max3A_635, %add3A_647 : i32
            %shift_right_logical3A_649 = arith.constant 4 : i32
            %shift_right_logical3A_650 = arith.shrui %add3A_648, %shift_right_logical3A_649 : i32
            %sub3A_651 = arith.constant 0 : i32
            %sub3A_652 = arith.subi %shift_right_logical3A_650, %sub3A_651 : i32
            %sub3A_653 = arith.constant 1 : i32
            %sub3A_654 = arith.constant 1 : i32
            %sub3A_655 = arith.subi %sub3A_653, %sub3A_654 : i32
            %add3A_656 = arith.addi %sub3A_652, %sub3A_655 : i32
            %div3A_657 = arith.constant 1 : i32
            %div3A_658 = arith.divsi %add3A_656, %div3A_657 : i32
            %while3A_659 = arith.constant 1 : i32
            %while3A_660 = arith.constant 0 : i32
            %while3A_661 = arith.constant 0 : i32
            %while3A_662 = arith.subi %div3A_658, %while3A_661 : i32
            %while3A_663 = arith.addi %while3A_661, %while3A_662 : i32
            %while3A_664 = arith.constant 1 : i32
            %while3A_665 = arith.divsi %while3A_662, %while3A_664 : i32
            %while3A_666 = arith.muli %while3A_665, %while3A_664 : i32
            %while3A_667 = arith.addi %while3A_661, %while3A_666 : i32
            %while3A_668 = arith.constant 1 : i32
            scf.for %while3A_690 = %while3A_661 to %while3A_667 step %while3A_668  : i32 {
              %mul3A_691 = arith.muli %while3A_690, %while3A_659 : i32
              %add3A_692 = arith.addi %while3A_660, %mul3A_691 : i32
              %mul3A_693 = arith.constant 16 : i32
              %mul3A_694 = arith.muli %add3A_692, %mul3A_693 : i32
              %add3A_695 = arith.constant 3072 : i32
              %add3A_696 = arith.addi %add3A_695, %mul3A_694 : i32
              %multiple_of3A_697 = tpu.assume_multiple %add3A_696, 16 : i32
              %mul3A_698 = arith.constant 16 : i32
              %mul3A_699 = arith.muli %add3A_692, %mul3A_698 : i32
              %iota3A_700 = tpu.iota {dimensions = array<i32: 0>} : vector<16xi32>
              %add3A_701 = vector.broadcast %mul3A_699 : i32 to vector<16xi32>
              %add3A_702 = arith.addi %add3A_701, %iota3A_700 : vector<16xi32>
              %ge3A_703 = vector.broadcast %max3A_635 : i32 to vector<16xi32>
              %ge3A_704 = arith.cmpi sge, %add3A_702, %ge3A_703 : vector<16xi32>
              %lt3A_705 = vector.broadcast %min3A_638 : i32 to vector<16xi32>
              %lt3A_706 = arith.cmpi slt, %add3A_702, %lt3A_705 : vector<16xi32>
              %and3A_707 = arith.andi %ge3A_704, %lt3A_706 : vector<16xi1>
              %get3A_708 = arith.index_cast %multiple_of3A_697 : i32 to index
              %get3A_709 = tpu.vector_load %arg9[%get3A_708] {strides = array<i32>} : memref<4096xi32, #tpu.memory_space<vmem>>, vector<16xi32>,
              %jit3A_710 = arith.constant 1073741824 : i32
              %broadcast_in_dim3A_711 = vector.broadcast %jit3A_710 : i32 to vector<16xi32>
              %select_n3A_712 = arith.select %and3A_707, %get3A_709, %broadcast_in_dim3A_711 : vector<16xi1>, vector<16xi32>
              %swap3A = arith.index_cast %multiple_of3A_697 : i32 to index
              %swap3A_713 = tpu.vector_load %arg9[%swap3A] {strides = array<i32>} : memref<4096xi32, #tpu.memory_space<vmem>>, vector<16xi32>,
              tpu.vector_store %arg9[%swap3A], %select_n3A_712 {strides = array<i32>} : memref<4096xi32, #tpu.memory_space<vmem>>, vector<16xi32>,
            }
            %while3A_669 = arith.constant 1 : i32
            scf.for %while3A_690 = %while3A_667 to %while3A_663 step %while3A_669  : i32 {
              %mul3A_691 = arith.muli %while3A_690, %while3A_659 : i32
              %add3A_692 = arith.addi %while3A_660, %mul3A_691 : i32
              %mul3A_693 = arith.constant 16 : i32
              %mul3A_694 = arith.muli %add3A_692, %mul3A_693 : i32
              %add3A_695 = arith.constant 3072 : i32
              %add3A_696 = arith.addi %add3A_695, %mul3A_694 : i32
              %multiple_of3A_697 = tpu.assume_multiple %add3A_696, 16 : i32
              %mul3A_698 = arith.constant 16 : i32
              %mul3A_699 = arith.muli %add3A_692, %mul3A_698 : i32
              %iota3A_700 = tpu.iota {dimensions = array<i32: 0>} : vector<16xi32>
              %add3A_701 = vector.broadcast %mul3A_699 : i32 to vector<16xi32>
              %add3A_702 = arith.addi %add3A_701, %iota3A_700 : vector<16xi32>
              %ge3A_703 = vector.broadcast %max3A_635 : i32 to vector<16xi32>
              %ge3A_704 = arith.cmpi sge, %add3A_702, %ge3A_703 : vector<16xi32>
              %lt3A_705 = vector.broadcast %min3A_638 : i32 to vector<16xi32>
              %lt3A_706 = arith.cmpi slt, %add3A_702, %lt3A_705 : vector<16xi32>
              %and3A_707 = arith.andi %ge3A_704, %lt3A_706 : vector<16xi1>
              %get3A_708 = arith.index_cast %multiple_of3A_697 : i32 to index
              %get3A_709 = tpu.vector_load %arg9[%get3A_708] {strides = array<i32>} : memref<4096xi32, #tpu.memory_space<vmem>>, vector<16xi32>,
              %jit3A_710 = arith.constant 1073741824 : i32
              %broadcast_in_dim3A_711 = vector.broadcast %jit3A_710 : i32 to vector<16xi32>
              %select_n3A_712 = arith.select %and3A_707, %get3A_709, %broadcast_in_dim3A_711 : vector<16xi1>, vector<16xi32>
              %swap3A = arith.index_cast %multiple_of3A_697 : i32 to index
              %swap3A_713 = tpu.vector_load %arg9[%swap3A] {strides = array<i32>} : memref<4096xi32, #tpu.memory_space<vmem>>, vector<16xi32>,
              tpu.vector_store %arg9[%swap3A], %select_n3A_712 {strides = array<i32>} : memref<4096xi32, #tpu.memory_space<vmem>>, vector<16xi32>,
            }
            %shift_right_logical3A_670 = arith.constant 4 : i32
            %shift_right_logical3A_671 = arith.shrui %min3A_638, %shift_right_logical3A_670 : i32
            %sub3A_672 = arith.constant 64 : i32
            %sub3A_673 = arith.subi %sub3A_672, %shift_right_logical3A_671 : i32
            %sub3A_674 = arith.constant 1 : i32
            %sub3A_675 = arith.constant 1 : i32
            %sub3A_676 = arith.subi %sub3A_674, %sub3A_675 : i32
            %add3A_677 = arith.addi %sub3A_673, %sub3A_676 : i32
            %div3A_678 = arith.constant 1 : i32
            %div3A_679 = arith.divsi %add3A_677, %div3A_678 : i32
            %while3A_680 = arith.constant 1 : i32
            %while3A_681 = arith.constant 0 : i32
            %while3A_682 = arith.subi %div3A_679, %while3A_681 : i32
            %while3A_683 = arith.addi %while3A_681, %while3A_682 : i32
            %while3A_684 = arith.constant 1 : i32
            %while3A_685 = arith.divsi %while3A_682, %while3A_684 : i32
            %while3A_686 = arith.muli %while3A_685, %while3A_684 : i32
            %while3A_687 = arith.addi %while3A_681, %while3A_686 : i32
            %while3A_688 = arith.constant 1 : i32
            scf.for %while3A_690 = %while3A_681 to %while3A_687 step %while3A_688  : i32 {
              %mul3A_691 = arith.muli %while3A_690, %while3A_680 : i32
              %add3A_692 = arith.addi %shift_right_logical3A_671, %mul3A_691 : i32
              %mul3A_693 = arith.constant 16 : i32
              %mul3A_694 = arith.muli %add3A_692, %mul3A_693 : i32
              %add3A_695 = arith.constant 3072 : i32
              %add3A_696 = arith.addi %add3A_695, %mul3A_694 : i32
              %multiple_of3A_697 = tpu.assume_multiple %add3A_696, 16 : i32
              %mul3A_698 = arith.constant 16 : i32
              %mul3A_699 = arith.muli %add3A_692, %mul3A_698 : i32
              %iota3A_700 = tpu.iota {dimensions = array<i32: 0>} : vector<16xi32>
              %add3A_701 = vector.broadcast %mul3A_699 : i32 to vector<16xi32>
              %add3A_702 = arith.addi %add3A_701, %iota3A_700 : vector<16xi32>
              %ge3A_703 = vector.broadcast %max3A_635 : i32 to vector<16xi32>
              %ge3A_704 = arith.cmpi sge, %add3A_702, %ge3A_703 : vector<16xi32>
              %lt3A_705 = vector.broadcast %min3A_638 : i32 to vector<16xi32>
              %lt3A_706 = arith.cmpi slt, %add3A_702, %lt3A_705 : vector<16xi32>
              %and3A_707 = arith.andi %ge3A_704, %lt3A_706 : vector<16xi1>
              %get3A_708 = arith.index_cast %multiple_of3A_697 : i32 to index
              %get3A_709 = tpu.vector_load %arg9[%get3A_708] {strides = array<i32>} : memref<4096xi32, #tpu.memory_space<vmem>>, vector<16xi32>,
              %jit3A_710 = arith.constant 1073741824 : i32
              %broadcast_in_dim3A_711 = vector.broadcast %jit3A_710 : i32 to vector<16xi32>
              %select_n3A_712 = arith.select %and3A_707, %get3A_709, %broadcast_in_dim3A_711 : vector<16xi1>, vector<16xi32>
              %swap3A = arith.index_cast %multiple_of3A_697 : i32 to index
              %swap3A_713 = tpu.vector_load %arg9[%swap3A] {strides = array<i32>} : memref<4096xi32, #tpu.memory_space<vmem>>, vector<16xi32>,
              tpu.vector_store %arg9[%swap3A], %select_n3A_712 {strides = array<i32>} : memref<4096xi32, #tpu.memory_space<vmem>>, vector<16xi32>,
            }
            %while3A_689 = arith.constant 1 : i32
            scf.for %while3A_690 = %while3A_687 to %while3A_683 step %while3A_689  : i32 {
              %mul3A_691 = arith.muli %while3A_690, %while3A_680 : i32
              %add3A_692 = arith.addi %shift_right_logical3A_671, %mul3A_691 : i32
              %mul3A_693 = arith.constant 16 : i32
              %mul3A_694 = arith.muli %add3A_692, %mul3A_693 : i32
              %add3A_695 = arith.constant 3072 : i32
              %add3A_696 = arith.addi %add3A_695, %mul3A_694 : i32
              %multiple_of3A_697 = tpu.assume_multiple %add3A_696, 16 : i32
              %mul3A_698 = arith.constant 16 : i32
              %mul3A_699 = arith.muli %add3A_692, %mul3A_698 : i32
              %iota3A_700 = tpu.iota {dimensions = array<i32: 0>} : vector<16xi32>
              %add3A_701 = vector.broadcast %mul3A_699 : i32 to vector<16xi32>
              %add3A_702 = arith.addi %add3A_701, %iota3A_700 : vector<16xi32>
              %ge3A_703 = vector.broadcast %max3A_635 : i32 to vector<16xi32>
              %ge3A_704 = arith.cmpi sge, %add3A_702, %ge3A_703 : vector<16xi32>
              %lt3A_705 = vector.broadcast %min3A_638 : i32 to vector<16xi32>
              %lt3A_706 = arith.cmpi slt, %add3A_702, %lt3A_705 : vector<16xi32>
              %and3A_707 = arith.andi %ge3A_704, %lt3A_706 : vector<16xi1>
              %get3A_708 = arith.index_cast %multiple_of3A_697 : i32 to index
              %get3A_709 = tpu.vector_load %arg9[%get3A_708] {strides = array<i32>} : memref<4096xi32, #tpu.memory_space<vmem>>, vector<16xi32>,
              %jit3A_710 = arith.constant 1073741824 : i32
              %broadcast_in_dim3A_711 = vector.broadcast %jit3A_710 : i32 to vector<16xi32>
              %select_n3A_712 = arith.select %and3A_707, %get3A_709, %broadcast_in_dim3A_711 : vector<16xi1>, vector<16xi32>
              %swap3A = arith.index_cast %multiple_of3A_697 : i32 to index
              %swap3A_713 = tpu.vector_load %arg9[%swap3A] {strides = array<i32>} : memref<4096xi32, #tpu.memory_space<vmem>>, vector<16xi32>,
              tpu.vector_store %arg9[%swap3A], %select_n3A_712 {strides = array<i32>} : memref<4096xi32, #tpu.memory_space<vmem>>, vector<16xi32>,
            }
          } else {
          }
          %ge3A_643 = arith.cmpi sge, %add3A_544, %select_n3A_522 : i32
          %convert_element_type3A_644 = arith.extui %ge3A_643 : i1 to i32
          %cond3A_645 = arith.constant 0 : i32
          %cond3A_646 = arith.cmpi ne, %convert_element_type3A_644, %cond3A_645 : i32
          scf.if %cond3A_646 {
            %scan3A_647 = arith.constant 0 : i32
            %scan3A_648 = arith.constant 64 : i32
            %scan3A_649 = arith.addi %scan3A_647, %scan3A_648 : i32
            %scan3A_650 = arith.constant 4 : i32
            scf.for %scan3A_652 = %scan3A_647 to %scan3A_649 step %scan3A_650  : i32 {
              %mul3A_653 = arith.constant 1 : i32
              %mul3A_654 = arith.muli %scan3A_652, %mul3A_653 : i32
              %add3A_655 = arith.constant 0 : i32
              %add3A_656 = arith.addi %add3A_655, %mul3A_654 : i32
              %mul3A_657 = arith.constant 16 : i32
              %mul3A_658 = arith.muli %add3A_656, %mul3A_657 : i32
              %add3A_659 = arith.constant 3072 : i32
              %add3A_660 = arith.addi %add3A_659, %mul3A_658 : i32
              %multiple_of3A_661 = tpu.assume_multiple %add3A_660, 16 : i32
              %swap3A = arith.index_cast %multiple_of3A_661 : i32 to index
              %swap3A_662 = tpu.vector_load %arg9[%swap3A] {strides = array<i32>} : memref<4096xi32, #tpu.memory_space<vmem>>, vector<16xi32>,
              tpu.vector_store %arg9[%swap3A], %broadcast_in_dim3A_592 {strides = array<i32>} : memref<4096xi32, #tpu.memory_space<vmem>>, vector<16xi32>,
              %scan3A_663 = arith.constant 1 : i32
              %scan3A_664 = arith.addi %scan3A_652, %scan3A_663 : i32
              %mul3A_665 = arith.constant 1 : i32
              %mul3A_666 = arith.muli %scan3A_664, %mul3A_665 : i32
              %add3A_667 = arith.constant 0 : i32
              %add3A_668 = arith.addi %add3A_667, %mul3A_666 : i32
              %mul3A_669 = arith.constant 16 : i32
              %mul3A_670 = arith.muli %add3A_668, %mul3A_669 : i32
              %add3A_671 = arith.constant 3072 : i32
              %add3A_672 = arith.addi %add3A_671, %mul3A_670 : i32
              %multiple_of3A_673 = tpu.assume_multiple %add3A_672, 16 : i32
              %swap3A_674 = arith.index_cast %multiple_of3A_673 : i32 to index
              %swap3A_675 = tpu.vector_load %arg9[%swap3A_674] {strides = array<i32>} : memref<4096xi32, #tpu.memory_space<vmem>>, vector<16xi32>,
              tpu.vector_store %arg9[%swap3A_674], %broadcast_in_dim3A_592 {strides = array<i32>} : memref<4096xi32, #tpu.memory_space<vmem>>, vector<16xi32>,
              %scan3A_676 = arith.constant 2 : i32
              %scan3A_677 = arith.addi %scan3A_652, %scan3A_676 : i32
              %mul3A_678 = arith.constant 1 : i32
              %mul3A_679 = arith.muli %scan3A_677, %mul3A_678 : i32
              %add3A_680 = arith.constant 0 : i32
              %add3A_681 = arith.addi %add3A_680, %mul3A_679 : i32
              %mul3A_682 = arith.constant 16 : i32
              %mul3A_683 = arith.muli %add3A_681, %mul3A_682 : i32
              %add3A_684 = arith.constant 3072 : i32
              %add3A_685 = arith.addi %add3A_684, %mul3A_683 : i32
              %multiple_of3A_686 = tpu.assume_multiple %add3A_685, 16 : i32
              %swap3A_687 = arith.index_cast %multiple_of3A_686 : i32 to index
              %swap3A_688 = tpu.vector_load %arg9[%swap3A_687] {strides = array<i32>} : memref<4096xi32, #tpu.memory_space<vmem>>, vector<16xi32>,
              tpu.vector_store %arg9[%swap3A_687], %broadcast_in_dim3A_592 {strides = array<i32>} : memref<4096xi32, #tpu.memory_space<vmem>>, vector<16xi32>,
              %scan3A_689 = arith.constant 3 : i32
              %scan3A_690 = arith.addi %scan3A_652, %scan3A_689 : i32
              %mul3A_691 = arith.constant 1 : i32
              %mul3A_692 = arith.muli %scan3A_690, %mul3A_691 : i32
              %add3A_693 = arith.constant 0 : i32
              %add3A_694 = arith.addi %add3A_693, %mul3A_692 : i32
              %mul3A_695 = arith.constant 16 : i32
              %mul3A_696 = arith.muli %add3A_694, %mul3A_695 : i32
              %add3A_697 = arith.constant 3072 : i32
              %add3A_698 = arith.addi %add3A_697, %mul3A_696 : i32
              %multiple_of3A_699 = tpu.assume_multiple %add3A_698, 16 : i32
              %swap3A_700 = arith.index_cast %multiple_of3A_699 : i32 to index
              %swap3A_701 = tpu.vector_load %arg9[%swap3A_700] {strides = array<i32>} : memref<4096xi32, #tpu.memory_space<vmem>>, vector<16xi32>,
              tpu.vector_store %arg9[%swap3A_700], %broadcast_in_dim3A_592 {strides = array<i32>} : memref<4096xi32, #tpu.memory_space<vmem>>, vector<16xi32>,
            }
            %scan3A_651 = arith.constant 64 : i32
          } else {
          }
          "tpu.region"() ({
            %run_scoped3A = tpu.sem_alloc : memref<!tpu.dma_semaphore, #tpu.memory_space<semaphore_mem>>
            %dma_start3A_647 = arith.constant 0 : i32
            %dma_start3A_648 = tpu.memref_slice %arg6[%dma_start3A_647] : memref<1835008xf32, #tpu.memory_space<vmem_shared>> -> memref<1835008xf32, #tpu.memory_space<vmem_shared>>
            %dma_start3A_649 = arith.constant 1073741824 : i32
            tpu.enqueue_indirect_dma source(%arg10 : memref<4096xf32, #tpu.memory_space<vmem>>) target(%dma_start3A_648 : memref<1835008xf32, #tpu.memory_space<vmem_shared>>) offsets(%arg9 : memref<4096xi32, #tpu.memory_space<vmem>>) offset_filter(%dma_start3A_649) semaphore(%run_scoped3A : memref<!tpu.dma_semaphore, #tpu.memory_space<semaphore_mem>>) {add = true}
            %dma_wait3A_650 = arith.constant 0 : i32
            %dma_wait3A_651 = tpu.memref_slice %arg6[%dma_wait3A_650] : memref<1835008xf32, #tpu.memory_space<vmem_shared>> -> memref<1835008xf32, #tpu.memory_space<vmem_shared>>
            tpu.wait_indirect_dma semaphore(%run_scoped3A : memref<!tpu.dma_semaphore, #tpu.memory_space<semaphore_mem>>) src(%arg10 : memref<4096xf32, #tpu.memory_space<vmem>>) dst(%dma_wait3A_651 : memref<1835008xf32, #tpu.memory_space<vmem_shared>>)
            tpu.yield
          }) : () -> ()
        }
        %while3A_541 = arith.constant 1 : i32
        scf.for %while3A_542 = %while3A_539 to %while3A_535 step %while3A_541  : i32 {
          %mul3A_543 = arith.muli %while3A_542, %while3A : i32
          %add3A_544 = arith.addi %while3A_532, %mul3A_543 : i32
          %mul3A_545 = arith.constant 1024 : i32
          %mul3A_546 = arith.muli %add3A_544, %mul3A_545 : i32
          %add3A_547 = arith.addi %and3A_336, %mul3A_546 : i32
          %multiple_of3A_548 = tpu.assume_multiple %add3A_547, 16 : i32
          %mul3A_549 = arith.constant 1024 : i32
          %mul3A_550 = arith.muli %add3A_544, %mul3A_549 : i32
          %add3A_551 = arith.addi %and3A_395, %mul3A_550 : i32
          %multiple_of3A_552 = tpu.assume_multiple %add3A_551, 16 : i32
          %mul3A_553 = arith.constant 1024 : i32
          %mul3A_554 = arith.muli %add3A_544, %mul3A_553 : i32
          %add3A_555 = arith.addi %and3A_455, %mul3A_554 : i32
          %multiple_of3A_556 = tpu.assume_multiple %add3A_555, 16 : i32
          %mul3A_557 = arith.constant 1024 : i32
          %mul3A_558 = arith.muli %add3A_544, %mul3A_557 : i32
          %add3A_559 = arith.addi %and3A_515, %mul3A_558 : i32
          %multiple_of3A_560 = tpu.assume_multiple %add3A_559, 16 : i32
          %lt3A_561 = arith.cmpi slt, %add3A_544, %select_n3A_342 : i32
          %convert_element_type3A = arith.extui %lt3A_561 : i1 to i32
          %cond3A = arith.constant 0 : i32
          %cond3A_562 = arith.cmpi ne, %convert_element_type3A, %cond3A : i32
          scf.if %cond3A_562 {
            %dma_start3A_647 = arith.constant 0 : i32
            %dma_start3A_648 = tpu.memref_slice %arg9[%dma_start3A_647] : memref<4096xi32, #tpu.memory_space<vmem>> -> memref<1024xi32, #tpu.memory_space<vmem>>
            %dma_start3A_649 = tpu.memref_slice %arg2[%multiple_of3A_548] : memref<19268608xi32, #tpu.memory_space<hbm>> -> memref<1024xi32, #tpu.memory_space<hbm>>
            %dma_start3A_650 = arith.constant 0 : i32
            %dma_start3A_651 = tpu.memref_slice %arg9[%dma_start3A_650] : memref<4096xi32, #tpu.memory_space<vmem>> -> memref<1024xi32, #tpu.memory_space<vmem>>
            %dma_start3A_652 = tpu.memref_slice %arg2[%multiple_of3A_548] : memref<19268608xi32, #tpu.memory_space<hbm>> -> memref<1024xi32, #tpu.memory_space<hbm>>
            tpu.enqueue_dma source(%dma_start3A_652 : memref<1024xi32, #tpu.memory_space<hbm>>) target(%dma_start3A_651 : memref<1024xi32, #tpu.memory_space<vmem>>) target_semaphore(%arg12 : memref<!tpu.dma_semaphore, #tpu.memory_space<semaphore_mem>>)
            %dma_start3A_653 = arith.constant 0 : i32
            %dma_start3A_654 = tpu.memref_slice %arg10[%dma_start3A_653] : memref<4096xf32, #tpu.memory_space<vmem>> -> memref<1024xf32, #tpu.memory_space<vmem>>
            %dma_start3A_655 = tpu.memref_slice %arg3[%multiple_of3A_548] : memref<19268608xf32, #tpu.memory_space<hbm>> -> memref<1024xf32, #tpu.memory_space<hbm>>
            %dma_start3A_656 = arith.constant 0 : i32
            %dma_start3A_657 = tpu.memref_slice %arg10[%dma_start3A_656] : memref<4096xf32, #tpu.memory_space<vmem>> -> memref<1024xf32, #tpu.memory_space<vmem>>
            %dma_start3A_658 = tpu.memref_slice %arg3[%multiple_of3A_548] : memref<19268608xf32, #tpu.memory_space<hbm>> -> memref<1024xf32, #tpu.memory_space<hbm>>
            tpu.enqueue_dma source(%dma_start3A_658 : memref<1024xf32, #tpu.memory_space<hbm>>) target(%dma_start3A_657 : memref<1024xf32, #tpu.memory_space<vmem>>) target_semaphore(%arg12 : memref<!tpu.dma_semaphore, #tpu.memory_space<semaphore_mem>>)
          } else {
          }
          %lt3A_563 = arith.cmpi slt, %add3A_544, %select_n3A_402 : i32
          %convert_element_type3A_564 = arith.extui %lt3A_563 : i1 to i32
          %cond3A_565 = arith.constant 0 : i32
          %cond3A_566 = arith.cmpi ne, %convert_element_type3A_564, %cond3A_565 : i32
          scf.if %cond3A_566 {
            %dma_start3A_647 = arith.constant 1024 : i32
            %dma_start3A_648 = tpu.memref_slice %arg9[%dma_start3A_647] : memref<4096xi32, #tpu.memory_space<vmem>> -> memref<1024xi32, #tpu.memory_space<vmem>>
            %dma_start3A_649 = tpu.memref_slice %arg2[%multiple_of3A_552] : memref<19268608xi32, #tpu.memory_space<hbm>> -> memref<1024xi32, #tpu.memory_space<hbm>>
            %dma_start3A_650 = arith.constant 1024 : i32
            %dma_start3A_651 = tpu.memref_slice %arg9[%dma_start3A_650] : memref<4096xi32, #tpu.memory_space<vmem>> -> memref<1024xi32, #tpu.memory_space<vmem>>
            %dma_start3A_652 = tpu.memref_slice %arg2[%multiple_of3A_552] : memref<19268608xi32, #tpu.memory_space<hbm>> -> memref<1024xi32, #tpu.memory_space<hbm>>
            tpu.enqueue_dma source(%dma_start3A_652 : memref<1024xi32, #tpu.memory_space<hbm>>) target(%dma_start3A_651 : memref<1024xi32, #tpu.memory_space<vmem>>) target_semaphore(%arg12 : memref<!tpu.dma_semaphore, #tpu.memory_space<semaphore_mem>>)
            %dma_start3A_653 = arith.constant 1024 : i32
            %dma_start3A_654 = tpu.memref_slice %arg10[%dma_start3A_653] : memref<4096xf32, #tpu.memory_space<vmem>> -> memref<1024xf32, #tpu.memory_space<vmem>>
            %dma_start3A_655 = tpu.memref_slice %arg3[%multiple_of3A_552] : memref<19268608xf32, #tpu.memory_space<hbm>> -> memref<1024xf32, #tpu.memory_space<hbm>>
            %dma_start3A_656 = arith.constant 1024 : i32
            %dma_start3A_657 = tpu.memref_slice %arg10[%dma_start3A_656] : memref<4096xf32, #tpu.memory_space<vmem>> -> memref<1024xf32, #tpu.memory_space<vmem>>
            %dma_start3A_658 = tpu.memref_slice %arg3[%multiple_of3A_552] : memref<19268608xf32, #tpu.memory_space<hbm>> -> memref<1024xf32, #tpu.memory_space<hbm>>
            tpu.enqueue_dma source(%dma_start3A_658 : memref<1024xf32, #tpu.memory_space<hbm>>) target(%dma_start3A_657 : memref<1024xf32, #tpu.memory_space<vmem>>) target_semaphore(%arg12 : memref<!tpu.dma_semaphore, #tpu.memory_space<semaphore_mem>>)
          } else {
          }
          %lt3A_567 = arith.cmpi slt, %add3A_544, %select_n3A_462 : i32
          %convert_element_type3A_568 = arith.extui %lt3A_567 : i1 to i32
          %cond3A_569 = arith.constant 0 : i32
          %cond3A_570 = arith.cmpi ne, %convert_element_type3A_568, %cond3A_569 : i32
          scf.if %cond3A_570 {
            %dma_start3A_647 = arith.constant 2048 : i32
            %dma_start3A_648 = tpu.memref_slice %arg9[%dma_start3A_647] : memref<4096xi32, #tpu.memory_space<vmem>> -> memref<1024xi32, #tpu.memory_space<vmem>>
            %dma_start3A_649 = tpu.memref_slice %arg2[%multiple_of3A_556] : memref<19268608xi32, #tpu.memory_space<hbm>> -> memref<1024xi32, #tpu.memory_space<hbm>>
            %dma_start3A_650 = arith.constant 2048 : i32
            %dma_start3A_651 = tpu.memref_slice %arg9[%dma_start3A_650] : memref<4096xi32, #tpu.memory_space<vmem>> -> memref<1024xi32, #tpu.memory_space<vmem>>
            %dma_start3A_652 = tpu.memref_slice %arg2[%multiple_of3A_556] : memref<19268608xi32, #tpu.memory_space<hbm>> -> memref<1024xi32, #tpu.memory_space<hbm>>
            tpu.enqueue_dma source(%dma_start3A_652 : memref<1024xi32, #tpu.memory_space<hbm>>) target(%dma_start3A_651 : memref<1024xi32, #tpu.memory_space<vmem>>) target_semaphore(%arg12 : memref<!tpu.dma_semaphore, #tpu.memory_space<semaphore_mem>>)
            %dma_start3A_653 = arith.constant 2048 : i32
            %dma_start3A_654 = tpu.memref_slice %arg10[%dma_start3A_653] : memref<4096xf32, #tpu.memory_space<vmem>> -> memref<1024xf32, #tpu.memory_space<vmem>>
            %dma_start3A_655 = tpu.memref_slice %arg3[%multiple_of3A_556] : memref<19268608xf32, #tpu.memory_space<hbm>> -> memref<1024xf32, #tpu.memory_space<hbm>>
            %dma_start3A_656 = arith.constant 2048 : i32
            %dma_start3A_657 = tpu.memref_slice %arg10[%dma_start3A_656] : memref<4096xf32, #tpu.memory_space<vmem>> -> memref<1024xf32, #tpu.memory_space<vmem>>
            %dma_start3A_658 = tpu.memref_slice %arg3[%multiple_of3A_556] : memref<19268608xf32, #tpu.memory_space<hbm>> -> memref<1024xf32, #tpu.memory_space<hbm>>
            tpu.enqueue_dma source(%dma_start3A_658 : memref<1024xf32, #tpu.memory_space<hbm>>) target(%dma_start3A_657 : memref<1024xf32, #tpu.memory_space<vmem>>) target_semaphore(%arg12 : memref<!tpu.dma_semaphore, #tpu.memory_space<semaphore_mem>>)
          } else {
          }
          %lt3A_571 = arith.cmpi slt, %add3A_544, %select_n3A_522 : i32
          %convert_element_type3A_572 = arith.extui %lt3A_571 : i1 to i32
          %cond3A_573 = arith.constant 0 : i32
          %cond3A_574 = arith.cmpi ne, %convert_element_type3A_572, %cond3A_573 : i32
          scf.if %cond3A_574 {
            %dma_start3A_647 = arith.constant 3072 : i32
            %dma_start3A_648 = tpu.memref_slice %arg9[%dma_start3A_647] : memref<4096xi32, #tpu.memory_space<vmem>> -> memref<1024xi32, #tpu.memory_space<vmem>>
            %dma_start3A_649 = tpu.memref_slice %arg2[%multiple_of3A_560] : memref<19268608xi32, #tpu.memory_space<hbm>> -> memref<1024xi32, #tpu.memory_space<hbm>>
            %dma_start3A_650 = arith.constant 3072 : i32
            %dma_start3A_651 = tpu.memref_slice %arg9[%dma_start3A_650] : memref<4096xi32, #tpu.memory_space<vmem>> -> memref<1024xi32, #tpu.memory_space<vmem>>
            %dma_start3A_652 = tpu.memref_slice %arg2[%multiple_of3A_560] : memref<19268608xi32, #tpu.memory_space<hbm>> -> memref<1024xi32, #tpu.memory_space<hbm>>
            tpu.enqueue_dma source(%dma_start3A_652 : memref<1024xi32, #tpu.memory_space<hbm>>) target(%dma_start3A_651 : memref<1024xi32, #tpu.memory_space<vmem>>) target_semaphore(%arg12 : memref<!tpu.dma_semaphore, #tpu.memory_space<semaphore_mem>>)
            %dma_start3A_653 = arith.constant 3072 : i32
            %dma_start3A_654 = tpu.memref_slice %arg10[%dma_start3A_653] : memref<4096xf32, #tpu.memory_space<vmem>> -> memref<1024xf32, #tpu.memory_space<vmem>>
            %dma_start3A_655 = tpu.memref_slice %arg3[%multiple_of3A_560] : memref<19268608xf32, #tpu.memory_space<hbm>> -> memref<1024xf32, #tpu.memory_space<hbm>>
            %dma_start3A_656 = arith.constant 3072 : i32
            %dma_start3A_657 = tpu.memref_slice %arg10[%dma_start3A_656] : memref<4096xf32, #tpu.memory_space<vmem>> -> memref<1024xf32, #tpu.memory_space<vmem>>
            %dma_start3A_658 = tpu.memref_slice %arg3[%multiple_of3A_560] : memref<19268608xf32, #tpu.memory_space<hbm>> -> memref<1024xf32, #tpu.memory_space<hbm>>
            tpu.enqueue_dma source(%dma_start3A_658 : memref<1024xf32, #tpu.memory_space<hbm>>) target(%dma_start3A_657 : memref<1024xf32, #tpu.memory_space<vmem>>) target_semaphore(%arg12 : memref<!tpu.dma_semaphore, #tpu.memory_space<semaphore_mem>>)
          } else {
          }
          %lt3A_575 = arith.cmpi slt, %add3A_544, %select_n3A_342 : i32
          %convert_element_type3A_576 = arith.extui %lt3A_575 : i1 to i32
          %cond3A_577 = arith.constant 0 : i32
          %cond3A_578 = arith.cmpi ne, %convert_element_type3A_576, %cond3A_577 : i32
          scf.if %cond3A_578 {
            %dma_wait3A_647 = arith.constant 0 : i32
            %dma_wait3A_648 = tpu.memref_slice %arg9[%dma_wait3A_647] : memref<4096xi32, #tpu.memory_space<vmem>> -> memref<1024xi32, #tpu.memory_space<vmem>>
            %dma_wait3A_649 = tpu.memref_slice %arg2[%multiple_of3A_548] : memref<19268608xi32, #tpu.memory_space<hbm>> -> memref<1024xi32, #tpu.memory_space<hbm>>
            %dma_wait3A_650 = arith.constant 0 : i32
            %dma_wait3A_651 = tpu.memref_slice %arg9[%dma_wait3A_650] : memref<4096xi32, #tpu.memory_space<vmem>> -> memref<1024xi32, #tpu.memory_space<vmem>>
            %dma_wait3A_652 = tpu.memref_slice %arg2[%multiple_of3A_548] : memref<19268608xi32, #tpu.memory_space<hbm>> -> memref<1024xi32, #tpu.memory_space<hbm>>
            tpu.wait_dma2 semaphore(%arg12 : memref<!tpu.dma_semaphore, #tpu.memory_space<semaphore_mem>>) src(%dma_wait3A_652 : memref<1024xi32, #tpu.memory_space<hbm>>) dst(%dma_wait3A_651 : memref<1024xi32, #tpu.memory_space<vmem>>)
            %dma_wait3A_653 = arith.constant 0 : i32
            %dma_wait3A_654 = tpu.memref_slice %arg10[%dma_wait3A_653] : memref<4096xf32, #tpu.memory_space<vmem>> -> memref<1024xf32, #tpu.memory_space<vmem>>
            %dma_wait3A_655 = tpu.memref_slice %arg3[%multiple_of3A_548] : memref<19268608xf32, #tpu.memory_space<hbm>> -> memref<1024xf32, #tpu.memory_space<hbm>>
            %dma_wait3A_656 = arith.constant 0 : i32
            %dma_wait3A_657 = tpu.memref_slice %arg10[%dma_wait3A_656] : memref<4096xf32, #tpu.memory_space<vmem>> -> memref<1024xf32, #tpu.memory_space<vmem>>
            %dma_wait3A_658 = tpu.memref_slice %arg3[%multiple_of3A_548] : memref<19268608xf32, #tpu.memory_space<hbm>> -> memref<1024xf32, #tpu.memory_space<hbm>>
            tpu.wait_dma2 semaphore(%arg12 : memref<!tpu.dma_semaphore, #tpu.memory_space<semaphore_mem>>) src(%dma_wait3A_658 : memref<1024xf32, #tpu.memory_space<hbm>>) dst(%dma_wait3A_657 : memref<1024xf32, #tpu.memory_space<vmem>>)
          } else {
          }
          %lt3A_579 = arith.cmpi slt, %add3A_544, %select_n3A_402 : i32
          %convert_element_type3A_580 = arith.extui %lt3A_579 : i1 to i32
          %cond3A_581 = arith.constant 0 : i32
          %cond3A_582 = arith.cmpi ne, %convert_element_type3A_580, %cond3A_581 : i32
          scf.if %cond3A_582 {
            %dma_wait3A_647 = arith.constant 1024 : i32
            %dma_wait3A_648 = tpu.memref_slice %arg9[%dma_wait3A_647] : memref<4096xi32, #tpu.memory_space<vmem>> -> memref<1024xi32, #tpu.memory_space<vmem>>
            %dma_wait3A_649 = tpu.memref_slice %arg2[%multiple_of3A_552] : memref<19268608xi32, #tpu.memory_space<hbm>> -> memref<1024xi32, #tpu.memory_space<hbm>>
            %dma_wait3A_650 = arith.constant 1024 : i32
            %dma_wait3A_651 = tpu.memref_slice %arg9[%dma_wait3A_650] : memref<4096xi32, #tpu.memory_space<vmem>> -> memref<1024xi32, #tpu.memory_space<vmem>>
            %dma_wait3A_652 = tpu.memref_slice %arg2[%multiple_of3A_552] : memref<19268608xi32, #tpu.memory_space<hbm>> -> memref<1024xi32, #tpu.memory_space<hbm>>
            tpu.wait_dma2 semaphore(%arg12 : memref<!tpu.dma_semaphore, #tpu.memory_space<semaphore_mem>>) src(%dma_wait3A_652 : memref<1024xi32, #tpu.memory_space<hbm>>) dst(%dma_wait3A_651 : memref<1024xi32, #tpu.memory_space<vmem>>)
            %dma_wait3A_653 = arith.constant 1024 : i32
            %dma_wait3A_654 = tpu.memref_slice %arg10[%dma_wait3A_653] : memref<4096xf32, #tpu.memory_space<vmem>> -> memref<1024xf32, #tpu.memory_space<vmem>>
            %dma_wait3A_655 = tpu.memref_slice %arg3[%multiple_of3A_552] : memref<19268608xf32, #tpu.memory_space<hbm>> -> memref<1024xf32, #tpu.memory_space<hbm>>
            %dma_wait3A_656 = arith.constant 1024 : i32
            %dma_wait3A_657 = tpu.memref_slice %arg10[%dma_wait3A_656] : memref<4096xf32, #tpu.memory_space<vmem>> -> memref<1024xf32, #tpu.memory_space<vmem>>
            %dma_wait3A_658 = tpu.memref_slice %arg3[%multiple_of3A_552] : memref<19268608xf32, #tpu.memory_space<hbm>> -> memref<1024xf32, #tpu.memory_space<hbm>>
            tpu.wait_dma2 semaphore(%arg12 : memref<!tpu.dma_semaphore, #tpu.memory_space<semaphore_mem>>) src(%dma_wait3A_658 : memref<1024xf32, #tpu.memory_space<hbm>>) dst(%dma_wait3A_657 : memref<1024xf32, #tpu.memory_space<vmem>>)
          } else {
          }
          %lt3A_583 = arith.cmpi slt, %add3A_544, %select_n3A_462 : i32
          %convert_element_type3A_584 = arith.extui %lt3A_583 : i1 to i32
          %cond3A_585 = arith.constant 0 : i32
          %cond3A_586 = arith.cmpi ne, %convert_element_type3A_584, %cond3A_585 : i32
          scf.if %cond3A_586 {
            %dma_wait3A_647 = arith.constant 2048 : i32
            %dma_wait3A_648 = tpu.memref_slice %arg9[%dma_wait3A_647] : memref<4096xi32, #tpu.memory_space<vmem>> -> memref<1024xi32, #tpu.memory_space<vmem>>
            %dma_wait3A_649 = tpu.memref_slice %arg2[%multiple_of3A_556] : memref<19268608xi32, #tpu.memory_space<hbm>> -> memref<1024xi32, #tpu.memory_space<hbm>>
            %dma_wait3A_650 = arith.constant 2048 : i32
            %dma_wait3A_651 = tpu.memref_slice %arg9[%dma_wait3A_650] : memref<4096xi32, #tpu.memory_space<vmem>> -> memref<1024xi32, #tpu.memory_space<vmem>>
            %dma_wait3A_652 = tpu.memref_slice %arg2[%multiple_of3A_556] : memref<19268608xi32, #tpu.memory_space<hbm>> -> memref<1024xi32, #tpu.memory_space<hbm>>
            tpu.wait_dma2 semaphore(%arg12 : memref<!tpu.dma_semaphore, #tpu.memory_space<semaphore_mem>>) src(%dma_wait3A_652 : memref<1024xi32, #tpu.memory_space<hbm>>) dst(%dma_wait3A_651 : memref<1024xi32, #tpu.memory_space<vmem>>)
            %dma_wait3A_653 = arith.constant 2048 : i32
            %dma_wait3A_654 = tpu.memref_slice %arg10[%dma_wait3A_653] : memref<4096xf32, #tpu.memory_space<vmem>> -> memref<1024xf32, #tpu.memory_space<vmem>>
            %dma_wait3A_655 = tpu.memref_slice %arg3[%multiple_of3A_556] : memref<19268608xf32, #tpu.memory_space<hbm>> -> memref<1024xf32, #tpu.memory_space<hbm>>
            %dma_wait3A_656 = arith.constant 2048 : i32
            %dma_wait3A_657 = tpu.memref_slice %arg10[%dma_wait3A_656] : memref<4096xf32, #tpu.memory_space<vmem>> -> memref<1024xf32, #tpu.memory_space<vmem>>
            %dma_wait3A_658 = tpu.memref_slice %arg3[%multiple_of3A_556] : memref<19268608xf32, #tpu.memory_space<hbm>> -> memref<1024xf32, #tpu.memory_space<hbm>>
            tpu.wait_dma2 semaphore(%arg12 : memref<!tpu.dma_semaphore, #tpu.memory_space<semaphore_mem>>) src(%dma_wait3A_658 : memref<1024xf32, #tpu.memory_space<hbm>>) dst(%dma_wait3A_657 : memref<1024xf32, #tpu.memory_space<vmem>>)
          } else {
          }
          %lt3A_587 = arith.cmpi slt, %add3A_544, %select_n3A_522 : i32
          %convert_element_type3A_588 = arith.extui %lt3A_587 : i1 to i32
          %cond3A_589 = arith.constant 0 : i32
          %cond3A_590 = arith.cmpi ne, %convert_element_type3A_588, %cond3A_589 : i32
          scf.if %cond3A_590 {
            %dma_wait3A_647 = arith.constant 3072 : i32
            %dma_wait3A_648 = tpu.memref_slice %arg9[%dma_wait3A_647] : memref<4096xi32, #tpu.memory_space<vmem>> -> memref<1024xi32, #tpu.memory_space<vmem>>
            %dma_wait3A_649 = tpu.memref_slice %arg2[%multiple_of3A_560] : memref<19268608xi32, #tpu.memory_space<hbm>> -> memref<1024xi32, #tpu.memory_space<hbm>>
            %dma_wait3A_650 = arith.constant 3072 : i32
            %dma_wait3A_651 = tpu.memref_slice %arg9[%dma_wait3A_650] : memref<4096xi32, #tpu.memory_space<vmem>> -> memref<1024xi32, #tpu.memory_space<vmem>>
            %dma_wait3A_652 = tpu.memref_slice %arg2[%multiple_of3A_560] : memref<19268608xi32, #tpu.memory_space<hbm>> -> memref<1024xi32, #tpu.memory_space<hbm>>
            tpu.wait_dma2 semaphore(%arg12 : memref<!tpu.dma_semaphore, #tpu.memory_space<semaphore_mem>>) src(%dma_wait3A_652 : memref<1024xi32, #tpu.memory_space<hbm>>) dst(%dma_wait3A_651 : memref<1024xi32, #tpu.memory_space<vmem>>)
            %dma_wait3A_653 = arith.constant 3072 : i32
            %dma_wait3A_654 = tpu.memref_slice %arg10[%dma_wait3A_653] : memref<4096xf32, #tpu.memory_space<vmem>> -> memref<1024xf32, #tpu.memory_space<vmem>>
            %dma_wait3A_655 = tpu.memref_slice %arg3[%multiple_of3A_560] : memref<19268608xf32, #tpu.memory_space<hbm>> -> memref<1024xf32, #tpu.memory_space<hbm>>
            %dma_wait3A_656 = arith.constant 3072 : i32
            %dma_wait3A_657 = tpu.memref_slice %arg10[%dma_wait3A_656] : memref<4096xf32, #tpu.memory_space<vmem>> -> memref<1024xf32, #tpu.memory_space<vmem>>
            %dma_wait3A_658 = tpu.memref_slice %arg3[%multiple_of3A_560] : memref<19268608xf32, #tpu.memory_space<hbm>> -> memref<1024xf32, #tpu.memory_space<hbm>>
            tpu.wait_dma2 semaphore(%arg12 : memref<!tpu.dma_semaphore, #tpu.memory_space<semaphore_mem>>) src(%dma_wait3A_658 : memref<1024xf32, #tpu.memory_space<hbm>>) dst(%dma_wait3A_657 : memref<1024xf32, #tpu.memory_space<vmem>>)
          } else {
          }
          %broadcast_in_dim3A_591 = arith.constant 1073741824 : i32
          %broadcast_in_dim3A_592 = vector.broadcast %broadcast_in_dim3A_591 : i32 to vector<16xi32>
          %sub3A_593 = arith.subi %select_n3A_313, %multiple_of3A_548 : i32
          %max3A_594 = arith.constant 0 : i32
          %max3A_595 = arith.maxsi %sub3A_593, %max3A_594 : i32
          %sub3A_596 = arith.subi %select_n3A_334, %multiple_of3A_548 : i32
          %min3A = arith.constant 1024 : i32
          %min3A_597 = arith.minsi %sub3A_596, %min3A : i32
          %lt3A_598 = arith.cmpi slt, %add3A_544, %select_n3A_342 : i32
          %convert_element_type3A_599 = arith.extui %lt3A_598 : i1 to i32
          %cond3A_600 = arith.constant 0 : i32
          %cond3A_601 = arith.cmpi ne, %convert_element_type3A_599, %cond3A_600 : i32
          scf.if %cond3A_601 {
            %add3A_647 = arith.constant 15 : i32
            %add3A_648 = arith.addi %max3A_595, %add3A_647 : i32
            %shift_right_logical3A_649 = arith.constant 4 : i32
            %shift_right_logical3A_650 = arith.shrui %add3A_648, %shift_right_logical3A_649 : i32
            %sub3A_651 = arith.constant 0 : i32
            %sub3A_652 = arith.subi %shift_right_logical3A_650, %sub3A_651 : i32
            %sub3A_653 = arith.constant 1 : i32
            %sub3A_654 = arith.constant 1 : i32
            %sub3A_655 = arith.subi %sub3A_653, %sub3A_654 : i32
            %add3A_656 = arith.addi %sub3A_652, %sub3A_655 : i32
            %div3A_657 = arith.constant 1 : i32
            %div3A_658 = arith.divsi %add3A_656, %div3A_657 : i32
            %while3A_659 = arith.constant 1 : i32
            %while3A_660 = arith.constant 0 : i32
            %while3A_661 = arith.constant 0 : i32
            %while3A_662 = arith.subi %div3A_658, %while3A_661 : i32
            %while3A_663 = arith.addi %while3A_661, %while3A_662 : i32
            %while3A_664 = arith.constant 1 : i32
            %while3A_665 = arith.divsi %while3A_662, %while3A_664 : i32
            %while3A_666 = arith.muli %while3A_665, %while3A_664 : i32
            %while3A_667 = arith.addi %while3A_661, %while3A_666 : i32
            %while3A_668 = arith.constant 1 : i32
            scf.for %while3A_690 = %while3A_661 to %while3A_667 step %while3A_668  : i32 {
              %mul3A_691 = arith.muli %while3A_690, %while3A_659 : i32
              %add3A_692 = arith.addi %while3A_660, %mul3A_691 : i32
              %mul3A_693 = arith.constant 16 : i32
              %mul3A_694 = arith.muli %add3A_692, %mul3A_693 : i32
              %add3A_695 = arith.constant 0 : i32
              %add3A_696 = arith.addi %add3A_695, %mul3A_694 : i32
              %multiple_of3A_697 = tpu.assume_multiple %add3A_696, 16 : i32
              %mul3A_698 = arith.constant 16 : i32
              %mul3A_699 = arith.muli %add3A_692, %mul3A_698 : i32
              %iota3A_700 = tpu.iota {dimensions = array<i32: 0>} : vector<16xi32>
              %add3A_701 = vector.broadcast %mul3A_699 : i32 to vector<16xi32>
              %add3A_702 = arith.addi %add3A_701, %iota3A_700 : vector<16xi32>
              %ge3A_703 = vector.broadcast %max3A_595 : i32 to vector<16xi32>
              %ge3A_704 = arith.cmpi sge, %add3A_702, %ge3A_703 : vector<16xi32>
              %lt3A_705 = vector.broadcast %min3A_597 : i32 to vector<16xi32>
              %lt3A_706 = arith.cmpi slt, %add3A_702, %lt3A_705 : vector<16xi32>
              %and3A_707 = arith.andi %ge3A_704, %lt3A_706 : vector<16xi1>
              %get3A_708 = arith.index_cast %multiple_of3A_697 : i32 to index
              %get3A_709 = tpu.vector_load %arg9[%get3A_708] {strides = array<i32>} : memref<4096xi32, #tpu.memory_space<vmem>>, vector<16xi32>,
              %jit3A_710 = arith.constant 1073741824 : i32
              %broadcast_in_dim3A_711 = vector.broadcast %jit3A_710 : i32 to vector<16xi32>
              %select_n3A_712 = arith.select %and3A_707, %get3A_709, %broadcast_in_dim3A_711 : vector<16xi1>, vector<16xi32>
              %swap3A = arith.index_cast %multiple_of3A_697 : i32 to index
              %swap3A_713 = tpu.vector_load %arg9[%swap3A] {strides = array<i32>} : memref<4096xi32, #tpu.memory_space<vmem>>, vector<16xi32>,
              tpu.vector_store %arg9[%swap3A], %select_n3A_712 {strides = array<i32>} : memref<4096xi32, #tpu.memory_space<vmem>>, vector<16xi32>,
            }
            %while3A_669 = arith.constant 1 : i32
            scf.for %while3A_690 = %while3A_667 to %while3A_663 step %while3A_669  : i32 {
              %mul3A_691 = arith.muli %while3A_690, %while3A_659 : i32
              %add3A_692 = arith.addi %while3A_660, %mul3A_691 : i32
              %mul3A_693 = arith.constant 16 : i32
              %mul3A_694 = arith.muli %add3A_692, %mul3A_693 : i32
              %add3A_695 = arith.constant 0 : i32
              %add3A_696 = arith.addi %add3A_695, %mul3A_694 : i32
              %multiple_of3A_697 = tpu.assume_multiple %add3A_696, 16 : i32
              %mul3A_698 = arith.constant 16 : i32
              %mul3A_699 = arith.muli %add3A_692, %mul3A_698 : i32
              %iota3A_700 = tpu.iota {dimensions = array<i32: 0>} : vector<16xi32>
              %add3A_701 = vector.broadcast %mul3A_699 : i32 to vector<16xi32>
              %add3A_702 = arith.addi %add3A_701, %iota3A_700 : vector<16xi32>
              %ge3A_703 = vector.broadcast %max3A_595 : i32 to vector<16xi32>
              %ge3A_704 = arith.cmpi sge, %add3A_702, %ge3A_703 : vector<16xi32>
              %lt3A_705 = vector.broadcast %min3A_597 : i32 to vector<16xi32>
              %lt3A_706 = arith.cmpi slt, %add3A_702, %lt3A_705 : vector<16xi32>
              %and3A_707 = arith.andi %ge3A_704, %lt3A_706 : vector<16xi1>
              %get3A_708 = arith.index_cast %multiple_of3A_697 : i32 to index
              %get3A_709 = tpu.vector_load %arg9[%get3A_708] {strides = array<i32>} : memref<4096xi32, #tpu.memory_space<vmem>>, vector<16xi32>,
              %jit3A_710 = arith.constant 1073741824 : i32
              %broadcast_in_dim3A_711 = vector.broadcast %jit3A_710 : i32 to vector<16xi32>
              %select_n3A_712 = arith.select %and3A_707, %get3A_709, %broadcast_in_dim3A_711 : vector<16xi1>, vector<16xi32>
              %swap3A = arith.index_cast %multiple_of3A_697 : i32 to index
              %swap3A_713 = tpu.vector_load %arg9[%swap3A] {strides = array<i32>} : memref<4096xi32, #tpu.memory_space<vmem>>, vector<16xi32>,
              tpu.vector_store %arg9[%swap3A], %select_n3A_712 {strides = array<i32>} : memref<4096xi32, #tpu.memory_space<vmem>>, vector<16xi32>,
            }
            %shift_right_logical3A_670 = arith.constant 4 : i32
            %shift_right_logical3A_671 = arith.shrui %min3A_597, %shift_right_logical3A_670 : i32
            %sub3A_672 = arith.constant 64 : i32
            %sub3A_673 = arith.subi %sub3A_672, %shift_right_logical3A_671 : i32
            %sub3A_674 = arith.constant 1 : i32
            %sub3A_675 = arith.constant 1 : i32
            %sub3A_676 = arith.subi %sub3A_674, %sub3A_675 : i32
            %add3A_677 = arith.addi %sub3A_673, %sub3A_676 : i32
            %div3A_678 = arith.constant 1 : i32
            %div3A_679 = arith.divsi %add3A_677, %div3A_678 : i32
            %while3A_680 = arith.constant 1 : i32
            %while3A_681 = arith.constant 0 : i32
            %while3A_682 = arith.subi %div3A_679, %while3A_681 : i32
            %while3A_683 = arith.addi %while3A_681, %while3A_682 : i32
            %while3A_684 = arith.constant 1 : i32
            %while3A_685 = arith.divsi %while3A_682, %while3A_684 : i32
            %while3A_686 = arith.muli %while3A_685, %while3A_684 : i32
            %while3A_687 = arith.addi %while3A_681, %while3A_686 : i32
            %while3A_688 = arith.constant 1 : i32
            scf.for %while3A_690 = %while3A_681 to %while3A_687 step %while3A_688  : i32 {
              %mul3A_691 = arith.muli %while3A_690, %while3A_680 : i32
              %add3A_692 = arith.addi %shift_right_logical3A_671, %mul3A_691 : i32
              %mul3A_693 = arith.constant 16 : i32
              %mul3A_694 = arith.muli %add3A_692, %mul3A_693 : i32
              %add3A_695 = arith.constant 0 : i32
              %add3A_696 = arith.addi %add3A_695, %mul3A_694 : i32
              %multiple_of3A_697 = tpu.assume_multiple %add3A_696, 16 : i32
              %mul3A_698 = arith.constant 16 : i32
              %mul3A_699 = arith.muli %add3A_692, %mul3A_698 : i32
              %iota3A_700 = tpu.iota {dimensions = array<i32: 0>} : vector<16xi32>
              %add3A_701 = vector.broadcast %mul3A_699 : i32 to vector<16xi32>
              %add3A_702 = arith.addi %add3A_701, %iota3A_700 : vector<16xi32>
              %ge3A_703 = vector.broadcast %max3A_595 : i32 to vector<16xi32>
              %ge3A_704 = arith.cmpi sge, %add3A_702, %ge3A_703 : vector<16xi32>
              %lt3A_705 = vector.broadcast %min3A_597 : i32 to vector<16xi32>
              %lt3A_706 = arith.cmpi slt, %add3A_702, %lt3A_705 : vector<16xi32>
              %and3A_707 = arith.andi %ge3A_704, %lt3A_706 : vector<16xi1>
              %get3A_708 = arith.index_cast %multiple_of3A_697 : i32 to index
              %get3A_709 = tpu.vector_load %arg9[%get3A_708] {strides = array<i32>} : memref<4096xi32, #tpu.memory_space<vmem>>, vector<16xi32>,
              %jit3A_710 = arith.constant 1073741824 : i32
              %broadcast_in_dim3A_711 = vector.broadcast %jit3A_710 : i32 to vector<16xi32>
              %select_n3A_712 = arith.select %and3A_707, %get3A_709, %broadcast_in_dim3A_711 : vector<16xi1>, vector<16xi32>
              %swap3A = arith.index_cast %multiple_of3A_697 : i32 to index
              %swap3A_713 = tpu.vector_load %arg9[%swap3A] {strides = array<i32>} : memref<4096xi32, #tpu.memory_space<vmem>>, vector<16xi32>,
              tpu.vector_store %arg9[%swap3A], %select_n3A_712 {strides = array<i32>} : memref<4096xi32, #tpu.memory_space<vmem>>, vector<16xi32>,
            }
            %while3A_689 = arith.constant 1 : i32
            scf.for %while3A_690 = %while3A_687 to %while3A_683 step %while3A_689  : i32 {
              %mul3A_691 = arith.muli %while3A_690, %while3A_680 : i32
              %add3A_692 = arith.addi %shift_right_logical3A_671, %mul3A_691 : i32
              %mul3A_693 = arith.constant 16 : i32
              %mul3A_694 = arith.muli %add3A_692, %mul3A_693 : i32
              %add3A_695 = arith.constant 0 : i32
              %add3A_696 = arith.addi %add3A_695, %mul3A_694 : i32
              %multiple_of3A_697 = tpu.assume_multiple %add3A_696, 16 : i32
              %mul3A_698 = arith.constant 16 : i32
              %mul3A_699 = arith.muli %add3A_692, %mul3A_698 : i32
              %iota3A_700 = tpu.iota {dimensions = array<i32: 0>} : vector<16xi32>
              %add3A_701 = vector.broadcast %mul3A_699 : i32 to vector<16xi32>
              %add3A_702 = arith.addi %add3A_701, %iota3A_700 : vector<16xi32>
              %ge3A_703 = vector.broadcast %max3A_595 : i32 to vector<16xi32>
              %ge3A_704 = arith.cmpi sge, %add3A_702, %ge3A_703 : vector<16xi32>
              %lt3A_705 = vector.broadcast %min3A_597 : i32 to vector<16xi32>
              %lt3A_706 = arith.cmpi slt, %add3A_702, %lt3A_705 : vector<16xi32>
              %and3A_707 = arith.andi %ge3A_704, %lt3A_706 : vector<16xi1>
              %get3A_708 = arith.index_cast %multiple_of3A_697 : i32 to index
              %get3A_709 = tpu.vector_load %arg9[%get3A_708] {strides = array<i32>} : memref<4096xi32, #tpu.memory_space<vmem>>, vector<16xi32>,
              %jit3A_710 = arith.constant 1073741824 : i32
              %broadcast_in_dim3A_711 = vector.broadcast %jit3A_710 : i32 to vector<16xi32>
              %select_n3A_712 = arith.select %and3A_707, %get3A_709, %broadcast_in_dim3A_711 : vector<16xi1>, vector<16xi32>
              %swap3A = arith.index_cast %multiple_of3A_697 : i32 to index
              %swap3A_713 = tpu.vector_load %arg9[%swap3A] {strides = array<i32>} : memref<4096xi32, #tpu.memory_space<vmem>>, vector<16xi32>,
              tpu.vector_store %arg9[%swap3A], %select_n3A_712 {strides = array<i32>} : memref<4096xi32, #tpu.memory_space<vmem>>, vector<16xi32>,
            }
          } else {
          }
          %ge3A = arith.cmpi sge, %add3A_544, %select_n3A_342 : i32
          %convert_element_type3A_602 = arith.extui %ge3A : i1 to i32
          %cond3A_603 = arith.constant 0 : i32
          %cond3A_604 = arith.cmpi ne, %convert_element_type3A_602, %cond3A_603 : i32
          scf.if %cond3A_604 {
            %scan3A_647 = arith.constant 0 : i32
            %scan3A_648 = arith.constant 64 : i32
            %scan3A_649 = arith.addi %scan3A_647, %scan3A_648 : i32
            %scan3A_650 = arith.constant 4 : i32
            scf.for %scan3A_652 = %scan3A_647 to %scan3A_649 step %scan3A_650  : i32 {
              %mul3A_653 = arith.constant 1 : i32
              %mul3A_654 = arith.muli %scan3A_652, %mul3A_653 : i32
              %add3A_655 = arith.constant 0 : i32
              %add3A_656 = arith.addi %add3A_655, %mul3A_654 : i32
              %mul3A_657 = arith.constant 16 : i32
              %mul3A_658 = arith.muli %add3A_656, %mul3A_657 : i32
              %add3A_659 = arith.constant 0 : i32
              %add3A_660 = arith.addi %add3A_659, %mul3A_658 : i32
              %multiple_of3A_661 = tpu.assume_multiple %add3A_660, 16 : i32
              %swap3A = arith.index_cast %multiple_of3A_661 : i32 to index
              %swap3A_662 = tpu.vector_load %arg9[%swap3A] {strides = array<i32>} : memref<4096xi32, #tpu.memory_space<vmem>>, vector<16xi32>,
              tpu.vector_store %arg9[%swap3A], %broadcast_in_dim3A_592 {strides = array<i32>} : memref<4096xi32, #tpu.memory_space<vmem>>, vector<16xi32>,
              %scan3A_663 = arith.constant 1 : i32
              %scan3A_664 = arith.addi %scan3A_652, %scan3A_663 : i32
              %mul3A_665 = arith.constant 1 : i32
              %mul3A_666 = arith.muli %scan3A_664, %mul3A_665 : i32
              %add3A_667 = arith.constant 0 : i32
              %add3A_668 = arith.addi %add3A_667, %mul3A_666 : i32
              %mul3A_669 = arith.constant 16 : i32
              %mul3A_670 = arith.muli %add3A_668, %mul3A_669 : i32
              %add3A_671 = arith.constant 0 : i32
              %add3A_672 = arith.addi %add3A_671, %mul3A_670 : i32
              %multiple_of3A_673 = tpu.assume_multiple %add3A_672, 16 : i32
              %swap3A_674 = arith.index_cast %multiple_of3A_673 : i32 to index
              %swap3A_675 = tpu.vector_load %arg9[%swap3A_674] {strides = array<i32>} : memref<4096xi32, #tpu.memory_space<vmem>>, vector<16xi32>,
              tpu.vector_store %arg9[%swap3A_674], %broadcast_in_dim3A_592 {strides = array<i32>} : memref<4096xi32, #tpu.memory_space<vmem>>, vector<16xi32>,
              %scan3A_676 = arith.constant 2 : i32
              %scan3A_677 = arith.addi %scan3A_652, %scan3A_676 : i32
              %mul3A_678 = arith.constant 1 : i32
              %mul3A_679 = arith.muli %scan3A_677, %mul3A_678 : i32
              %add3A_680 = arith.constant 0 : i32
              %add3A_681 = arith.addi %add3A_680, %mul3A_679 : i32
              %mul3A_682 = arith.constant 16 : i32
              %mul3A_683 = arith.muli %add3A_681, %mul3A_682 : i32
              %add3A_684 = arith.constant 0 : i32
              %add3A_685 = arith.addi %add3A_684, %mul3A_683 : i32
              %multiple_of3A_686 = tpu.assume_multiple %add3A_685, 16 : i32
              %swap3A_687 = arith.index_cast %multiple_of3A_686 : i32 to index
              %swap3A_688 = tpu.vector_load %arg9[%swap3A_687] {strides = array<i32>} : memref<4096xi32, #tpu.memory_space<vmem>>, vector<16xi32>,
              tpu.vector_store %arg9[%swap3A_687], %broadcast_in_dim3A_592 {strides = array<i32>} : memref<4096xi32, #tpu.memory_space<vmem>>, vector<16xi32>,
              %scan3A_689 = arith.constant 3 : i32
              %scan3A_690 = arith.addi %scan3A_652, %scan3A_689 : i32
              %mul3A_691 = arith.constant 1 : i32
              %mul3A_692 = arith.muli %scan3A_690, %mul3A_691 : i32
              %add3A_693 = arith.constant 0 : i32
              %add3A_694 = arith.addi %add3A_693, %mul3A_692 : i32
              %mul3A_695 = arith.constant 16 : i32
              %mul3A_696 = arith.muli %add3A_694, %mul3A_695 : i32
              %add3A_697 = arith.constant 0 : i32
              %add3A_698 = arith.addi %add3A_697, %mul3A_696 : i32
              %multiple_of3A_699 = tpu.assume_multiple %add3A_698, 16 : i32
              %swap3A_700 = arith.index_cast %multiple_of3A_699 : i32 to index
              %swap3A_701 = tpu.vector_load %arg9[%swap3A_700] {strides = array<i32>} : memref<4096xi32, #tpu.memory_space<vmem>>, vector<16xi32>,
              tpu.vector_store %arg9[%swap3A_700], %broadcast_in_dim3A_592 {strides = array<i32>} : memref<4096xi32, #tpu.memory_space<vmem>>, vector<16xi32>,
            }
            %scan3A_651 = arith.constant 64 : i32
          } else {
          }
          %sub3A_605 = arith.subi %select_n3A_372, %multiple_of3A_552 : i32
          %max3A_606 = arith.constant 0 : i32
          %max3A_607 = arith.maxsi %sub3A_605, %max3A_606 : i32
          %sub3A_608 = arith.subi %select_n3A_393, %multiple_of3A_552 : i32
          %min3A_609 = arith.constant 1024 : i32
          %min3A_610 = arith.minsi %sub3A_608, %min3A_609 : i32
          %lt3A_611 = arith.cmpi slt, %add3A_544, %select_n3A_402 : i32
          %convert_element_type3A_612 = arith.extui %lt3A_611 : i1 to i32
          %cond3A_613 = arith.constant 0 : i32
          %cond3A_614 = arith.cmpi ne, %convert_element_type3A_612, %cond3A_613 : i32
          scf.if %cond3A_614 {
            %add3A_647 = arith.constant 15 : i32
            %add3A_648 = arith.addi %max3A_607, %add3A_647 : i32
            %shift_right_logical3A_649 = arith.constant 4 : i32
            %shift_right_logical3A_650 = arith.shrui %add3A_648, %shift_right_logical3A_649 : i32
            %sub3A_651 = arith.constant 0 : i32
            %sub3A_652 = arith.subi %shift_right_logical3A_650, %sub3A_651 : i32
            %sub3A_653 = arith.constant 1 : i32
            %sub3A_654 = arith.constant 1 : i32
            %sub3A_655 = arith.subi %sub3A_653, %sub3A_654 : i32
            %add3A_656 = arith.addi %sub3A_652, %sub3A_655 : i32
            %div3A_657 = arith.constant 1 : i32
            %div3A_658 = arith.divsi %add3A_656, %div3A_657 : i32
            %while3A_659 = arith.constant 1 : i32
            %while3A_660 = arith.constant 0 : i32
            %while3A_661 = arith.constant 0 : i32
            %while3A_662 = arith.subi %div3A_658, %while3A_661 : i32
            %while3A_663 = arith.addi %while3A_661, %while3A_662 : i32
            %while3A_664 = arith.constant 1 : i32
            %while3A_665 = arith.divsi %while3A_662, %while3A_664 : i32
            %while3A_666 = arith.muli %while3A_665, %while3A_664 : i32
            %while3A_667 = arith.addi %while3A_661, %while3A_666 : i32
            %while3A_668 = arith.constant 1 : i32
            scf.for %while3A_690 = %while3A_661 to %while3A_667 step %while3A_668  : i32 {
              %mul3A_691 = arith.muli %while3A_690, %while3A_659 : i32
              %add3A_692 = arith.addi %while3A_660, %mul3A_691 : i32
              %mul3A_693 = arith.constant 16 : i32
              %mul3A_694 = arith.muli %add3A_692, %mul3A_693 : i32
              %add3A_695 = arith.constant 1024 : i32
              %add3A_696 = arith.addi %add3A_695, %mul3A_694 : i32
              %multiple_of3A_697 = tpu.assume_multiple %add3A_696, 16 : i32
              %mul3A_698 = arith.constant 16 : i32
              %mul3A_699 = arith.muli %add3A_692, %mul3A_698 : i32
              %iota3A_700 = tpu.iota {dimensions = array<i32: 0>} : vector<16xi32>
              %add3A_701 = vector.broadcast %mul3A_699 : i32 to vector<16xi32>
              %add3A_702 = arith.addi %add3A_701, %iota3A_700 : vector<16xi32>
              %ge3A_703 = vector.broadcast %max3A_607 : i32 to vector<16xi32>
              %ge3A_704 = arith.cmpi sge, %add3A_702, %ge3A_703 : vector<16xi32>
              %lt3A_705 = vector.broadcast %min3A_610 : i32 to vector<16xi32>
              %lt3A_706 = arith.cmpi slt, %add3A_702, %lt3A_705 : vector<16xi32>
              %and3A_707 = arith.andi %ge3A_704, %lt3A_706 : vector<16xi1>
              %get3A_708 = arith.index_cast %multiple_of3A_697 : i32 to index
              %get3A_709 = tpu.vector_load %arg9[%get3A_708] {strides = array<i32>} : memref<4096xi32, #tpu.memory_space<vmem>>, vector<16xi32>,
              %jit3A_710 = arith.constant 1073741824 : i32
              %broadcast_in_dim3A_711 = vector.broadcast %jit3A_710 : i32 to vector<16xi32>
              %select_n3A_712 = arith.select %and3A_707, %get3A_709, %broadcast_in_dim3A_711 : vector<16xi1>, vector<16xi32>
              %swap3A = arith.index_cast %multiple_of3A_697 : i32 to index
              %swap3A_713 = tpu.vector_load %arg9[%swap3A] {strides = array<i32>} : memref<4096xi32, #tpu.memory_space<vmem>>, vector<16xi32>,
              tpu.vector_store %arg9[%swap3A], %select_n3A_712 {strides = array<i32>} : memref<4096xi32, #tpu.memory_space<vmem>>, vector<16xi32>,
            }
            %while3A_669 = arith.constant 1 : i32
            scf.for %while3A_690 = %while3A_667 to %while3A_663 step %while3A_669  : i32 {
              %mul3A_691 = arith.muli %while3A_690, %while3A_659 : i32
              %add3A_692 = arith.addi %while3A_660, %mul3A_691 : i32
              %mul3A_693 = arith.constant 16 : i32
              %mul3A_694 = arith.muli %add3A_692, %mul3A_693 : i32
              %add3A_695 = arith.constant 1024 : i32
              %add3A_696 = arith.addi %add3A_695, %mul3A_694 : i32
              %multiple_of3A_697 = tpu.assume_multiple %add3A_696, 16 : i32
              %mul3A_698 = arith.constant 16 : i32
              %mul3A_699 = arith.muli %add3A_692, %mul3A_698 : i32
              %iota3A_700 = tpu.iota {dimensions = array<i32: 0>} : vector<16xi32>
              %add3A_701 = vector.broadcast %mul3A_699 : i32 to vector<16xi32>
              %add3A_702 = arith.addi %add3A_701, %iota3A_700 : vector<16xi32>
              %ge3A_703 = vector.broadcast %max3A_607 : i32 to vector<16xi32>
              %ge3A_704 = arith.cmpi sge, %add3A_702, %ge3A_703 : vector<16xi32>
              %lt3A_705 = vector.broadcast %min3A_610 : i32 to vector<16xi32>
              %lt3A_706 = arith.cmpi slt, %add3A_702, %lt3A_705 : vector<16xi32>
              %and3A_707 = arith.andi %ge3A_704, %lt3A_706 : vector<16xi1>
              %get3A_708 = arith.index_cast %multiple_of3A_697 : i32 to index
              %get3A_709 = tpu.vector_load %arg9[%get3A_708] {strides = array<i32>} : memref<4096xi32, #tpu.memory_space<vmem>>, vector<16xi32>,
              %jit3A_710 = arith.constant 1073741824 : i32
              %broadcast_in_dim3A_711 = vector.broadcast %jit3A_710 : i32 to vector<16xi32>
              %select_n3A_712 = arith.select %and3A_707, %get3A_709, %broadcast_in_dim3A_711 : vector<16xi1>, vector<16xi32>
              %swap3A = arith.index_cast %multiple_of3A_697 : i32 to index
              %swap3A_713 = tpu.vector_load %arg9[%swap3A] {strides = array<i32>} : memref<4096xi32, #tpu.memory_space<vmem>>, vector<16xi32>,
              tpu.vector_store %arg9[%swap3A], %select_n3A_712 {strides = array<i32>} : memref<4096xi32, #tpu.memory_space<vmem>>, vector<16xi32>,
            }
            %shift_right_logical3A_670 = arith.constant 4 : i32
            %shift_right_logical3A_671 = arith.shrui %min3A_610, %shift_right_logical3A_670 : i32
            %sub3A_672 = arith.constant 64 : i32
            %sub3A_673 = arith.subi %sub3A_672, %shift_right_logical3A_671 : i32
            %sub3A_674 = arith.constant 1 : i32
            %sub3A_675 = arith.constant 1 : i32
            %sub3A_676 = arith.subi %sub3A_674, %sub3A_675 : i32
            %add3A_677 = arith.addi %sub3A_673, %sub3A_676 : i32
            %div3A_678 = arith.constant 1 : i32
            %div3A_679 = arith.divsi %add3A_677, %div3A_678 : i32
            %while3A_680 = arith.constant 1 : i32
            %while3A_681 = arith.constant 0 : i32
            %while3A_682 = arith.subi %div3A_679, %while3A_681 : i32
            %while3A_683 = arith.addi %while3A_681, %while3A_682 : i32
            %while3A_684 = arith.constant 1 : i32
            %while3A_685 = arith.divsi %while3A_682, %while3A_684 : i32
            %while3A_686 = arith.muli %while3A_685, %while3A_684 : i32
            %while3A_687 = arith.addi %while3A_681, %while3A_686 : i32
            %while3A_688 = arith.constant 1 : i32
            scf.for %while3A_690 = %while3A_681 to %while3A_687 step %while3A_688  : i32 {
              %mul3A_691 = arith.muli %while3A_690, %while3A_680 : i32
              %add3A_692 = arith.addi %shift_right_logical3A_671, %mul3A_691 : i32
              %mul3A_693 = arith.constant 16 : i32
              %mul3A_694 = arith.muli %add3A_692, %mul3A_693 : i32
              %add3A_695 = arith.constant 1024 : i32
              %add3A_696 = arith.addi %add3A_695, %mul3A_694 : i32
              %multiple_of3A_697 = tpu.assume_multiple %add3A_696, 16 : i32
              %mul3A_698 = arith.constant 16 : i32
              %mul3A_699 = arith.muli %add3A_692, %mul3A_698 : i32
              %iota3A_700 = tpu.iota {dimensions = array<i32: 0>} : vector<16xi32>
              %add3A_701 = vector.broadcast %mul3A_699 : i32 to vector<16xi32>
              %add3A_702 = arith.addi %add3A_701, %iota3A_700 : vector<16xi32>
              %ge3A_703 = vector.broadcast %max3A_607 : i32 to vector<16xi32>
              %ge3A_704 = arith.cmpi sge, %add3A_702, %ge3A_703 : vector<16xi32>
              %lt3A_705 = vector.broadcast %min3A_610 : i32 to vector<16xi32>
              %lt3A_706 = arith.cmpi slt, %add3A_702, %lt3A_705 : vector<16xi32>
              %and3A_707 = arith.andi %ge3A_704, %lt3A_706 : vector<16xi1>
              %get3A_708 = arith.index_cast %multiple_of3A_697 : i32 to index
              %get3A_709 = tpu.vector_load %arg9[%get3A_708] {strides = array<i32>} : memref<4096xi32, #tpu.memory_space<vmem>>, vector<16xi32>,
              %jit3A_710 = arith.constant 1073741824 : i32
              %broadcast_in_dim3A_711 = vector.broadcast %jit3A_710 : i32 to vector<16xi32>
              %select_n3A_712 = arith.select %and3A_707, %get3A_709, %broadcast_in_dim3A_711 : vector<16xi1>, vector<16xi32>
              %swap3A = arith.index_cast %multiple_of3A_697 : i32 to index
              %swap3A_713 = tpu.vector_load %arg9[%swap3A] {strides = array<i32>} : memref<4096xi32, #tpu.memory_space<vmem>>, vector<16xi32>,
              tpu.vector_store %arg9[%swap3A], %select_n3A_712 {strides = array<i32>} : memref<4096xi32, #tpu.memory_space<vmem>>, vector<16xi32>,
            }
            %while3A_689 = arith.constant 1 : i32
            scf.for %while3A_690 = %while3A_687 to %while3A_683 step %while3A_689  : i32 {
              %mul3A_691 = arith.muli %while3A_690, %while3A_680 : i32
              %add3A_692 = arith.addi %shift_right_logical3A_671, %mul3A_691 : i32
              %mul3A_693 = arith.constant 16 : i32
              %mul3A_694 = arith.muli %add3A_692, %mul3A_693 : i32
              %add3A_695 = arith.constant 1024 : i32
              %add3A_696 = arith.addi %add3A_695, %mul3A_694 : i32
              %multiple_of3A_697 = tpu.assume_multiple %add3A_696, 16 : i32
              %mul3A_698 = arith.constant 16 : i32
              %mul3A_699 = arith.muli %add3A_692, %mul3A_698 : i32
              %iota3A_700 = tpu.iota {dimensions = array<i32: 0>} : vector<16xi32>
              %add3A_701 = vector.broadcast %mul3A_699 : i32 to vector<16xi32>
              %add3A_702 = arith.addi %add3A_701, %iota3A_700 : vector<16xi32>
              %ge3A_703 = vector.broadcast %max3A_607 : i32 to vector<16xi32>
              %ge3A_704 = arith.cmpi sge, %add3A_702, %ge3A_703 : vector<16xi32>
              %lt3A_705 = vector.broadcast %min3A_610 : i32 to vector<16xi32>
              %lt3A_706 = arith.cmpi slt, %add3A_702, %lt3A_705 : vector<16xi32>
              %and3A_707 = arith.andi %ge3A_704, %lt3A_706 : vector<16xi1>
              %get3A_708 = arith.index_cast %multiple_of3A_697 : i32 to index
              %get3A_709 = tpu.vector_load %arg9[%get3A_708] {strides = array<i32>} : memref<4096xi32, #tpu.memory_space<vmem>>, vector<16xi32>,
              %jit3A_710 = arith.constant 1073741824 : i32
              %broadcast_in_dim3A_711 = vector.broadcast %jit3A_710 : i32 to vector<16xi32>
              %select_n3A_712 = arith.select %and3A_707, %get3A_709, %broadcast_in_dim3A_711 : vector<16xi1>, vector<16xi32>
              %swap3A = arith.index_cast %multiple_of3A_697 : i32 to index
              %swap3A_713 = tpu.vector_load %arg9[%swap3A] {strides = array<i32>} : memref<4096xi32, #tpu.memory_space<vmem>>, vector<16xi32>,
              tpu.vector_store %arg9[%swap3A], %select_n3A_712 {strides = array<i32>} : memref<4096xi32, #tpu.memory_space<vmem>>, vector<16xi32>,
            }
          } else {
          }
          %ge3A_615 = arith.cmpi sge, %add3A_544, %select_n3A_402 : i32
          %convert_element_type3A_616 = arith.extui %ge3A_615 : i1 to i32
          %cond3A_617 = arith.constant 0 : i32
          %cond3A_618 = arith.cmpi ne, %convert_element_type3A_616, %cond3A_617 : i32
          scf.if %cond3A_618 {
            %scan3A_647 = arith.constant 0 : i32
            %scan3A_648 = arith.constant 64 : i32
            %scan3A_649 = arith.addi %scan3A_647, %scan3A_648 : i32
            %scan3A_650 = arith.constant 4 : i32
            scf.for %scan3A_652 = %scan3A_647 to %scan3A_649 step %scan3A_650  : i32 {
              %mul3A_653 = arith.constant 1 : i32
              %mul3A_654 = arith.muli %scan3A_652, %mul3A_653 : i32
              %add3A_655 = arith.constant 0 : i32
              %add3A_656 = arith.addi %add3A_655, %mul3A_654 : i32
              %mul3A_657 = arith.constant 16 : i32
              %mul3A_658 = arith.muli %add3A_656, %mul3A_657 : i32
              %add3A_659 = arith.constant 1024 : i32
              %add3A_660 = arith.addi %add3A_659, %mul3A_658 : i32
              %multiple_of3A_661 = tpu.assume_multiple %add3A_660, 16 : i32
              %swap3A = arith.index_cast %multiple_of3A_661 : i32 to index
              %swap3A_662 = tpu.vector_load %arg9[%swap3A] {strides = array<i32>} : memref<4096xi32, #tpu.memory_space<vmem>>, vector<16xi32>,
              tpu.vector_store %arg9[%swap3A], %broadcast_in_dim3A_592 {strides = array<i32>} : memref<4096xi32, #tpu.memory_space<vmem>>, vector<16xi32>,
              %scan3A_663 = arith.constant 1 : i32
              %scan3A_664 = arith.addi %scan3A_652, %scan3A_663 : i32
              %mul3A_665 = arith.constant 1 : i32
              %mul3A_666 = arith.muli %scan3A_664, %mul3A_665 : i32
              %add3A_667 = arith.constant 0 : i32
              %add3A_668 = arith.addi %add3A_667, %mul3A_666 : i32
              %mul3A_669 = arith.constant 16 : i32
              %mul3A_670 = arith.muli %add3A_668, %mul3A_669 : i32
              %add3A_671 = arith.constant 1024 : i32
              %add3A_672 = arith.addi %add3A_671, %mul3A_670 : i32
              %multiple_of3A_673 = tpu.assume_multiple %add3A_672, 16 : i32
              %swap3A_674 = arith.index_cast %multiple_of3A_673 : i32 to index
              %swap3A_675 = tpu.vector_load %arg9[%swap3A_674] {strides = array<i32>} : memref<4096xi32, #tpu.memory_space<vmem>>, vector<16xi32>,
              tpu.vector_store %arg9[%swap3A_674], %broadcast_in_dim3A_592 {strides = array<i32>} : memref<4096xi32, #tpu.memory_space<vmem>>, vector<16xi32>,
              %scan3A_676 = arith.constant 2 : i32
              %scan3A_677 = arith.addi %scan3A_652, %scan3A_676 : i32
              %mul3A_678 = arith.constant 1 : i32
              %mul3A_679 = arith.muli %scan3A_677, %mul3A_678 : i32
              %add3A_680 = arith.constant 0 : i32
              %add3A_681 = arith.addi %add3A_680, %mul3A_679 : i32
              %mul3A_682 = arith.constant 16 : i32
              %mul3A_683 = arith.muli %add3A_681, %mul3A_682 : i32
              %add3A_684 = arith.constant 1024 : i32
              %add3A_685 = arith.addi %add3A_684, %mul3A_683 : i32
              %multiple_of3A_686 = tpu.assume_multiple %add3A_685, 16 : i32
              %swap3A_687 = arith.index_cast %multiple_of3A_686 : i32 to index
              %swap3A_688 = tpu.vector_load %arg9[%swap3A_687] {strides = array<i32>} : memref<4096xi32, #tpu.memory_space<vmem>>, vector<16xi32>,
              tpu.vector_store %arg9[%swap3A_687], %broadcast_in_dim3A_592 {strides = array<i32>} : memref<4096xi32, #tpu.memory_space<vmem>>, vector<16xi32>,
              %scan3A_689 = arith.constant 3 : i32
              %scan3A_690 = arith.addi %scan3A_652, %scan3A_689 : i32
              %mul3A_691 = arith.constant 1 : i32
              %mul3A_692 = arith.muli %scan3A_690, %mul3A_691 : i32
              %add3A_693 = arith.constant 0 : i32
              %add3A_694 = arith.addi %add3A_693, %mul3A_692 : i32
              %mul3A_695 = arith.constant 16 : i32
              %mul3A_696 = arith.muli %add3A_694, %mul3A_695 : i32
              %add3A_697 = arith.constant 1024 : i32
              %add3A_698 = arith.addi %add3A_697, %mul3A_696 : i32
              %multiple_of3A_699 = tpu.assume_multiple %add3A_698, 16 : i32
              %swap3A_700 = arith.index_cast %multiple_of3A_699 : i32 to index
              %swap3A_701 = tpu.vector_load %arg9[%swap3A_700] {strides = array<i32>} : memref<4096xi32, #tpu.memory_space<vmem>>, vector<16xi32>,
              tpu.vector_store %arg9[%swap3A_700], %broadcast_in_dim3A_592 {strides = array<i32>} : memref<4096xi32, #tpu.memory_space<vmem>>, vector<16xi32>,
            }
            %scan3A_651 = arith.constant 64 : i32
          } else {
          }
          %sub3A_619 = arith.subi %select_n3A_432, %multiple_of3A_556 : i32
          %max3A_620 = arith.constant 0 : i32
          %max3A_621 = arith.maxsi %sub3A_619, %max3A_620 : i32
          %sub3A_622 = arith.subi %select_n3A_453, %multiple_of3A_556 : i32
          %min3A_623 = arith.constant 1024 : i32
          %min3A_624 = arith.minsi %sub3A_622, %min3A_623 : i32
          %lt3A_625 = arith.cmpi slt, %add3A_544, %select_n3A_462 : i32
          %convert_element_type3A_626 = arith.extui %lt3A_625 : i1 to i32
          %cond3A_627 = arith.constant 0 : i32
          %cond3A_628 = arith.cmpi ne, %convert_element_type3A_626, %cond3A_627 : i32
          scf.if %cond3A_628 {
            %add3A_647 = arith.constant 15 : i32
            %add3A_648 = arith.addi %max3A_621, %add3A_647 : i32
            %shift_right_logical3A_649 = arith.constant 4 : i32
            %shift_right_logical3A_650 = arith.shrui %add3A_648, %shift_right_logical3A_649 : i32
            %sub3A_651 = arith.constant 0 : i32
            %sub3A_652 = arith.subi %shift_right_logical3A_650, %sub3A_651 : i32
            %sub3A_653 = arith.constant 1 : i32
            %sub3A_654 = arith.constant 1 : i32
            %sub3A_655 = arith.subi %sub3A_653, %sub3A_654 : i32
            %add3A_656 = arith.addi %sub3A_652, %sub3A_655 : i32
            %div3A_657 = arith.constant 1 : i32
            %div3A_658 = arith.divsi %add3A_656, %div3A_657 : i32
            %while3A_659 = arith.constant 1 : i32
            %while3A_660 = arith.constant 0 : i32
            %while3A_661 = arith.constant 0 : i32
            %while3A_662 = arith.subi %div3A_658, %while3A_661 : i32
            %while3A_663 = arith.addi %while3A_661, %while3A_662 : i32
            %while3A_664 = arith.constant 1 : i32
            %while3A_665 = arith.divsi %while3A_662, %while3A_664 : i32
            %while3A_666 = arith.muli %while3A_665, %while3A_664 : i32
            %while3A_667 = arith.addi %while3A_661, %while3A_666 : i32
            %while3A_668 = arith.constant 1 : i32
            scf.for %while3A_690 = %while3A_661 to %while3A_667 step %while3A_668  : i32 {
              %mul3A_691 = arith.muli %while3A_690, %while3A_659 : i32
              %add3A_692 = arith.addi %while3A_660, %mul3A_691 : i32
              %mul3A_693 = arith.constant 16 : i32
              %mul3A_694 = arith.muli %add3A_692, %mul3A_693 : i32
              %add3A_695 = arith.constant 2048 : i32
              %add3A_696 = arith.addi %add3A_695, %mul3A_694 : i32
              %multiple_of3A_697 = tpu.assume_multiple %add3A_696, 16 : i32
              %mul3A_698 = arith.constant 16 : i32
              %mul3A_699 = arith.muli %add3A_692, %mul3A_698 : i32
              %iota3A_700 = tpu.iota {dimensions = array<i32: 0>} : vector<16xi32>
              %add3A_701 = vector.broadcast %mul3A_699 : i32 to vector<16xi32>
              %add3A_702 = arith.addi %add3A_701, %iota3A_700 : vector<16xi32>
              %ge3A_703 = vector.broadcast %max3A_621 : i32 to vector<16xi32>
              %ge3A_704 = arith.cmpi sge, %add3A_702, %ge3A_703 : vector<16xi32>
              %lt3A_705 = vector.broadcast %min3A_624 : i32 to vector<16xi32>
              %lt3A_706 = arith.cmpi slt, %add3A_702, %lt3A_705 : vector<16xi32>
              %and3A_707 = arith.andi %ge3A_704, %lt3A_706 : vector<16xi1>
              %get3A_708 = arith.index_cast %multiple_of3A_697 : i32 to index
              %get3A_709 = tpu.vector_load %arg9[%get3A_708] {strides = array<i32>} : memref<4096xi32, #tpu.memory_space<vmem>>, vector<16xi32>,
              %jit3A_710 = arith.constant 1073741824 : i32
              %broadcast_in_dim3A_711 = vector.broadcast %jit3A_710 : i32 to vector<16xi32>
              %select_n3A_712 = arith.select %and3A_707, %get3A_709, %broadcast_in_dim3A_711 : vector<16xi1>, vector<16xi32>
              %swap3A = arith.index_cast %multiple_of3A_697 : i32 to index
              %swap3A_713 = tpu.vector_load %arg9[%swap3A] {strides = array<i32>} : memref<4096xi32, #tpu.memory_space<vmem>>, vector<16xi32>,
              tpu.vector_store %arg9[%swap3A], %select_n3A_712 {strides = array<i32>} : memref<4096xi32, #tpu.memory_space<vmem>>, vector<16xi32>,
            }
            %while3A_669 = arith.constant 1 : i32
            scf.for %while3A_690 = %while3A_667 to %while3A_663 step %while3A_669  : i32 {
              %mul3A_691 = arith.muli %while3A_690, %while3A_659 : i32
              %add3A_692 = arith.addi %while3A_660, %mul3A_691 : i32
              %mul3A_693 = arith.constant 16 : i32
              %mul3A_694 = arith.muli %add3A_692, %mul3A_693 : i32
              %add3A_695 = arith.constant 2048 : i32
              %add3A_696 = arith.addi %add3A_695, %mul3A_694 : i32
              %multiple_of3A_697 = tpu.assume_multiple %add3A_696, 16 : i32
              %mul3A_698 = arith.constant 16 : i32
              %mul3A_699 = arith.muli %add3A_692, %mul3A_698 : i32
              %iota3A_700 = tpu.iota {dimensions = array<i32: 0>} : vector<16xi32>
              %add3A_701 = vector.broadcast %mul3A_699 : i32 to vector<16xi32>
              %add3A_702 = arith.addi %add3A_701, %iota3A_700 : vector<16xi32>
              %ge3A_703 = vector.broadcast %max3A_621 : i32 to vector<16xi32>
              %ge3A_704 = arith.cmpi sge, %add3A_702, %ge3A_703 : vector<16xi32>
              %lt3A_705 = vector.broadcast %min3A_624 : i32 to vector<16xi32>
              %lt3A_706 = arith.cmpi slt, %add3A_702, %lt3A_705 : vector<16xi32>
              %and3A_707 = arith.andi %ge3A_704, %lt3A_706 : vector<16xi1>
              %get3A_708 = arith.index_cast %multiple_of3A_697 : i32 to index
              %get3A_709 = tpu.vector_load %arg9[%get3A_708] {strides = array<i32>} : memref<4096xi32, #tpu.memory_space<vmem>>, vector<16xi32>,
              %jit3A_710 = arith.constant 1073741824 : i32
              %broadcast_in_dim3A_711 = vector.broadcast %jit3A_710 : i32 to vector<16xi32>
              %select_n3A_712 = arith.select %and3A_707, %get3A_709, %broadcast_in_dim3A_711 : vector<16xi1>, vector<16xi32>
              %swap3A = arith.index_cast %multiple_of3A_697 : i32 to index
              %swap3A_713 = tpu.vector_load %arg9[%swap3A] {strides = array<i32>} : memref<4096xi32, #tpu.memory_space<vmem>>, vector<16xi32>,
              tpu.vector_store %arg9[%swap3A], %select_n3A_712 {strides = array<i32>} : memref<4096xi32, #tpu.memory_space<vmem>>, vector<16xi32>,
            }
            %shift_right_logical3A_670 = arith.constant 4 : i32
            %shift_right_logical3A_671 = arith.shrui %min3A_624, %shift_right_logical3A_670 : i32
            %sub3A_672 = arith.constant 64 : i32
            %sub3A_673 = arith.subi %sub3A_672, %shift_right_logical3A_671 : i32
            %sub3A_674 = arith.constant 1 : i32
            %sub3A_675 = arith.constant 1 : i32
            %sub3A_676 = arith.subi %sub3A_674, %sub3A_675 : i32
            %add3A_677 = arith.addi %sub3A_673, %sub3A_676 : i32
            %div3A_678 = arith.constant 1 : i32
            %div3A_679 = arith.divsi %add3A_677, %div3A_678 : i32
            %while3A_680 = arith.constant 1 : i32
            %while3A_681 = arith.constant 0 : i32
            %while3A_682 = arith.subi %div3A_679, %while3A_681 : i32
            %while3A_683 = arith.addi %while3A_681, %while3A_682 : i32
            %while3A_684 = arith.constant 1 : i32
            %while3A_685 = arith.divsi %while3A_682, %while3A_684 : i32
            %while3A_686 = arith.muli %while3A_685, %while3A_684 : i32
            %while3A_687 = arith.addi %while3A_681, %while3A_686 : i32
            %while3A_688 = arith.constant 1 : i32
            scf.for %while3A_690 = %while3A_681 to %while3A_687 step %while3A_688  : i32 {
              %mul3A_691 = arith.muli %while3A_690, %while3A_680 : i32
              %add3A_692 = arith.addi %shift_right_logical3A_671, %mul3A_691 : i32
              %mul3A_693 = arith.constant 16 : i32
              %mul3A_694 = arith.muli %add3A_692, %mul3A_693 : i32
              %add3A_695 = arith.constant 2048 : i32
              %add3A_696 = arith.addi %add3A_695, %mul3A_694 : i32
              %multiple_of3A_697 = tpu.assume_multiple %add3A_696, 16 : i32
              %mul3A_698 = arith.constant 16 : i32
              %mul3A_699 = arith.muli %add3A_692, %mul3A_698 : i32
              %iota3A_700 = tpu.iota {dimensions = array<i32: 0>} : vector<16xi32>
              %add3A_701 = vector.broadcast %mul3A_699 : i32 to vector<16xi32>
              %add3A_702 = arith.addi %add3A_701, %iota3A_700 : vector<16xi32>
              %ge3A_703 = vector.broadcast %max3A_621 : i32 to vector<16xi32>
              %ge3A_704 = arith.cmpi sge, %add3A_702, %ge3A_703 : vector<16xi32>
              %lt3A_705 = vector.broadcast %min3A_624 : i32 to vector<16xi32>
              %lt3A_706 = arith.cmpi slt, %add3A_702, %lt3A_705 : vector<16xi32>
              %and3A_707 = arith.andi %ge3A_704, %lt3A_706 : vector<16xi1>
              %get3A_708 = arith.index_cast %multiple_of3A_697 : i32 to index
              %get3A_709 = tpu.vector_load %arg9[%get3A_708] {strides = array<i32>} : memref<4096xi32, #tpu.memory_space<vmem>>, vector<16xi32>,
              %jit3A_710 = arith.constant 1073741824 : i32
              %broadcast_in_dim3A_711 = vector.broadcast %jit3A_710 : i32 to vector<16xi32>
              %select_n3A_712 = arith.select %and3A_707, %get3A_709, %broadcast_in_dim3A_711 : vector<16xi1>, vector<16xi32>
              %swap3A = arith.index_cast %multiple_of3A_697 : i32 to index
              %swap3A_713 = tpu.vector_load %arg9[%swap3A] {strides = array<i32>} : memref<4096xi32, #tpu.memory_space<vmem>>, vector<16xi32>,
              tpu.vector_store %arg9[%swap3A], %select_n3A_712 {strides = array<i32>} : memref<4096xi32, #tpu.memory_space<vmem>>, vector<16xi32>,
            }
            %while3A_689 = arith.constant 1 : i32
            scf.for %while3A_690 = %while3A_687 to %while3A_683 step %while3A_689  : i32 {
              %mul3A_691 = arith.muli %while3A_690, %while3A_680 : i32
              %add3A_692 = arith.addi %shift_right_logical3A_671, %mul3A_691 : i32
              %mul3A_693 = arith.constant 16 : i32
              %mul3A_694 = arith.muli %add3A_692, %mul3A_693 : i32
              %add3A_695 = arith.constant 2048 : i32
              %add3A_696 = arith.addi %add3A_695, %mul3A_694 : i32
              %multiple_of3A_697 = tpu.assume_multiple %add3A_696, 16 : i32
              %mul3A_698 = arith.constant 16 : i32
              %mul3A_699 = arith.muli %add3A_692, %mul3A_698 : i32
              %iota3A_700 = tpu.iota {dimensions = array<i32: 0>} : vector<16xi32>
              %add3A_701 = vector.broadcast %mul3A_699 : i32 to vector<16xi32>
              %add3A_702 = arith.addi %add3A_701, %iota3A_700 : vector<16xi32>
              %ge3A_703 = vector.broadcast %max3A_621 : i32 to vector<16xi32>
              %ge3A_704 = arith.cmpi sge, %add3A_702, %ge3A_703 : vector<16xi32>
              %lt3A_705 = vector.broadcast %min3A_624 : i32 to vector<16xi32>
              %lt3A_706 = arith.cmpi slt, %add3A_702, %lt3A_705 : vector<16xi32>
              %and3A_707 = arith.andi %ge3A_704, %lt3A_706 : vector<16xi1>
              %get3A_708 = arith.index_cast %multiple_of3A_697 : i32 to index
              %get3A_709 = tpu.vector_load %arg9[%get3A_708] {strides = array<i32>} : memref<4096xi32, #tpu.memory_space<vmem>>, vector<16xi32>,
              %jit3A_710 = arith.constant 1073741824 : i32
              %broadcast_in_dim3A_711 = vector.broadcast %jit3A_710 : i32 to vector<16xi32>
              %select_n3A_712 = arith.select %and3A_707, %get3A_709, %broadcast_in_dim3A_711 : vector<16xi1>, vector<16xi32>
              %swap3A = arith.index_cast %multiple_of3A_697 : i32 to index
              %swap3A_713 = tpu.vector_load %arg9[%swap3A] {strides = array<i32>} : memref<4096xi32, #tpu.memory_space<vmem>>, vector<16xi32>,
              tpu.vector_store %arg9[%swap3A], %select_n3A_712 {strides = array<i32>} : memref<4096xi32, #tpu.memory_space<vmem>>, vector<16xi32>,
            }
          } else {
          }
          %ge3A_629 = arith.cmpi sge, %add3A_544, %select_n3A_462 : i32
          %convert_element_type3A_630 = arith.extui %ge3A_629 : i1 to i32
          %cond3A_631 = arith.constant 0 : i32
          %cond3A_632 = arith.cmpi ne, %convert_element_type3A_630, %cond3A_631 : i32
          scf.if %cond3A_632 {
            %scan3A_647 = arith.constant 0 : i32
            %scan3A_648 = arith.constant 64 : i32
            %scan3A_649 = arith.addi %scan3A_647, %scan3A_648 : i32
            %scan3A_650 = arith.constant 4 : i32
            scf.for %scan3A_652 = %scan3A_647 to %scan3A_649 step %scan3A_650  : i32 {
              %mul3A_653 = arith.constant 1 : i32
              %mul3A_654 = arith.muli %scan3A_652, %mul3A_653 : i32
              %add3A_655 = arith.constant 0 : i32
              %add3A_656 = arith.addi %add3A_655, %mul3A_654 : i32
              %mul3A_657 = arith.constant 16 : i32
              %mul3A_658 = arith.muli %add3A_656, %mul3A_657 : i32
              %add3A_659 = arith.constant 2048 : i32
              %add3A_660 = arith.addi %add3A_659, %mul3A_658 : i32
              %multiple_of3A_661 = tpu.assume_multiple %add3A_660, 16 : i32
              %swap3A = arith.index_cast %multiple_of3A_661 : i32 to index
              %swap3A_662 = tpu.vector_load %arg9[%swap3A] {strides = array<i32>} : memref<4096xi32, #tpu.memory_space<vmem>>, vector<16xi32>,
              tpu.vector_store %arg9[%swap3A], %broadcast_in_dim3A_592 {strides = array<i32>} : memref<4096xi32, #tpu.memory_space<vmem>>, vector<16xi32>,
              %scan3A_663 = arith.constant 1 : i32
              %scan3A_664 = arith.addi %scan3A_652, %scan3A_663 : i32
              %mul3A_665 = arith.constant 1 : i32
              %mul3A_666 = arith.muli %scan3A_664, %mul3A_665 : i32
              %add3A_667 = arith.constant 0 : i32
              %add3A_668 = arith.addi %add3A_667, %mul3A_666 : i32
              %mul3A_669 = arith.constant 16 : i32
              %mul3A_670 = arith.muli %add3A_668, %mul3A_669 : i32
              %add3A_671 = arith.constant 2048 : i32
              %add3A_672 = arith.addi %add3A_671, %mul3A_670 : i32
              %multiple_of3A_673 = tpu.assume_multiple %add3A_672, 16 : i32
              %swap3A_674 = arith.index_cast %multiple_of3A_673 : i32 to index
              %swap3A_675 = tpu.vector_load %arg9[%swap3A_674] {strides = array<i32>} : memref<4096xi32, #tpu.memory_space<vmem>>, vector<16xi32>,
              tpu.vector_store %arg9[%swap3A_674], %broadcast_in_dim3A_592 {strides = array<i32>} : memref<4096xi32, #tpu.memory_space<vmem>>, vector<16xi32>,
              %scan3A_676 = arith.constant 2 : i32
              %scan3A_677 = arith.addi %scan3A_652, %scan3A_676 : i32
              %mul3A_678 = arith.constant 1 : i32
              %mul3A_679 = arith.muli %scan3A_677, %mul3A_678 : i32
              %add3A_680 = arith.constant 0 : i32
              %add3A_681 = arith.addi %add3A_680, %mul3A_679 : i32
              %mul3A_682 = arith.constant 16 : i32
              %mul3A_683 = arith.muli %add3A_681, %mul3A_682 : i32
              %add3A_684 = arith.constant 2048 : i32
              %add3A_685 = arith.addi %add3A_684, %mul3A_683 : i32
              %multiple_of3A_686 = tpu.assume_multiple %add3A_685, 16 : i32
              %swap3A_687 = arith.index_cast %multiple_of3A_686 : i32 to index
              %swap3A_688 = tpu.vector_load %arg9[%swap3A_687] {strides = array<i32>} : memref<4096xi32, #tpu.memory_space<vmem>>, vector<16xi32>,
              tpu.vector_store %arg9[%swap3A_687], %broadcast_in_dim3A_592 {strides = array<i32>} : memref<4096xi32, #tpu.memory_space<vmem>>, vector<16xi32>,
              %scan3A_689 = arith.constant 3 : i32
              %scan3A_690 = arith.addi %scan3A_652, %scan3A_689 : i32
              %mul3A_691 = arith.constant 1 : i32
              %mul3A_692 = arith.muli %scan3A_690, %mul3A_691 : i32
              %add3A_693 = arith.constant 0 : i32
              %add3A_694 = arith.addi %add3A_693, %mul3A_692 : i32
              %mul3A_695 = arith.constant 16 : i32
              %mul3A_696 = arith.muli %add3A_694, %mul3A_695 : i32
              %add3A_697 = arith.constant 2048 : i32
              %add3A_698 = arith.addi %add3A_697, %mul3A_696 : i32
              %multiple_of3A_699 = tpu.assume_multiple %add3A_698, 16 : i32
              %swap3A_700 = arith.index_cast %multiple_of3A_699 : i32 to index
              %swap3A_701 = tpu.vector_load %arg9[%swap3A_700] {strides = array<i32>} : memref<4096xi32, #tpu.memory_space<vmem>>, vector<16xi32>,
              tpu.vector_store %arg9[%swap3A_700], %broadcast_in_dim3A_592 {strides = array<i32>} : memref<4096xi32, #tpu.memory_space<vmem>>, vector<16xi32>,
            }
            %scan3A_651 = arith.constant 64 : i32
          } else {
          }
          %sub3A_633 = arith.subi %select_n3A_492, %multiple_of3A_560 : i32
          %max3A_634 = arith.constant 0 : i32
          %max3A_635 = arith.maxsi %sub3A_633, %max3A_634 : i32
          %sub3A_636 = arith.subi %select_n3A_513, %multiple_of3A_560 : i32
          %min3A_637 = arith.constant 1024 : i32
          %min3A_638 = arith.minsi %sub3A_636, %min3A_637 : i32
          %lt3A_639 = arith.cmpi slt, %add3A_544, %select_n3A_522 : i32
          %convert_element_type3A_640 = arith.extui %lt3A_639 : i1 to i32
          %cond3A_641 = arith.constant 0 : i32
          %cond3A_642 = arith.cmpi ne, %convert_element_type3A_640, %cond3A_641 : i32
          scf.if %cond3A_642 {
            %add3A_647 = arith.constant 15 : i32
            %add3A_648 = arith.addi %max3A_635, %add3A_647 : i32
            %shift_right_logical3A_649 = arith.constant 4 : i32
            %shift_right_logical3A_650 = arith.shrui %add3A_648, %shift_right_logical3A_649 : i32
            %sub3A_651 = arith.constant 0 : i32
            %sub3A_652 = arith.subi %shift_right_logical3A_650, %sub3A_651 : i32
            %sub3A_653 = arith.constant 1 : i32
            %sub3A_654 = arith.constant 1 : i32
            %sub3A_655 = arith.subi %sub3A_653, %sub3A_654 : i32
            %add3A_656 = arith.addi %sub3A_652, %sub3A_655 : i32
            %div3A_657 = arith.constant 1 : i32
            %div3A_658 = arith.divsi %add3A_656, %div3A_657 : i32
            %while3A_659 = arith.constant 1 : i32
            %while3A_660 = arith.constant 0 : i32
            %while3A_661 = arith.constant 0 : i32
            %while3A_662 = arith.subi %div3A_658, %while3A_661 : i32
            %while3A_663 = arith.addi %while3A_661, %while3A_662 : i32
            %while3A_664 = arith.constant 1 : i32
            %while3A_665 = arith.divsi %while3A_662, %while3A_664 : i32
            %while3A_666 = arith.muli %while3A_665, %while3A_664 : i32
            %while3A_667 = arith.addi %while3A_661, %while3A_666 : i32
            %while3A_668 = arith.constant 1 : i32
            scf.for %while3A_690 = %while3A_661 to %while3A_667 step %while3A_668  : i32 {
              %mul3A_691 = arith.muli %while3A_690, %while3A_659 : i32
              %add3A_692 = arith.addi %while3A_660, %mul3A_691 : i32
              %mul3A_693 = arith.constant 16 : i32
              %mul3A_694 = arith.muli %add3A_692, %mul3A_693 : i32
              %add3A_695 = arith.constant 3072 : i32
              %add3A_696 = arith.addi %add3A_695, %mul3A_694 : i32
              %multiple_of3A_697 = tpu.assume_multiple %add3A_696, 16 : i32
              %mul3A_698 = arith.constant 16 : i32
              %mul3A_699 = arith.muli %add3A_692, %mul3A_698 : i32
              %iota3A_700 = tpu.iota {dimensions = array<i32: 0>} : vector<16xi32>
              %add3A_701 = vector.broadcast %mul3A_699 : i32 to vector<16xi32>
              %add3A_702 = arith.addi %add3A_701, %iota3A_700 : vector<16xi32>
              %ge3A_703 = vector.broadcast %max3A_635 : i32 to vector<16xi32>
              %ge3A_704 = arith.cmpi sge, %add3A_702, %ge3A_703 : vector<16xi32>
              %lt3A_705 = vector.broadcast %min3A_638 : i32 to vector<16xi32>
              %lt3A_706 = arith.cmpi slt, %add3A_702, %lt3A_705 : vector<16xi32>
              %and3A_707 = arith.andi %ge3A_704, %lt3A_706 : vector<16xi1>
              %get3A_708 = arith.index_cast %multiple_of3A_697 : i32 to index
              %get3A_709 = tpu.vector_load %arg9[%get3A_708] {strides = array<i32>} : memref<4096xi32, #tpu.memory_space<vmem>>, vector<16xi32>,
              %jit3A_710 = arith.constant 1073741824 : i32
              %broadcast_in_dim3A_711 = vector.broadcast %jit3A_710 : i32 to vector<16xi32>
              %select_n3A_712 = arith.select %and3A_707, %get3A_709, %broadcast_in_dim3A_711 : vector<16xi1>, vector<16xi32>
              %swap3A = arith.index_cast %multiple_of3A_697 : i32 to index
              %swap3A_713 = tpu.vector_load %arg9[%swap3A] {strides = array<i32>} : memref<4096xi32, #tpu.memory_space<vmem>>, vector<16xi32>,
              tpu.vector_store %arg9[%swap3A], %select_n3A_712 {strides = array<i32>} : memref<4096xi32, #tpu.memory_space<vmem>>, vector<16xi32>,
            }
            %while3A_669 = arith.constant 1 : i32
            scf.for %while3A_690 = %while3A_667 to %while3A_663 step %while3A_669  : i32 {
              %mul3A_691 = arith.muli %while3A_690, %while3A_659 : i32
              %add3A_692 = arith.addi %while3A_660, %mul3A_691 : i32
              %mul3A_693 = arith.constant 16 : i32
              %mul3A_694 = arith.muli %add3A_692, %mul3A_693 : i32
              %add3A_695 = arith.constant 3072 : i32
              %add3A_696 = arith.addi %add3A_695, %mul3A_694 : i32
              %multiple_of3A_697 = tpu.assume_multiple %add3A_696, 16 : i32
              %mul3A_698 = arith.constant 16 : i32
              %mul3A_699 = arith.muli %add3A_692, %mul3A_698 : i32
              %iota3A_700 = tpu.iota {dimensions = array<i32: 0>} : vector<16xi32>
              %add3A_701 = vector.broadcast %mul3A_699 : i32 to vector<16xi32>
              %add3A_702 = arith.addi %add3A_701, %iota3A_700 : vector<16xi32>
              %ge3A_703 = vector.broadcast %max3A_635 : i32 to vector<16xi32>
              %ge3A_704 = arith.cmpi sge, %add3A_702, %ge3A_703 : vector<16xi32>
              %lt3A_705 = vector.broadcast %min3A_638 : i32 to vector<16xi32>
              %lt3A_706 = arith.cmpi slt, %add3A_702, %lt3A_705 : vector<16xi32>
              %and3A_707 = arith.andi %ge3A_704, %lt3A_706 : vector<16xi1>
              %get3A_708 = arith.index_cast %multiple_of3A_697 : i32 to index
              %get3A_709 = tpu.vector_load %arg9[%get3A_708] {strides = array<i32>} : memref<4096xi32, #tpu.memory_space<vmem>>, vector<16xi32>,
              %jit3A_710 = arith.constant 1073741824 : i32
              %broadcast_in_dim3A_711 = vector.broadcast %jit3A_710 : i32 to vector<16xi32>
              %select_n3A_712 = arith.select %and3A_707, %get3A_709, %broadcast_in_dim3A_711 : vector<16xi1>, vector<16xi32>
              %swap3A = arith.index_cast %multiple_of3A_697 : i32 to index
              %swap3A_713 = tpu.vector_load %arg9[%swap3A] {strides = array<i32>} : memref<4096xi32, #tpu.memory_space<vmem>>, vector<16xi32>,
              tpu.vector_store %arg9[%swap3A], %select_n3A_712 {strides = array<i32>} : memref<4096xi32, #tpu.memory_space<vmem>>, vector<16xi32>,
            }
            %shift_right_logical3A_670 = arith.constant 4 : i32
            %shift_right_logical3A_671 = arith.shrui %min3A_638, %shift_right_logical3A_670 : i32
            %sub3A_672 = arith.constant 64 : i32
            %sub3A_673 = arith.subi %sub3A_672, %shift_right_logical3A_671 : i32
            %sub3A_674 = arith.constant 1 : i32
            %sub3A_675 = arith.constant 1 : i32
            %sub3A_676 = arith.subi %sub3A_674, %sub3A_675 : i32
            %add3A_677 = arith.addi %sub3A_673, %sub3A_676 : i32
            %div3A_678 = arith.constant 1 : i32
            %div3A_679 = arith.divsi %add3A_677, %div3A_678 : i32
            %while3A_680 = arith.constant 1 : i32
            %while3A_681 = arith.constant 0 : i32
            %while3A_682 = arith.subi %div3A_679, %while3A_681 : i32
            %while3A_683 = arith.addi %while3A_681, %while3A_682 : i32
            %while3A_684 = arith.constant 1 : i32
            %while3A_685 = arith.divsi %while3A_682, %while3A_684 : i32
            %while3A_686 = arith.muli %while3A_685, %while3A_684 : i32
            %while3A_687 = arith.addi %while3A_681, %while3A_686 : i32
            %while3A_688 = arith.constant 1 : i32
            scf.for %while3A_690 = %while3A_681 to %while3A_687 step %while3A_688  : i32 {
              %mul3A_691 = arith.muli %while3A_690, %while3A_680 : i32
              %add3A_692 = arith.addi %shift_right_logical3A_671, %mul3A_691 : i32
              %mul3A_693 = arith.constant 16 : i32
              %mul3A_694 = arith.muli %add3A_692, %mul3A_693 : i32
              %add3A_695 = arith.constant 3072 : i32
              %add3A_696 = arith.addi %add3A_695, %mul3A_694 : i32
              %multiple_of3A_697 = tpu.assume_multiple %add3A_696, 16 : i32
              %mul3A_698 = arith.constant 16 : i32
              %mul3A_699 = arith.muli %add3A_692, %mul3A_698 : i32
              %iota3A_700 = tpu.iota {dimensions = array<i32: 0>} : vector<16xi32>
              %add3A_701 = vector.broadcast %mul3A_699 : i32 to vector<16xi32>
              %add3A_702 = arith.addi %add3A_701, %iota3A_700 : vector<16xi32>
              %ge3A_703 = vector.broadcast %max3A_635 : i32 to vector<16xi32>
              %ge3A_704 = arith.cmpi sge, %add3A_702, %ge3A_703 : vector<16xi32>
              %lt3A_705 = vector.broadcast %min3A_638 : i32 to vector<16xi32>
              %lt3A_706 = arith.cmpi slt, %add3A_702, %lt3A_705 : vector<16xi32>
              %and3A_707 = arith.andi %ge3A_704, %lt3A_706 : vector<16xi1>
              %get3A_708 = arith.index_cast %multiple_of3A_697 : i32 to index
              %get3A_709 = tpu.vector_load %arg9[%get3A_708] {strides = array<i32>} : memref<4096xi32, #tpu.memory_space<vmem>>, vector<16xi32>,
              %jit3A_710 = arith.constant 1073741824 : i32
              %broadcast_in_dim3A_711 = vector.broadcast %jit3A_710 : i32 to vector<16xi32>
              %select_n3A_712 = arith.select %and3A_707, %get3A_709, %broadcast_in_dim3A_711 : vector<16xi1>, vector<16xi32>
              %swap3A = arith.index_cast %multiple_of3A_697 : i32 to index
              %swap3A_713 = tpu.vector_load %arg9[%swap3A] {strides = array<i32>} : memref<4096xi32, #tpu.memory_space<vmem>>, vector<16xi32>,
              tpu.vector_store %arg9[%swap3A], %select_n3A_712 {strides = array<i32>} : memref<4096xi32, #tpu.memory_space<vmem>>, vector<16xi32>,
            }
            %while3A_689 = arith.constant 1 : i32
            scf.for %while3A_690 = %while3A_687 to %while3A_683 step %while3A_689  : i32 {
              %mul3A_691 = arith.muli %while3A_690, %while3A_680 : i32
              %add3A_692 = arith.addi %shift_right_logical3A_671, %mul3A_691 : i32
              %mul3A_693 = arith.constant 16 : i32
              %mul3A_694 = arith.muli %add3A_692, %mul3A_693 : i32
              %add3A_695 = arith.constant 3072 : i32
              %add3A_696 = arith.addi %add3A_695, %mul3A_694 : i32
              %multiple_of3A_697 = tpu.assume_multiple %add3A_696, 16 : i32
              %mul3A_698 = arith.constant 16 : i32
              %mul3A_699 = arith.muli %add3A_692, %mul3A_698 : i32
              %iota3A_700 = tpu.iota {dimensions = array<i32: 0>} : vector<16xi32>
              %add3A_701 = vector.broadcast %mul3A_699 : i32 to vector<16xi32>
              %add3A_702 = arith.addi %add3A_701, %iota3A_700 : vector<16xi32>
              %ge3A_703 = vector.broadcast %max3A_635 : i32 to vector<16xi32>
              %ge3A_704 = arith.cmpi sge, %add3A_702, %ge3A_703 : vector<16xi32>
              %lt3A_705 = vector.broadcast %min3A_638 : i32 to vector<16xi32>
              %lt3A_706 = arith.cmpi slt, %add3A_702, %lt3A_705 : vector<16xi32>
              %and3A_707 = arith.andi %ge3A_704, %lt3A_706 : vector<16xi1>
              %get3A_708 = arith.index_cast %multiple_of3A_697 : i32 to index
              %get3A_709 = tpu.vector_load %arg9[%get3A_708] {strides = array<i32>} : memref<4096xi32, #tpu.memory_space<vmem>>, vector<16xi32>,
              %jit3A_710 = arith.constant 1073741824 : i32
              %broadcast_in_dim3A_711 = vector.broadcast %jit3A_710 : i32 to vector<16xi32>
              %select_n3A_712 = arith.select %and3A_707, %get3A_709, %broadcast_in_dim3A_711 : vector<16xi1>, vector<16xi32>
              %swap3A = arith.index_cast %multiple_of3A_697 : i32 to index
              %swap3A_713 = tpu.vector_load %arg9[%swap3A] {strides = array<i32>} : memref<4096xi32, #tpu.memory_space<vmem>>, vector<16xi32>,
              tpu.vector_store %arg9[%swap3A], %select_n3A_712 {strides = array<i32>} : memref<4096xi32, #tpu.memory_space<vmem>>, vector<16xi32>,
            }
          } else {
          }
          %ge3A_643 = arith.cmpi sge, %add3A_544, %select_n3A_522 : i32
          %convert_element_type3A_644 = arith.extui %ge3A_643 : i1 to i32
          %cond3A_645 = arith.constant 0 : i32
          %cond3A_646 = arith.cmpi ne, %convert_element_type3A_644, %cond3A_645 : i32
          scf.if %cond3A_646 {
            %scan3A_647 = arith.constant 0 : i32
            %scan3A_648 = arith.constant 64 : i32
            %scan3A_649 = arith.addi %scan3A_647, %scan3A_648 : i32
            %scan3A_650 = arith.constant 4 : i32
            scf.for %scan3A_652 = %scan3A_647 to %scan3A_649 step %scan3A_650  : i32 {
              %mul3A_653 = arith.constant 1 : i32
              %mul3A_654 = arith.muli %scan3A_652, %mul3A_653 : i32
              %add3A_655 = arith.constant 0 : i32
              %add3A_656 = arith.addi %add3A_655, %mul3A_654 : i32
              %mul3A_657 = arith.constant 16 : i32
              %mul3A_658 = arith.muli %add3A_656, %mul3A_657 : i32
              %add3A_659 = arith.constant 3072 : i32
              %add3A_660 = arith.addi %add3A_659, %mul3A_658 : i32
              %multiple_of3A_661 = tpu.assume_multiple %add3A_660, 16 : i32
              %swap3A = arith.index_cast %multiple_of3A_661 : i32 to index
              %swap3A_662 = tpu.vector_load %arg9[%swap3A] {strides = array<i32>} : memref<4096xi32, #tpu.memory_space<vmem>>, vector<16xi32>,
              tpu.vector_store %arg9[%swap3A], %broadcast_in_dim3A_592 {strides = array<i32>} : memref<4096xi32, #tpu.memory_space<vmem>>, vector<16xi32>,
              %scan3A_663 = arith.constant 1 : i32
              %scan3A_664 = arith.addi %scan3A_652, %scan3A_663 : i32
              %mul3A_665 = arith.constant 1 : i32
              %mul3A_666 = arith.muli %scan3A_664, %mul3A_665 : i32
              %add3A_667 = arith.constant 0 : i32
              %add3A_668 = arith.addi %add3A_667, %mul3A_666 : i32
              %mul3A_669 = arith.constant 16 : i32
              %mul3A_670 = arith.muli %add3A_668, %mul3A_669 : i32
              %add3A_671 = arith.constant 3072 : i32
              %add3A_672 = arith.addi %add3A_671, %mul3A_670 : i32
              %multiple_of3A_673 = tpu.assume_multiple %add3A_672, 16 : i32
              %swap3A_674 = arith.index_cast %multiple_of3A_673 : i32 to index
              %swap3A_675 = tpu.vector_load %arg9[%swap3A_674] {strides = array<i32>} : memref<4096xi32, #tpu.memory_space<vmem>>, vector<16xi32>,
              tpu.vector_store %arg9[%swap3A_674], %broadcast_in_dim3A_592 {strides = array<i32>} : memref<4096xi32, #tpu.memory_space<vmem>>, vector<16xi32>,
              %scan3A_676 = arith.constant 2 : i32
              %scan3A_677 = arith.addi %scan3A_652, %scan3A_676 : i32
              %mul3A_678 = arith.constant 1 : i32
              %mul3A_679 = arith.muli %scan3A_677, %mul3A_678 : i32
              %add3A_680 = arith.constant 0 : i32
              %add3A_681 = arith.addi %add3A_680, %mul3A_679 : i32
              %mul3A_682 = arith.constant 16 : i32
              %mul3A_683 = arith.muli %add3A_681, %mul3A_682 : i32
              %add3A_684 = arith.constant 3072 : i32
              %add3A_685 = arith.addi %add3A_684, %mul3A_683 : i32
              %multiple_of3A_686 = tpu.assume_multiple %add3A_685, 16 : i32
              %swap3A_687 = arith.index_cast %multiple_of3A_686 : i32 to index
              %swap3A_688 = tpu.vector_load %arg9[%swap3A_687] {strides = array<i32>} : memref<4096xi32, #tpu.memory_space<vmem>>, vector<16xi32>,
              tpu.vector_store %arg9[%swap3A_687], %broadcast_in_dim3A_592 {strides = array<i32>} : memref<4096xi32, #tpu.memory_space<vmem>>, vector<16xi32>,
              %scan3A_689 = arith.constant 3 : i32
              %scan3A_690 = arith.addi %scan3A_652, %scan3A_689 : i32
              %mul3A_691 = arith.constant 1 : i32
              %mul3A_692 = arith.muli %scan3A_690, %mul3A_691 : i32
              %add3A_693 = arith.constant 0 : i32
              %add3A_694 = arith.addi %add3A_693, %mul3A_692 : i32
              %mul3A_695 = arith.constant 16 : i32
              %mul3A_696 = arith.muli %add3A_694, %mul3A_695 : i32
              %add3A_697 = arith.constant 3072 : i32
              %add3A_698 = arith.addi %add3A_697, %mul3A_696 : i32
              %multiple_of3A_699 = tpu.assume_multiple %add3A_698, 16 : i32
              %swap3A_700 = arith.index_cast %multiple_of3A_699 : i32 to index
              %swap3A_701 = tpu.vector_load %arg9[%swap3A_700] {strides = array<i32>} : memref<4096xi32, #tpu.memory_space<vmem>>, vector<16xi32>,
              tpu.vector_store %arg9[%swap3A_700], %broadcast_in_dim3A_592 {strides = array<i32>} : memref<4096xi32, #tpu.memory_space<vmem>>, vector<16xi32>,
            }
            %scan3A_651 = arith.constant 64 : i32
          } else {
          }
          "tpu.region"() ({
            %run_scoped3A = tpu.sem_alloc : memref<!tpu.dma_semaphore, #tpu.memory_space<semaphore_mem>>
            %dma_start3A_647 = arith.constant 0 : i32
            %dma_start3A_648 = tpu.memref_slice %arg6[%dma_start3A_647] : memref<1835008xf32, #tpu.memory_space<vmem_shared>> -> memref<1835008xf32, #tpu.memory_space<vmem_shared>>
            %dma_start3A_649 = arith.constant 1073741824 : i32
            tpu.enqueue_indirect_dma source(%arg10 : memref<4096xf32, #tpu.memory_space<vmem>>) target(%dma_start3A_648 : memref<1835008xf32, #tpu.memory_space<vmem_shared>>) offsets(%arg9 : memref<4096xi32, #tpu.memory_space<vmem>>) offset_filter(%dma_start3A_649) semaphore(%run_scoped3A : memref<!tpu.dma_semaphore, #tpu.memory_space<semaphore_mem>>) {add = true}
            %dma_wait3A_650 = arith.constant 0 : i32
            %dma_wait3A_651 = tpu.memref_slice %arg6[%dma_wait3A_650] : memref<1835008xf32, #tpu.memory_space<vmem_shared>> -> memref<1835008xf32, #tpu.memory_space<vmem_shared>>
            tpu.wait_indirect_dma semaphore(%run_scoped3A : memref<!tpu.dma_semaphore, #tpu.memory_space<semaphore_mem>>) src(%arg10 : memref<4096xf32, #tpu.memory_space<vmem>>) dst(%dma_wait3A_651 : memref<1835008xf32, #tpu.memory_space<vmem_shared>>)
            tpu.yield
          }) : () -> ()
        }
      }
      %scan3A_276 = arith.constant 16 : i32
      %barrier3A_277 = arith.constant 0 : index
      tpu.barrier barrier_id(%barrier3A_277)
      %mul3A_278 = arith.constant 114688 : i32
      %mul3A_279 = arith.muli %arg1, %mul3A_278 : i32
      %multiple_of3A_280 = tpu.assume_multiple %mul3A_279, 4096 : i32
      %mul3A_281 = arith.constant 1835008 : i32
      %mul3A_282 = arith.muli %add3A_14, %mul3A_281 : i32
      %mul3A_283 = arith.constant 114688 : i32
      %mul3A_284 = arith.muli %arg1, %mul3A_283 : i32
      %add3A_285 = arith.addi %mul3A_282, %mul3A_284 : i32
      %multiple_of3A_286 = tpu.assume_multiple %add3A_285, 4096 : i32
      "tpu.region"() ({
        %run_scoped3A = tpu.sem_alloc : memref<!tpu.dma_semaphore, #tpu.memory_space<semaphore_mem>>
        %dma_start3A_287 = tpu.memref_slice %arg5[%multiple_of3A_286] : memref<77070336xf32, #tpu.memory_space<hbm>> -> memref<114688xf32, #tpu.memory_space<hbm>>
        %dma_start3A_288 = tpu.memref_slice %arg6[%multiple_of3A_280] : memref<1835008xf32, #tpu.memory_space<vmem_shared>> -> memref<114688xf32, #tpu.memory_space<vmem_shared>>
        tpu.enqueue_dma source(%dma_start3A_288 : memref<114688xf32, #tpu.memory_space<vmem_shared>>) target(%dma_start3A_287 : memref<114688xf32, #tpu.memory_space<hbm>>) target_semaphore(%run_scoped3A : memref<!tpu.dma_semaphore, #tpu.memory_space<semaphore_mem>>)
        %dma_wait3A_289 = tpu.memref_slice %arg5[%multiple_of3A_286] : memref<77070336xf32, #tpu.memory_space<hbm>> -> memref<114688xf32, #tpu.memory_space<hbm>>
        %dma_wait3A_290 = tpu.memref_slice %arg6[%multiple_of3A_280] : memref<1835008xf32, #tpu.memory_space<vmem_shared>> -> memref<114688xf32, #tpu.memory_space<vmem_shared>>
        tpu.wait_dma2 semaphore(%run_scoped3A : memref<!tpu.dma_semaphore, #tpu.memory_space<semaphore_mem>>) src(%dma_wait3A_290 : memref<114688xf32, #tpu.memory_space<vmem_shared>>) dst(%dma_wait3A_289 : memref<114688xf32, #tpu.memory_space<hbm>>)
        tpu.yield
      }) : () -> ()
    }
    %scan3A_8 = arith.constant 21 : i32
    return
  }
}

</mosaic_0001>

<sc_bundles>
// kernel: kernel.4.cloned.1.call-start
scs
__scs_entry_jumppad:
0x0: {  	(pc) =	sbr.rel $0x88, $3  }
0x1: {  	(tag) =	ssettag $0x0;
	lr =	simm.s32 $0x1  }
0x2: {  	[smem:$0x3F9F] =	sst lr;
	_ =	strace $0xD0000000  }
0x3: {  	_ = 	snop  }
0x4: {  	_ = 	snop  }
0x5: {  	_ = 	snop  }
0x6: {  	_ = 	snop  }
0x7: {  	_ = 	snop  }
__scs_overlays_trampoline_lowered:
0x8: {  	[smem:$0x3FAE] =	sst s0  }
0x9: {  	[smem:$0x3FAF] =	sst s1  }
0xa: {  	[smem:$0x3FB0] =	sst s2  }
0xb: {  	[smem:$0x3FB1] =	sst s3  }
0xc: {  	[smem:$0x3FB2] =	sst s4  }
0xd: {  	[smem:$0x3FB3] =	sst s5  }
0xe: {  	[smem:$0x3FB4] =	sst s6  }
0xf: {  	[smem:$0x3FB5] =	sst s7  }
0x10: {  	[smem:$0x3FB6] =	sst s8  }
0x11: {  	[smem:$0x3FB7] =	sst s9;
	s0 =	simm.s32 @!p0 $0x0  }
0x12: {  	s1 =	sld [smem:$0x3F9D];
	s0 =	simm.s32 @p0 $0x1  }
0x13: {  	[smem:$0x3FB8] =	sst s0;
	s0 =	simm.s32 @!p1 $0x0  }
0x14: {  	s2 =	sld [smem:$0x3F9C];
	s0 =	simm.s32 @p1 $0x1  }
0x15: {  	[smem:$0x3FB9] =	sst s0;
	s0 =	simm.s32 @!p2 $0x0  }
0x16: {  	s3 =	sld [smem:$0x3FDB];
	s0 =	simm.s32 @p2 $0x1  }
0x17: {  	s4 =	simm.s32 $0x1BF5;
	[smem:$0x3FBB] =	sst s0  }
0x18: {  	s0 =	sld [smem:$0x3F9E];
	_ =	swait.ge [sflag:s4], $0x0  }
0x19: {  	s7 =	sld [smem:$0x3F9F]  }
0x1a: {  	s8 =	sadd.s32 $0xFFFFE003, lr  }
0x1b: {  	s9 =	sadd.s32 $0xFFFFFEF7, lr;
	s5 =	simm.s32 $0xFFFFFFFF;
	p2 =	slt.u32 s8, $0xFFFFF086  }
0x1c: {  	p1 =	slt.u32 s9, $0xF7A;
	s5 =	simm.s32 @!p2 $0x0  }
0x1d: {  	s5 =	simm.s32 @p1 $0x1;
	p0 =	seq.s32 s7, s2  }
0x1e: {  	s7 =	smul.u32 @!p0 $0xF7A, s2;
	p2 =	seq.s32 @!p0 s5, $0x0  }
0x1f: {  	s9 =	smul.u32 $0xF7A, s1;
	s8 =	simm.s32 @!p0 $0x1BF5;
	p2 =	por !p2, p0  }
0x20: {  	[sflag:s8] =	ssyncset.s32 @!p0 $0xFFFFF086;
	s6 =	sadd.s32 @!p0 s3, s7;
	s7 =	simm.s32 @!p0 $0x108  }
0x21: {  	s3 =	sadd.s32 s3, s9;
	s6 =	sadd.s32 @!p0 $0x88, s6;
	s7 =	simm.s32 @p2 $0x1082  }
0x22: {  	[simem:s7], [sflag:s8] =	dma.local @!p0 [hbm:s6], $0xF7A  }
0x23: {  	s9 =	sor.u32 $0xD0000000, s2;
	s6 =	simm.s32 $0x108;
	_ =	swait.ge @!p0 [sflag:s8], $0x0  }
0x24: {  	s3 =	sadd.s32 $0x88, s3;
	s6 =	simm.s32 @!p1 $0x1082;
	[sflag:s4] =	ssyncset.s32 $0xFFFFF086  }
0x25: {  	[simem:s6], [sflag:s4] =	dma.local [hbm:s3], $0xF7A  }
0x26: {  	[smem:$0x3F9F] =	sst s1;
	(tag) =	ssettag s2;
	_ =	strace s9  }
0x27: {  	s1 =	sld [smem:$0x3FAF]  }
0x28: {  	s2 =	sld [smem:$0x3FB0]  }
0x29: {  	s4 =	sld [smem:$0x3FB2]  }
0x2a: {  	p0 =	seq.s32 s5, $0x0;
	s5 =	sld [smem:$0x3FB3]  }
0x2b: {  	s6 =	sld [smem:$0x3FB4]  }
0x2c: {  	s7 =	sld [smem:$0x3FB5]  }
0x2d: {  	s3 =	simm.s32 $0x108;
	s8 =	sld [smem:$0x3FB6]  }
0x2e: {  	s3 =	simm.s32 @!p0 $0x1082;
	s9 =	sld [smem:$0x3FB7]  }
0x2f: {  	lr =	sadd.s32 s0, s3;
	s0 =	sld [smem:$0x3FAE]  }
0x30: {  	s3 =	sld [smem:$0x3FB1]  }
0x31: {  	[smem:$0x3FBA] =	sst s10  }
0x32: {  	s10 =	sld [smem:$0x3FB8];
	_ =	sdelay $0x3  }
0x33: {  	p0 =	seq.s32 s10, $0x1;
	s10 =	sld [smem:$0x3FBA];
	_ =	sdelay $0x3  }
0x34: {  	[smem:$0x3FBA] =	sst s10  }
0x35: {  	s10 =	sld [smem:$0x3FB9];
	_ =	sdelay $0x3  }
0x36: {  	p1 =	seq.s32 s10, $0x1;
	s10 =	sld [smem:$0x3FBA];
	_ =	sdelay $0x3  }
0x37: {  	[smem:$0x3FBA] =	sst s10  }
0x38: {  	s10 =	sld [smem:$0x3FBB]  }
0x39: {  	_ = 	snop;
	(pc) =	sbr.ind lr, $3  }
0x3a: {  	_ = 	snop  }
0x3b: {  	_ = 	snop  }
0x3c: {  	p2 =	seq.s32 s10, $0x1;
	s10 =	sld [smem:$0x3FBA]  }
0x3d: {  	_ =	shalt  }
0x3e: {  	_ =	shalt  }
0x3f: {  	_ =	shalt  }
0x40: {  	_ =	shalt  }
0x41: {  	_ =	shalt  }
0x42: {  	_ =	shalt  }
0x43: {  	_ =	shalt  }
0x44: {  	_ =	shalt  }
0x45: {  	_ =	shalt  }
0x46: {  	_ =	shalt  }
0x47: {  	_ =	shalt  }
0x48: {  	_ =	shalt  }
0x49: {  	_ =	shalt  }
0x4a: {  	_ =	shalt  }
0x4b: {  	_ =	shalt  }
0x4c: {  	_ =	shalt  }
0x4d: {  	_ =	shalt  }
0x4e: {  	_ =	shalt  }
0x4f: {  	_ =	shalt  }
0x50: {  	_ =	shalt  }
0x51: {  	_ =	shalt  }
0x52: {  	_ =	shalt  }
0x53: {  	_ =	shalt  }
0x54: {  	_ =	shalt  }
0x55: {  	_ =	shalt  }
0x56: {  	_ =	shalt  }
0x57: {  	_ =	shalt  }
0x58: {  	_ =	shalt  }
0x59: {  	_ =	shalt  }
0x5a: {  	_ =	shalt  }
0x5b: {  	_ =	shalt  }
0x5c: {  	_ =	shalt  }
0x5d: {  	_ =	shalt  }
0x5e: {  	_ =	shalt  }
0x5f: {  	_ =	shalt  }
0x60: {  	_ =	shalt  }
0x61: {  	_ =	shalt  }
0x62: {  	_ =	shalt  }
0x63: {  	_ =	shalt  }
0x64: {  	_ =	shalt  }
0x65: {  	_ =	shalt  }
0x66: {  	_ =	shalt  }
0x67: {  	_ =	shalt  }
0x68: {  	_ =	shalt  }
0x69: {  	_ =	shalt  }
0x6a: {  	_ =	shalt  }
0x6b: {  	_ =	shalt  }
0x6c: {  	_ =	shalt  }
0x6d: {  	_ =	shalt  }
0x6e: {  	_ =	shalt  }
0x6f: {  	_ =	shalt  }
0x70: {  	_ =	shalt  }
0x71: {  	_ =	shalt  }
0x72: {  	_ =	shalt  }
0x73: {  	_ =	shalt  }
0x74: {  	_ =	shalt  }
0x75: {  	_ =	shalt  }
0x76: {  	_ =	shalt  }
0x77: {  	_ =	shalt  }
0x78: {  	_ =	shalt  }
0x79: {  	_ =	shalt  }
0x7a: {  	_ =	shalt  }
0x7b: {  	_ =	shalt  }
0x7c: {  	_ =	shalt  }
0x7d: {  	_ =	shalt  }
0x7e: {  	_ =	shalt  }
0x7f: {  	_ =	shalt  }
0x80: {  	_ =	shalt  }
0x81: {  	_ =	shalt  }
0x82: {  	_ =	shalt  }
0x83: {  	_ =	shalt  }
0x84: {  	_ =	shalt  }
0x85: {  	_ =	shalt  }
0x86: {  	_ =	shalt  }
0x87: {  	_ =	shalt  }
.Lfunc_end0:
.L_simem_size_0:
called_computation_lowered:
.L_overlay_start_0:
0x88: {  	s2 =	sld [smem:$0x3FD9]  }
0x89: {  	s3 =	sld [smem:$0x3FFE];
	_ =	sdelay $0x1  }
0x8a: {  	s1 =	srdreg.scid  }
0x8b: {  	s0 =	sand.u32 $0x1, s1  }
0x8c: {  	s17 =	sshll.u32 s0, $0xA;
	s2 =	sadd.s32 s3, s2  }
0x8d: {  	s2 =	sadd.s32 s2, s17  }
0x8e: {  	[smem:$0x3FC6] =	sst s2  }
0x8f: {  	_ = 	snop  }
0x90: {  	s2 =	sld [smem:$0x3FD0];
	(tm) =	ssettm $0x1  }
0x91: {  	s18 =	sld [smem:$0x3FFB];
	_ =	sdelay $0x3  }
0x92: {  	_ =	strace s18  }
0x93: {  	s3 =	sld [smem:$0x3FFC];
	_ =	sdelay $0x3  }
0x94: {  	_ =	strace s3  }
0x95: {  	s3 =	sld [smem:$0x3FFD];
	_ =	sdelay $0x3  }
0x96: {  	_ =	strace s3  }
0x97: {  	_ =	strace $0x8FFFFFFF  }
0x98: {  	s19 =	sld [smem:$0x3FDB];
	_ =	sdelay $0x1  }
0x99: {  	s4 =	simm.s32 $_scs_section_size  }
0x9a: {  	s5 =	simm.s32 $_size__tile_overlayer_lowered;
	s6 =	simm.s32 $_tile_overlayer_lowered  }
0x9b: {  	s22 =	simm.s32 $0x1BFF;
	s21 =	sshll.u32 s6, $0x1;
	s3 =	sadd.s32 s4, s19  }
0x9c: {  	s7 =	simm.s32 $0x0;
	s20 =	sshll.u32 s5, $0x1;
	s5 =	sadd.s32 s21, s3  }
0x9d: {  	[timem:s7], [sflag:s22] =	dma.local [hbm:s5], s20  }
0x9e: {  	_ =	swait.ge [sflag:s22], s20  }
0x9f: {  	s4 =	ssub.s32 $0x0, s20;
	[sflag:s22] =	ssyncset.done $0x0  }
0xa0: {  	[sflag:s22] =	ssyncadd.s32 s4;
	_ =	sdelay $0x1  }
0xa1: {  	s23 =	simm.s32 $0x1B8B  }
0xa2: {  	_ =	swait.ge [sflag:s23], $0x1  }
0xa3: {  	[sflag:s23] =	ssyncset.done $0x0  }
0xa4: {  	s25 =	simm.s32 $0x1B8E;
	s24 =	sld [smem:$0x3FFE];
	[sflag:s23] =	ssyncadd.s32 $0xFFFFFFFF  }
0xa5: {  	s26 =	simm.s32 $execute0_lowered;
	[smem:$0x3FD2] =	sst s25  }
0xa6: {  	s5 =	sshll.u32 s26, $0x1;
	_ =	strace $0x80000046;
	[dreg:$0x1] =	wrdreg $0xFFFFFFFF  }
0xa7: {  	s28 =	simm.s32 $_size_execute0_lowered;
	s3 =	sadd.s32 s3, s5;
	[dreg:$0x0] =	wrdreg $0x0  }
0xa8: {  	s5 =	sshll.u32 s28, $0x1;
	[dreg:$0x2] =	wrdreg s3  }
0xa9: {  	[dreg:$0x3] =	wrdreg s5  }
0xaa: {  	[dreg:$0x4] =	wrdreg $0xC0  }
0xab: {  	_ =	task [dreg:s7], $0x5FFFF  }
0xac: {  	[dreg:$0x1] =	wrdreg $0xFFFFFFFF  }
0xad: {  	[dreg:$0x0] =	wrdreg $0x60  }
0xae: {  	[dreg:$0x2] =	wrdreg s24  }
0xaf: {  	[dreg:$0x3] =	wrdreg s2  }
0xb0: {  	[dreg:$0x4] =	wrdreg $0x9  }
0xb1: {  	_ =	task.clear_ibuf [dreg:s7], $0x5FFFF;
	_ =	strace $0x90000046  }
0xb2: {  	s29 =	simm.s32 $0x9;
	_ =	strace $0x80000048  }
0xb3: {  	_ =	swait.ge [sflag:s29], $0x1  }
0xb4: {  	[sflag:s29] =	ssyncadd.s32 $0xFFFFFFFF  }
0xb5: {  	_ =	strace $0x90000048  }
0xb6: {  	_ =	sfence  }
0xb7: {  	s30 =	sld [smem:$0x0];
	_ =	sdelay $0x2  }
0xb8: {  	s31 =	sshll.u32 s1, $0xD;
	s1 =	sshrl.u32 s1, $0x2  }
0xb9: {  	s3 =	sand.u32 $0x4000, s31;
	s1 =	sadd.s32 s1, s30  }
0xba: {  	s0 =	sor.u32 s3, s0;
	s1 =	sshll.u32 s1, $0x11  }
0xbb: {  	s0 =	sor.u32 s1, s0  }
0xbc: {  	s0 =	sadd.s32 $0x8F2B, s0  }
0xbd: {  	[sflag:s0] =	ssyncadd.remote.s32 $0x1  }
0xbe: {  	_ =	sfence.sel $0xFFFF  }
0xbf: {  	[dreg:$0x0] =	wrdreg $0xFFFFFFFF;
	(pc) =	sbr.abs _section_cstart, $3  }
0xc0: {  	[dreg:$0x1] =	wrdreg $0xFFFFFFFF  }
0xc1: {  	_ =	task.clear_ibuf [dreg:s7], $0x2FFFF;
	_ =	strace $0x9FFFFFFF  }
0xc2: {  	(tm) =	ssettm $0x7FFFFFFF  }
0xc3: {  	_ =	shalt  }
tec
execute0_lowered:
.L_overlay_start_1:
0x0: {  	(tag) =	ssettag $0x1  }
0x1: {  	s7 =	rddreg [dreg:$0x0]  }
0x2: {  	s1 =	rddreg [dreg:$0x1]  }
0x3: {  	s0 =	rddreg [dreg:$0x2];
	s2 =	simm.s32 $0x0  }
0x4: {  	s3 =	srdreg.scid;
	s11 =	simm.s32 $0x7000;
	s12 =	simm.s32 $0x2  }
0x5: {  	s13 =	simm.s32 $0x1C000;
	s14 =	simm.s32 $0x1C600;
	s15 =	simm.s32 $0x1CC00  }
0x6: {  	s16 =	simm.s32 $0x3;
	s17 =	simm.s32 $0xE000;
	s18 =	simm.s32 $0x15000  }
0x7: {  	s19 =	simm.s32 $0x1;
	s20 =	simm.s32 $0x0;
	[smem:$0x7FF] =	sst s2  }
0x8: {  	v0 =	vlaneseq.u32;
	s4 =	sadd.s32 $0x24CC00, s7;
	s5 =	sadd.s32 $0xC00, s7;
	s6 =	sand.u32 $0x1, s3  }
0x9: {  	v3 =	vimm.s32 $0x0;
	s3 =	stileid.u32;
	v1 =	vmul.u32 $0x20, v0;
	_ =	strace $0x80000047;
	s8 =	ssub.s32 $0x2, s6  }
0xa: {  	v4 =	vimm.s32 $0x1;
	vm0 =	vmmov $0xffff;
	v2 =	vmul.u32 $0x400, v0;
	s9 =	sshll.u32 s6, $0x4;
	s6 =	sadd.s32 $0x498C00, s7;
	s10 =	sshrl.u32 s8, $0x1  }
0xb: {  	vm1 =	vmmov $0x7ff;
	v5 =	vor.u32 $0x10, v0;
	s7 =	sadd.s32 $0x6E4E00, s7;
	s9 =	sor.u32 s3, s9;
	v6 =	vor.u32 $0x200, v1;
	s10 =	ssub.s32 s8, s10  }
0xc: {  	v7 =	vor.u32 $0x4000, v2;
	v8 =	vor.u32 $0x400, v1;
	v9 =	vor.u32 $0x8000, v2;
	s8 =	smul.u32 $0x15, s9;
	s9 =	sshll.u32 s9, $0x5;
	s10 =	smax.u32 s10, $0x1  }
.LBB2_1:
0xd: {  	s21 =	simm.s32 $0x0  }
.LBB2_2:
0xe: {  	s22 =	sadd.s32 s8, s21  }
0xf: {  	s23 =	smul.u32 $0x7000, s22;
	_ =	sdelay $0x1  }
0x10: {  	s22 =	sshrl.u32 s23, $0x3  }
0x11: {  	s24 =	simm.s32 $0x0;
	s25 =	sadd.s32 s4, s22  }
0x12: {  	[tilespmem:s24], [sflag:$0x2] =	stream.linear.gather [hbm4b:s25+s24], $0x7000, $0x38;
	[tilespmem:$0x1CC80] =	vst v63  }
0x13: {  	s31 =	sadd.s32 s5, s22  }
0x14: {  	[tilespmem:s11], [sflag:$0x2] =	stream.linear.gather [hbm4b:s31+s24], $0x7000, $0x38;
	[tilespmem:$0x1CC80] =	vst v63  }
0x15: {  	_ =	swait.ge [sflag:s12], $0x7000  }
0x16: {  	[sflag:s12] =	ssyncset.done $0x0  }
0x17: {  	[sflag:s12] =	ssyncadd.s32 $0xFFFF9000  }
0x18: {  	_ =	swait.ge [sflag:s12], $0x7000  }
0x19: {  	[sflag:s12] =	ssyncset.done $0x0  }
0x1a: {  	s25 =	simm.s32 $0x0;
	[sflag:s12] =	ssyncadd.s32 $0xFFFF9000  }
.LBB2_3:
0x1b: {  	p0 =	sne.s32 s25, $0x17C0  }
.Ltmp0:
0x1c: {  	_ = 	snop;
	(pc) =	sbr.rel @p0 .LBB2_3-.Ltmp0, $3  }
0x1d: {  	_ =	sdelay $0x1  }
0x1e: {  	s26 =	sshra.s32 s25, $0x2  }
0x1f: {  	s25 =	sadd.s32 $0x40, s25;
	[tilespmem:s26+$0x1C000] =	vst v3  }
0x20: {  	s25 =	simm.s32 $0xFFFFFFFC;
	s26 =	simm.s32 $0x0  }
.LBB2_5:
0x21: {  	v10 =	vld [tilespmem:s24+$0x0];
	s28 =	sand.u32 $0x3FC0, s26  }
0x22: {  	v11 =	vld [tilespmem:s28+$0x3800];
	_ =	sdelay $0x3  }
0x23: {  	v10 =	vshrl.u32 v10, $0x12  }
0x24: {  	v10 =	vmul.u32 $0x2493, v10;
	v11 =	vshrl.u32 v11, $0x12  }
0x25: {  	v11 =	vmul.u32 $0x2493, v11  }
0x26: {  	v10 =	vshrl.u32 v10, $0xB  }
0x27: {  	v11 =	vshrl.u32 v11, $0xB;
	v10 =	vand.u32 $0x1FFE0, v10  }
0x28: {  	v10 =	vor.u32 v0, v10;
	v11 =	vand.u32 $0x1FFE0, v11  }
0x29: {  	v11 =	vor.u32 v5, v11;
	_ =	sdelay $0x3  }
0x2a: {  	[tilespmem:v10+s13+$0x0] =	vst.idx.add.s32.msk $0xffff, v4  }
0x2b: {  	[tilespmem:v11+s13+$0x0] =	vst.idx.add.s32.msk $0xffff, v4  }
0x2c: {  	v10 =	vld [tilespmem:s24+$0x10]  }
0x2d: {  	v11 =	vld [tilespmem:s24+$0x3810];
	_ =	sdelay $0x3  }
0x2e: {  	v10 =	vshrl.u32 v10, $0x12  }
0x2f: {  	v11 =	vshrl.u32 v11, $0x12;
	v10 =	vmul.u32 $0x2493, v10  }
0x30: {  	v11 =	vmul.u32 $0x2493, v11  }
0x31: {  	v10 =	vshrl.u32 v10, $0xB  }
0x32: {  	v11 =	vshrl.u32 v11, $0xB;
	v10 =	vand.u32 $0x1FFE0, v10  }
0x33: {  	v11 =	vand.u32 $0x1FFE0, v11;
	v10 =	vor.u32 v0, v10  }
0x34: {  	v11 =	vor.u32 v5, v11;
	_ =	sdelay $0x3  }
0x35: {  	[tilespmem:v10+s13+$0x0] =	vst.idx.add.s32.msk $0xffff, v4  }
0x36: {  	[tilespmem:v11+s13+$0x0] =	vst.idx.add.s32.msk $0xffff, v4  }
0x37: {  	v10 =	vld [tilespmem:s24+$0x20]  }
0x38: {  	v11 =	vld [tilespmem:s24+$0x3820];
	_ =	sdelay $0x3  }
0x39: {  	v10 =	vshrl.u32 v10, $0x12  }
0x3a: {  	v11 =	vshrl.u32 v11, $0x12;
	v10 =	vmul.u32 $0x2493, v10  }
0x3b: {  	v11 =	vmul.u32 $0x2493, v11  }
0x3c: {  	v10 =	vshrl.u32 v10, $0xB  }
0x3d: {  	v11 =	vshrl.u32 v11, $0xB;
	v10 =	vand.u32 $0x1FFE0, v10  }
0x3e: {  	v11 =	vand.u32 $0x1FFE0, v11;
	v10 =	vor.u32 v0, v10  }
0x3f: {  	v11 =	vor.u32 v5, v11;
	_ =	sdelay $0x3  }
0x40: {  	[tilespmem:v10+s13+$0x0] =	vst.idx.add.s32.msk $0xffff, v4  }
0x41: {  	[tilespmem:v11+s13+$0x0] =	vst.idx.add.s32.msk $0xffff, v4  }
0x42: {  	v10 =	vld [tilespmem:s24+$0x30]  }
0x43: {  	v11 =	vld [tilespmem:s24+$0x3830];
	_ =	sdelay $0x3  }
0x44: {  	v10 =	vshrl.u32 v10, $0x12  }
0x45: {  	v11 =	vshrl.u32 v11, $0x12;
	v10 =	vmul.u32 $0x2493, v10  }
0x46: {  	v11 =	vmul.u32 $0x2493, v11  }
0x47: {  	v10 =	vshrl.u32 v10, $0xB  }
0x48: {  	v11 =	vshrl.u32 v11, $0xB;
	v10 =	vand.u32 $0x1FFE0, v10  }
0x49: {  	s25 =	sadd.s32 $0x4, s25;
	v11 =	vand.u32 $0x1FFE0, v11;
	v10 =	vor.u32 v0, v10  }
0x4a: {  	p0 =	slt.u32 s25, $0x37C;
	v11 =	vor.u32 v5, v11  }
.Ltmp1:
0x4b: {  	_ = 	snop;
	(pc) =	sbr.rel @p0 .LBB2_5-.Ltmp1, $3  }
0x4c: {  	_ =	sdelay $0x1  }
0x4d: {  	[tilespmem:v10+s13+$0x0] =	vst.idx.add.s32.msk $0xffff, v4  }
0x4e: {  	s26 =	sadd.s32 $0x40, s26;
	s24 =	sadd.s32 $0x40, s24;
	[tilespmem:v11+s13+$0x0] =	vst.idx.add.s32.msk $0xffff, v4  }
0x4f: {  	v10 =	vld [tilespmem:$0x1C000]  }
0x50: {  	v11 =	vld [tilespmem:$0x1C010]  }
0x51: {  	v12 =	vld [tilespmem:$0x1C020];
	_ =	sdelay $0x2  }
0x52: {  	v13 =	vld [tilespmem:$0x1C030];
	(xrf0) =	vadd.scan.msk.s32 $0xffff, v10  }
0x53: {  	(xrf0) =	vadd.scan.msk.s32 $0xffff, v11  }
0x54: {  	(xrf0) =	vadd.scan.msk.s32 $0xffff, v12;
	_ =	sdelay $0x2  }
0x55: {  	(xrf0) =	vadd.scan.msk.s32 $0xffff, v13  }
0x56: {  	v14, _, _ =	vpop (xrf0)  }
0x57: {  	(v2sf) =	vpush v14, $0xF;
	v15, _, _ =	vpop (xrf0)  }
0x58: {  	(v2sf) =	vpush v15, $0xF;
	v16, _, _ =	vpop (xrf0)  }
0x59: {  	(v2sf) =	vpush v16, $0xF;
	_ =	sdelay $0x1  }
0x5a: {  	v17, _, _ =	vpop (xrf0)  }
0x5b: {  	(v2sf) =	vpush v17, $0xF;
	_ =	sdelay $0x8  }
0x5c: {  	v18 =	vbroadcast v14, $0xF  }
0x5d: {  	s24 =	spop (v2sf)  }
0x5e: {  	v10 =	vsub.s32 v14, v10;
	v11 =	vsub.s32 v18, v11;
	s25 =	spop (v2sf)  }
0x5f: {  	[tilespmem:$0x1C600] =	vst v10;
	v10 =	vadd.s32 v15, v11;
	v11 =	vsub.s32 v16, v12;
	s24 =	sadd.s32 s24, s25;
	s26 =	spop (v2sf)  }
0x60: {  	[tilespmem:$0x1C610] =	vst v10;
	v10 =	vadd.s32 s24, v11;
	s24 =	sadd.s32 s24, s26;
	v11 =	vsub.s32 v17, v13  }
0x61: {  	[tilespmem:$0x1C620] =	vst v10;
	v10 =	vadd.s32 s24, v11  }
0x62: {  	s28 =	spop (v2sf);
	[tilespmem:$0x1C630] =	vst v10  }
0x63: {  	v10 =	vld [tilespmem:$0x1C040];
	_ =	sdelay $0x2  }
0x64: {  	v11 =	vld [tilespmem:$0x1C050]  }
0x65: {  	v53 =	vld [tilespmem:$0x1C060]  }
0x66: {  	v54 =	vld [tilespmem:$0x1C070];
	(xrf0) =	vadd.scan.msk.s32 $0xffff, v10  }
0x67: {  	v55 =	vld [tilespmem:$0x1C080]  }
0x68: {  	v56 =	vld [tilespmem:$0x1C090]  }
0x69: {  	v57 =	vld [tilespmem:$0x1C0A0];
	(xrf0) =	vadd.scan.msk.s32 $0xffff, v11  }
0x6a: {  	v22 =	vld [tilespmem:$0x1C0B0];
	(xrf0) =	vadd.scan.msk.s32 $0xffff, v53  }
0x6b: {  	v25 =	vld [tilespmem:$0x1C0C0];
	(xrf0) =	vadd.scan.msk.s32 $0xffff, v54  }
0x6c: {  	v29 =	vld [tilespmem:$0x1C0D0];
	(xrf0) =	vadd.scan.msk.s32 $0xffff, v55;
	v20, _, _ =	vpop (xrf0)  }
0x6d: {  	v30 =	vld [tilespmem:$0x1C0E0];
	(xrf0) =	vadd.scan.msk.s32 $0xffff, v56;
	(v2sf) =	vpush v20, $0xF  }
0x6e: {  	(xrf0) =	vadd.scan.msk.s32 $0xffff, v57  }
0x6f: {  	v23, _, _ =	vpop (xrf0);
	(xrf0) =	vadd.scan.msk.s32 $0xffff, v22  }
0x70: {  	v32 =	vld [tilespmem:$0x1C0F0];
	v24, _, _ =	vpop (xrf0);
	(xrf0) =	vadd.scan.msk.s32 $0xffff, v25  }
0x71: {  	v27 =	vld [tilespmem:$0x1C100];
	(v2sf) =	vpush v23, $0xF;
	v31, _, _ =	vpop (xrf0);
	(xrf0) =	vadd.scan.msk.s32 $0xffff, v29  }
0x72: {  	v58 =	vld [tilespmem:$0x1C110];
	(v2sf) =	vpush v24, $0xF;
	v33, _, _ =	vpop (xrf0);
	(xrf0) =	vadd.scan.msk.s32 $0xffff, v30  }
0x73: {  	v19 =	vld [tilespmem:$0x1C120];
	(v2sf) =	vpush v31, $0xF;
	v34, _, _ =	vpop (xrf0)  }
0x74: {  	(v2sf) =	vpush v33, $0xF;
	v35, _, _ =	vpop (xrf0)  }
0x75: {  	(v2sf) =	vpush v34, $0xF;
	(xrf0) =	vadd.scan.msk.s32 $0xffff, v32;
	v36, _, _ =	vpop (xrf0)  }
0x76: {  	v28 =	vld [tilespmem:$0x1C130];
	v37, _, _ =	vpop (xrf0);
	(xrf0) =	vadd.scan.msk.s32 $0xffff, v27  }
0x77: {  	v21 =	vld [tilespmem:$0x1C140];
	(v2sf) =	vpush v35, $0xF;
	v38, _, _ =	vpop (xrf0);
	(xrf0) =	vadd.scan.msk.s32 $0xffff, v58  }
0x78: {  	v26 =	vld [tilespmem:$0x1C150];
	v39, _, _ =	vpop (xrf0);
	(xrf0) =	vadd.scan.msk.s32 $0xffff, v19  }
0x79: {  	v18 =	vld [tilespmem:$0x1C160];
	(v2sf) =	vpush v36, $0xF  }
0x7a: {  	(v2sf) =	vpush v37, $0xF  }
0x7b: {  	s24 =	sadd.s32 s24, s28;
	v10 =	vsub.s32 v20, v10;
	(v2sf) =	vpush v38, $0xF;
	(xrf0) =	vadd.scan.msk.s32 $0xffff, v28;
	v40, _, _ =	vpop (xrf0)  }
0x7c: {  	v10 =	vadd.s32 s24, v10;
	v11 =	vsub.s32 v23, v11;
	v23 =	vld [tilespmem:$0x1C170];
	(v2sf) =	vpush v39, $0xF;
	(xrf0) =	vadd.scan.msk.s32 $0xffff, v21;
	v41, _, _ =	vpop (xrf0);
	s29 =	spop (v2sf)  }
0x7d: {  	[tilespmem:$0x1C640] =	vst v10;
	v10 =	vld [tilespmem:$0x1C180];
	(xrf0) =	vadd.scan.msk.s32 $0xffff, v26;
	v42, _, _ =	vpop (xrf0);
	s24 =	sadd.s32 s24, s29  }
0x7e: {  	v13 =	vsub.s32 v31, v54;
	(v2sf) =	vpush v40, $0xF;
	v31, _, _ =	vpop (xrf0);
	(xrf0) =	vadd.scan.msk.s32 $0xffff, v18;
	v11 =	vadd.s32 s24, v11  }
0x7f: {  	(v2sf) =	vpush v41, $0xF;
	[tilespmem:$0x1C650] =	vst v11;
	v11 =	vld [tilespmem:$0x1C190]  }
0x80: {  	(v2sf) =	vpush v42, $0xF;
	s30 =	spop (v2sf)  }
0x81: {  	v12 =	vsub.s32 v24, v53;
	(v2sf) =	vpush v31, $0xF;
	v61, _, _ =	vpop (xrf0);
	(xrf0) =	vadd.scan.msk.s32 $0xffff, v23;
	s24 =	sadd.s32 s24, s30;
	s31 =	spop (v2sf)  }
0x82: {  	v20 =	vld [tilespmem:$0x1C1A0];
	v63, _, _ =	vpop (xrf0);
	(xrf0) =	vadd.scan.msk.s32 $0xffff, v10;
	v12 =	vadd.s32 s24, v12;
	s24 =	sadd.s32 s24, s31;
	s26 =	spop (v2sf);
	(v2sf) =	vpush v61, $0xF  }
0x83: {  	v60 =	vsub.s32 v33, v55;
	[tilespmem:$0x1C660] =	vst v12;
	v59 =	vadd.s32 s24, v13;
	s24 =	sadd.s32 s24, s26;
	s28 =	spop (v2sf);
	v12 =	vld [tilespmem:$0x1C1B0];
	(v2sf) =	vpush v63, $0xF;
	v45, _, _ =	vpop (xrf0)  }
0x84: {  	v62 =	vsub.s32 v34, v56;
	v13 =	vadd.s32 s24, v60;
	s24 =	sadd.s32 s24, s28;
	s29 =	spop (v2sf);
	(v2sf) =	vpush v45, $0xF;
	v47, _, _ =	vpop (xrf0);
	(xrf0) =	vadd.scan.msk.s32 $0xffff, v11  }
0x85: {  	v24 =	vld [tilespmem:$0x1C1C0];
	v44 =	vsub.s32 v35, v57;
	[tilespmem:$0x1C680] =	vst v13;
	v13 =	vadd.s32 s24, v62;
	s24 =	sadd.s32 s24, s29;
	(v2sf) =	vpush v47, $0xF  }
0x86: {  	s30 =	spop (v2sf);
	[tilespmem:$0x1C690] =	vst v13;
	v14 =	vadd.s32 s24, v44;
	v13 =	vld [tilespmem:$0x1C1D0]  }
0x87: {  	v46 =	vsub.s32 v36, v22;
	s24 =	sadd.s32 s24, s30;
	v51, _, _ =	vpop (xrf0);
	[tilespmem:$0x1C6A0] =	vst v14;
	v14 =	vld [tilespmem:$0x1C1E0];
	(xrf0) =	vadd.scan.msk.s32 $0xffff, v20  }
0x88: {  	v22 =	vld [tilespmem:$0x1C1F0];
	s31 =	spop (v2sf);
	v15 =	vadd.s32 s24, v46;
	(v2sf) =	vpush v51, $0xF;
	v52, _, _ =	vpop (xrf0);
	(xrf0) =	vadd.scan.msk.s32 $0xffff, v12  }
0x89: {  	v48 =	vsub.s32 v37, v25;
	s24 =	sadd.s32 s24, s31;
	s26 =	spop (v2sf);
	[tilespmem:$0x1C6B0] =	vst v15;
	v15 =	vld [tilespmem:$0x1C200];
	(v2sf) =	vpush v52, $0xF  }
0x8a: {  	v50 =	vsub.s32 v38, v29;
	v49 =	vadd.s32 s24, v48;
	s24 =	sadd.s32 s24, s26;
	s28 =	spop (v2sf);
	(xrf0) =	vadd.scan.msk.s32 $0xffff, v24;
	v54, _, _ =	vpop (xrf0)  }
0x8b: {  	v53 =	vsub.s32 v39, v30;
	v16 =	vadd.s32 s24, v50;
	s24 =	sadd.s32 s24, s28;
	s29 =	spop (v2sf);
	(xrf0) =	vadd.scan.msk.s32 $0xffff, v13;
	(v2sf) =	vpush v54, $0xF  }
0x8c: {  	v25 =	vld [tilespmem:$0x1C210];
	[tilespmem:$0x1C6D0] =	vst v16;
	v16 =	vadd.s32 s24, v53;
	(xrf0) =	vadd.scan.msk.s32 $0xffff, v14  }
0x8d: {  	v32 =	vsub.s32 v40, v32;
	v27 =	vsub.s32 v41, v27;
	s24 =	sadd.s32 s24, s29;
	[tilespmem:$0x1C6E0] =	vst v16;
	s30 =	spop (v2sf);
	v16 =	vld [tilespmem:$0x1C220];
	v55, _, _ =	vpop (xrf0);
	(xrf0) =	vadd.scan.msk.s32 $0xffff, v22  }
0x8e: {  	v17 =	vsub.s32 v42, v58;
	v19 =	vsub.s32 v31, v19;
	v32 =	vadd.s32 s24, v32;
	s24 =	sadd.s32 s24, s30;
	s31 =	spop (v2sf);
	v56, _, _ =	vpop (xrf0);
	(xrf0) =	vadd.scan.msk.s32 $0xffff, v15  }
0x8f: {  	v28 =	vsub.s32 v61, v28;
	v57 =	vadd.s32 s24, v27;
	v27 =	vld [tilespmem:$0x1C230];
	s24 =	sadd.s32 s24, s31;
	s26 =	spop (v2sf);
	(v2sf) =	vpush v55, $0xF  }
0x90: {  	v21 =	vsub.s32 v63, v21;
	[tilespmem:$0x1C670] =	vst v59;
	v58 =	vadd.s32 s24, v17;
	v17 =	vld [tilespmem:$0x1C240];
	s24 =	sadd.s32 s24, s26;
	s28 =	spop (v2sf);
	(v2sf) =	vpush v56, $0xF;
	v59, _, _ =	vpop (xrf0)  }
0x91: {  	v31 =	vld [tilespmem:$0x1C250];
	v26 =	vsub.s32 v45, v26;
	(xrf0) =	vadd.scan.msk.s32 $0xffff, v25;
	v19 =	vadd.s32 s24, v19;
	s24 =	sadd.s32 s24, s28;
	(v2sf) =	vpush v59, $0xF;
	v60, _, _ =	vpop (xrf0);
	s29 =	spop (v2sf)  }
0x92: {  	[tilespmem:$0x1C720] =	vst v19;
	v28 =	vadd.s32 s24, v28;
	v19 =	vld [tilespmem:$0x1C260];
	(v2sf) =	vpush v60, $0xF;
	s24 =	sadd.s32 s24, s29;
	s30 =	spop (v2sf);
	v61, _, _ =	vpop (xrf0);
	(xrf0) =	vadd.scan.msk.s32 $0xffff, v16  }
0x93: {  	v35 =	vld [tilespmem:$0x1C270];
	v18 =	vsub.s32 v47, v18;
	v21 =	vadd.s32 s24, v21;
	s24 =	sadd.s32 s24, s30;
	s31 =	spop (v2sf);
	(v2sf) =	vpush v61, $0xF;
	v62, _, _ =	vpop (xrf0)  }
0x94: {  	(xrf0) =	vadd.scan.msk.s32 $0xffff, v27;
	[tilespmem:$0x1C740] =	vst v21;
	v26 =	vadd.s32 s24, v26;
	v21 =	vld [tilespmem:$0x1C280];
	s24 =	sadd.s32 s24, s31;
	(v2sf) =	vpush v62, $0xF;
	v63, _, _ =	vpop (xrf0);
	s26 =	spop (v2sf)  }
0x95: {  	v36 =	vld [tilespmem:$0x1C290];
	v23 =	vsub.s32 v51, v23;
	(xrf0) =	vadd.scan.msk.s32 $0xffff, v17;
	v18 =	vadd.s32 s24, v18;
	(v2sf) =	vpush v63, $0xF;
	s24 =	sadd.s32 s24, s26  }
0x96: {  	(xrf0) =	vadd.scan.msk.s32 $0xffff, v31;
	v48 =	vadd.s32 s24, v23;
	v23 =	vld [tilespmem:$0x1C2A0]  }
0x97: {  	[tilespmem:$0x1C6C0] =	vst v49;
	v49 =	vsub.s32 v52, v10;
	v10 =	vld [tilespmem:$0x1C2B0];
	v43, _, _ =	vpop (xrf0);
	s28 =	spop (v2sf);
	(xrf0) =	vadd.scan.msk.s32 $0xffff, v19  }
0x98: {  	v11 =	vsub.s32 v54, v11;
	(v2sf) =	vpush v43, $0xF;
	s24 =	sadd.s32 s24, s28;
	s29 =	spop (v2sf);
	v44, _, _ =	vpop (xrf0);
	(xrf0) =	vadd.scan.msk.s32 $0xffff, v35  }
0x99: {  	[tilespmem:$0x1C760] =	vst v18;
	v18 =	vadd.s32 s24, v49;
	s24 =	sadd.s32 s24, s29;
	(v2sf) =	vpush v44, $0xF;
	(xrf0) =	vadd.scan.msk.s32 $0xffff, v21  }
0x9a: {  	v33 =	vld [tilespmem:$0x1C2C0];
	[tilespmem:$0x1C700] =	vst v57;
	v11 =	vadd.s32 s24, v11;
	v50, _, _ =	vpop (xrf0);
	(xrf0) =	vadd.scan.msk.s32 $0xffff, v36;
	s30 =	spop (v2sf)  }
0x9b: {  	v51 =	vsub.s32 v55, v20;
	[tilespmem:$0x1C790] =	vst v11;
	v11 =	vld [tilespmem:$0x1C2D0];
	v45, _, _ =	vpop (xrf0);
	(xrf0) =	vadd.scan.msk.s32 $0xffff, v23;
	s24 =	sadd.s32 s24, s30  }
0x9c: {  	v34 =	vld [tilespmem:$0x1C2E0];
	[tilespmem:$0x1C780] =	vst v18;
	v52, _, _ =	vpop (xrf0);
	(xrf0) =	vadd.scan.msk.s32 $0xffff, v10;
	v18 =	vadd.s32 s24, v51  }
0x9d: {  	v12 =	vsub.s32 v56, v12;
	(v2sf) =	vpush v50, $0xF;
	v46, _, _ =	vpop (xrf0);
	[tilespmem:$0x1C7A0] =	vst v18;
	v18 =	vld [tilespmem:$0x1C2F0]  }
0x9e: {  	[tilespmem:$0x1C710] =	vst v58;
	v53 =	vsub.s32 v59, v24;
	v55 =	vsub.s32 v60, v13;
	(v2sf) =	vpush v45, $0xF;
	s31 =	spop (v2sf);
	v24, _, _ =	vpop (xrf0)  }
0x9f: {  	v14 =	vsub.s32 v61, v14;
	[tilespmem:$0x1C750] =	vst v26;
	(v2sf) =	vpush v52, $0xF;
	(xrf0) =	vadd.scan.msk.s32 $0xffff, v33;
	s24 =	sadd.s32 s24, s31;
	s26 =	spop (v2sf);
	v56, _, _ =	vpop (xrf0)  }
0xa0: {  	v20 =	vld [tilespmem:$0x1C300];
	v58 =	vsub.s32 v62, v22;
	(v2sf) =	vpush v46, $0xF;
	(xrf0) =	vadd.scan.msk.s32 $0xffff, v11;
	v12 =	vadd.s32 s24, v12;
	s24 =	sadd.s32 s24, s26;
	s28 =	spop (v2sf);
	v59, _, _ =	vpop (xrf0)  }
0xa1: {  	v30 =	vld [tilespmem:$0x1C310];
	v62 =	vsub.s32 v63, v15;
	(v2sf) =	vpush v24, $0xF;
	(xrf0) =	vadd.scan.msk.s32 $0xffff, v34;
	v54 =	vadd.s32 s24, v53;
	s24 =	sadd.s32 s24, s28;
	s29 =	spop (v2sf);
	v61, _, _ =	vpop (xrf0)  }
0xa2: {  	v26 =	vld [tilespmem:$0x1C320];
	[tilespmem:$0x1C7B0] =	vst v12;
	(v2sf) =	vpush v56, $0xF;
	v12 =	vadd.s32 s24, v55;
	s24 =	sadd.s32 s24, s29;
	s30 =	spop (v2sf);
	v63, _, _ =	vpop (xrf0);
	(xrf0) =	vadd.scan.msk.s32 $0xffff, v18  }
0xa3: {  	[tilespmem:$0x1C730] =	vst v28;
	v28 =	vld [tilespmem:$0x1C330];
	(v2sf) =	vpush v59, $0xF;
	v57 =	vadd.s32 s24, v14;
	s24 =	sadd.s32 s24, s30;
	s31 =	spop (v2sf)  }
0xa4: {  	v25 =	vsub.s32 v43, v25;
	(v2sf) =	vpush v61, $0xF;
	v60 =	vadd.s32 s24, v58;
	s24 =	sadd.s32 s24, s31;
	s26 =	spop (v2sf)  }
0xa5: {  	[tilespmem:$0x1C7D0] =	vst v12;
	(v2sf) =	vpush v63, $0xF;
	v40, _, _ =	vpop (xrf0);
	v12 =	vadd.s32 s24, v62;
	s24 =	sadd.s32 s24, s26;
	(xrf0) =	vadd.scan.msk.s32 $0xffff, v20  }
0xa6: {  	v29 =	vld [tilespmem:$0x1C340];
	[tilespmem:$0x1C6F0] =	vst v32;
	v41, _, _ =	vpop (xrf0);
	v32 =	vadd.s32 s24, v25;
	(xrf0) =	vadd.scan.msk.s32 $0xffff, v30  }
0xa7: {  	(v2sf) =	vpush v40, $0xF;
	s28 =	spop (v2sf);
	v37, _, _ =	vpop (xrf0);
	[tilespmem:$0x1C810] =	vst v32;
	(xrf0) =	vadd.scan.msk.s32 $0xffff, v26;
	v32 =	vld [tilespmem:$0x1C350]  }
0xa8: {  	[tilespmem:$0x1C770] =	vst v48;
	v47 =	vsub.s32 v44, v16;
	v48 =	vsub.s32 v50, v27;
	s24 =	sadd.s32 s24, s28;
	v25 =	vld [tilespmem:$0x1C360];
	s29 =	spop (v2sf);
	v42, _, _ =	vpop (xrf0);
	(xrf0) =	vadd.scan.msk.s32 $0xffff, v28  }
0xa9: {  	v51 =	vsub.s32 v52, v31;
	v31 =	vld [tilespmem:$0x1C370];
	(v2sf) =	vpush v41, $0xF;
	[tilespmem:$0x1C800] =	vst v12;
	v12 =	vadd.s32 s24, v47;
	s24 =	sadd.s32 s24, s29  }
0xaa: {  	v22 =	vld [tilespmem:$0x1C380];
	v50 =	vsub.s32 v45, v17;
	(v2sf) =	vpush v37, $0xF;
	v49 =	vadd.s32 s24, v48  }
0xab: {  	v53 =	vsub.s32 v46, v19;
	[tilespmem:$0x1C7C0] =	vst v54;
	(v2sf) =	vpush v42, $0xF;
	v38, _, _ =	vpop (xrf0);
	(xrf0) =	vadd.scan.msk.s32 $0xffff, v29  }
0xac: {  	v56 =	vsub.s32 v56, v21;
	v61 =	vsub.s32 v61, v23;
	[tilespmem:$0x1C7E0] =	vst v57;
	s30 =	spop (v2sf);
	v54, _, _ =	vpop (xrf0);
	(xrf0) =	vadd.scan.msk.s32 $0xffff, v32  }
0xad: {  	v10 =	vsub.s32 v63, v10;
	s24 =	sadd.s32 s24, s30;
	s31 =	spop (v2sf);
	[tilespmem:$0x1C830] =	vst v49;
	(v2sf) =	vpush v38, $0xF;
	v49, _, _ =	vpop (xrf0);
	(xrf0) =	vadd.scan.msk.s32 $0xffff, v25  }
0xae: {  	v27 =	vld [tilespmem:$0x1C390];
	[tilespmem:$0x1C820] =	vst v12;
	v12 =	vadd.s32 s24, v50;
	s24 =	sadd.s32 s24, s31;
	s26 =	spop (v2sf);
	(v2sf) =	vpush v54, $0xF;
	v57, _, _ =	vpop (xrf0);
	(xrf0) =	vadd.scan.msk.s32 $0xffff, v31  }
0xaf: {  	v58 =	vsub.s32 v59, v36;
	[tilespmem:$0x1C7F0] =	vst v60;
	v52 =	vadd.s32 s24, v51;
	s24 =	sadd.s32 s24, s26;
	s28 =	spop (v2sf);
	(xrf0) =	vadd.scan.msk.s32 $0xffff, v22  }
0xb0: {  	v19 =	vld [tilespmem:$0x1C3A0];
	v48 =	vsub.s32 v24, v35;
	[tilespmem:$0x1C840] =	vst v12;
	v12 =	vadd.s32 s24, v53;
	s24 =	sadd.s32 s24, s28;
	s29 =	spop (v2sf);
	(v2sf) =	vpush v49, $0xF  }
0xb1: {  	v11 =	vsub.s32 v41, v11;
	v24 =	vld [tilespmem:$0x1C3B0];
	[tilespmem:$0x1C850] =	vst v52;
	v55 =	vadd.s32 s24, v48;
	s24 =	sadd.s32 s24, s29;
	s30 =	spop (v2sf);
	(v2sf) =	vpush v57, $0xF;
	v59, _, _ =	vpop (xrf0)  }
0xb2: {  	v16 =	vld [tilespmem:$0x1C3C0];
	v50 =	vsub.s32 v40, v33;
	[tilespmem:$0x1C860] =	vst v12;
	v12 =	vadd.s32 s24, v56;
	s24 =	sadd.s32 s24, s30;
	s31 =	spop (v2sf);
	(v2sf) =	vpush v59, $0xF;
	v62, _, _ =	vpop (xrf0)  }
0xb3: {  	v17 =	vld [tilespmem:$0x1C3D0];
	[tilespmem:$0x1C870] =	vst v55;
	v60 =	vadd.s32 s24, v58;
	s24 =	sadd.s32 s24, s31;
	s26 =	spop (v2sf);
	(xrf0) =	vadd.scan.msk.s32 $0xffff, v27;
	(v2sf) =	vpush v62, $0xF;
	v63, _, _ =	vpop (xrf0)  }
0xb4: {  	v14 =	vld [tilespmem:$0x1C3E0];
	v51 =	vsub.s32 v37, v34;
	[tilespmem:$0x1C880] =	vst v12;
	v12 =	vadd.s32 s24, v61;
	s24 =	sadd.s32 s24, s26;
	s28 =	spop (v2sf);
	(v2sf) =	vpush v63, $0xF;
	v40, _, _ =	vpop (xrf0)  }
0xb5: {  	(xrf0) =	vadd.scan.msk.s32 $0xffff, v19;
	[tilespmem:$0x1C8A0] =	vst v12;
	v10 =	vadd.s32 s24, v10;
	s24 =	sadd.s32 s24, s28;
	v12 =	vld [tilespmem:$0x1C3F0];
	(v2sf) =	vpush v40, $0xF;
	v41, _, _ =	vpop (xrf0)  }
0xb6: {  	s29 =	spop (v2sf);
	[tilespmem:$0x1C8B0] =	vst v10;
	v13 =	vadd.s32 s24, v50;
	(xrf0) =	vadd.scan.msk.s32 $0xffff, v24;
	v10 =	vld [tilespmem:$0x1C400];
	(v2sf) =	vpush v41, $0xF  }
0xb7: {  	v52 =	vsub.s32 v42, v18;
	v53 =	vsub.s32 v38, v20;
	s24 =	sadd.s32 s24, s29;
	[tilespmem:$0x1C8C0] =	vst v13;
	(xrf0) =	vadd.scan.msk.s32 $0xffff, v16;
	v13 =	vld [tilespmem:$0x1C410]  }
0xb8: {  	v15 =	vld [tilespmem:$0x1C420];
	v30 =	vsub.s32 v54, v30;
	[tilespmem:$0x1C890] =	vst v60;
	s30 =	spop (v2sf);
	v11 =	vadd.s32 s24, v11;
	(xrf0) =	vadd.scan.msk.s32 $0xffff, v17  }
0xb9: {  	v55 =	vsub.s32 v49, v26;
	v57 =	vsub.s32 v57, v28;
	s24 =	sadd.s32 s24, s30;
	s31 =	spop (v2sf);
	[tilespmem:$0x1C8D0] =	vst v11;
	v11 =	vld [tilespmem:$0x1C430];
	(xrf0) =	vadd.scan.msk.s32 $0xffff, v14;
	v37, _, _ =	vpop (xrf0)  }
0xba: {  	v18 =	vld [tilespmem:$0x1C440];
	v59 =	vsub.s32 v59, v29;
	v21 =	vadd.s32 s24, v51;
	s24 =	sadd.s32 s24, s31;
	(xrf0) =	vadd.scan.msk.s32 $0xffff, v12;
	(v2sf) =	vpush v37, $0xF;
	s26 =	spop (v2sf)  }
0xbb: {  	v20 =	vld [tilespmem:$0x1C450];
	v60 =	vsub.s32 v62, v32;
	[tilespmem:$0x1C8E0] =	vst v21;
	v21 =	vadd.s32 s24, v52;
	v42, _, _ =	vpop (xrf0);
	(xrf0) =	vadd.scan.msk.s32 $0xffff, v10;
	s24 =	sadd.s32 s24, s26  }
0xbc: {  	[tilespmem:$0x1C8F0] =	vst v21;
	v21 =	vld [tilespmem:$0x1C460];
	(v2sf) =	vpush v42, $0xF;
	v38, _, _ =	vpop (xrf0);
	(xrf0) =	vadd.scan.msk.s32 $0xffff, v13;
	s28 =	spop (v2sf);
	v23 =	vadd.s32 s24, v53  }
0xbd: {  	v62 =	vsub.s32 v63, v25;
	(v2sf) =	vpush v38, $0xF;
	v54, _, _ =	vpop (xrf0);
	(xrf0) =	vadd.scan.msk.s32 $0xffff, v15;
	s24 =	sadd.s32 s24, s28;
	s29 =	spop (v2sf);
	[tilespmem:$0x1C900] =	vst v23;
	v23 =	vld [tilespmem:$0x1C470]  }
0xbe: {  	v26 =	vld [tilespmem:$0x1C480];
	v50 =	vsub.s32 v40, v31;
	(v2sf) =	vpush v54, $0xF;
	v56, _, _ =	vpop (xrf0);
	(xrf0) =	vadd.scan.msk.s32 $0xffff, v11;
	v30 =	vadd.s32 s24, v30;
	s24 =	sadd.s32 s24, s29  }
0xbf: {  	v28 =	vld [tilespmem:$0x1C490];
	s30 =	spop (v2sf);
	(v2sf) =	vpush v56, $0xF;
	v58, _, _ =	vpop (xrf0);
	(xrf0) =	vadd.scan.msk.s32 $0xffff, v18;
	[tilespmem:$0x1C910] =	vst v30;
	v30 =	vadd.s32 s24, v55  }
0xc0: {  	v51 =	vsub.s32 v41, v22;
	s24 =	sadd.s32 s24, s30;
	(v2sf) =	vpush v58, $0xF;
	v47, _, _ =	vpop (xrf0);
	(xrf0) =	vadd.scan.msk.s32 $0xffff, v20;
	[tilespmem:$0x1C920] =	vst v30;
	v30 =	vld [tilespmem:$0x1C4A0];
	s31 =	spop (v2sf)  }
0xc1: {  	v29 =	vld [tilespmem:$0x1C4B0];
	v37 =	vsub.s32 v37, v27;
	v33 =	vadd.s32 s24, v57;
	(v2sf) =	vpush v47, $0xF;
	v36, _, _ =	vpop (xrf0);
	(xrf0) =	vadd.scan.msk.s32 $0xffff, v21;
	s24 =	sadd.s32 s24, s31;
	s26 =	spop (v2sf)  }
0xc2: {  	v32 =	vld [tilespmem:$0x1C4C0];
	[tilespmem:$0x1C930] =	vst v33;
	(v2sf) =	vpush v36, $0xF;
	v61, _, _ =	vpop (xrf0);
	v33 =	vadd.s32 s24, v59;
	s24 =	sadd.s32 s24, s26;
	(xrf0) =	vadd.scan.msk.s32 $0xffff, v23;
	s28 =	spop (v2sf)  }
0xc3: {  	(v2sf) =	vpush v61, $0xF;
	v48, _, _ =	vpop (xrf0);
	[tilespmem:$0x1C940] =	vst v33;
	v34 =	vadd.s32 s24, v60;
	(xrf0) =	vadd.scan.msk.s32 $0xffff, v26;
	v33 =	vld [tilespmem:$0x1C4D0];
	s24 =	sadd.s32 s24, s28;
	s29 =	spop (v2sf)  }
0xc4: {  	v25 =	vld [tilespmem:$0x1C4E0];
	(v2sf) =	vpush v48, $0xF;
	v63, _, _ =	vpop (xrf0);
	[tilespmem:$0x1C950] =	vst v34;
	(xrf0) =	vadd.scan.msk.s32 $0xffff, v28;
	v34 =	vadd.s32 s24, v62;
	s24 =	sadd.s32 s24, s29;
	s30 =	spop (v2sf)  }
0xc5: {  	v31 =	vld [tilespmem:$0x1C4F0];
	(v2sf) =	vpush v63, $0xF;
	v40, _, _ =	vpop (xrf0);
	(xrf0) =	vadd.scan.msk.s32 $0xffff, v30;
	[tilespmem:$0x1C960] =	vst v34;
	v35 =	vadd.s32 s24, v50;
	s24 =	sadd.s32 s24, s30;
	s31 =	spop (v2sf)  }
0xc6: {  	(v2sf) =	vpush v40, $0xF;
	v49, _, _ =	vpop (xrf0);
	v34 =	vld [tilespmem:$0x1C500];
	(xrf0) =	vadd.scan.msk.s32 $0xffff, v29;
	[tilespmem:$0x1C970] =	vst v35;
	v35 =	vadd.s32 s24, v51;
	s24 =	sadd.s32 s24, s31  }
0xc7: {  	v22 =	vld [tilespmem:$0x1C510];
	v41, _, _ =	vpop (xrf0);
	(v2sf) =	vpush v49, $0xF;
	(xrf0) =	vadd.scan.msk.s32 $0xffff, v32;
	v37 =	vadd.s32 s24, v37  }
0xc8: {  	v27 =	vld [tilespmem:$0x1C520];
	(v2sf) =	vpush v41, $0xF;
	v50, _, _ =	vpop (xrf0);
	(xrf0) =	vadd.scan.msk.s32 $0xffff, v33  }
0xc9: {  	s26 =	spop (v2sf);
	[tilespmem:$0x1C980] =	vst v35;
	(v2sf) =	vpush v50, $0xF;
	v51, _, _ =	vpop (xrf0);
	(xrf0) =	vadd.scan.msk.s32 $0xffff, v25;
	v35 =	vld [tilespmem:$0x1C530]  }
0xca: {  	v19 =	vsub.s32 v42, v19;
	[tilespmem:$0x1C990] =	vst v37;
	(v2sf) =	vpush v51, $0xF;
	v37, _, _ =	vpop (xrf0);
	(xrf0) =	vadd.scan.msk.s32 $0xffff, v31  }
0xcb: {  	v24 =	vsub.s32 v38, v24;
	v16 =	vsub.s32 v54, v16;
	s24 =	sadd.s32 s24, s26;
	s28 =	spop (v2sf);
	(v2sf) =	vpush v37, $0xF;
	v38, _, _ =	vpop (xrf0);
	(xrf0) =	vadd.scan.msk.s32 $0xffff, v34  }
0xcc: {  	v17 =	vsub.s32 v56, v17;
	v19 =	vadd.s32 s24, v19;
	s24 =	sadd.s32 s24, s28;
	s29 =	spop (v2sf);
	(v2sf) =	vpush v38, $0xF;
	v53, _, _ =	vpop (xrf0);
	(xrf0) =	vadd.scan.msk.s32 $0xffff, v22  }
0xcd: {  	[tilespmem:$0x1C9A0] =	vst v19;
	v52 =	vadd.s32 s24, v24;
	s24 =	sadd.s32 s24, s29;
	s30 =	spop (v2sf);
	(v2sf) =	vpush v53, $0xF;
	v54, _, _ =	vpop (xrf0);
	(xrf0) =	vadd.scan.msk.s32 $0xffff, v27  }
0xce: {  	[tilespmem:$0x1C9B0] =	vst v52;
	v16 =	vadd.s32 s24, v16;
	s24 =	sadd.s32 s24, s30;
	s31 =	spop (v2sf);
	(v2sf) =	vpush v54, $0xF;
	v55, _, _ =	vpop (xrf0);
	(xrf0) =	vadd.scan.msk.s32 $0xffff, v35  }
0xcf: {  	v14 =	vsub.s32 v58, v14;
	[tilespmem:$0x1C9C0] =	vst v16;
	v57 =	vadd.s32 s24, v17;
	s24 =	sadd.s32 s24, s31;
	s26 =	spop (v2sf);
	v56, _, _ =	vpop (xrf0);
	(v2sf) =	vpush v55, $0xF  }
0xd0: {  	v12 =	vsub.s32 v47, v12;
	[tilespmem:$0x1C9D0] =	vst v57;
	v14 =	vadd.s32 s24, v14;
	s24 =	sadd.s32 s24, s26;
	s28 =	spop (v2sf);
	v58, _, _ =	vpop (xrf0);
	(v2sf) =	vpush v56, $0xF  }
0xd1: {  	v10 =	vsub.s32 v36, v10;
	[tilespmem:$0x1C9E0] =	vst v14;
	v12 =	vadd.s32 s24, v12;
	s24 =	sadd.s32 s24, s28;
	s29 =	spop (v2sf);
	v59, _, _ =	vpop (xrf0);
	(v2sf) =	vpush v58, $0xF  }
0xd2: {  	v61 =	vsub.s32 v61, v13;
	[tilespmem:$0x1C9F0] =	vst v12;
	v10 =	vadd.s32 s24, v10;
	s24 =	sadd.s32 s24, s29;
	s30 =	spop (v2sf);
	v60, _, _ =	vpop (xrf0);
	(v2sf) =	vpush v59, $0xF  }
0xd3: {  	[tilespmem:$0x1CA00] =	vst v10;
	v10 =	vsub.s32 v48, v15;
	v12 =	vadd.s32 s24, v61;
	s24 =	sadd.s32 s24, s30;
	s31 =	spop (v2sf);
	v62, _, _ =	vpop (xrf0);
	(v2sf) =	vpush v60, $0xF  }
0xd4: {  	v11 =	vsub.s32 v63, v11;
	[tilespmem:$0x1CA10] =	vst v12;
	v10 =	vadd.s32 s24, v10;
	s24 =	sadd.s32 s24, s31;
	s26 =	spop (v2sf);
	(v2sf) =	vpush v62, $0xF;
	v63, _, _ =	vpop (xrf0)  }
0xd5: {  	[tilespmem:$0x1CA20] =	vst v10;
	v10 =	vsub.s32 v40, v18;
	v11 =	vadd.s32 s24, v11;
	s24 =	sadd.s32 s24, s26;
	s28 =	spop (v2sf);
	(v2sf) =	vpush v63, $0xF  }
0xd6: {  	[tilespmem:$0x1CA30] =	vst v11;
	v11 =	vsub.s32 v49, v20;
	v10 =	vadd.s32 s24, v10;
	s24 =	sadd.s32 s24, s28;
	s26 =	spop (v2sf)  }
0xd7: {  	[tilespmem:$0x1CA40] =	vst v10;
	v10 =	vsub.s32 v41, v21;
	v11 =	vadd.s32 s24, v11;
	s29 =	spop (v2sf);
	s24 =	sadd.s32 s24, s26  }
0xd8: {  	[tilespmem:$0x1CA50] =	vst v11;
	v11 =	vsub.s32 v50, v23;
	v10 =	vadd.s32 s24, v10;
	s24 =	sadd.s32 s24, s29;
	s30 =	spop (v2sf)  }
0xd9: {  	[tilespmem:$0x1CA60] =	vst v10;
	v10 =	vsub.s32 v51, v26;
	v11 =	vadd.s32 s24, v11;
	s31 =	spop (v2sf);
	s24 =	sadd.s32 s24, s30  }
0xda: {  	[tilespmem:$0x1CA70] =	vst v11;
	v11 =	vsub.s32 v37, v28;
	v10 =	vadd.s32 s24, v10;
	s24 =	sadd.s32 s24, s31;
	s28 =	spop (v2sf)  }
0xdb: {  	[tilespmem:$0x1CA80] =	vst v10;
	v10 =	vsub.s32 v38, v30;
	v11 =	vadd.s32 s24, v11;
	s29 =	spop (v2sf);
	s24 =	sadd.s32 s24, s28  }
0xdc: {  	[tilespmem:$0x1CA90] =	vst v11;
	v11 =	vsub.s32 v53, v29;
	s30 =	spop (v2sf);
	v10 =	vadd.s32 s24, v10;
	s24 =	sadd.s32 s24, s29  }
0xdd: {  	[tilespmem:$0x1CAA0] =	vst v10;
	v10 =	vsub.s32 v54, v32;
	s31 =	spop (v2sf);
	v11 =	vadd.s32 s24, v11;
	s24 =	sadd.s32 s24, s30  }
0xde: {  	[tilespmem:$0x1CAB0] =	vst v11;
	v11 =	vsub.s32 v55, v33;
	s28 =	spop (v2sf);
	v10 =	vadd.s32 s24, v10;
	s24 =	sadd.s32 s24, s31  }
0xdf: {  	[tilespmem:$0x1CAC0] =	vst v10;
	v10 =	vsub.s32 v56, v25;
	s29 =	spop (v2sf);
	v11 =	vadd.s32 s24, v11;
	s24 =	sadd.s32 s24, s28  }
0xe0: {  	[tilespmem:$0x1CAD0] =	vst v11;
	v11 =	vsub.s32 v58, v31;
	s30 =	spop (v2sf);
	v10 =	vadd.s32 s24, v10;
	s24 =	sadd.s32 s24, s29  }
0xe1: {  	[tilespmem:$0x1CAE0] =	vst v10;
	v10 =	vsub.s32 v59, v34;
	s31 =	spop (v2sf);
	v11 =	vadd.s32 s24, v11;
	s24 =	sadd.s32 s24, s30  }
0xe2: {  	[tilespmem:$0x1CAF0] =	vst v11;
	v11 =	vsub.s32 v60, v22;
	s28 =	spop (v2sf);
	v10 =	vadd.s32 s24, v10;
	s24 =	sadd.s32 s24, s31  }
0xe3: {  	[tilespmem:$0x1CB00] =	vst v10;
	v10 =	vsub.s32 v62, v27;
	s29 =	spop (v2sf);
	v11 =	vadd.s32 s24, v11;
	s24 =	sadd.s32 s24, s28  }
0xe4: {  	[tilespmem:$0x1CB10] =	vst v11;
	v10 =	vadd.s32 s24, v10;
	s24 =	sadd.s32 s24, s29;
	v11 =	vsub.s32 v63, v35;
	s30 =	spop (v2sf)  }
0xe5: {  	[tilespmem:$0x1CB20] =	vst v10;
	v10 =	vadd.s32 s24, v11;
	s24 =	sadd.s32 s24, s30  }
0xe6: {  	[tilespmem:$0x1CB30] =	vst v10;
	v10 =	vmov s24  }
0xe7: {  	[tilespmem:$0x1CB40] =	vst v10  }
0xe8: {  	v10 =	vld.idx.msk [tilespmem:v1+s14+$0x0], $0xffff;
	_ =	sdelay $0x1  }
0xe9: {  	s31 =	sadd.s32 s9, s21  }
0xea: {  	v11 =	vor.u32 s31, v2;
	_ =	sdelay $0x1  }
0xeb: {  	v10 =	vadd.s32 s23, v10  }
0xec: {  	[tilespmem:$0x1CC00] =	vst v10;
	(ifvalue) =	ssetifvalue $0x40000000  }
0xed: {  	(ifvalue) =	ssetifvalue $0x40000000  }
0xee: {  	[hbm4b:s7+s2] =	stream.indirect_vreg.scatter [tilespmem:s15], [sflag:$0x3], $0x1, v11, vm0, $0x40b8;
	[tilespmem:$0x1CC80] =	vst v63  }
0xef: {  	_ =	swait.ge [sflag:s16], $0x10  }
0xf0: {  	[sflag:s16] =	ssyncset.done $0x0  }
0xf1: {  	[sflag:s16] =	ssyncadd.s32 $0xFFFFFFF0  }
0xf2: {  	v10 =	vld.idx.msk [tilespmem:v6+s14+$0x0], $0xffff;
	_ =	sdelay $0x2  }
0xf3: {  	v11 =	vor.u32 s31, v7;
	_ =	sdelay $0x1  }
0xf4: {  	v10 =	vadd.s32 s23, v10  }
0xf5: {  	[tilespmem:$0x1CC00] =	vst v10;
	(ifvalue) =	ssetifvalue $0x40000000  }
0xf6: {  	(ifvalue) =	ssetifvalue $0x40000000  }
0xf7: {  	[hbm4b:s7+s2] =	stream.indirect_vreg.scatter [tilespmem:s15], [sflag:$0x3], $0x1, v11, vm0, $0x40b8;
	[tilespmem:$0x1CC80] =	vst v63  }
0xf8: {  	_ =	swait.ge [sflag:s16], $0x10  }
0xf9: {  	[sflag:s16] =	ssyncset.done $0x0  }
0xfa: {  	[sflag:s16] =	ssyncadd.s32 $0xFFFFFFF0  }
0xfb: {  	v10 =	vld.idx.msk [tilespmem:v8+s14+$0x0], $0xffff;
	_ =	sdelay $0x1  }
0xfc: {  	v11 =	vor.u32 s31, v9  }
0xfd: {  	v11 =	vnsel vm1, $0x40000000, v11;
	_ =	sdelay $0x1  }
0xfe: {  	v10 =	vadd.s32 s23, v10  }
0xff: {  	[tilespmem:$0x1CC00] =	vst v10;
	(ifvalue) =	ssetifvalue $0x40000000  }
0x100: {  	(ifvalue) =	ssetifvalue $0x40000000  }
0x101: {  	[hbm4b:s7+s2] =	stream.indirect_vreg.scatter [tilespmem:s15], [sflag:$0x3], $0x1, v11, vm0, $0x40b8;
	[tilespmem:$0x1CC80] =	vst v63  }
0x102: {  	_ =	swait.ge [sflag:s16], $0x10  }
0x103: {  	p0 =	seq.s32 s21, $0x0;
	[sflag:s16] =	ssyncset.done $0x0  }
0x104: {  	s23 =	simm.s32 @!p0 $0x1;
	[sflag:s16] =	ssyncadd.s32 $0xFFFFFFF0  }
0x105: {  	_ =	swait.ge @!p0 [sflag:s23], $0x7000  }
0x106: {  	[sflag:s23] =	ssyncset.done @!p0 $0x0  }
0x107: {  	[sflag:s23] =	ssyncadd.s32 @!p0 $0xFFFF9000  }
0x108: {  	_ =	swait.ge @!p0 [sflag:s23], $0x7000  }
0x109: {  	s25 =	simm.s32 $0x7000;
	s26 =	simm.s32 $0x0;
	[sflag:s23] =	ssyncset.done @!p0 $0x0  }
0x10a: {  	s24 =	simm.s32 $0x0;
	[sflag:s23] =	ssyncadd.s32 @!p0 $0xFFFF9000;
	s23 =	simm.s32 $0xFFFFFFFC  }
.LBB2_7:
0x10b: {  	v10 =	vld [tilespmem:s24+$0x0];
	s28 =	sand.u32 $0x3FC0, s26  }
0x10c: {  	v11 =	vld [tilespmem:s28+$0x3800];
	_ =	sdelay $0x3  }
0x10d: {  	v12 =	vshrl.u32 v10, $0x12  }
0x10e: {  	v13 =	vshrl.u32 v11, $0x12;
	v12 =	vmul.u32 $0x2493, v12  }
0x10f: {  	v13 =	vmul.u32 $0x2493, v13  }
0x110: {  	v14 =	vshrl.u32 v12, $0x10  }
0x111: {  	v12 =	vshrl.u32 v12, $0xB;
	v15 =	vshrl.u32 v13, $0x10;
	v16 =	vshll.u32 v14, $0x5  }
0x112: {  	v12 =	vand.u32 $0x1FF80, v12;
	v17 =	vshll.u32 v15, $0x5;
	v16 =	vor.u32 v0, v16  }
0x113: {  	v13 =	vshrl.u32 v13, $0xB;
	v17 =	vor.u32 v5, v17;
	v16 =	vand.u32 $0x6F, v16  }
0x114: {  	v13 =	vand.u32 $0x1FF80, v13;
	v12 =	vor.u32 v12, v16;
	v34 =	vand.u32 $0x7F, v17  }
0x115: {  	v13 =	vor.u32 v13, v34;
	_ =	sdelay $0x3  }
0x116: {  	v35 =	vld.idx.msk [tilespmem:v12+s14+$0x0], $0xffff  }
0x117: {  	v36 =	vld.idx.msk [tilespmem:v13+s14+$0x0], $0xffff;
	_ =	sdelay $0x3  }
0x118: {  	v14 =	vmul.u32 $0xFFE40000, v14  }
0x119: {  	v15 =	vmul.u32 $0xFFE40000, v15  }
0x11a: {  	v10 =	vadd.s32 v10, v14  }
0x11b: {  	[tilespmem:v35+s17+$0x0] =	vst.idx.msk $0xffff, v10;
	v10 =	vadd.s32 v11, v15  }
0x11c: {  	[tilespmem:v36+s17+$0x0] =	vst.idx.msk $0xffff, v10  }
0x11d: {  	v10 =	vld [tilespmem:s25+$0x0];
	_ =	sdelay $0x4  }
0x11e: {  	[tilespmem:v35+s18+$0x0] =	vst.idx.msk $0xffff, v10  }
0x11f: {  	v10 =	vld [tilespmem:s28+$0xA800];
	_ =	sdelay $0x4  }
0x120: {  	[tilespmem:v36+s18+$0x0] =	vst.idx.msk $0xffff, v10;
	v10 =	vadd.s32 $0x1, v35  }
0x121: {  	[tilespmem:v12+s14+$0x0] =	vst.idx.msk $0xffff, v10;
	v10 =	vadd.s32 $0x1, v36  }
0x122: {  	[tilespmem:v13+s14+$0x0] =	vst.idx.msk $0xffff, v10  }
0x123: {  	v10 =	vld [tilespmem:s24+$0x10]  }
0x124: {  	v11 =	vld [tilespmem:s24+$0x3810];
	_ =	sdelay $0x3  }
0x125: {  	v37 =	vshrl.u32 v10, $0x12  }
0x126: {  	v38 =	vshrl.u32 v11, $0x12;
	v12 =	vmul.u32 $0x2493, v37  }
0x127: {  	v13 =	vmul.u32 $0x2493, v38  }
0x128: {  	v39 =	vshrl.u32 v12, $0x10  }
0x129: {  	v40 =	vshrl.u32 v13, $0x10;
	v12 =	vshrl.u32 v12, $0xB;
	v41 =	vshll.u32 v39, $0x5  }
0x12a: {  	v13 =	vshrl.u32 v13, $0xB;
	v42 =	vshll.u32 v40, $0x5;
	v16 =	vor.u32 v0, v41  }
0x12b: {  	v12 =	vand.u32 $0x1FF80, v12;
	v17 =	vor.u32 v5, v42;
	v16 =	vand.u32 $0x6F, v16  }
0x12c: {  	v13 =	vand.u32 $0x1FF80, v13;
	v43 =	vand.u32 $0x7F, v17;
	v12 =	vor.u32 v12, v16  }
0x12d: {  	v13 =	vor.u32 v13, v43;
	_ =	sdelay $0x3  }
0x12e: {  	v44 =	vld.idx.msk [tilespmem:v12+s14+$0x0], $0xffff  }
0x12f: {  	v45 =	vld.idx.msk [tilespmem:v13+s14+$0x0], $0xffff;
	_ =	sdelay $0x3  }
0x130: {  	v14 =	vmul.u32 $0xFFE40000, v39  }
0x131: {  	v15 =	vmul.u32 $0xFFE40000, v40  }
0x132: {  	v10 =	vadd.s32 v10, v14  }
0x133: {  	[tilespmem:v44+s17+$0x0] =	vst.idx.msk $0xffff, v10;
	v10 =	vadd.s32 v11, v15  }
0x134: {  	[tilespmem:v45+s17+$0x0] =	vst.idx.msk $0xffff, v10  }
0x135: {  	v10 =	vld [tilespmem:s25+$0x10];
	_ =	sdelay $0x4  }
0x136: {  	[tilespmem:v44+s18+$0x0] =	vst.idx.msk $0xffff, v10  }
0x137: {  	v10 =	vld [tilespmem:s25+$0x3810];
	_ =	sdelay $0x4  }
0x138: {  	[tilespmem:v45+s18+$0x0] =	vst.idx.msk $0xffff, v10;
	v10 =	vadd.s32 $0x1, v44  }
0x139: {  	[tilespmem:v12+s14+$0x0] =	vst.idx.msk $0xffff, v10;
	v10 =	vadd.s32 $0x1, v45  }
0x13a: {  	[tilespmem:v13+s14+$0x0] =	vst.idx.msk $0xffff, v10  }
0x13b: {  	v10 =	vld [tilespmem:s24+$0x20]  }
0x13c: {  	v11 =	vld [tilespmem:s24+$0x3820];
	_ =	sdelay $0x3  }
0x13d: {  	v46 =	vshrl.u32 v10, $0x12  }
0x13e: {  	v47 =	vshrl.u32 v11, $0x12;
	v12 =	vmul.u32 $0x2493, v46  }
0x13f: {  	v13 =	vmul.u32 $0x2493, v47  }
0x140: {  	v48 =	vshrl.u32 v12, $0x10  }
0x141: {  	v49 =	vshrl.u32 v13, $0x10;
	v12 =	vshrl.u32 v12, $0xB;
	v50 =	vshll.u32 v48, $0x5  }
0x142: {  	v13 =	vshrl.u32 v13, $0xB;
	v51 =	vshll.u32 v49, $0x5;
	v16 =	vor.u32 v0, v50  }
0x143: {  	v12 =	vand.u32 $0x1FF80, v12;
	v17 =	vor.u32 v5, v51;
	v16 =	vand.u32 $0x6F, v16  }
0x144: {  	v13 =	vand.u32 $0x1FF80, v13;
	v52 =	vand.u32 $0x7F, v17;
	v12 =	vor.u32 v12, v16  }
0x145: {  	v13 =	vor.u32 v13, v52;
	_ =	sdelay $0x3  }
0x146: {  	v53 =	vld.idx.msk [tilespmem:v12+s14+$0x0], $0xffff  }
0x147: {  	v54 =	vld.idx.msk [tilespmem:v13+s14+$0x0], $0xffff;
	_ =	sdelay $0x3  }
0x148: {  	v14 =	vmul.u32 $0xFFE40000, v48  }
0x149: {  	v15 =	vmul.u32 $0xFFE40000, v49  }
0x14a: {  	v10 =	vadd.s32 v10, v14  }
0x14b: {  	[tilespmem:v53+s17+$0x0] =	vst.idx.msk $0xffff, v10;
	v10 =	vadd.s32 v11, v15  }
0x14c: {  	[tilespmem:v54+s17+$0x0] =	vst.idx.msk $0xffff, v10  }
0x14d: {  	v10 =	vld [tilespmem:s25+$0x20];
	_ =	sdelay $0x4  }
0x14e: {  	[tilespmem:v53+s18+$0x0] =	vst.idx.msk $0xffff, v10  }
0x14f: {  	v10 =	vld [tilespmem:s25+$0x3820];
	_ =	sdelay $0x4  }
0x150: {  	[tilespmem:v54+s18+$0x0] =	vst.idx.msk $0xffff, v10;
	v10 =	vadd.s32 $0x1, v53  }
0x151: {  	[tilespmem:v12+s14+$0x0] =	vst.idx.msk $0xffff, v10;
	v10 =	vadd.s32 $0x1, v54  }
0x152: {  	[tilespmem:v13+s14+$0x0] =	vst.idx.msk $0xffff, v10  }
0x153: {  	v10 =	vld [tilespmem:s24+$0x30]  }
0x154: {  	v11 =	vld [tilespmem:s24+$0x3830];
	_ =	sdelay $0x3  }
0x155: {  	v55 =	vshrl.u32 v10, $0x12  }
0x156: {  	v56 =	vshrl.u32 v11, $0x12;
	v12 =	vmul.u32 $0x2493, v55  }
0x157: {  	v13 =	vmul.u32 $0x2493, v56  }
0x158: {  	v57 =	vshrl.u32 v12, $0x10  }
0x159: {  	v58 =	vshrl.u32 v13, $0x10;
	v12 =	vshrl.u32 v12, $0xB;
	v59 =	vshll.u32 v57, $0x5  }
0x15a: {  	v13 =	vshrl.u32 v13, $0xB;
	v60 =	vshll.u32 v58, $0x5;
	v16 =	vor.u32 v0, v59  }
0x15b: {  	v12 =	vand.u32 $0x1FF80, v12;
	v17 =	vor.u32 v5, v60;
	v16 =	vand.u32 $0x6F, v16  }
0x15c: {  	v13 =	vand.u32 $0x1FF80, v13;
	v61 =	vand.u32 $0x7F, v17;
	v12 =	vor.u32 v12, v16  }
0x15d: {  	v13 =	vor.u32 v13, v61;
	_ =	sdelay $0x3  }
0x15e: {  	v62 =	vld.idx.msk [tilespmem:v12+s14+$0x0], $0xffff  }
0x15f: {  	v63 =	vld.idx.msk [tilespmem:v13+s14+$0x0], $0xffff;
	_ =	sdelay $0x3  }
0x160: {  	v14 =	vmul.u32 $0xFFE40000, v57  }
0x161: {  	v15 =	vmul.u32 $0xFFE40000, v58  }
0x162: {  	v10 =	vadd.s32 v10, v14  }
0x163: {  	[tilespmem:v62+s17+$0x0] =	vst.idx.msk $0xffff, v10;
	v10 =	vadd.s32 v11, v15  }
0x164: {  	[tilespmem:v63+s17+$0x0] =	vst.idx.msk $0xffff, v10  }
0x165: {  	v10 =	vld [tilespmem:s25+$0x30];
	_ =	sdelay $0x4  }
0x166: {  	[tilespmem:v62+s18+$0x0] =	vst.idx.msk $0xffff, v10  }
0x167: {  	v10 =	vld [tilespmem:s25+$0x3830]  }
0x168: {  	s23 =	sadd.s32 $0x4, s23  }
0x169: {  	p0 =	slt.u32 s23, $0x37C  }
.Ltmp2:
0x16a: {  	_ = 	snop;
	(pc) =	sbr.rel @p0 .LBB2_7-.Ltmp2, $4  }
0x16b: {  	_ = 	snop  }
0x16c: {  	[tilespmem:v63+s18+$0x0] =	vst.idx.msk $0xffff, v10;
	v10 =	vadd.s32 $0x1, v62  }
0x16d: {  	[tilespmem:v12+s14+$0x0] =	vst.idx.msk $0xffff, v10;
	v10 =	vadd.s32 $0x1, v63  }
0x16e: {  	s26 =	sadd.s32 $0x40, s26;
	s24 =	sadd.s32 $0x40, s24;
	s25 =	sadd.s32 $0x40, s25;
	[tilespmem:v13+s14+$0x0] =	vst.idx.msk $0xffff, v10  }
0x16f: {  	s21 =	sadd.s32 $0x1, s21  }
0x170: {  	p0 =	sne.s32 s21, $0x15  }
.Ltmp3:
0x171: {  	_ = 	snop;
	(pc) =	sbr.rel @p0 .LBB2_2-.Ltmp3, $4  }
0x172: {  	s23 =	sadd.s32 s1, s22  }
0x173: {  	[hbm4b:s23+s2] =	stream.linear.scatter [tilespmem:s17], [sflag:$0x1], $0x7000, $0x38;
	[tilespmem:$0x1CC80] =	vst v63  }
0x174: {  	s31 =	sadd.s32 s6, s22  }
0x175: {  	[hbm4b:s31+s2] =	stream.linear.scatter [tilespmem:s18], [sflag:$0x1], $0x7000, $0x38;
	[tilespmem:$0x1CC80] =	vst v63  }
0x176: {  	s20 =	sadd.s32 $0x1, s20  }
0x177: {  	_ =	swait.ge [sflag:s19], $0x7000;
	p0 =	sne.s32 s20, s10  }
.Ltmp4:
0x178: {  	[sflag:s19] =	ssyncset.done $0x0;
	(pc) =	sbr.rel @p0 .LBB2_1-.Ltmp4, $4  }
0x179: {  	[sflag:s19] =	ssyncadd.s32 $0xFFFF9000  }
0x17a: {  	_ =	swait.ge [sflag:s19], $0x7000  }
0x17b: {  	[sflag:s19] =	ssyncset.done $0x0  }
0x17c: {  	[sflag:s19] =	ssyncadd.s32 $0xFFFF9000  }
0x17d: {  	_ =	sfence.sel $0x180000  }
0x17e: {  	[bflag:$0x0] =	sbarrier.arrive $0xFFFF  }
0x17f: {  	p0 =	sne.s32 s3, $0x0;
	_ =	strace $0x90000047  }
0x180: {  	s0 =	sadd.s32 @!p0 $0x100000, s0;
	[bflag:$0x2] =	sbarrier.arrive $0xFFFF  }
0x181: {  	[sflag:s0] =	ssyncadd.tile.s32 @!p0 $0x1;
	_ =	shalt  }
.Lfunc_end2:
_tile_overlayer_lowered:
.L_overlay_start_2:
0x182: {  	(tag) =	ssettag $0x2  }
0x183: {  	s0 =	rddreg [dreg:$0x0];
	s2 =	stileid.u32  }
0x184: {  	s1 =	rddreg [dreg:$0x1];
	p0 =	sne.s32 s2, $0x0  }
0x185: {  	s3 =	rddreg [dreg:$0x2];
	[bflag:$0x3] =	sbarrier.arrive $0xFFFF;
	s2 =	simm.s32 @!p0 $0x1C03  }
0x186: {  	[timem:s3], [sflag:s2] =	dma.local @!p0 [hbm:s0], s1  }
0x187: {  	s0 =	simm.s32 @!p0 $0x3  }
0x188: {  	_ =	swait.ge @!p0 [sflag:s0], s1  }
0x189: {  	s1 =	ssub.s32 @!p0 $0x0, s1;
	[sflag:s0] =	ssyncset.done @!p0 $0x0  }
0x18a: {  	[sflag:s0] =	ssyncadd.s32 @!p0 s1  }
0x18b: {  	[bflag:$0x3] =	sbarrier.arrive $0xFFFF  }
0x18c: {  	_ =	shalt  }

// kernel: kernel.7.cloned.1.call-start
scs
__scs_entry_jumppad:
0x0: {  	(pc) =	sbr.rel $0x88, $3  }
0x1: {  	(tag) =	ssettag $0x0;
	lr =	simm.s32 $0x1  }
0x2: {  	[smem:$0x3F9F] =	sst lr;
	_ =	strace $0xD0000000  }
0x3: {  	_ = 	snop  }
0x4: {  	_ = 	snop  }
0x5: {  	_ = 	snop  }
0x6: {  	_ = 	snop  }
0x7: {  	_ = 	snop  }
__scs_overlays_trampoline_lowered:
0x8: {  	[smem:$0x3FAE] =	sst s0  }
0x9: {  	[smem:$0x3FAF] =	sst s1  }
0xa: {  	[smem:$0x3FB0] =	sst s2  }
0xb: {  	[smem:$0x3FB1] =	sst s3  }
0xc: {  	[smem:$0x3FB2] =	sst s4  }
0xd: {  	[smem:$0x3FB3] =	sst s5  }
0xe: {  	[smem:$0x3FB4] =	sst s6  }
0xf: {  	[smem:$0x3FB5] =	sst s7  }
0x10: {  	[smem:$0x3FB6] =	sst s8  }
0x11: {  	[smem:$0x3FB7] =	sst s9;
	s0 =	simm.s32 @!p0 $0x0  }
0x12: {  	s1 =	sld [smem:$0x3F9D];
	s0 =	simm.s32 @p0 $0x1  }
0x13: {  	[smem:$0x3FB8] =	sst s0;
	s0 =	simm.s32 @!p1 $0x0  }
0x14: {  	s2 =	sld [smem:$0x3F9C];
	s0 =	simm.s32 @p1 $0x1  }
0x15: {  	[smem:$0x3FB9] =	sst s0;
	s0 =	simm.s32 @!p2 $0x0  }
0x16: {  	s3 =	sld [smem:$0x3FDB];
	s0 =	simm.s32 @p2 $0x1  }
0x17: {  	s4 =	simm.s32 $0x1BF5;
	[smem:$0x3FBB] =	sst s0  }
0x18: {  	s0 =	sld [smem:$0x3F9E];
	_ =	swait.ge [sflag:s4], $0x0  }
0x19: {  	s7 =	sld [smem:$0x3F9F]  }
0x1a: {  	s8 =	sadd.s32 $0xFFFFE003, lr  }
0x1b: {  	s9 =	sadd.s32 $0xFFFFFEF7, lr;
	s5 =	simm.s32 $0xFFFFFFFF;
	p2 =	slt.u32 s8, $0xFFFFF086  }
0x1c: {  	p1 =	slt.u32 s9, $0xF7A;
	s5 =	simm.s32 @!p2 $0x0  }
0x1d: {  	s5 =	simm.s32 @p1 $0x1;
	p0 =	seq.s32 s7, s2  }
0x1e: {  	s7 =	smul.u32 @!p0 $0xF7A, s2;
	p2 =	seq.s32 @!p0 s5, $0x0  }
0x1f: {  	s9 =	smul.u32 $0xF7A, s1;
	s8 =	simm.s32 @!p0 $0x1BF5;
	p2 =	por !p2, p0  }
0x20: {  	[sflag:s8] =	ssyncset.s32 @!p0 $0xFFFFF086;
	s6 =	sadd.s32 @!p0 s3, s7;
	s7 =	simm.s32 @!p0 $0x108  }
0x21: {  	s3 =	sadd.s32 s3, s9;
	s6 =	sadd.s32 @!p0 $0x88, s6;
	s7 =	simm.s32 @p2 $0x1082  }
0x22: {  	[simem:s7], [sflag:s8] =	dma.local @!p0 [hbm:s6], $0xF7A  }
0x23: {  	s9 =	sor.u32 $0xD0000000, s2;
	s6 =	simm.s32 $0x108;
	_ =	swait.ge @!p0 [sflag:s8], $0x0  }
0x24: {  	s3 =	sadd.s32 $0x88, s3;
	s6 =	simm.s32 @!p1 $0x1082;
	[sflag:s4] =	ssyncset.s32 $0xFFFFF086  }
0x25: {  	[simem:s6], [sflag:s4] =	dma.local [hbm:s3], $0xF7A  }
0x26: {  	[smem:$0x3F9F] =	sst s1;
	(tag) =	ssettag s2;
	_ =	strace s9  }
0x27: {  	s1 =	sld [smem:$0x3FAF]  }
0x28: {  	s2 =	sld [smem:$0x3FB0]  }
0x29: {  	s4 =	sld [smem:$0x3FB2]  }
0x2a: {  	p0 =	seq.s32 s5, $0x0;
	s5 =	sld [smem:$0x3FB3]  }
0x2b: {  	s6 =	sld [smem:$0x3FB4]  }
0x2c: {  	s7 =	sld [smem:$0x3FB5]  }
0x2d: {  	s3 =	simm.s32 $0x108;
	s8 =	sld [smem:$0x3FB6]  }
0x2e: {  	s3 =	simm.s32 @!p0 $0x1082;
	s9 =	sld [smem:$0x3FB7]  }
0x2f: {  	lr =	sadd.s32 s0, s3;
	s0 =	sld [smem:$0x3FAE]  }
0x30: {  	s3 =	sld [smem:$0x3FB1]  }
0x31: {  	[smem:$0x3FBA] =	sst s10  }
0x32: {  	s10 =	sld [smem:$0x3FB8];
	_ =	sdelay $0x3  }
0x33: {  	p0 =	seq.s32 s10, $0x1;
	s10 =	sld [smem:$0x3FBA];
	_ =	sdelay $0x3  }
0x34: {  	[smem:$0x3FBA] =	sst s10  }
0x35: {  	s10 =	sld [smem:$0x3FB9];
	_ =	sdelay $0x3  }
0x36: {  	p1 =	seq.s32 s10, $0x1;
	s10 =	sld [smem:$0x3FBA];
	_ =	sdelay $0x3  }
0x37: {  	[smem:$0x3FBA] =	sst s10  }
0x38: {  	s10 =	sld [smem:$0x3FBB]  }
0x39: {  	_ = 	snop;
	(pc) =	sbr.ind lr, $3  }
0x3a: {  	_ = 	snop  }
0x3b: {  	_ = 	snop  }
0x3c: {  	p2 =	seq.s32 s10, $0x1;
	s10 =	sld [smem:$0x3FBA]  }
0x3d: {  	_ =	shalt  }
0x3e: {  	_ =	shalt  }
0x3f: {  	_ =	shalt  }
0x40: {  	_ =	shalt  }
0x41: {  	_ =	shalt  }
0x42: {  	_ =	shalt  }
0x43: {  	_ =	shalt  }
0x44: {  	_ =	shalt  }
0x45: {  	_ =	shalt  }
0x46: {  	_ =	shalt  }
0x47: {  	_ =	shalt  }
0x48: {  	_ =	shalt  }
0x49: {  	_ =	shalt  }
0x4a: {  	_ =	shalt  }
0x4b: {  	_ =	shalt  }
0x4c: {  	_ =	shalt  }
0x4d: {  	_ =	shalt  }
0x4e: {  	_ =	shalt  }
0x4f: {  	_ =	shalt  }
0x50: {  	_ =	shalt  }
0x51: {  	_ =	shalt  }
0x52: {  	_ =	shalt  }
0x53: {  	_ =	shalt  }
0x54: {  	_ =	shalt  }
0x55: {  	_ =	shalt  }
0x56: {  	_ =	shalt  }
0x57: {  	_ =	shalt  }
0x58: {  	_ =	shalt  }
0x59: {  	_ =	shalt  }
0x5a: {  	_ =	shalt  }
0x5b: {  	_ =	shalt  }
0x5c: {  	_ =	shalt  }
0x5d: {  	_ =	shalt  }
0x5e: {  	_ =	shalt  }
0x5f: {  	_ =	shalt  }
0x60: {  	_ =	shalt  }
0x61: {  	_ =	shalt  }
0x62: {  	_ =	shalt  }
0x63: {  	_ =	shalt  }
0x64: {  	_ =	shalt  }
0x65: {  	_ =	shalt  }
0x66: {  	_ =	shalt  }
0x67: {  	_ =	shalt  }
0x68: {  	_ =	shalt  }
0x69: {  	_ =	shalt  }
0x6a: {  	_ =	shalt  }
0x6b: {  	_ =	shalt  }
0x6c: {  	_ =	shalt  }
0x6d: {  	_ =	shalt  }
0x6e: {  	_ =	shalt  }
0x6f: {  	_ =	shalt  }
0x70: {  	_ =	shalt  }
0x71: {  	_ =	shalt  }
0x72: {  	_ =	shalt  }
0x73: {  	_ =	shalt  }
0x74: {  	_ =	shalt  }
0x75: {  	_ =	shalt  }
0x76: {  	_ =	shalt  }
0x77: {  	_ =	shalt  }
0x78: {  	_ =	shalt  }
0x79: {  	_ =	shalt  }
0x7a: {  	_ =	shalt  }
0x7b: {  	_ =	shalt  }
0x7c: {  	_ =	shalt  }
0x7d: {  	_ =	shalt  }
0x7e: {  	_ =	shalt  }
0x7f: {  	_ =	shalt  }
0x80: {  	_ =	shalt  }
0x81: {  	_ =	shalt  }
0x82: {  	_ =	shalt  }
0x83: {  	_ =	shalt  }
0x84: {  	_ =	shalt  }
0x85: {  	_ =	shalt  }
0x86: {  	_ =	shalt  }
0x87: {  	_ =	shalt  }
.Lfunc_end0:
.L_simem_size_0:
called_computation.1_lowered:
.L_overlay_start_0:
0x88: {  	s2 =	sld [smem:$0x3FD9]  }
0x89: {  	s3 =	sld [smem:$0x3FFE];
	_ =	sdelay $0x1  }
0x8a: {  	s1 =	srdreg.scid  }
0x8b: {  	s0 =	sand.u32 $0x1, s1  }
0x8c: {  	s17 =	sshll.u32 s0, $0xA;
	s2 =	sadd.s32 s3, s2  }
0x8d: {  	s2 =	sadd.s32 s2, s17  }
0x8e: {  	[smem:$0x3FC6] =	sst s2  }
0x8f: {  	_ = 	snop  }
0x90: {  	s2 =	sld [smem:$0x3FD0];
	(tm) =	ssettm $0x1  }
0x91: {  	s18 =	sld [smem:$0x3FFB];
	_ =	sdelay $0x3  }
0x92: {  	_ =	strace s18  }
0x93: {  	s3 =	sld [smem:$0x3FFC];
	_ =	sdelay $0x3  }
0x94: {  	_ =	strace s3  }
0x95: {  	s3 =	sld [smem:$0x3FFD];
	_ =	sdelay $0x3  }
0x96: {  	_ =	strace s3  }
0x97: {  	_ =	strace $0x8FFFFFFF  }
0x98: {  	s19 =	sld [smem:$0x3FDB];
	_ =	sdelay $0x1  }
0x99: {  	s4 =	simm.s32 $_scs_section_size  }
0x9a: {  	s5 =	simm.s32 $_size__tile_overlayer_lowered;
	s6 =	simm.s32 $_tile_overlayer_lowered  }
0x9b: {  	s22 =	simm.s32 $0x1BFF;
	s21 =	sshll.u32 s6, $0x1;
	s3 =	sadd.s32 s4, s19  }
0x9c: {  	s7 =	simm.s32 $0x0;
	s20 =	sshll.u32 s5, $0x1;
	s5 =	sadd.s32 s21, s3  }
0x9d: {  	[timem:s7], [sflag:s22] =	dma.local [hbm:s5], s20  }
0x9e: {  	_ =	swait.ge [sflag:s22], s20  }
0x9f: {  	s4 =	ssub.s32 $0x0, s20;
	[sflag:s22] =	ssyncset.done $0x0  }
0xa0: {  	[sflag:s22] =	ssyncadd.s32 s4;
	_ =	sdelay $0x1  }
0xa1: {  	s23 =	simm.s32 $0x1B8B  }
0xa2: {  	_ =	swait.ge [sflag:s23], $0x1  }
0xa3: {  	[sflag:s23] =	ssyncset.done $0x0  }
0xa4: {  	s25 =	simm.s32 $0x1B8E;
	s24 =	sld [smem:$0x3FFE];
	[sflag:s23] =	ssyncadd.s32 $0xFFFFFFFF  }
0xa5: {  	s26 =	simm.s32 $execute0_lowered;
	[smem:$0x3FD2] =	sst s25  }
0xa6: {  	s5 =	sshll.u32 s26, $0x1;
	_ =	strace $0x80000049;
	[dreg:$0x1] =	wrdreg $0xFFFFFFFF  }
0xa7: {  	s28 =	simm.s32 $_size_execute0_lowered;
	s3 =	sadd.s32 s3, s5;
	[dreg:$0x0] =	wrdreg $0x0  }
0xa8: {  	s5 =	sshll.u32 s28, $0x1;
	[dreg:$0x2] =	wrdreg s3  }
0xa9: {  	[dreg:$0x3] =	wrdreg s5  }
0xaa: {  	[dreg:$0x4] =	wrdreg $0xC0  }
0xab: {  	_ =	task [dreg:s7], $0x5FFFF  }
0xac: {  	[dreg:$0x1] =	wrdreg $0xFFFFFFFF  }
0xad: {  	[dreg:$0x0] =	wrdreg $0x60  }
0xae: {  	[dreg:$0x2] =	wrdreg s2  }
0xaf: {  	[dreg:$0x3] =	wrdreg s24  }
0xb0: {  	[dreg:$0x4] =	wrdreg $0x0  }
0xb1: {  	[dreg:$0x5] =	wrdreg $0x9  }
0xb2: {  	_ =	task.clear_ibuf [dreg:s7], $0x6FFFF;
	_ =	strace $0x90000049  }
0xb3: {  	s29 =	simm.s32 $0x9;
	_ =	strace $0x8000004B  }
0xb4: {  	_ =	swait.ge [sflag:s29], $0x1  }
0xb5: {  	[sflag:s29] =	ssyncadd.s32 $0xFFFFFFFF  }
0xb6: {  	_ =	strace $0x9000004B  }
0xb7: {  	_ =	sfence  }
0xb8: {  	s30 =	sld [smem:$0x0];
	_ =	sdelay $0x2  }
0xb9: {  	s31 =	sshll.u32 s1, $0xD;
	s1 =	sshrl.u32 s1, $0x2  }
0xba: {  	s3 =	sand.u32 $0x4000, s31;
	s1 =	sadd.s32 s1, s30  }
0xbb: {  	s0 =	sor.u32 s3, s0;
	s1 =	sshll.u32 s1, $0x11  }
0xbc: {  	s0 =	sor.u32 s1, s0  }
0xbd: {  	s0 =	sadd.s32 $0x8F2B, s0  }
0xbe: {  	[sflag:s0] =	ssyncadd.remote.s32 $0x1  }
0xbf: {  	_ =	sfence.sel $0xFFFF  }
0xc0: {  	[dreg:$0x0] =	wrdreg $0xFFFFFFFF;
	(pc) =	sbr.abs _section_cstart, $3  }
0xc1: {  	[dreg:$0x1] =	wrdreg $0xFFFFFFFF  }
0xc2: {  	_ =	task.clear_ibuf [dreg:s7], $0x2FFFF;
	_ =	strace $0x9FFFFFFF  }
0xc3: {  	(tm) =	ssettm $0x7FFFFFFF  }
tec
execute0_lowered:
.L_overlay_start_1:
0x0: {  	(tag) =	ssettag $0x1  }
0x1: {  	s1 =	rddreg [dreg:$0x0]  }
0x2: {  	s0 =	rddreg [dreg:$0x1]  }
0x3: {  	s4 =	rddreg [dreg:$0x2];
	s6 =	simm.s32 $0x0;
	s2 =	srdreg.scid  }
0x4: {  	s5 =	stileid.u32;
	[smem:$0x7FF] =	sst s6;
	s3 =	sadd.s32 $0x6E4E00, s0  }
0x5: {  	s2 =	sand.u32 $0x1, s2;
	_ =	strace $0x8000004A;
	[dreg:$0x7] =	wrdreg s3  }
0x6: {  	s8 =	smul.u32 $0x1C000, s5;
	s24 =	sadd.s32 $0x6E6600, s0;
	[dreg:$0x5] =	wrdreg s2  }
0x7: {  	s7 =	sadd.s32 $0x498C00, s0;
	s0 =	sadd.s32 $0x6E4E80, s0;
	[dreg:$0x8] =	wrdreg s24  }
0x8: {  	[dreg:$0xa] =	wrdreg s0  }
0x9: {  	[dreg:$0x6] =	wrdreg s8;
	s4 =	sadd.s32 s8, s4  }
0xa: {  	s26 =	sadd.s32 $0x1000, s4;
	[dreg:$0x9] =	wrdreg s4  }
0xb: {  	s28 =	sadd.s32 $0x2000, s4;
	[dreg:$0xb] =	wrdreg s26  }
0xc: {  	s29 =	sadd.s32 $0x3000, s4;
	[dreg:$0xc] =	wrdreg s28  }
0xd: {  	s30 =	sadd.s32 $0x4000, s4;
	[dreg:$0xd] =	wrdreg s29  }
0xe: {  	s31 =	sadd.s32 $0x5000, s4;
	[dreg:$0xe] =	wrdreg s30  }
0xf: {  	s3 =	sadd.s32 $0x6000, s4;
	[dreg:$0xf] =	wrdreg s31  }
0x10: {  	s8 =	sadd.s32 $0x7000, s4;
	[dreg:$0x10] =	wrdreg s3  }
0x11: {  	s9 =	sadd.s32 $0x8000, s4;
	[dreg:$0x11] =	wrdreg s8  }
0x12: {  	s10 =	sadd.s32 $0x9000, s4;
	[dreg:$0x12] =	wrdreg s9  }
0x13: {  	s11 =	sadd.s32 $0xA000, s4;
	[dreg:$0x13] =	wrdreg s10  }
0x14: {  	s12 =	sadd.s32 $0xB000, s4;
	[dreg:$0x14] =	wrdreg s11  }
0x15: {  	s13 =	sadd.s32 $0xC000, s4;
	[dreg:$0x15] =	wrdreg s12  }
0x16: {  	s14 =	sadd.s32 $0xD000, s4;
	[dreg:$0x16] =	wrdreg s13  }
0x17: {  	s16 =	sadd.s32 $0xE000, s4;
	[dreg:$0x17] =	wrdreg s14  }
0x18: {  	s17 =	sadd.s32 $0xF000, s4;
	[dreg:$0x19] =	wrdreg s16  }
0x19: {  	s18 =	sadd.s32 $0x10000, s4;
	[dreg:$0x1a] =	wrdreg s17  }
0x1a: {  	s19 =	sadd.s32 $0x11000, s4;
	[dreg:$0x1b] =	wrdreg s18  }
0x1b: {  	s20 =	sadd.s32 $0x12000, s4;
	[dreg:$0x1c] =	wrdreg s19  }
0x1c: {  	s21 =	sadd.s32 $0x13000, s4;
	[dreg:$0x1d] =	wrdreg s20  }
0x1d: {  	s22 =	sadd.s32 $0x14000, s4;
	[dreg:$0x1e] =	wrdreg s21  }
0x1e: {  	s2 =	ssub.s32 $0x2, s2;
	s23 =	sadd.s32 $0x15000, s4;
	[dreg:$0x1f] =	wrdreg s22  }
0x1f: {  	s25 =	sshrl.u32 s2, $0x1;
	s24 =	sadd.s32 $0x16000, s4;
	[smem:$0x7F6] =	sst s23  }
0x20: {  	s2 =	ssub.s32 s2, s25;
	s25 =	sadd.s32 $0x17000, s4;
	[smem:$0x7F7] =	sst s24  }
0x21: {  	s15 =	smax.u32 s2, $0x1;
	[smem:$0x7F8] =	sst s25  }
0x22: {  	s26 =	sadd.s32 $0x18000, s4;
	[dreg:$0x18] =	wrdreg s15  }
.Ltmp0:
0x23: {  	s28 =	sadd.s32 $0x19000, s4;
	[smem:$0x7F9] =	sst s26;
	(pc) =	sbr.rel .LBB2_1-.Ltmp0, $4  }
0x24: {  	s29 =	sadd.s32 $0x1A000, s4;
	[smem:$0x7FA] =	sst s28  }
0x25: {  	s30 =	sadd.s32 $0x1B000, s4;
	[smem:$0x7FB] =	sst s29  }
0x26: {  	s31 =	sshll.u32 s5, $0x6;
	[smem:$0x7FC] =	sst s30  }
0x27: {  	v0 =	vimm.f32 $0.0e+00;
	v1 =	vlaneseq.u32;
	v2 =	vimm.s32 $0x40000000;
	s13 =	simm.s32 $0x3;
	[smem:$0x7FD] =	sst s31  }
.LBB2_54:
0x28: {  	s6 =	rddreg [dreg:$0x4]  }
0x29: {  	s0 =	rddreg [dreg:$0x18];
	s6 =	sadd.s32 $0x1, s6  }
0x2a: {  	p0 =	sne.s32 s6, s0  }
.Ltmp1:
0x2b: {  	_ = 	snop;
	(pc) =	sbr.rel @!p0 .LBB2_55-.Ltmp1, $1  }
0x2c: {  	_ =	sdelay $0x3  }
.LBB2_1:
0x2d: {  	[dreg:$0x4] =	wrdreg s6;
	s0 =	simm.s32 $0x40;
	s2 =	simm.s32 $0x0  }
.LBB2_2:
0x2e: {  	p0 =	sne.s32 s0, $0x3FC0;
	[tilespmem:s2+$0x1E800] =	vst v0;
	s2 =	smov.u32 s0;
	s0 =	sadd.s32 $0x40, s0  }
.Ltmp2:
0x2f: {  	(pc) =	sbr.rel @p0 .LBB2_2-.Ltmp2, $2  }
0x30: {  	_ =	sdelay $0x2  }
0x31: {  	s2 =	sshra.s32 s2, $0x2  }
.Ltmp3:
0x32: {  	(pc) =	sbr.rel .LBB2_4-.Ltmp3, $2  }
0x33: {  	_ =	sdelay $0x2  }
0x34: {  	[tilespmem:s2+$0x1E800] =	vst v0;
	s0 =	simm.s32 $0x0  }
.LBB2_53:
0x35: {  	s0 =	sld [smem:$0x7F5];
	_ =	sdelay $0x2  }
0x36: {  	s2 =	rddreg [dreg:$0x6];
	[bflag:$0x0] =	sbarrier.arrive $0xFFFF;
	s0 =	smul.u32 $0x1C0000, s0  }
0x37: {  	s30 =	sld [smem:$0x7FD]  }
0x38: {  	s29 =	rddreg [dreg:$0x8];
	s0 =	sadd.s32 s2, s0  }
0x39: {  	s4 =	rddreg [dreg:$0x9];
	s0 =	sshrl.u32 s0, $0x3  }
0x3a: {  	s3 =	sshrl.u32 s4, $0x3;
	s2 =	sor.u32 $0x1C03, s30;
	s0 =	sadd.s32 s29, s0  }
0x3b: {  	[hbm:s0], [sflag:s2] =	dma.local [spmem:s3], $0x3800  }
0x3c: {  	_ =	swait.ge [sflag:s13], $0x3800  }
0x3d: {  	s31 =	sld [smem:$0x7F4];
	_ =	sdelay $0x2  }
0x3e: {  	s0 =	sadd.s32 $0x1, s31  }
0x3f: {  	p0 =	sne.s32 s0, $0x15  }
.Ltmp4:
0x40: {  	_ = 	snop;
	(pc) =	sbr.rel @!p0 .LBB2_54-.Ltmp4, $3  }
0x41: {  	_ =	sdelay $0x1  }
0x42: {  	[sflag:s13] =	ssyncset.done $0x0  }
0x43: {  	[sflag:s13] =	ssyncadd.s32 $0xFFFFC800  }
.LBB2_4:
0x44: {  	[smem:$0x7F4] =	sst s0  }
0x45: {  	s25 =	sshll.u32 s0, $0x1;
	s2 =	rddreg [dreg:$0x5]  }
0x46: {  	s26 =	rddreg [dreg:$0x7];
	s0 =	sor.u32 s2, s25  }
0x47: {  	[smem:$0x7F5] =	sst s0;
	s0 =	sshll.u32 s0, $0x7  }
0x48: {  	s3 =	simm.s32 $0x1C000;
	s5 =	simm.s32 $0x0;
	s2 =	sadd.s32 s26, s0  }
0x49: {  	[tilespmem:s3], [sflag:$0x3] =	stream.linear.gather [hbm4b:s2+s5], $0x400, $0x38;
	[tilespmem:$0x1F800] =	vst v63  }
0x4a: {  	_ =	swait.ge [sflag:s13], $0x400  }
0x4b: {  	[sflag:s13] =	ssyncset.done $0x0;
	s28 =	rddreg [dreg:$0xa]  }
0x4c: {  	s29 =	simm.s32 $0x1C400;
	[sflag:s13] =	ssyncadd.s32 $0xFFFFFC00;
	s0 =	sadd.s32 s0, s28  }
0x4d: {  	[tilespmem:s29], [sflag:$0x3] =	stream.linear.gather [hbm4b:s0+s5], $0x400, $0x38;
	[tilespmem:$0x1F800] =	vst v63  }
0x4e: {  	_ =	swait.ge [sflag:s13], $0x400  }
0x4f: {  	[sflag:s13] =	ssyncset.done $0x0  }
0x50: {  	s2 =	simm.s32 $0x1E800;
	s30 =	rddreg [dreg:$0xb];
	[sflag:s13] =	ssyncadd.s32 $0xFFFFFC00  }
0x51: {  	[spmem:s4] =	stream.linear.scatter [tilespmem:s2], [sflag:$0x2], $0x1000, $0x38;
	[tilespmem:$0x1F800] =	vst v63  }
0x52: {  	s31 =	rddreg [dreg:$0xc]  }
0x53: {  	[spmem:s30] =	stream.linear.scatter [tilespmem:s2], [sflag:$0x2], $0x1000, $0x38;
	[tilespmem:$0x1F800] =	vst v63  }
0x54: {  	s3 =	rddreg [dreg:$0xd]  }
0x55: {  	[spmem:s31] =	stream.linear.scatter [tilespmem:s2], [sflag:$0x2], $0x1000, $0x38;
	[tilespmem:$0x1F800] =	vst v63  }
0x56: {  	s5 =	rddreg [dreg:$0xf]  }
0x57: {  	[spmem:s3] =	stream.linear.scatter [tilespmem:s2], [sflag:$0x2], $0x1000, $0x38;
	[tilespmem:$0x1F800] =	vst v63  }
0x58: {  	s4 =	rddreg [dreg:$0xe]  }
0x59: {  	[spmem:s4] =	stream.linear.scatter [tilespmem:s2], [sflag:$0x2], $0x1000, $0x38;
	[tilespmem:$0x1F800] =	vst v63  }
0x5a: {  	s6 =	rddreg [dreg:$0x10]  }
0x5b: {  	[spmem:s5] =	stream.linear.scatter [tilespmem:s2], [sflag:$0x2], $0x1000, $0x38;
	[tilespmem:$0x1F800] =	vst v63  }
0x5c: {  	s8 =	rddreg [dreg:$0x11]  }
0x5d: {  	[spmem:s6] =	stream.linear.scatter [tilespmem:s2], [sflag:$0x2], $0x1000, $0x38;
	[tilespmem:$0x1F800] =	vst v63  }
0x5e: {  	s9 =	rddreg [dreg:$0x12]  }
0x5f: {  	[spmem:s8] =	stream.linear.scatter [tilespmem:s2], [sflag:$0x2], $0x1000, $0x38;
	[tilespmem:$0x1F800] =	vst v63  }
0x60: {  	s10 =	rddreg [dreg:$0x13]  }
0x61: {  	[spmem:s9] =	stream.linear.scatter [tilespmem:s2], [sflag:$0x2], $0x1000, $0x38;
	[tilespmem:$0x1F800] =	vst v63  }
0x62: {  	s11 =	rddreg [dreg:$0x14]  }
0x63: {  	[spmem:s10] =	stream.linear.scatter [tilespmem:s2], [sflag:$0x2], $0x1000, $0x38;
	[tilespmem:$0x1F800] =	vst v63  }
0x64: {  	s12 =	rddreg [dreg:$0x15]  }
0x65: {  	[spmem:s11] =	stream.linear.scatter [tilespmem:s2], [sflag:$0x2], $0x1000, $0x38;
	[tilespmem:$0x1F800] =	vst v63  }
0x66: {  	s14 =	rddreg [dreg:$0x16]  }
0x67: {  	[spmem:s12] =	stream.linear.scatter [tilespmem:s2], [sflag:$0x2], $0x1000, $0x38;
	[tilespmem:$0x1F800] =	vst v63  }
0x68: {  	s15 =	rddreg [dreg:$0x17]  }
0x69: {  	[spmem:s14] =	stream.linear.scatter [tilespmem:s2], [sflag:$0x2], $0x1000, $0x38;
	[tilespmem:$0x1F800] =	vst v63  }
0x6a: {  	s16 =	rddreg [dreg:$0x19]  }
0x6b: {  	[spmem:s15] =	stream.linear.scatter [tilespmem:s2], [sflag:$0x2], $0x1000, $0x38;
	[tilespmem:$0x1F800] =	vst v63  }
0x6c: {  	s17 =	rddreg [dreg:$0x1a]  }
0x6d: {  	[spmem:s16] =	stream.linear.scatter [tilespmem:s2], [sflag:$0x2], $0x1000, $0x38;
	[tilespmem:$0x1F800] =	vst v63  }
0x6e: {  	s18 =	rddreg [dreg:$0x1b]  }
0x6f: {  	[spmem:s17] =	stream.linear.scatter [tilespmem:s2], [sflag:$0x2], $0x1000, $0x38;
	[tilespmem:$0x1F800] =	vst v63  }
0x70: {  	s19 =	rddreg [dreg:$0x1c]  }
0x71: {  	[spmem:s18] =	stream.linear.scatter [tilespmem:s2], [sflag:$0x2], $0x1000, $0x38;
	[tilespmem:$0x1F800] =	vst v63  }
0x72: {  	s20 =	rddreg [dreg:$0x1d]  }
0x73: {  	[spmem:s19] =	stream.linear.scatter [tilespmem:s2], [sflag:$0x2], $0x1000, $0x38;
	[tilespmem:$0x1F800] =	vst v63  }
0x74: {  	s21 =	rddreg [dreg:$0x1e]  }
0x75: {  	[spmem:s20] =	stream.linear.scatter [tilespmem:s2], [sflag:$0x2], $0x1000, $0x38;
	[tilespmem:$0x1F800] =	vst v63  }
0x76: {  	s22 =	rddreg [dreg:$0x1f]  }
0x77: {  	[spmem:s21] =	stream.linear.scatter [tilespmem:s2], [sflag:$0x2], $0x1000, $0x38;
	[tilespmem:$0x1F800] =	vst v63  }
0x78: {  	s23 =	sld [smem:$0x7F6]  }
0x79: {  	[spmem:s22] =	stream.linear.scatter [tilespmem:s2], [sflag:$0x2], $0x1000, $0x38;
	[tilespmem:$0x1F800] =	vst v63  }
0x7a: {  	s24 =	sld [smem:$0x7F7]  }
0x7b: {  	[spmem:s23] =	stream.linear.scatter [tilespmem:s2], [sflag:$0x2], $0x1000, $0x38;
	[tilespmem:$0x1F800] =	vst v63  }
0x7c: {  	s25 =	sld [smem:$0x7F8]  }
0x7d: {  	[spmem:s24] =	stream.linear.scatter [tilespmem:s2], [sflag:$0x2], $0x1000, $0x38;
	[tilespmem:$0x1F800] =	vst v63  }
0x7e: {  	s26 =	sld [smem:$0x7F9]  }
0x7f: {  	[spmem:s25] =	stream.linear.scatter [tilespmem:s2], [sflag:$0x2], $0x1000, $0x38;
	[tilespmem:$0x1F800] =	vst v63  }
0x80: {  	s28 =	sld [smem:$0x7FA]  }
0x81: {  	[spmem:s26] =	stream.linear.scatter [tilespmem:s2], [sflag:$0x2], $0x1000, $0x38;
	[tilespmem:$0x1F800] =	vst v63  }
0x82: {  	s29 =	sld [smem:$0x7FB]  }
0x83: {  	[spmem:s28] =	stream.linear.scatter [tilespmem:s2], [sflag:$0x2], $0x1000, $0x38;
	[tilespmem:$0x1F800] =	vst v63  }
0x84: {  	s30 =	sld [smem:$0x7FC]  }
0x85: {  	[spmem:s29] =	stream.linear.scatter [tilespmem:s2], [sflag:$0x2], $0x1000, $0x38;
	[tilespmem:$0x1F800] =	vst v63  }
0x86: {  	s31 =	simm.s32 $0x2  }
0x87: {  	[spmem:s30] =	stream.linear.scatter [tilespmem:s2], [sflag:$0x2], $0x1000, $0x38;
	[tilespmem:$0x1F800] =	vst v63  }
0x88: {  	_ =	swait.ge [sflag:s31], $0x1000  }
0x89: {  	[sflag:s31] =	ssyncset.done $0x0  }
0x8a: {  	[sflag:s31] =	ssyncadd.s32 $0xFFFFF000  }
0x8b: {  	_ =	swait.ge [sflag:s31], $0x1000  }
0x8c: {  	[sflag:s31] =	ssyncset.done $0x0  }
0x8d: {  	[sflag:s31] =	ssyncadd.s32 $0xFFFFF000  }
0x8e: {  	_ =	swait.ge [sflag:s31], $0x1000  }
0x8f: {  	[sflag:s31] =	ssyncset.done $0x0  }
0x90: {  	[sflag:s31] =	ssyncadd.s32 $0xFFFFF000  }
0x91: {  	_ =	swait.ge [sflag:s31], $0x1000  }
0x92: {  	[sflag:s31] =	ssyncset.done $0x0  }
0x93: {  	[sflag:s31] =	ssyncadd.s32 $0xFFFFF000  }
0x94: {  	_ =	swait.ge [sflag:s31], $0x1000  }
0x95: {  	[sflag:s31] =	ssyncset.done $0x0  }
0x96: {  	[sflag:s31] =	ssyncadd.s32 $0xFFFFF000  }
0x97: {  	_ =	swait.ge [sflag:s31], $0x1000  }
0x98: {  	[sflag:s31] =	ssyncset.done $0x0  }
0x99: {  	[sflag:s31] =	ssyncadd.s32 $0xFFFFF000  }
0x9a: {  	_ =	swait.ge [sflag:s31], $0x1000  }
0x9b: {  	[sflag:s31] =	ssyncset.done $0x0  }
0x9c: {  	[sflag:s31] =	ssyncadd.s32 $0xFFFFF000  }
0x9d: {  	_ =	swait.ge [sflag:s31], $0x1000  }
0x9e: {  	[sflag:s31] =	ssyncset.done $0x0  }
0x9f: {  	[sflag:s31] =	ssyncadd.s32 $0xFFFFF000  }
0xa0: {  	_ =	swait.ge [sflag:s31], $0x1000  }
0xa1: {  	[sflag:s31] =	ssyncset.done $0x0  }
0xa2: {  	[sflag:s31] =	ssyncadd.s32 $0xFFFFF000  }
0xa3: {  	_ =	swait.ge [sflag:s31], $0x1000  }
0xa4: {  	[sflag:s31] =	ssyncset.done $0x0  }
0xa5: {  	[sflag:s31] =	ssyncadd.s32 $0xFFFFF000  }
0xa6: {  	_ =	swait.ge [sflag:s31], $0x1000  }
0xa7: {  	[sflag:s31] =	ssyncset.done $0x0  }
0xa8: {  	[sflag:s31] =	ssyncadd.s32 $0xFFFFF000  }
0xa9: {  	_ =	swait.ge [sflag:s31], $0x1000  }
0xaa: {  	[sflag:s31] =	ssyncset.done $0x0  }
0xab: {  	[sflag:s31] =	ssyncadd.s32 $0xFFFFF000  }
0xac: {  	_ =	swait.ge [sflag:s31], $0x1000  }
0xad: {  	[sflag:s31] =	ssyncset.done $0x0  }
0xae: {  	[sflag:s31] =	ssyncadd.s32 $0xFFFFF000  }
0xaf: {  	_ =	swait.ge [sflag:s31], $0x1000  }
0xb0: {  	[sflag:s31] =	ssyncset.done $0x0  }
0xb1: {  	[sflag:s31] =	ssyncadd.s32 $0xFFFFF000  }
0xb2: {  	_ =	swait.ge [sflag:s31], $0x1000  }
0xb3: {  	[sflag:s31] =	ssyncset.done $0x0  }
0xb4: {  	[sflag:s31] =	ssyncadd.s32 $0xFFFFF000  }
0xb5: {  	_ =	swait.ge [sflag:s31], $0x1000  }
0xb6: {  	[sflag:s31] =	ssyncset.done $0x0  }
0xb7: {  	[sflag:s31] =	ssyncadd.s32 $0xFFFFF000  }
0xb8: {  	_ =	swait.ge [sflag:s31], $0x1000  }
0xb9: {  	[sflag:s31] =	ssyncset.done $0x0  }
0xba: {  	[sflag:s31] =	ssyncadd.s32 $0xFFFFF000  }
0xbb: {  	_ =	swait.ge [sflag:s31], $0x1000  }
0xbc: {  	[sflag:s31] =	ssyncset.done $0x0  }
0xbd: {  	[sflag:s31] =	ssyncadd.s32 $0xFFFFF000  }
0xbe: {  	_ =	swait.ge [sflag:s31], $0x1000  }
0xbf: {  	[sflag:s31] =	ssyncset.done $0x0  }
0xc0: {  	[sflag:s31] =	ssyncadd.s32 $0xFFFFF000  }
0xc1: {  	_ =	swait.ge [sflag:s31], $0x1000  }
0xc2: {  	[sflag:s31] =	ssyncset.done $0x0  }
0xc3: {  	[sflag:s31] =	ssyncadd.s32 $0xFFFFF000  }
0xc4: {  	_ =	swait.ge [sflag:s31], $0x1000  }
0xc5: {  	[sflag:s31] =	ssyncset.done $0x0  }
0xc6: {  	[sflag:s31] =	ssyncadd.s32 $0xFFFFF000  }
0xc7: {  	_ =	swait.ge [sflag:s31], $0x1000  }
0xc8: {  	[sflag:s31] =	ssyncset.done $0x0  }
0xc9: {  	[sflag:s31] =	ssyncadd.s32 $0xFFFFF000  }
0xca: {  	_ =	swait.ge [sflag:s31], $0x1000  }
0xcb: {  	[sflag:s31] =	ssyncset.done $0x0  }
0xcc: {  	[sflag:s31] =	ssyncadd.s32 $0xFFFFF000  }
0xcd: {  	_ =	swait.ge [sflag:s31], $0x1000  }
0xce: {  	[sflag:s31] =	ssyncset.done $0x0  }
0xcf: {  	[sflag:s31] =	ssyncadd.s32 $0xFFFFF000  }
0xd0: {  	_ =	swait.ge [sflag:s31], $0x1000  }
0xd1: {  	[sflag:s31] =	ssyncset.done $0x0  }
0xd2: {  	[sflag:s31] =	ssyncadd.s32 $0xFFFFF000  }
0xd3: {  	_ =	swait.ge [sflag:s31], $0x1000  }
0xd4: {  	[sflag:s31] =	ssyncset.done $0x0  }
0xd5: {  	[sflag:s31] =	ssyncadd.s32 $0xFFFFF000  }
0xd6: {  	_ =	swait.ge [sflag:s31], $0x1000  }
0xd7: {  	[sflag:s31] =	ssyncset.done $0x0  }
0xd8: {  	[sflag:s31] =	ssyncadd.s32 $0xFFFFF000  }
.Ltmp5:
0xd9: {  	_ =	swait.ge [sflag:s31], $0x1000;
	(pc) =	sbr.rel .LBB2_5-.Ltmp5, $4  }
0xda: {  	[sflag:s31] =	ssyncset.done $0x0  }
0xdb: {  	[sflag:s31] =	ssyncadd.s32 $0xFFFFF000  }
0xdc: {  	[bflag:$0x0] =	sbarrier.arrive $0xFFFF  }
0xdd: {  	s4 =	simm.s32 $0x0  }
.LBB2_52:
0xde: {  	s4 =	sld [smem:$0x7ED];
	_ =	sdelay $0x2  }
0xdf: {  	s4 =	sadd.s32 $0x1, s4  }
0xe0: {  	p0 =	sne.s32 s4, $0x10  }
.Ltmp6:
0xe1: {  	_ = 	snop;
	(pc) =	sbr.rel @!p0 .LBB2_53-.Ltmp6, $1  }
0xe2: {  	_ =	sdelay $0x3  }
.LBB2_5:
0xe3: {  	s3 =	sld [smem:$0x7FD]  }
0xe4: {  	s0 =	sshll.u32 s4, $0x2  }
0xe5: {  	s2 =	sand.u32 $0x30, s0  }
0xe6: {  	s2 =	sor.u32 s3, s2  }
0xe7: {  	v3 =	vld [tilespmem:s2+$0x1C000]  }
0xe8: {  	v4 =	vld [tilespmem:s2+$0x1C400]  }
0xe9: {  	s17 =	sand.u32 $0xC, s0  }
0xea: {  	s18 =	sor.u32 $0x1, s0;
	v5 =	vmov s17  }
0xeb: {  	s19 =	sand.u32 $0xD, s18;
	vm0 =	veq.s32 v5, v1  }
0xec: {  	s6 =	sor.u32 $0x2, s0;
	v6 =	vmov s19;
	v5 =	vnsel vm0, $0x0, v3  }
0xed: {  	s20 =	sand.u32 $0xE, s6;
	vm13 =	veq.s32 v6, v1;
	v54 =	vnsel vm0, $0x0, v4;
	(xrf0) =	vadd.scan.msk.s32 $0xffff, v5  }
0xee: {  	s8 =	sshllo.u32 s4, $0x2;
	v56 =	vmov s20;
	v55 =	vnsel vm13, $0x0, v3;
	(xrf0) =	vadd.scan.msk.s32 $0xffff, v54  }
0xef: {  	s21 =	sand.u32 $0xF, s8;
	vm14 =	veq.s32 v56, v1;
	v57 =	vnsel vm13, $0x0, v4;
	(xrf0) =	vadd.scan.msk.s32 $0xffff, v55  }
0xf0: {  	v59 =	vmov s21;
	v58 =	vnsel vm14, $0x0, v3;
	(xrf0) =	vadd.scan.msk.s32 $0xffff, v57  }
0xf1: {  	vm15 =	veq.s32 v59, v1;
	(xrf0) =	vadd.scan.msk.s32 $0xffff, v58  }
0xf2: {  	v6 =	vnsel vm14, $0x0, v4;
	v3 =	vnsel vm15, $0x0, v3  }
0xf3: {  	v60, _, _ =	vpop (xrf0);
	(xrf0) =	vadd.scan.msk.s32 $0xffff, v6  }
0xf4: {  	(v2sf) =	vpush v60, $0xF;
	v61, _, _ =	vpop (xrf0)  }
0xf5: {  	(xrf0) =	vadd.scan.msk.s32 $0xffff, v3;
	v3, _, _ =	vpop (xrf0);
	(v2sf) =	vpush v61, $0xF  }
0xf6: {  	v62, _, _ =	vpop (xrf0);
	(v2sf) =	vpush v3, $0xF  }
0xf7: {  	v3, _, _ =	vpop (xrf0);
	(v2sf) =	vpush v62, $0xF  }
0xf8: {  	(v2sf) =	vpush v3, $0xF;
	v3 =	vnsel vm15, $0x0, v4  }
0xf9: {  	v63, _, _ =	vpop (xrf0);
	(xrf0) =	vadd.scan.msk.s32 $0xffff, v3;
	_ =	sdelay $0x4  }
0xfa: {  	(v2sf) =	vpush v63, $0xF;
	v3, _, _ =	vpop (xrf0)  }
0xfb: {  	(v2sf) =	vpush v3, $0xF;
	v3, _, _ =	vpop (xrf0)  }
0xfc: {  	(v2sf) =	vpush v3, $0xF;
	_ =	sdelay $0x2  }
0xfd: {  	[smem:$0x7ED] =	sst s4;
	s0 =	sand.u32 $0x1C, s0  }
0xfe: {  	s24 =	sand.u32 $0x1F, s8;
	p1 =	slt.u32 s0, $0x15;
	s23 =	sand.u32 $0x1E, s6  }
0xff: {  	p2 =	slt.u32 s24, $0x15;
	s2 =	sand.u32 $0x1D, s18;
	s3 =	spop (v2sf)  }
0x100: {  	p0 =	slt.u32 s2, $0x15;
	s4 =	spop (v2sf);
	s3 =	simm.s32 @!p1 $0x0  }
0x101: {  	s5 =	spop (v2sf);
	s4 =	simm.s32 @!p1 $0x0;
	[smem:$0x7EE] =	sst s3  }
0x102: {  	s30 =	sand.u32 $0xFFFFFFF0, s3;
	s9 =	spop (v2sf);
	[smem:$0x7EF] =	sst s4  }
0x103: {  	s0 =	ssub.s32 s4, s30;
	s5 =	simm.s32 @!p0 $0x0;
	s29 =	spop (v2sf)  }
0x104: {  	s22 =	sadd.s32 $0x3FF, s0;
	s9 =	simm.s32 @!p0 $0x0;
	[smem:$0x7F0] =	sst s5  }
0x105: {  	s4 =	sand.u32 $0xFFFFFFF0, s5;
	s25 =	sshrl.u32 s22, $0xA;
	[smem:$0x7F1] =	sst s9  }
0x106: {  	s5 =	ssub.s32 s9, s4;
	s25 =	simm.s32 @!p1 $0x0;
	p1 =	slt.u32 s23, $0x15  }
0x107: {  	s11 =	spop (v2sf);
	s10 =	sadd.s32 $0x3FF, s5;
	s29 =	simm.s32 @!p1 $0x0  }
0x108: {  	s11 =	simm.s32 @!p1 $0x0;
	s3 =	spop (v2sf);
	s6 =	sand.u32 $0xFFFFFFF0, s29  }
0x109: {  	[smem:$0x7F2] =	sst s11;
	s3 =	simm.s32 @!p2 $0x0;
	s8 =	spop (v2sf)  }
0x10a: {  	s9 =	ssub.s32 s11, s6;
	s11 =	sand.u32 $0xFFFFFFF0, s3;
	s8 =	simm.s32 @!p2 $0x0  }
0x10b: {  	s19 =	sshrl.u32 s10, $0xA;
	s26 =	sadd.s32 $0x3FF, s9;
	s10 =	ssub.s32 s8, s11  }
0x10c: {  	s19 =	simm.s32 @!p0 $0x0;
	s21 =	sshrl.u32 s26, $0xA;
	s28 =	sadd.s32 $0x3FF, s10  }
0x10d: {  	s31 =	smax.u32 s25, s19;
	s21 =	simm.s32 @!p1 $0x0;
	s20 =	sshrl.u32 s28, $0xA  }
0x10e: {  	s2 =	smax.u32 s31, s21;
	s20 =	simm.s32 @!p2 $0x0  }
0x10f: {  	s14 =	smax.u32 s2, s20  }
0x110: {  	p0 =	seq.s32 s14, $0x0  }
.Ltmp7:
0x111: {  	_ = 	snop;
	(pc) =	sbr.rel @p0 .LBB2_52-.Ltmp7, $2  }
0x112: {  	_ =	sdelay $0x2  }
0x113: {  	[smem:$0x7F3] =	sst s8  }
.Ltmp8:
0x114: {  	s2 =	sld [smem:$0x7EE];
	(pc) =	sbr.rel .LBB2_7-.Ltmp8, $3  }
0x115: {  	s31 =	sld [smem:$0x7F0];
	_ =	sdelay $0x1  }
0x116: {  	s16 =	sand.u32 $0xF, s3;
	s17 =	simm.s32 $0x0  }
0x117: {  	s12 =	sand.u32 $0xF, s2;
	s15 =	sand.u32 $0xF, s31;
	s2 =	sand.u32 $0xF, s29  }
.LBB2_50:
0x118: {  	[tilespmem:s24+$0x1D400] =	vst v5  }
.LBB2_51:
0x119: {  	(ifvalue) =	ssetifvalue $0x40000000  }
0x11a: {  	s8 =	rddreg [dreg:$0x2];
	s18 =	simm.s32 $0x1000;
	s17 =	sadd.s32 $0x1, s17  }
0x11b: {  	s22 =	simm.s32 $0x1C800;
	s23 =	simm.s32 $0x1D800;
	p0 =	sne.s32 s17, s14  }
.Ltmp9:
0x11c: {  	s12 =	sadd.s32 $0xFFFFFC00, s12;
	s15 =	sadd.s32 $0xFFFFFC00, s15;
	(pc) =	sbr.rel @!p0 .LBB2_52-.Ltmp9, $4  }
0x11d: {  	[spmem:s8] =	stream.indirect.scatter.add.f32 [tilespmem:s23], [sflag:$0x3], $0x1, s22, s18, $0x40b8;
	[tilespmem:$0x1F800] =	vst v63  }
0x11e: {  	s2 =	sadd.s32 $0xFFFFFC00, s2;
	s16 =	sadd.s32 $0xFFFFFC00, s16;
	_ =	swait.ge [sflag:s13], $0x1000  }
0x11f: {  	s0 =	sadd.s32 $0xFFFFFC00, s0;
	s5 =	sadd.s32 $0xFFFFFC00, s5;
	[sflag:s13] =	ssyncset.done $0x0  }
0x120: {  	s9 =	sadd.s32 $0xFFFFFC00, s9;
	s10 =	sadd.s32 $0xFFFFFC00, s10;
	[sflag:s13] =	ssyncadd.s32 $0xFFFFF000  }
.LBB2_7:
0x121: {  	s8 =	sshll.u32 s17, $0xA  }
0x122: {  	p3 =	sge.u32 s17, s25;
	s28 =	sadd.s32 s30, s8  }
0x123: {  	p2 =	sge.u32 s17, s19;
	s18 =	sshrl.u32 @!p3 s28, $0x3  }
0x124: {  	s23 =	simm.s32 @!p3 $0x0;
	s24 =	simm.s32 @!p3 $0x1C800;
	s22 =	sadd.s32 @!p3 s1, s18  }
0x125: {  	[tilespmem:s24], [sflag:$0x1] =	stream.linear.gather @!p3 [hbm4b:s22+s23], $0x400, $0x38;
	[tilespmem:$0x1F800] =	vst v63  }
0x126: {  	s18 =	sadd.s32 @!p3 s7, s18;
	s22 =	simm.s32 @!p3 $0x1D800;
	s24 =	sadd.s32 s4, s8  }
0x127: {  	[tilespmem:s22], [sflag:$0x1] =	stream.linear.gather @!p3 [hbm4b:s18+s23], $0x400, $0x38;
	[tilespmem:$0x1F800] =	vst v63  }
0x128: {  	s18 =	sshrl.u32 @!p2 s24, $0x3  }
0x129: {  	s26 =	simm.s32 @!p2 $0x1CC00;
	s23 =	simm.s32 @!p2 $0x0;
	s22 =	sadd.s32 @!p2 s1, s18  }
0x12a: {  	[tilespmem:s26], [sflag:$0x1] =	stream.linear.gather @!p2 [hbm4b:s22+s23], $0x400, $0x38;
	[tilespmem:$0x1F800] =	vst v63  }
0x12b: {  	s18 =	sadd.s32 @!p2 s7, s18;
	s22 =	simm.s32 @!p2 $0x1DC00  }
0x12c: {  	[tilespmem:s22], [sflag:$0x1] =	stream.linear.gather @!p2 [hbm4b:s18+s23], $0x400, $0x38;
	[tilespmem:$0x1F800] =	vst v63  }
0x12d: {  	p1 =	sge.u32 s17, s21;
	s22 =	sadd.s32 s6, s8  }
0x12e: {  	s18 =	sshrl.u32 @!p1 s22, $0x3  }
0x12f: {  	s31 =	simm.s32 @!p1 $0x1D000;
	s26 =	simm.s32 @!p1 $0x0;
	s23 =	sadd.s32 @!p1 s1, s18  }
0x130: {  	[tilespmem:s31], [sflag:$0x1] =	stream.linear.gather @!p1 [hbm4b:s23+s26], $0x400, $0x38;
	[tilespmem:$0x1F800] =	vst v63  }
0x131: {  	s18 =	sadd.s32 @!p1 s7, s18;
	s23 =	simm.s32 @!p1 $0x1E000  }
0x132: {  	[tilespmem:s23], [sflag:$0x1] =	stream.linear.gather @!p1 [hbm4b:s18+s26], $0x400, $0x38;
	[tilespmem:$0x1F800] =	vst v63  }
0x133: {  	p0 =	sge.u32 s17, s20;
	s18 =	sadd.s32 s11, s8  }
0x134: {  	s8 =	sshrl.u32 @!p0 s18, $0x3  }
0x135: {  	s31 =	simm.s32 @!p0 $0x1D400;
	s26 =	simm.s32 @!p0 $0x0;
	s23 =	sadd.s32 @!p0 s1, s8  }
0x136: {  	[tilespmem:s31], [sflag:$0x1] =	stream.linear.gather @!p0 [hbm4b:s23+s26], $0x400, $0x38;
	[tilespmem:$0x1F800] =	vst v63  }
0x137: {  	s8 =	sadd.s32 @!p0 s7, s8;
	s23 =	simm.s32 @!p0 $0x1E400  }
0x138: {  	[tilespmem:s23], [sflag:$0x1] =	stream.linear.gather @!p0 [hbm4b:s8+s26], $0x400, $0x38;
	[tilespmem:$0x1F800] =	vst v63  }
0x139: {  	s8 =	simm.s32 @!p3 $0x1  }
0x13a: {  	_ =	swait.ge @!p3 [sflag:s8], $0x400  }
0x13b: {  	[sflag:s8] =	ssyncset.done @!p3 $0x0  }
0x13c: {  	[sflag:s8] =	ssyncadd.s32 @!p3 $0xFFFFFC00  }
0x13d: {  	_ =	swait.ge @!p3 [sflag:s8], $0x400  }
0x13e: {  	[sflag:s8] =	ssyncset.done @!p3 $0x0  }
0x13f: {  	[sflag:s8] =	ssyncadd.s32 @!p3 $0xFFFFFC00;
	s8 =	simm.s32 @!p2 $0x1  }
0x140: {  	_ =	swait.ge @!p2 [sflag:s8], $0x400  }
0x141: {  	[sflag:s8] =	ssyncset.done @!p2 $0x0  }
0x142: {  	[sflag:s8] =	ssyncadd.s32 @!p2 $0xFFFFFC00  }
0x143: {  	_ =	swait.ge @!p2 [sflag:s8], $0x400  }
0x144: {  	[sflag:s8] =	ssyncset.done @!p2 $0x0  }
0x145: {  	[sflag:s8] =	ssyncadd.s32 @!p2 $0xFFFFFC00;
	s8 =	simm.s32 @!p1 $0x1  }
0x146: {  	_ =	swait.ge @!p1 [sflag:s8], $0x400  }
0x147: {  	[sflag:s8] =	ssyncset.done @!p1 $0x0  }
0x148: {  	[sflag:s8] =	ssyncadd.s32 @!p1 $0xFFFFFC00  }
0x149: {  	_ =	swait.ge @!p1 [sflag:s8], $0x400  }
0x14a: {  	[sflag:s8] =	ssyncset.done @!p1 $0x0  }
0x14b: {  	[sflag:s8] =	ssyncadd.s32 @!p1 $0xFFFFFC00;
	s8 =	simm.s32 @!p0 $0x1  }
0x14c: {  	p3 =	slt.u32 s17, s25;
	_ =	swait.ge @!p0 [sflag:s8], $0x400  }
.Ltmp10:
0x14d: {  	[sflag:s8] =	ssyncset.done @!p0 $0x0;
	(pc) =	sbr.rel @!p3 .LBB2_8-.Ltmp10, $4  }
0x14e: {  	[sflag:s8] =	ssyncadd.s32 @!p0 $0xFFFFFC00  }
0x14f: {  	_ =	swait.ge @!p0 [sflag:s8], $0x400  }
0x150: {  	[sflag:s8] =	ssyncset.done @!p0 $0x0  }
0x151: {  	[sflag:s8] =	ssyncadd.s32 @!p0 $0xFFFFFC00  }
0x152: {  	s8 =	sld [smem:$0x7EE];
	_ =	sdelay $0x2  }
0x153: {  	s31 =	ssub.s32 s8, s28  }
0x154: {  	s26 =	sld [smem:$0x7EF];
	p5 =	slt.s32 s31, $0x1  }
.Ltmp11:
0x155: {  	_ = 	snop;
	(pc) =	sbr.rel @p5 .LBB2_12-.Ltmp11, $4  }
0x156: {  	_ = 	snop  }
0x157: {  	s28 =	ssub.s32 s26, s28  }
0x158: {  	p3 =	sgt.s32 s31, $0x0;
	p4 =	slt.s32 s28, $0x400  }
0x159: {  	s28 =	simm.s32 @!p4 $0x400;
	s31 =	simm.s32 @!p3 $0x0  }
0x15a: {  	p3 =	sgt.s32 s12, $0x0;
	s8 =	smov.u32 s12  }
0x15b: {  	s8 =	simm.s32 @!p3 $0x0  }
0x15c: {  	s23 =	sadd.s32 $0xF, s8  }
0x15d: {  	s23 =	sshrl.u32 s23, $0x4  }
0x15e: {  	s26 =	simm.s32 $0x1C800;
	s23 =	ssub.s32 $0x0, s23  }
0x15f: {  	v5 =	vld [tilespmem:s26+$0x0];
	s23 =	sadd.s32 $0x1, s23  }
0x160: {  	s8 =	simm.s32 $0x0;
	p3 =	seq.s32 s23, $0x0  }
.Ltmp12:
0x161: {  	v3 =	vmov s31;
	v4 =	vmov s28;
	v6 =	vor.u32 s8, v1;
	(pc) =	sbr.rel @p3 .LBB2_12-.Ltmp12, $4  }
0x162: {  	vm0 =	vge.s32 v6, v3;
	vm1 =	vlt.s32 v6, v4  }
0x163: {  	vm0 =	vmand vm0, vm1  }
0x164: {  	v5 =	vnsel vm0, $0x40000000, v5  }
0x165: {  	[tilespmem:s26+$0x0] =	vst v5;
	s26 =	simm.s32 $0x1C810  }
.LBB2_11:
0x166: {  	v5 =	vld [tilespmem:s26+$0x0];
	s23 =	sadd.s32 $0x1, s23  }
0x167: {  	s8 =	sadd.s32 $0x10, s8;
	p3 =	seq.s32 s23, $0x0  }
.Ltmp13:
0x168: {  	v6 =	vor.u32 s8, v1;
	(pc) =	sbr.rel @!p3 .LBB2_11-.Ltmp13, $4  }
0x169: {  	vm0 =	vge.s32 v6, v3;
	vm1 =	vlt.s32 v6, v4  }
0x16a: {  	vm0 =	vmand vm0, vm1  }
0x16b: {  	v5 =	vnsel vm0, $0x40000000, v5  }
0x16c: {  	[tilespmem:s26+$0x0] =	vst v5;
	s26 =	sadd.s32 $0x10, s26  }
.LBB2_12:
0x16d: {  	p3 =	sgt.u32 s28, $0x3FF  }
.Ltmp14:
0x16e: {  	_ = 	snop;
	(pc) =	sbr.rel @p3 .LBB2_15-.Ltmp14, $1  }
0x16f: {  	_ =	sdelay $0x3  }
0x170: {  	p3 =	slt.s32 s0, $0x400;
	s8 =	smov.u32 s0  }
0x171: {  	s8 =	simm.s32 @!p3 $0x400  }
0x172: {  	s23 =	sshll.u32 s8, $0x2  }
0x173: {  	s23 =	sshra.s32 s23, $0x2  }
0x174: {  	s23 =	sand.u32 $0xFFFFFFF0, s23  }
0x175: {  	v3 =	vmov s31;
	s31 =	sshrl.u32 s28, $0x4;
	s26 =	sadd.s32 $0x1C800, s23  }
0x176: {  	v4 =	vmov s28;
	s28 =	ssub.s32 $0x40, s31;
	v5 =	vld [tilespmem:s26+$0x0]  }
0x177: {  	s8 =	sand.u32 $0xFFFFFFF0, s8;
	p3 =	sgt.s32 s28, $0x1  }
.Ltmp15:
0x178: {  	v6 =	vor.u32 s8, v1;
	(pc) =	sbr.rel @!p3 .LBB2_15-.Ltmp15, $4  }
0x179: {  	vm0 =	vge.s32 v6, v3;
	vm1 =	vlt.s32 v6, v4  }
0x17a: {  	vm0 =	vmand vm0, vm1  }
0x17b: {  	v5 =	vnsel vm0, $0x40000000, v5  }
0x17c: {  	s23 =	simm.s32 $0x1;
	[tilespmem:s26+$0x0] =	vst v5;
	s26 =	sadd.s32 $0x10, s26  }
.LBB2_14:
0x17d: {  	v5 =	vld [tilespmem:s26+$0x0];
	s23 =	sadd.s32 $0x1, s23  }
0x17e: {  	s8 =	sadd.s32 $0x10, s8;
	p3 =	slt.s32 s23, s28  }
.Ltmp16:
0x17f: {  	v6 =	vor.u32 s8, v1;
	(pc) =	sbr.rel @p3 .LBB2_14-.Ltmp16, $4  }
0x180: {  	vm0 =	vge.s32 v6, v3;
	vm1 =	vlt.s32 v6, v4  }
0x181: {  	vm0 =	vmand vm0, vm1  }
0x182: {  	v5 =	vnsel vm0, $0x40000000, v5  }
0x183: {  	[tilespmem:s26+$0x0] =	vst v5;
	s26 =	sadd.s32 $0x10, s26  }
.Ltmp17:
0x184: {  	_ = 	snop;
	(pc) =	sbr.rel .LBB2_15-.Ltmp17, $1  }
0x185: {  	_ =	sdelay $0x3  }
.LBB2_8:
0x186: {  	[tilespmem:$0x1C800] =	vst v2  }
0x187: {  	[tilespmem:$0x1C810] =	vst v2  }
0x188: {  	[tilespmem:$0x1C820] =	vst v2  }
0x189: {  	[tilespmem:$0x1C830] =	vst v2  }
0x18a: {  	[tilespmem:$0x1C840] =	vst v2  }
0x18b: {  	[tilespmem:$0x1C850] =	vst v2  }
0x18c: {  	[tilespmem:$0x1C860] =	vst v2  }
0x18d: {  	[tilespmem:$0x1C870] =	vst v2  }
0x18e: {  	[tilespmem:$0x1C880] =	vst v2  }
0x18f: {  	[tilespmem:$0x1C890] =	vst v2  }
0x190: {  	[tilespmem:$0x1C8A0] =	vst v2  }
0x191: {  	[tilespmem:$0x1C8B0] =	vst v2  }
0x192: {  	[tilespmem:$0x1C8C0] =	vst v2  }
0x193: {  	[tilespmem:$0x1C8D0] =	vst v2  }
0x194: {  	[tilespmem:$0x1C8E0] =	vst v2  }
0x195: {  	[tilespmem:$0x1C8F0] =	vst v2  }
0x196: {  	[tilespmem:$0x1C900] =	vst v2  }
0x197: {  	[tilespmem:$0x1C910] =	vst v2  }
0x198: {  	[tilespmem:$0x1C920] =	vst v2  }
0x199: {  	[tilespmem:$0x1C930] =	vst v2  }
0x19a: {  	[tilespmem:$0x1C940] =	vst v2  }
0x19b: {  	[tilespmem:$0x1C950] =	vst v2  }
0x19c: {  	[tilespmem:$0x1C960] =	vst v2  }
0x19d: {  	[tilespmem:$0x1C970] =	vst v2  }
0x19e: {  	[tilespmem:$0x1C980] =	vst v2  }
0x19f: {  	[tilespmem:$0x1C990] =	vst v2  }
0x1a0: {  	[tilespmem:$0x1C9A0] =	vst v2  }
0x1a1: {  	[tilespmem:$0x1C9B0] =	vst v2  }
0x1a2: {  	[tilespmem:$0x1C9C0] =	vst v2  }
0x1a3: {  	[tilespmem:$0x1C9D0] =	vst v2  }
0x1a4: {  	[tilespmem:$0x1C9E0] =	vst v2  }
0x1a5: {  	[tilespmem:$0x1C9F0] =	vst v2  }
0x1a6: {  	[tilespmem:$0x1CA00] =	vst v2  }
0x1a7: {  	[tilespmem:$0x1CA10] =	vst v2  }
0x1a8: {  	[tilespmem:$0x1CA20] =	vst v2  }
0x1a9: {  	[tilespmem:$0x1CA30] =	vst v2  }
0x1aa: {  	[tilespmem:$0x1CA40] =	vst v2  }
0x1ab: {  	[tilespmem:$0x1CA50] =	vst v2  }
0x1ac: {  	[tilespmem:$0x1CA60] =	vst v2  }
0x1ad: {  	[tilespmem:$0x1CA70] =	vst v2  }
0x1ae: {  	[tilespmem:$0x1CA80] =	vst v2  }
0x1af: {  	[tilespmem:$0x1CA90] =	vst v2  }
0x1b0: {  	[tilespmem:$0x1CAA0] =	vst v2  }
0x1b1: {  	[tilespmem:$0x1CAB0] =	vst v2  }
0x1b2: {  	[tilespmem:$0x1CAC0] =	vst v2  }
0x1b3: {  	[tilespmem:$0x1CAD0] =	vst v2  }
0x1b4: {  	[tilespmem:$0x1CAE0] =	vst v2  }
0x1b5: {  	[tilespmem:$0x1CAF0] =	vst v2  }
0x1b6: {  	[tilespmem:$0x1CB00] =	vst v2  }
0x1b7: {  	[tilespmem:$0x1CB10] =	vst v2  }
0x1b8: {  	[tilespmem:$0x1CB20] =	vst v2  }
0x1b9: {  	[tilespmem:$0x1CB30] =	vst v2  }
0x1ba: {  	[tilespmem:$0x1CB40] =	vst v2  }
0x1bb: {  	[tilespmem:$0x1CB50] =	vst v2  }
0x1bc: {  	[tilespmem:$0x1CB60] =	vst v2  }
0x1bd: {  	[tilespmem:$0x1CB70] =	vst v2  }
0x1be: {  	[tilespmem:$0x1CB80] =	vst v2  }
0x1bf: {  	[tilespmem:$0x1CB90] =	vst v2  }
0x1c0: {  	[tilespmem:$0x1CBA0] =	vst v2  }
0x1c1: {  	[tilespmem:$0x1CBB0] =	vst v2  }
0x1c2: {  	[tilespmem:$0x1CBC0] =	vst v2  }
0x1c3: {  	[tilespmem:$0x1CBD0] =	vst v2  }
0x1c4: {  	[tilespmem:$0x1CBE0] =	vst v2  }
0x1c5: {  	[tilespmem:$0x1CBF0] =	vst v2  }
.LBB2_15:
.Ltmp18:
0x1c6: {  	(pc) =	sbr.rel @p2 .LBB2_16-.Ltmp18, $1  }
0x1c7: {  	_ =	sdelay $0x3  }
0x1c8: {  	s8 =	sld [smem:$0x7F0];
	_ =	sdelay $0x2  }
0x1c9: {  	s28 =	ssub.s32 s8, s24  }
0x1ca: {  	s31 =	sld [smem:$0x7F1];
	p4 =	slt.s32 s28, $0x1  }
.Ltmp19:
0x1cb: {  	_ = 	snop;
	(pc) =	sbr.rel @p4 .LBB2_23-.Ltmp19, $4  }
0x1cc: {  	_ = 	snop  }
0x1cd: {  	s24 =	ssub.s32 s31, s24  }
0x1ce: {  	p2 =	sgt.s32 s28, $0x0;
	p3 =	slt.s32 s24, $0x400  }
0x1cf: {  	s24 =	simm.s32 @!p3 $0x400;
	s28 =	simm.s32 @!p2 $0x0  }
0x1d0: {  	p2 =	sgt.s32 s15, $0x0;
	s8 =	smov.u32 s15  }
0x1d1: {  	s8 =	simm.s32 @!p2 $0x0  }
0x1d2: {  	s8 =	sadd.s32 $0xF, s8  }
0x1d3: {  	s8 =	sshrl.u32 s8, $0x4  }
0x1d4: {  	s23 =	simm.s32 $0x0;
	s8 =	ssub.s32 $0x0, s8  }
0x1d5: {  	s31 =	sand.u32 $0xFFFFFFF0, s23;
	s8 =	sadd.s32 $0x1, s8  }
0x1d6: {  	v5 =	vld [tilespmem:s31+$0x1CC00];
	p2 =	seq.s32 s8, $0x0  }
.Ltmp20:
0x1d7: {  	_ = 	snop;
	(pc) =	sbr.rel @p2 .LBB2_22-.Ltmp20, $4  }
0x1d8: {  	v3 =	vmov s28;
	v4 =	vmov s24;
	v6 =	vor.u32 s23, v1  }
0x1d9: {  	vm0 =	vge.s32 v6, v3;
	vm1 =	vlt.s32 v6, v4  }
0x1da: {  	vm0 =	vmand vm0, vm1  }
0x1db: {  	s23 =	simm.s32 $0x10;
	v5 =	vnsel vm0, $0x40000000, v5  }
.LBB2_21:
0x1dc: {  	s8 =	sadd.s32 $0x1, s8;
	[tilespmem:s31+$0x1CC00] =	vst v5;
	s31 =	sand.u32 $0xFFFFFFF0, s23  }
0x1dd: {  	v5 =	vld [tilespmem:s31+$0x1CC00];
	p2 =	seq.s32 s8, $0x0  }
.Ltmp21:
0x1de: {  	(pc) =	sbr.rel @!p2 .LBB2_21-.Ltmp21, $4  }
0x1df: {  	v6 =	vor.u32 s23, v1  }
0x1e0: {  	vm0 =	vge.s32 v6, v3;
	vm1 =	vlt.s32 v6, v4  }
0x1e1: {  	vm0 =	vmand vm0, vm1  }
0x1e2: {  	s23 =	sadd.s32 $0x10, s23;
	v5 =	vnsel vm0, $0x40000000, v5  }
.LBB2_22:
0x1e3: {  	[tilespmem:s31+$0x1CC00] =	vst v5  }
.LBB2_23:
0x1e4: {  	p2 =	sgt.u32 s24, $0x3FF  }
.Ltmp22:
0x1e5: {  	_ = 	snop;
	(pc) =	sbr.rel @p2 .LBB2_27-.Ltmp22, $1  }
0x1e6: {  	_ =	sdelay $0x3  }
0x1e7: {  	p2 =	slt.s32 s5, $0x400;
	s8 =	smov.u32 s5  }
0x1e8: {  	s8 =	simm.s32 @!p2 $0x400  }
0x1e9: {  	v3 =	vmov s28;
	s28 =	sshrl.u32 s24, $0x4;
	s26 =	sand.u32 $0xFFFFFFF0, s8  }
0x1ea: {  	s8 =	ssub.s32 $0x40, s28;
	s31 =	sand.u32 $0xFFFFFFF0, s26  }
0x1eb: {  	p2 =	sgt.s32 s8, $0x1;
	v5 =	vld [tilespmem:s31+$0x1CC00]  }
.Ltmp23:
0x1ec: {  	_ = 	snop;
	(pc) =	sbr.rel @!p2 .LBB2_26-.Ltmp23, $4  }
0x1ed: {  	v4 =	vmov s24;
	v6 =	vor.u32 s26, v1  }
0x1ee: {  	vm0 =	vge.s32 v6, v3;
	vm1 =	vlt.s32 v6, v4  }
0x1ef: {  	vm0 =	vmand vm0, vm1  }
0x1f0: {  	s23 =	simm.s32 $0x1;
	s24 =	sadd.s32 $0x10, s26;
	v5 =	vnsel vm0, $0x40000000, v5  }
.LBB2_25:
0x1f1: {  	s23 =	sadd.s32 $0x1, s23;
	[tilespmem:s31+$0x1CC00] =	vst v5;
	s31 =	sand.u32 $0xFFFFFFF0, s24  }
0x1f2: {  	v5 =	vld [tilespmem:s31+$0x1CC00];
	p2 =	slt.s32 s23, s8  }
.Ltmp24:
0x1f3: {  	(pc) =	sbr.rel @p2 .LBB2_25-.Ltmp24, $4  }
0x1f4: {  	v6 =	vor.u32 s24, v1  }
0x1f5: {  	vm0 =	vge.s32 v6, v3;
	vm1 =	vlt.s32 v6, v4  }
0x1f6: {  	vm0 =	vmand vm0, vm1  }
0x1f7: {  	s24 =	sadd.s32 $0x10, s24;
	v5 =	vnsel vm0, $0x40000000, v5  }
.LBB2_26:
.Ltmp25:
0x1f8: {  	(pc) =	sbr.rel .LBB2_27-.Ltmp25, $2  }
0x1f9: {  	_ =	sdelay $0x2  }
0x1fa: {  	[tilespmem:s31+$0x1CC00] =	vst v5  }
.LBB2_16:
0x1fb: {  	s23 =	simm.s32 $0x0  }
0x1fc: {  	s26 =	sand.u32 $0x3C0, s23  }
0x1fd: {  	s8 =	simm.s32 $0x1CC30;
	s24 =	simm.s32 $0x0;
	[tilespmem:s26+$0x1CC00] =	vst v2;
	s26 =	simm.s32 $0x1CC30  }
.LBB2_17:
0x1fe: {  	s24 =	sadd.s32 $0x4, s24  }
0x1ff: {  	[tilespmem:s8+$0x0] =	vst v2;
	s26 =	sadd.s32 $0x40, s26;
	s23 =	sadd.s32 $0x40, s23;
	p2 =	slt.u32 s24, $0x3C  }
.Ltmp26:
0x200: {  	[tilespmem:s8+$0xFFFFFFE0] =	vst v2;
	(pc) =	sbr.rel @p2 .LBB2_17-.Ltmp26, $3  }
0x201: {  	[tilespmem:s8+$0xFFFFFFF0] =	vst v2;
	s8 =	smov.u32 s26;
	_ =	sdelay $0x1  }
0x202: {  	s28 =	sand.u32 $0x3C0, s23  }
0x203: {  	[tilespmem:s28+$0x1CC00] =	vst v2  }
0x204: {  	[tilespmem:s8+$0x0] =	vst v2  }
0x205: {  	[tilespmem:s8+$0xFFFFFFE0] =	vst v2  }
0x206: {  	[tilespmem:s8+$0xFFFFFFF0] =	vst v2  }
.LBB2_27:
.Ltmp27:
0x207: {  	(pc) =	sbr.rel @p1 .LBB2_28-.Ltmp27, $1  }
0x208: {  	_ =	sdelay $0x3  }
0x209: {  	s24 =	ssub.s32 s29, s22  }
0x20a: {  	s8 =	sld [smem:$0x7F2];
	p3 =	slt.s32 s24, $0x1  }
.Ltmp28:
0x20b: {  	_ = 	snop;
	(pc) =	sbr.rel @p3 .LBB2_35-.Ltmp28, $4  }
0x20c: {  	_ = 	snop  }
0x20d: {  	s22 =	ssub.s32 s8, s22  }
0x20e: {  	p1 =	sgt.s32 s24, $0x0;
	p2 =	slt.s32 s22, $0x400  }
0x20f: {  	s24 =	simm.s32 @!p1 $0x0;
	s22 =	simm.s32 @!p2 $0x400  }
0x210: {  	p1 =	sgt.s32 s2, $0x0;
	s8 =	smov.u32 s2  }
0x211: {  	s8 =	simm.s32 @!p1 $0x0  }
0x212: {  	s8 =	sadd.s32 $0xF, s8  }
0x213: {  	s8 =	sshrl.u32 s8, $0x4  }
0x214: {  	s23 =	simm.s32 $0x0;
	s8 =	ssub.s32 $0x0, s8  }
0x215: {  	s28 =	sand.u32 $0xFFFFFFF0, s23;
	s8 =	sadd.s32 $0x1, s8  }
0x216: {  	v5 =	vld [tilespmem:s28+$0x1D000];
	p1 =	seq.s32 s8, $0x0  }
.Ltmp29:
0x217: {  	_ = 	snop;
	(pc) =	sbr.rel @p1 .LBB2_34-.Ltmp29, $4  }
0x218: {  	v3 =	vmov s24;
	v4 =	vmov s22;
	v6 =	vor.u32 s23, v1  }
0x219: {  	vm0 =	vge.s32 v6, v3;
	vm1 =	vlt.s32 v6, v4  }
0x21a: {  	vm0 =	vmand vm0, vm1  }
0x21b: {  	s23 =	simm.s32 $0x10;
	v5 =	vnsel vm0, $0x40000000, v5  }
.LBB2_33:
0x21c: {  	s8 =	sadd.s32 $0x1, s8;
	[tilespmem:s28+$0x1D000] =	vst v5;
	s28 =	sand.u32 $0xFFFFFFF0, s23  }
0x21d: {  	v5 =	vld [tilespmem:s28+$0x1D000];
	p1 =	seq.s32 s8, $0x0  }
.Ltmp30:
0x21e: {  	(pc) =	sbr.rel @!p1 .LBB2_33-.Ltmp30, $4  }
0x21f: {  	v6 =	vor.u32 s23, v1  }
0x220: {  	vm0 =	vge.s32 v6, v3;
	vm1 =	vlt.s32 v6, v4  }
0x221: {  	vm0 =	vmand vm0, vm1  }
0x222: {  	s23 =	sadd.s32 $0x10, s23;
	v5 =	vnsel vm0, $0x40000000, v5  }
.LBB2_34:
0x223: {  	[tilespmem:s28+$0x1D000] =	vst v5  }
.LBB2_35:
0x224: {  	p1 =	sgt.u32 s22, $0x3FF  }
.Ltmp31:
0x225: {  	_ = 	snop;
	(pc) =	sbr.rel @p1 .LBB2_39-.Ltmp31, $1  }
0x226: {  	_ =	sdelay $0x3  }
0x227: {  	p1 =	slt.s32 s9, $0x400;
	s8 =	smov.u32 s9  }
0x228: {  	s8 =	simm.s32 @!p1 $0x400  }
0x229: {  	s31 =	sshrl.u32 s22, $0x4;
	s23 =	sand.u32 $0xFFFFFFF0, s8  }
0x22a: {  	s8 =	ssub.s32 $0x40, s31;
	s28 =	sand.u32 $0xFFFFFFF0, s23  }
0x22b: {  	p1 =	sgt.s32 s8, $0x1;
	v5 =	vld [tilespmem:s28+$0x1D000]  }
.Ltmp32:
0x22c: {  	_ = 	snop;
	(pc) =	sbr.rel @!p1 .LBB2_38-.Ltmp32, $4  }
0x22d: {  	v3 =	vmov s24;
	v4 =	vmov s22;
	v6 =	vor.u32 s23, v1  }
0x22e: {  	vm0 =	vge.s32 v6, v3;
	vm1 =	vlt.s32 v6, v4  }
0x22f: {  	vm0 =	vmand vm0, vm1  }
0x230: {  	s22 =	simm.s32 $0x1;
	s23 =	sadd.s32 $0x10, s23;
	v5 =	vnsel vm0, $0x40000000, v5  }
.LBB2_37:
0x231: {  	s22 =	sadd.s32 $0x1, s22;
	[tilespmem:s28+$0x1D000] =	vst v5;
	s28 =	sand.u32 $0xFFFFFFF0, s23  }
0x232: {  	v5 =	vld [tilespmem:s28+$0x1D000];
	p1 =	slt.s32 s22, s8  }
.Ltmp33:
0x233: {  	(pc) =	sbr.rel @p1 .LBB2_37-.Ltmp33, $4  }
0x234: {  	v6 =	vor.u32 s23, v1  }
0x235: {  	vm0 =	vge.s32 v6, v3;
	vm1 =	vlt.s32 v6, v4  }
0x236: {  	vm0 =	vmand vm0, vm1  }
0x237: {  	s23 =	sadd.s32 $0x10, s23;
	v5 =	vnsel vm0, $0x40000000, v5  }
.LBB2_38:
.Ltmp34:
0x238: {  	(pc) =	sbr.rel .LBB2_39-.Ltmp34, $2  }
0x239: {  	_ =	sdelay $0x2  }
0x23a: {  	[tilespmem:s28+$0x1D000] =	vst v5  }
.LBB2_28:
0x23b: {  	s22 =	simm.s32 $0x0  }
0x23c: {  	s24 =	sand.u32 $0x3C0, s22  }
0x23d: {  	s8 =	simm.s32 $0x1D030;
	s23 =	simm.s32 $0x0;
	[tilespmem:s24+$0x1D000] =	vst v2;
	s24 =	simm.s32 $0x1D030  }
.LBB2_29:
0x23e: {  	s23 =	sadd.s32 $0x4, s23  }
0x23f: {  	[tilespmem:s8+$0x0] =	vst v2;
	s24 =	sadd.s32 $0x40, s24;
	s22 =	sadd.s32 $0x40, s22;
	p1 =	slt.u32 s23, $0x3C  }
.Ltmp35:
0x240: {  	[tilespmem:s8+$0xFFFFFFE0] =	vst v2;
	(pc) =	sbr.rel @p1 .LBB2_29-.Ltmp35, $3  }
0x241: {  	[tilespmem:s8+$0xFFFFFFF0] =	vst v2;
	s8 =	smov.u32 s24;
	_ =	sdelay $0x1  }
0x242: {  	s26 =	sand.u32 $0x3C0, s22  }
0x243: {  	[tilespmem:s26+$0x1D000] =	vst v2  }
0x244: {  	[tilespmem:s8+$0x0] =	vst v2  }
0x245: {  	[tilespmem:s8+$0xFFFFFFE0] =	vst v2  }
0x246: {  	[tilespmem:s8+$0xFFFFFFF0] =	vst v2  }
.LBB2_39:
.Ltmp36:
0x247: {  	(pc) =	sbr.rel @p0 .LBB2_40-.Ltmp36, $1  }
0x248: {  	_ =	sdelay $0x3  }
0x249: {  	s22 =	ssub.s32 s3, s18  }
0x24a: {  	s8 =	sld [smem:$0x7F3];
	p2 =	slt.s32 s22, $0x1  }
.Ltmp37:
0x24b: {  	_ = 	snop;
	(pc) =	sbr.rel @p2 .LBB2_47-.Ltmp37, $4  }
0x24c: {  	_ = 	snop  }
0x24d: {  	s18 =	ssub.s32 s8, s18  }
0x24e: {  	p0 =	sgt.s32 s22, $0x0;
	p1 =	slt.s32 s18, $0x400  }
0x24f: {  	s22 =	simm.s32 @!p0 $0x0;
	s18 =	simm.s32 @!p1 $0x400  }
0x250: {  	p0 =	sgt.s32 s16, $0x0;
	s8 =	smov.u32 s16  }
0x251: {  	s8 =	simm.s32 @!p0 $0x0  }
0x252: {  	s8 =	sadd.s32 $0xF, s8  }
0x253: {  	s8 =	sshrl.u32 s8, $0x4  }
0x254: {  	s23 =	simm.s32 $0x0;
	s8 =	ssub.s32 $0x0, s8  }
0x255: {  	s24 =	sand.u32 $0xFFFFFFF0, s23;
	s8 =	sadd.s32 $0x1, s8  }
0x256: {  	v5 =	vld [tilespmem:s24+$0x1D400];
	p0 =	seq.s32 s8, $0x0  }
.Ltmp38:
0x257: {  	_ = 	snop;
	(pc) =	sbr.rel @p0 .LBB2_46-.Ltmp38, $4  }
0x258: {  	v3 =	vmov s22;
	v4 =	vmov s18;
	v6 =	vor.u32 s23, v1  }
0x259: {  	vm0 =	vge.s32 v6, v3;
	vm1 =	vlt.s32 v6, v4  }
0x25a: {  	vm0 =	vmand vm0, vm1  }
0x25b: {  	s23 =	simm.s32 $0x10;
	v5 =	vnsel vm0, $0x40000000, v5  }
.LBB2_45:
0x25c: {  	s8 =	sadd.s32 $0x1, s8;
	[tilespmem:s24+$0x1D400] =	vst v5;
	s24 =	sand.u32 $0xFFFFFFF0, s23  }
0x25d: {  	v5 =	vld [tilespmem:s24+$0x1D400];
	p0 =	seq.s32 s8, $0x0  }
.Ltmp39:
0x25e: {  	(pc) =	sbr.rel @!p0 .LBB2_45-.Ltmp39, $4  }
0x25f: {  	v6 =	vor.u32 s23, v1  }
0x260: {  	vm0 =	vge.s32 v6, v3;
	vm1 =	vlt.s32 v6, v4  }
0x261: {  	vm0 =	vmand vm0, vm1  }
0x262: {  	s23 =	sadd.s32 $0x10, s23;
	v5 =	vnsel vm0, $0x40000000, v5  }
.LBB2_46:
0x263: {  	[tilespmem:s24+$0x1D400] =	vst v5  }
.LBB2_47:
0x264: {  	p0 =	sgt.u32 s18, $0x3FF  }
.Ltmp40:
0x265: {  	_ = 	snop;
	(pc) =	sbr.rel @p0 .LBB2_51-.Ltmp40, $1  }
0x266: {  	_ =	sdelay $0x3  }
0x267: {  	p0 =	slt.s32 s10, $0x400;
	s8 =	smov.u32 s10  }
0x268: {  	s8 =	simm.s32 @!p0 $0x400  }
0x269: {  	s31 =	sshrl.u32 s18, $0x4;
	s23 =	sand.u32 $0xFFFFFFF0, s8  }
0x26a: {  	s8 =	ssub.s32 $0x40, s31;
	s24 =	sand.u32 $0xFFFFFFF0, s23  }
0x26b: {  	p0 =	sgt.s32 s8, $0x1;
	v5 =	vld [tilespmem:s24+$0x1D400]  }
.Ltmp41:
0x26c: {  	_ = 	snop;
	(pc) =	sbr.rel @!p0 .LBB2_50-.Ltmp41, $4  }
0x26d: {  	v3 =	vmov s22;
	v4 =	vmov s18;
	v6 =	vor.u32 s23, v1  }
0x26e: {  	vm0 =	vge.s32 v6, v3;
	vm1 =	vlt.s32 v6, v4  }
0x26f: {  	vm0 =	vmand vm0, vm1  }
0x270: {  	s18 =	simm.s32 $0x1;
	s22 =	sadd.s32 $0x10, s23;
	v5 =	vnsel vm0, $0x40000000, v5  }
.LBB2_49:
0x271: {  	s18 =	sadd.s32 $0x1, s18;
	[tilespmem:s24+$0x1D400] =	vst v5;
	s24 =	sand.u32 $0xFFFFFFF0, s22  }
0x272: {  	v5 =	vld [tilespmem:s24+$0x1D400];
	p0 =	slt.s32 s18, s8  }
.Ltmp42:
0x273: {  	(pc) =	sbr.rel @p0 .LBB2_49-.Ltmp42, $4  }
0x274: {  	v6 =	vor.u32 s22, v1  }
0x275: {  	vm0 =	vge.s32 v6, v3;
	vm1 =	vlt.s32 v6, v4  }
0x276: {  	vm0 =	vmand vm0, vm1  }
0x277: {  	s22 =	sadd.s32 $0x10, s22;
	v5 =	vnsel vm0, $0x40000000, v5  }
.Ltmp43:
0x278: {  	_ = 	snop;
	(pc) =	sbr.rel .LBB2_50-.Ltmp43, $1  }
0x279: {  	_ =	sdelay $0x3  }
.LBB2_40:
0x27a: {  	s18 =	simm.s32 $0x0  }
0x27b: {  	s23 =	sand.u32 $0x3C0, s18  }
0x27c: {  	s8 =	simm.s32 $0x1D430;
	s22 =	simm.s32 $0x0;
	[tilespmem:s23+$0x1D400] =	vst v2;
	s23 =	simm.s32 $0x1D430  }
.LBB2_41:
0x27d: {  	s22 =	sadd.s32 $0x4, s22  }
0x27e: {  	[tilespmem:s8+$0x0] =	vst v2;
	s23 =	sadd.s32 $0x40, s23;
	s18 =	sadd.s32 $0x40, s18;
	p0 =	slt.u32 s22, $0x3C  }
.Ltmp44:
0x27f: {  	[tilespmem:s8+$0xFFFFFFE0] =	vst v2;
	(pc) =	sbr.rel @p0 .LBB2_41-.Ltmp44, $3  }
0x280: {  	[tilespmem:s8+$0xFFFFFFF0] =	vst v2;
	s8 =	smov.u32 s23;
	_ =	sdelay $0x1  }
0x281: {  	s24 =	sand.u32 $0x3C0, s18  }
0x282: {  	[tilespmem:s24+$0x1D400] =	vst v2  }
.Ltmp45:
0x283: {  	(pc) =	sbr.rel .LBB2_51-.Ltmp45, $4  }
0x284: {  	_ = 	snop  }
0x285: {  	[tilespmem:s8+$0x0] =	vst v2  }
0x286: {  	[tilespmem:s8+$0xFFFFFFE0] =	vst v2  }
0x287: {  	[tilespmem:s8+$0xFFFFFFF0] =	vst v2  }
.LBB2_55:
0x288: {  	_ =	sfence.sel $0x180000  }
0x289: {  	[bflag:$0x0] =	sbarrier.arrive $0xFFFF  }
0x28a: {  	_ =	strace $0x9000004A  }
0x28b: {  	s0 =	stileid.u32;
	[bflag:$0x2] =	sbarrier.arrive $0xFFFF  }
0x28c: {  	p0 =	sne.s32 s0, $0x0;
	s0 =	rddreg [dreg:$0x3]  }
0x28d: {  	s0 =	sadd.s32 @!p0 $0x100000, s0  }
0x28e: {  	[sflag:s0] =	ssyncadd.tile.s32 @!p0 $0x1;
	_ =	shalt  }
.Lfunc_end2:
_tile_overlayer_lowered:
.L_overlay_start_2:
0x28f: {  	(tag) =	ssettag $0x2  }
0x290: {  	s0 =	rddreg [dreg:$0x0];
	s2 =	stileid.u32  }
0x291: {  	s1 =	rddreg [dreg:$0x1];
	p0 =	sne.s32 s2, $0x0  }
0x292: {  	s3 =	rddreg [dreg:$0x2];
	[bflag:$0x3] =	sbarrier.arrive $0xFFFF;
	s2 =	simm.s32 @!p0 $0x1C03  }
0x293: {  	[timem:s3], [sflag:s2] =	dma.local @!p0 [hbm:s0], s1  }
0x294: {  	s0 =	simm.s32 @!p0 $0x3  }
0x295: {  	_ =	swait.ge @!p0 [sflag:s0], s1  }
0x296: {  	s1 =	ssub.s32 @!p0 $0x0, s1;
	[sflag:s0] =	ssyncset.done @!p0 $0x0  }
0x297: {  	[sflag:s0] =	ssyncadd.s32 @!p0 s1  }
0x298: {  	[bflag:$0x3] =	sbarrier.arrive $0xFFFF  }
0x299: {  	_ =	shalt  }

</sc_bundles>
